<compile_context>
chip_gen: v7x
topology: tpu7x:2x2x1
jax: 0.10.2.dev20260603
libtpu: 0.0.44.dev20260713+nightly
codegen_flags: <defaults>
</compile_context>

<pallas_src>
import jax
import jax.numpy as jnp
from jax import lax
from jax.experimental import pallas as pl
from jax.experimental.pallas import tpu as pltpu
from jax.experimental.pallas import tpu_sc as plsc

NC = 2
NS = 16
NW = NC * NS
LANES = 16

N_IMG = 16
CR = 4
CHUNK = CR * 512
ROWS_PER_W = 256
N_CHUNKS = ROWS_PER_W // CR
NVEC = CHUNK // LANES
NB = 4
BINS = 32
TABLE = BINS * BINS * BINS


def _body(pred_h, targ_h, style_h, hist_h, out_h,
          hist_v, rings, aws_v, aw_v, sems):
    wid = lax.axis_index("s") * NC + lax.axis_index("c")
    n = wid // 2
    half = wid % 2
    base = half * ROWS_PER_W

    pltpu.sync_copy(hist_h, hist_v)

    srcs = (style_h, pred_h, targ_h)

    def issue(chunk, k):
        rr = base + chunk * CR
        for a, s in enumerate(srcs):
            pltpu.async_copy(s.at[pl.ds(3 * n, 3), pl.ds(rr, CR), :],
                             rings[k].at[pl.ds(3 * a, 3)], sems[k])

    def drain(k):
        pltpu.make_async_copy(
            pred_h.at[pl.ds(0, 9), pl.ds(0, CR), :], rings[k], sems[k]).wait()

    def compute(k, acc):
        buf = rings[k]

        def vec(v, u, a_ws, a_w):
            i = v >> 5
            sl = pl.ds(((v & 31) + u) * LANES, LANES)
            b0 = ((buf[0, i, sl] * 255.0) * 0.125).astype(jnp.int32)
            b1 = ((buf[1, i, sl] * 255.0) * 0.125).astype(jnp.int32)
            b2 = ((buf[2, i, sl] * 255.0) * 0.125).astype(jnp.int32)
            idx = b0 * (BINS * BINS) + b1 * BINS + b2
            idx = lax.bitcast_convert_type(
                jnp.minimum(lax.bitcast_convert_type(idx, jnp.uint32),
                            jnp.uint32(TABLE - 1)), jnp.int32)
            w = plsc.load_gather(hist_v, [idx])
            d = (jnp.abs(buf[3, i, sl] - buf[6, i, sl])
                 + jnp.abs(buf[4, i, sl] - buf[7, i, sl])
                 + jnp.abs(buf[5, i, sl] - buf[8, i, sl]))
            return a_ws + w * d, a_w + w

        def body(v, c):
            return tuple(vec(v, u, *c[u]) for u in range(8))

        return plsc.parallel_loop(0, NVEC, 8, carry=acc)(body)

    zeros = jnp.zeros((LANES,), jnp.float32)
    acc = ((zeros, zeros),) * 8

    for k in range(NB):
        issue(k, k)

    def outer(j, acc):
        for k in range(NB):
            drain(k)
            acc = compute(k, acc)

            @pl.when(NB * j + k + NB < N_CHUNKS)
            def _():
                issue(NB * j + k + NB, k)
        return acc

    assert N_CHUNKS % NB == 0
    acc = lax.fori_loop(0, N_CHUNKS // NB, outer, acc)

    aws_v[...] = sum(a[0] for a in acc[1:]) + acc[0][0]
    aw_v[...] = sum(a[1] for a in acc[1:]) + acc[0][1]
    pltpu.sync_copy(aws_v, out_h.at[0, wid])
    pltpu.sync_copy(aw_v, out_h.at[1, wid])


@jax.jit
def _sc_partials(pred, targ, style, hist):
    mesh = plsc.VectorSubcoreMesh(core_axis_name="c", subcore_axis_name="s")
    f = pl.kernel(
        _body,
        out_type=jax.ShapeDtypeStruct((2, NW, LANES), jnp.float32),
        mesh=mesh,
        compiler_params=pltpu.CompilerParams(needs_layout_passes=False),
        scratch_types=(
            [pltpu.VMEM((TABLE,), jnp.float32)]
            + [[pltpu.VMEM((9, CR, 512), jnp.float32) for _ in range(NB)]]
            + [pltpu.VMEM((LANES,), jnp.float32) for _ in range(2)]
            + [[pltpu.SemaphoreType.DMA for _ in range(NB)]]
        ),
    )
    return f(pred, targ, style, hist)


def kernel(pred, target, style_inp, hist):
    pred3 = pred.reshape(N_IMG * 3, 512, 512)
    targ3 = target.reshape(N_IMG * 3, 512, 512)
    style3 = style_inp.reshape(N_IMG * 3, 512, 512)
    hist_f = hist.reshape(TABLE)
    parts = _sc_partials(pred3, targ3, style3, hist_f)
    num = parts[0].sum()
    den = parts[1].sum() * 3.0
    return num / den

# --- scband reference (transcript-rebuilt; emitter-appended) ---
"""Pipeline reference for scband-l1-loss-color-89498528514820 (READ-ONLY COPY).

The authoritative reference and input builder live on the scoring server;
editing this copy changes nothing except your own understanding.
"""

import jax, jax.numpy as jnp
import numpy as np

BINS_NUM = 32
REGION_SIZE = 256 // BINS_NUM  # 8
LOSS_WEIGHT = 1.0


def setup_inputs(seed: int = 0) -> dict:
    key = jax.random.key(seed)
    k1, k2, k3, k4 = jax.random.split(key, 4)
    pred = jax.random.normal(k1, (16, 3, 512, 512), dtype=jnp.float32)
    target = jax.random.normal(k2, (16, 3, 512, 512), dtype=jnp.float32)
    style_inp = jax.random.uniform(k3, (16, 3, 512, 512), dtype=jnp.float32)
    hist = jax.random.uniform(k4, (BINS_NUM, BINS_NUM, BINS_NUM), dtype=jnp.float32)
    return {"pred": pred, "target": target, "style_inp": style_inp, "hist": hist}


def reference(pred, target, style_inp, hist):
    # hist_regions = (style_inp * 255.0 / region_size).int()  -> values in [0, 31]
    hist_regions = (style_inp * 255.0 / REGION_SIZE).astype(jnp.int32)
    # gather per-pixel weight from 3D color histogram: shape (N, H, W) -> (N, 1, H, W)
    loss_weights = hist[hist_regions[:, 0], hist_regions[:, 1], hist_regions[:, 2]][:, None, :, :]
    # elementwise l1 loss weighted, basicsr weight_reduce_loss with reduction='mean':
    # since weight has size(1) == 1, divide by weight.sum() * C
    loss = jnp.abs(pred - target) * loss_weights
    weight_sum = loss_weights.sum() * pred.shape[1]
    return LOSS_WEIGHT * (loss.sum() / weight_sum)

if __name__ == "__main__":
    import jax
    _d = setup_inputs()
    print(jax.jit(kernel)(*tuple(_d.values())))

</pallas_src>

<mosaic_0001>
#map = affine_map<(d0, d1) -> (0, 0, 0)>
#map1 = affine_map<(d0, d1) -> (0)>
module attributes {stable_mosaic.version = 14 : i64} {
  func.func @_body(%arg0: i32, %arg1: i32, %arg2: memref<48x512x512xf32, #tpu.memory_space<hbm>>, %arg3: memref<48x512x512xf32, #tpu.memory_space<hbm>>, %arg4: memref<48x512x512xf32, #tpu.memory_space<hbm>>, %arg5: memref<32768xf32, #tpu.memory_space<hbm>>, %arg6: memref<2x32x16xf32, #tpu.memory_space<hbm>>, %arg7: memref<32768xf32, #tpu.memory_space<vmem>>, %arg8: memref<9x4x512xf32, #tpu.memory_space<vmem>>, %arg9: memref<9x4x512xf32, #tpu.memory_space<vmem>>, %arg10: memref<9x4x512xf32, #tpu.memory_space<vmem>>, %arg11: memref<9x4x512xf32, #tpu.memory_space<vmem>>, %arg12: memref<16xf32, #tpu.memory_space<vmem>>, %arg13: memref<16xf32, #tpu.memory_space<vmem>>, %arg14: memref<!tpu.dma_semaphore, #tpu.memory_space<semaphore_mem>>, %arg15: memref<!tpu.dma_semaphore, #tpu.memory_space<semaphore_mem>>, %arg16: memref<!tpu.dma_semaphore, #tpu.memory_space<semaphore_mem>>, %arg17: memref<!tpu.dma_semaphore, #tpu.memory_space<semaphore_mem>>) attributes {dimension_semantics = [#tpu.dimension_semantics<core_parallel>, #tpu.dimension_semantics<subcore_parallel>], iteration_bounds = array<i64: 2, 16>, scalar_prefetch = 0 : i64, scratch_operands = 11 : i64, tpu.core_type = #tpu.core_type<sc_vector_subcore>, window_params = [{transform_indices = #map}, {transform_indices = #map}, {transform_indices = #map}, {transform_indices = #map1}, {transform_indices = #map}]} {
    %mul3A = arith.constant 2 : i32
    %mul3A_0 = arith.muli %arg1, %mul3A : i32
    %add3A = arith.addi %mul3A_0, %arg0 : i32
    %jit3A = arith.constant 2 : i32
    %div3A = arith.divsi %add3A, %jit3A : i32
    %sign3A = arith.constant 0 : i32
    %sign3A_1 = arith.cmpi sgt, %add3A, %sign3A : i32
    %sign3A_2 = arith.extui %sign3A_1 : i1 to i32
    %sign3A_3 = arith.constant 0 : i32
    %sign3A_4 = arith.cmpi slt, %add3A, %sign3A_3 : i32
    %sign3A_5 = arith.extui %sign3A_4 : i1 to i32
    %sign3A_6 = arith.subi %sign3A_2, %sign3A_5 : i32
    %sign3A_7 = arith.constant 0 : i32
    %sign3A_8 = arith.cmpi sgt, %jit3A, %sign3A_7 : i32
    %sign3A_9 = arith.extui %sign3A_8 : i1 to i32
    %sign3A_10 = arith.constant 0 : i32
    %sign3A_11 = arith.cmpi slt, %jit3A, %sign3A_10 : i32
    %sign3A_12 = arith.extui %sign3A_11 : i1 to i32
    %sign3A_13 = arith.subi %sign3A_9, %sign3A_12 : i32
    %ne3A = arith.cmpi ne, %sign3A_6, %sign3A_13 : i32
    %rem3A = arith.remsi %add3A, %jit3A : i32
    %ne3A_14 = arith.constant 0 : i32
    %ne3A_15 = arith.cmpi ne, %rem3A, %ne3A_14 : i32
    %and3A = arith.andi %ne3A, %ne3A_15 : i1
    %sub3A = arith.constant 1 : i32
    %sub3A_16 = arith.subi %div3A, %sub3A : i32
    %select_n3A = arith.select %and3A, %sub3A_16, %div3A : i32
    %jit3A_17 = arith.constant 2 : i32
    %eq3A = arith.constant 0 : i32
    %eq3A_18 = arith.cmpi eq, %jit3A_17, %eq3A : i32
    %jit3A_19 = arith.constant 1 : i32
    %select_n3A_20 = arith.select %eq3A_18, %jit3A_19, %jit3A_17 : i32
    %rem3A_21 = arith.remsi %add3A, %select_n3A_20 : i32
    %ne3A_22 = arith.constant 0 : i32
    %ne3A_23 = arith.cmpi ne, %rem3A_21, %ne3A_22 : i32
    %lt3A = arith.constant 0 : i32
    %lt3A_24 = arith.cmpi slt, %rem3A_21, %lt3A : i32
    %lt3A_25 = arith.constant 0 : i32
    %lt3A_26 = arith.cmpi slt, %select_n3A_20, %lt3A_25 : i32
    %ne3A_27 = arith.xori %lt3A_24, %lt3A_26 : i1
    %and3A_28 = arith.andi %ne3A_27, %ne3A_23 : i1
    %add3A_29 = arith.addi %rem3A_21, %select_n3A_20 : i32
    %select_n3A_30 = arith.select %and3A_28, %add3A_29, %rem3A_21 : i32
    %mul3A_31 = arith.constant 256 : i32
    %mul3A_32 = arith.muli %select_n3A_30, %mul3A_31 : i32
    "tpu.region"() ({
      %run_scoped3A_238 = tpu.sem_alloc : memref<!tpu.dma_semaphore, #tpu.memory_space<semaphore_mem>>
      tpu.enqueue_dma source(%arg5 : memref<32768xf32, #tpu.memory_space<hbm>>) target(%arg7 : memref<32768xf32, #tpu.memory_space<vmem>>) target_semaphore(%run_scoped3A_238 : memref<!tpu.dma_semaphore, #tpu.memory_space<semaphore_mem>>)
      tpu.wait_dma2 semaphore(%run_scoped3A_238 : memref<!tpu.dma_semaphore, #tpu.memory_space<semaphore_mem>>) src(%arg5 : memref<32768xf32, #tpu.memory_space<hbm>>) dst(%arg7 : memref<32768xf32, #tpu.memory_space<vmem>>)
      tpu.yield
    }) : () -> ()
    %broadcast_in_dim3A = arith.constant 0.000000e+00 : f32
    %broadcast_in_dim3A_33 = vector.broadcast %broadcast_in_dim3A : f32 to vector<16xf32>
    %add3A_34 = arith.constant 0 : i32
    %add3A_35 = arith.addi %mul3A_32, %add3A_34 : i32
    %mul3A_36 = arith.constant 3 : i32
    %mul3A_37 = arith.muli %mul3A_36, %select_n3A : i32
    %dma_start3A = arith.constant 0 : i32
    %dma_start3A_38 = arith.constant 0 : i32
    %dma_start3A_39 = arith.constant 0 : i32
    %dma_start3A_40 = tpu.memref_slice %arg8[%dma_start3A, %dma_start3A_38, %dma_start3A_39] : memref<9x4x512xf32, #tpu.memory_space<vmem>> -> memref<3x4x512xf32, #tpu.memory_space<vmem>>
    %dma_start3A_41 = arith.constant 0 : i32
    %dma_start3A_42 = tpu.memref_slice %arg4[%mul3A_37, %add3A_35, %dma_start3A_41] : memref<48x512x512xf32, #tpu.memory_space<hbm>> -> memref<3x4x512xf32, #tpu.memory_space<hbm>>
    %dma_start3A_43 = arith.constant 0 : i32
    %dma_start3A_44 = arith.constant 0 : i32
    %dma_start3A_45 = arith.constant 0 : i32
    %dma_start3A_46 = tpu.memref_slice %arg8[%dma_start3A_43, %dma_start3A_44, %dma_start3A_45] : memref<9x4x512xf32, #tpu.memory_space<vmem>> -> memref<3x4x512xf32, #tpu.memory_space<vmem>>
    %dma_start3A_47 = arith.constant 0 : i32
    %dma_start3A_48 = tpu.memref_slice %arg4[%mul3A_37, %add3A_35, %dma_start3A_47] : memref<48x512x512xf32, #tpu.memory_space<hbm>> -> memref<3x4x512xf32, #tpu.memory_space<hbm>>
    tpu.enqueue_dma source(%dma_start3A_48 : memref<3x4x512xf32, #tpu.memory_space<hbm>>) target(%dma_start3A_46 : memref<3x4x512xf32, #tpu.memory_space<vmem>>) target_semaphore(%arg14 : memref<!tpu.dma_semaphore, #tpu.memory_space<semaphore_mem>>)
    %mul3A_49 = arith.constant 3 : i32
    %mul3A_50 = arith.muli %mul3A_49, %select_n3A : i32
    %dma_start3A_51 = arith.constant 3 : i32
    %dma_start3A_52 = arith.constant 0 : i32
    %dma_start3A_53 = arith.constant 0 : i32
    %dma_start3A_54 = tpu.memref_slice %arg8[%dma_start3A_51, %dma_start3A_52, %dma_start3A_53] : memref<9x4x512xf32, #tpu.memory_space<vmem>> -> memref<3x4x512xf32, #tpu.memory_space<vmem>>
    %dma_start3A_55 = arith.constant 0 : i32
    %dma_start3A_56 = tpu.memref_slice %arg2[%mul3A_50, %add3A_35, %dma_start3A_55] : memref<48x512x512xf32, #tpu.memory_space<hbm>> -> memref<3x4x512xf32, #tpu.memory_space<hbm>>
    %dma_start3A_57 = arith.constant 3 : i32
    %dma_start3A_58 = arith.constant 0 : i32
    %dma_start3A_59 = arith.constant 0 : i32
    %dma_start3A_60 = tpu.memref_slice %arg8[%dma_start3A_57, %dma_start3A_58, %dma_start3A_59] : memref<9x4x512xf32, #tpu.memory_space<vmem>> -> memref<3x4x512xf32, #tpu.memory_space<vmem>>
    %dma_start3A_61 = arith.constant 0 : i32
    %dma_start3A_62 = tpu.memref_slice %arg2[%mul3A_50, %add3A_35, %dma_start3A_61] : memref<48x512x512xf32, #tpu.memory_space<hbm>> -> memref<3x4x512xf32, #tpu.memory_space<hbm>>
    tpu.enqueue_dma source(%dma_start3A_62 : memref<3x4x512xf32, #tpu.memory_space<hbm>>) target(%dma_start3A_60 : memref<3x4x512xf32, #tpu.memory_space<vmem>>) target_semaphore(%arg14 : memref<!tpu.dma_semaphore, #tpu.memory_space<semaphore_mem>>)
    %mul3A_63 = arith.constant 3 : i32
    %mul3A_64 = arith.muli %mul3A_63, %select_n3A : i32
    %dma_start3A_65 = arith.constant 6 : i32
    %dma_start3A_66 = arith.constant 0 : i32
    %dma_start3A_67 = arith.constant 0 : i32
    %dma_start3A_68 = tpu.memref_slice %arg8[%dma_start3A_65, %dma_start3A_66, %dma_start3A_67] : memref<9x4x512xf32, #tpu.memory_space<vmem>> -> memref<3x4x512xf32, #tpu.memory_space<vmem>>
    %dma_start3A_69 = arith.constant 0 : i32
    %dma_start3A_70 = tpu.memref_slice %arg3[%mul3A_64, %add3A_35, %dma_start3A_69] : memref<48x512x512xf32, #tpu.memory_space<hbm>> -> memref<3x4x512xf32, #tpu.memory_space<hbm>>
    %dma_start3A_71 = arith.constant 6 : i32
    %dma_start3A_72 = arith.constant 0 : i32
    %dma_start3A_73 = arith.constant 0 : i32
    %dma_start3A_74 = tpu.memref_slice %arg8[%dma_start3A_71, %dma_start3A_72, %dma_start3A_73] : memref<9x4x512xf32, #tpu.memory_space<vmem>> -> memref<3x4x512xf32, #tpu.memory_space<vmem>>
    %dma_start3A_75 = arith.constant 0 : i32
    %dma_start3A_76 = tpu.memref_slice %arg3[%mul3A_64, %add3A_35, %dma_start3A_75] : memref<48x512x512xf32, #tpu.memory_space<hbm>> -> memref<3x4x512xf32, #tpu.memory_space<hbm>>
    tpu.enqueue_dma source(%dma_start3A_76 : memref<3x4x512xf32, #tpu.memory_space<hbm>>) target(%dma_start3A_74 : memref<3x4x512xf32, #tpu.memory_space<vmem>>) target_semaphore(%arg14 : memref<!tpu.dma_semaphore, #tpu.memory_space<semaphore_mem>>)
    %add3A_77 = arith.constant 4 : i32
    %add3A_78 = arith.addi %mul3A_32, %add3A_77 : i32
    %mul3A_79 = arith.constant 3 : i32
    %mul3A_80 = arith.muli %mul3A_79, %select_n3A : i32
    %dma_start3A_81 = arith.constant 0 : i32
    %dma_start3A_82 = arith.constant 0 : i32
    %dma_start3A_83 = arith.constant 0 : i32
    %dma_start3A_84 = tpu.memref_slice %arg9[%dma_start3A_81, %dma_start3A_82, %dma_start3A_83] : memref<9x4x512xf32, #tpu.memory_space<vmem>> -> memref<3x4x512xf32, #tpu.memory_space<vmem>>
    %dma_start3A_85 = arith.constant 0 : i32
    %dma_start3A_86 = tpu.memref_slice %arg4[%mul3A_80, %add3A_78, %dma_start3A_85] : memref<48x512x512xf32, #tpu.memory_space<hbm>> -> memref<3x4x512xf32, #tpu.memory_space<hbm>>
    %dma_start3A_87 = arith.constant 0 : i32
    %dma_start3A_88 = arith.constant 0 : i32
    %dma_start3A_89 = arith.constant 0 : i32
    %dma_start3A_90 = tpu.memref_slice %arg9[%dma_start3A_87, %dma_start3A_88, %dma_start3A_89] : memref<9x4x512xf32, #tpu.memory_space<vmem>> -> memref<3x4x512xf32, #tpu.memory_space<vmem>>
    %dma_start3A_91 = arith.constant 0 : i32
    %dma_start3A_92 = tpu.memref_slice %arg4[%mul3A_80, %add3A_78, %dma_start3A_91] : memref<48x512x512xf32, #tpu.memory_space<hbm>> -> memref<3x4x512xf32, #tpu.memory_space<hbm>>
    tpu.enqueue_dma source(%dma_start3A_92 : memref<3x4x512xf32, #tpu.memory_space<hbm>>) target(%dma_start3A_90 : memref<3x4x512xf32, #tpu.memory_space<vmem>>) target_semaphore(%arg15 : memref<!tpu.dma_semaphore, #tpu.memory_space<semaphore_mem>>)
    %mul3A_93 = arith.constant 3 : i32
    %mul3A_94 = arith.muli %mul3A_93, %select_n3A : i32
    %dma_start3A_95 = arith.constant 3 : i32
    %dma_start3A_96 = arith.constant 0 : i32
    %dma_start3A_97 = arith.constant 0 : i32
    %dma_start3A_98 = tpu.memref_slice %arg9[%dma_start3A_95, %dma_start3A_96, %dma_start3A_97] : memref<9x4x512xf32, #tpu.memory_space<vmem>> -> memref<3x4x512xf32, #tpu.memory_space<vmem>>
    %dma_start3A_99 = arith.constant 0 : i32
    %dma_start3A_100 = tpu.memref_slice %arg2[%mul3A_94, %add3A_78, %dma_start3A_99] : memref<48x512x512xf32, #tpu.memory_space<hbm>> -> memref<3x4x512xf32, #tpu.memory_space<hbm>>
    %dma_start3A_101 = arith.constant 3 : i32
    %dma_start3A_102 = arith.constant 0 : i32
    %dma_start3A_103 = arith.constant 0 : i32
    %dma_start3A_104 = tpu.memref_slice %arg9[%dma_start3A_101, %dma_start3A_102, %dma_start3A_103] : memref<9x4x512xf32, #tpu.memory_space<vmem>> -> memref<3x4x512xf32, #tpu.memory_space<vmem>>
    %dma_start3A_105 = arith.constant 0 : i32
    %dma_start3A_106 = tpu.memref_slice %arg2[%mul3A_94, %add3A_78, %dma_start3A_105] : memref<48x512x512xf32, #tpu.memory_space<hbm>> -> memref<3x4x512xf32, #tpu.memory_space<hbm>>
    tpu.enqueue_dma source(%dma_start3A_106 : memref<3x4x512xf32, #tpu.memory_space<hbm>>) target(%dma_start3A_104 : memref<3x4x512xf32, #tpu.memory_space<vmem>>) target_semaphore(%arg15 : memref<!tpu.dma_semaphore, #tpu.memory_space<semaphore_mem>>)
    %mul3A_107 = arith.constant 3 : i32
    %mul3A_108 = arith.muli %mul3A_107, %select_n3A : i32
    %dma_start3A_109 = arith.constant 6 : i32
    %dma_start3A_110 = arith.constant 0 : i32
    %dma_start3A_111 = arith.constant 0 : i32
    %dma_start3A_112 = tpu.memref_slice %arg9[%dma_start3A_109, %dma_start3A_110, %dma_start3A_111] : memref<9x4x512xf32, #tpu.memory_space<vmem>> -> memref<3x4x512xf32, #tpu.memory_space<vmem>>
    %dma_start3A_113 = arith.constant 0 : i32
    %dma_start3A_114 = tpu.memref_slice %arg3[%mul3A_108, %add3A_78, %dma_start3A_113] : memref<48x512x512xf32, #tpu.memory_space<hbm>> -> memref<3x4x512xf32, #tpu.memory_space<hbm>>
    %dma_start3A_115 = arith.constant 6 : i32
    %dma_start3A_116 = arith.constant 0 : i32
    %dma_start3A_117 = arith.constant 0 : i32
    %dma_start3A_118 = tpu.memref_slice %arg9[%dma_start3A_115, %dma_start3A_116, %dma_start3A_117] : memref<9x4x512xf32, #tpu.memory_space<vmem>> -> memref<3x4x512xf32, #tpu.memory_space<vmem>>
    %dma_start3A_119 = arith.constant 0 : i32
    %dma_start3A_120 = tpu.memref_slice %arg3[%mul3A_108, %add3A_78, %dma_start3A_119] : memref<48x512x512xf32, #tpu.memory_space<hbm>> -> memref<3x4x512xf32, #tpu.memory_space<hbm>>
    tpu.enqueue_dma source(%dma_start3A_120 : memref<3x4x512xf32, #tpu.memory_space<hbm>>) target(%dma_start3A_118 : memref<3x4x512xf32, #tpu.memory_space<vmem>>) target_semaphore(%arg15 : memref<!tpu.dma_semaphore, #tpu.memory_space<semaphore_mem>>)
    %add3A_121 = arith.constant 8 : i32
    %add3A_122 = arith.addi %mul3A_32, %add3A_121 : i32
    %mul3A_123 = arith.constant 3 : i32
    %mul3A_124 = arith.muli %mul3A_123, %select_n3A : i32
    %dma_start3A_125 = arith.constant 0 : i32
    %dma_start3A_126 = arith.constant 0 : i32
    %dma_start3A_127 = arith.constant 0 : i32
    %dma_start3A_128 = tpu.memref_slice %arg10[%dma_start3A_125, %dma_start3A_126, %dma_start3A_127] : memref<9x4x512xf32, #tpu.memory_space<vmem>> -> memref<3x4x512xf32, #tpu.memory_space<vmem>>
    %dma_start3A_129 = arith.constant 0 : i32
    %dma_start3A_130 = tpu.memref_slice %arg4[%mul3A_124, %add3A_122, %dma_start3A_129] : memref<48x512x512xf32, #tpu.memory_space<hbm>> -> memref<3x4x512xf32, #tpu.memory_space<hbm>>
    %dma_start3A_131 = arith.constant 0 : i32
    %dma_start3A_132 = arith.constant 0 : i32
    %dma_start3A_133 = arith.constant 0 : i32
    %dma_start3A_134 = tpu.memref_slice %arg10[%dma_start3A_131, %dma_start3A_132, %dma_start3A_133] : memref<9x4x512xf32, #tpu.memory_space<vmem>> -> memref<3x4x512xf32, #tpu.memory_space<vmem>>
    %dma_start3A_135 = arith.constant 0 : i32
    %dma_start3A_136 = tpu.memref_slice %arg4[%mul3A_124, %add3A_122, %dma_start3A_135] : memref<48x512x512xf32, #tpu.memory_space<hbm>> -> memref<3x4x512xf32, #tpu.memory_space<hbm>>
    tpu.enqueue_dma source(%dma_start3A_136 : memref<3x4x512xf32, #tpu.memory_space<hbm>>) target(%dma_start3A_134 : memref<3x4x512xf32, #tpu.memory_space<vmem>>) target_semaphore(%arg16 : memref<!tpu.dma_semaphore, #tpu.memory_space<semaphore_mem>>)
    %mul3A_137 = arith.constant 3 : i32
    %mul3A_138 = arith.muli %mul3A_137, %select_n3A : i32
    %dma_start3A_139 = arith.constant 3 : i32
    %dma_start3A_140 = arith.constant 0 : i32
    %dma_start3A_141 = arith.constant 0 : i32
    %dma_start3A_142 = tpu.memref_slice %arg10[%dma_start3A_139, %dma_start3A_140, %dma_start3A_141] : memref<9x4x512xf32, #tpu.memory_space<vmem>> -> memref<3x4x512xf32, #tpu.memory_space<vmem>>
    %dma_start3A_143 = arith.constant 0 : i32
    %dma_start3A_144 = tpu.memref_slice %arg2[%mul3A_138, %add3A_122, %dma_start3A_143] : memref<48x512x512xf32, #tpu.memory_space<hbm>> -> memref<3x4x512xf32, #tpu.memory_space<hbm>>
    %dma_start3A_145 = arith.constant 3 : i32
    %dma_start3A_146 = arith.constant 0 : i32
    %dma_start3A_147 = arith.constant 0 : i32
    %dma_start3A_148 = tpu.memref_slice %arg10[%dma_start3A_145, %dma_start3A_146, %dma_start3A_147] : memref<9x4x512xf32, #tpu.memory_space<vmem>> -> memref<3x4x512xf32, #tpu.memory_space<vmem>>
    %dma_start3A_149 = arith.constant 0 : i32
    %dma_start3A_150 = tpu.memref_slice %arg2[%mul3A_138, %add3A_122, %dma_start3A_149] : memref<48x512x512xf32, #tpu.memory_space<hbm>> -> memref<3x4x512xf32, #tpu.memory_space<hbm>>
    tpu.enqueue_dma source(%dma_start3A_150 : memref<3x4x512xf32, #tpu.memory_space<hbm>>) target(%dma_start3A_148 : memref<3x4x512xf32, #tpu.memory_space<vmem>>) target_semaphore(%arg16 : memref<!tpu.dma_semaphore, #tpu.memory_space<semaphore_mem>>)
    %mul3A_151 = arith.constant 3 : i32
    %mul3A_152 = arith.muli %mul3A_151, %select_n3A : i32
    %dma_start3A_153 = arith.constant 6 : i32
    %dma_start3A_154 = arith.constant 0 : i32
    %dma_start3A_155 = arith.constant 0 : i32
    %dma_start3A_156 = tpu.memref_slice %arg10[%dma_start3A_153, %dma_start3A_154, %dma_start3A_155] : memref<9x4x512xf32, #tpu.memory_space<vmem>> -> memref<3x4x512xf32, #tpu.memory_space<vmem>>
    %dma_start3A_157 = arith.constant 0 : i32
    %dma_start3A_158 = tpu.memref_slice %arg3[%mul3A_152, %add3A_122, %dma_start3A_157] : memref<48x512x512xf32, #tpu.memory_space<hbm>> -> memref<3x4x512xf32, #tpu.memory_space<hbm>>
    %dma_start3A_159 = arith.constant 6 : i32
    %dma_start3A_160 = arith.constant 0 : i32
    %dma_start3A_161 = arith.constant 0 : i32
    %dma_start3A_162 = tpu.memref_slice %arg10[%dma_start3A_159, %dma_start3A_160, %dma_start3A_161] : memref<9x4x512xf32, #tpu.memory_space<vmem>> -> memref<3x4x512xf32, #tpu.memory_space<vmem>>
    %dma_start3A_163 = arith.constant 0 : i32
    %dma_start3A_164 = tpu.memref_slice %arg3[%mul3A_152, %add3A_122, %dma_start3A_163] : memref<48x512x512xf32, #tpu.memory_space<hbm>> -> memref<3x4x512xf32, #tpu.memory_space<hbm>>
    tpu.enqueue_dma source(%dma_start3A_164 : memref<3x4x512xf32, #tpu.memory_space<hbm>>) target(%dma_start3A_162 : memref<3x4x512xf32, #tpu.memory_space<vmem>>) target_semaphore(%arg16 : memref<!tpu.dma_semaphore, #tpu.memory_space<semaphore_mem>>)
    %add3A_165 = arith.constant 12 : i32
    %add3A_166 = arith.addi %mul3A_32, %add3A_165 : i32
    %mul3A_167 = arith.constant 3 : i32
    %mul3A_168 = arith.muli %mul3A_167, %select_n3A : i32
    %dma_start3A_169 = arith.constant 0 : i32
    %dma_start3A_170 = arith.constant 0 : i32
    %dma_start3A_171 = arith.constant 0 : i32
    %dma_start3A_172 = tpu.memref_slice %arg11[%dma_start3A_169, %dma_start3A_170, %dma_start3A_171] : memref<9x4x512xf32, #tpu.memory_space<vmem>> -> memref<3x4x512xf32, #tpu.memory_space<vmem>>
    %dma_start3A_173 = arith.constant 0 : i32
    %dma_start3A_174 = tpu.memref_slice %arg4[%mul3A_168, %add3A_166, %dma_start3A_173] : memref<48x512x512xf32, #tpu.memory_space<hbm>> -> memref<3x4x512xf32, #tpu.memory_space<hbm>>
    %dma_start3A_175 = arith.constant 0 : i32
    %dma_start3A_176 = arith.constant 0 : i32
    %dma_start3A_177 = arith.constant 0 : i32
    %dma_start3A_178 = tpu.memref_slice %arg11[%dma_start3A_175, %dma_start3A_176, %dma_start3A_177] : memref<9x4x512xf32, #tpu.memory_space<vmem>> -> memref<3x4x512xf32, #tpu.memory_space<vmem>>
    %dma_start3A_179 = arith.constant 0 : i32
    %dma_start3A_180 = tpu.memref_slice %arg4[%mul3A_168, %add3A_166, %dma_start3A_179] : memref<48x512x512xf32, #tpu.memory_space<hbm>> -> memref<3x4x512xf32, #tpu.memory_space<hbm>>
    tpu.enqueue_dma source(%dma_start3A_180 : memref<3x4x512xf32, #tpu.memory_space<hbm>>) target(%dma_start3A_178 : memref<3x4x512xf32, #tpu.memory_space<vmem>>) target_semaphore(%arg17 : memref<!tpu.dma_semaphore, #tpu.memory_space<semaphore_mem>>)
    %mul3A_181 = arith.constant 3 : i32
    %mul3A_182 = arith.muli %mul3A_181, %select_n3A : i32
    %dma_start3A_183 = arith.constant 3 : i32
    %dma_start3A_184 = arith.constant 0 : i32
    %dma_start3A_185 = arith.constant 0 : i32
    %dma_start3A_186 = tpu.memref_slice %arg11[%dma_start3A_183, %dma_start3A_184, %dma_start3A_185] : memref<9x4x512xf32, #tpu.memory_space<vmem>> -> memref<3x4x512xf32, #tpu.memory_space<vmem>>
    %dma_start3A_187 = arith.constant 0 : i32
    %dma_start3A_188 = tpu.memref_slice %arg2[%mul3A_182, %add3A_166, %dma_start3A_187] : memref<48x512x512xf32, #tpu.memory_space<hbm>> -> memref<3x4x512xf32, #tpu.memory_space<hbm>>
    %dma_start3A_189 = arith.constant 3 : i32
    %dma_start3A_190 = arith.constant 0 : i32
    %dma_start3A_191 = arith.constant 0 : i32
    %dma_start3A_192 = tpu.memref_slice %arg11[%dma_start3A_189, %dma_start3A_190, %dma_start3A_191] : memref<9x4x512xf32, #tpu.memory_space<vmem>> -> memref<3x4x512xf32, #tpu.memory_space<vmem>>
    %dma_start3A_193 = arith.constant 0 : i32
    %dma_start3A_194 = tpu.memref_slice %arg2[%mul3A_182, %add3A_166, %dma_start3A_193] : memref<48x512x512xf32, #tpu.memory_space<hbm>> -> memref<3x4x512xf32, #tpu.memory_space<hbm>>
    tpu.enqueue_dma source(%dma_start3A_194 : memref<3x4x512xf32, #tpu.memory_space<hbm>>) target(%dma_start3A_192 : memref<3x4x512xf32, #tpu.memory_space<vmem>>) target_semaphore(%arg17 : memref<!tpu.dma_semaphore, #tpu.memory_space<semaphore_mem>>)
    %mul3A_195 = arith.constant 3 : i32
    %mul3A_196 = arith.muli %mul3A_195, %select_n3A : i32
    %dma_start3A_197 = arith.constant 6 : i32
    %dma_start3A_198 = arith.constant 0 : i32
    %dma_start3A_199 = arith.constant 0 : i32
    %dma_start3A_200 = tpu.memref_slice %arg11[%dma_start3A_197, %dma_start3A_198, %dma_start3A_199] : memref<9x4x512xf32, #tpu.memory_space<vmem>> -> memref<3x4x512xf32, #tpu.memory_space<vmem>>
    %dma_start3A_201 = arith.constant 0 : i32
    %dma_start3A_202 = tpu.memref_slice %arg3[%mul3A_196, %add3A_166, %dma_start3A_201] : memref<48x512x512xf32, #tpu.memory_space<hbm>> -> memref<3x4x512xf32, #tpu.memory_space<hbm>>
    %dma_start3A_203 = arith.constant 6 : i32
    %dma_start3A_204 = arith.constant 0 : i32
    %dma_start3A_205 = arith.constant 0 : i32
    %dma_start3A_206 = tpu.memref_slice %arg11[%dma_start3A_203, %dma_start3A_204, %dma_start3A_205] : memref<9x4x512xf32, #tpu.memory_space<vmem>> -> memref<3x4x512xf32, #tpu.memory_space<vmem>>
    %dma_start3A_207 = arith.constant 0 : i32
    %dma_start3A_208 = tpu.memref_slice %arg3[%mul3A_196, %add3A_166, %dma_start3A_207] : memref<48x512x512xf32, #tpu.memory_space<hbm>> -> memref<3x4x512xf32, #tpu.memory_space<hbm>>
    tpu.enqueue_dma source(%dma_start3A_208 : memref<3x4x512xf32, #tpu.memory_space<hbm>>) target(%dma_start3A_206 : memref<3x4x512xf32, #tpu.memory_space<vmem>>) target_semaphore(%arg17 : memref<!tpu.dma_semaphore, #tpu.memory_space<semaphore_mem>>)
    %scan3A = arith.constant 0 : i32
    %scan3A_209 = arith.constant 16 : i32
    %scan3A_210 = arith.addi %scan3A, %scan3A_209 : i32
    %scan3A_211 = arith.constant 1 : i32
    %scan3A_212:16 = scf.for %scan3A_238 = %scan3A to %scan3A_210 step %scan3A_211 iter_args(%scan3A_239 = %broadcast_in_dim3A_33, %scan3A_240 = %broadcast_in_dim3A_33, %scan3A_241 = %broadcast_in_dim3A_33, %scan3A_242 = %broadcast_in_dim3A_33, %scan3A_243 = %broadcast_in_dim3A_33, %scan3A_244 = %broadcast_in_dim3A_33, %scan3A_245 = %broadcast_in_dim3A_33, %scan3A_246 = %broadcast_in_dim3A_33, %scan3A_247 = %broadcast_in_dim3A_33, %scan3A_248 = %broadcast_in_dim3A_33, %scan3A_249 = %broadcast_in_dim3A_33, %scan3A_250 = %broadcast_in_dim3A_33, %scan3A_251 = %broadcast_in_dim3A_33, %scan3A_252 = %broadcast_in_dim3A_33, %scan3A_253 = %broadcast_in_dim3A_33, %scan3A_254 = %broadcast_in_dim3A_33) -> (vector<16xf32>, vector<16xf32>, vector<16xf32>, vector<16xf32>, vector<16xf32>, vector<16xf32>, vector<16xf32>, vector<16xf32>, vector<16xf32>, vector<16xf32>, vector<16xf32>, vector<16xf32>, vector<16xf32>, vector<16xf32>, vector<16xf32>, vector<16xf32>)  : i32 {
      %dma_wait3A = arith.constant 0 : i32
      %dma_wait3A_255 = arith.constant 0 : i32
      %dma_wait3A_256 = arith.constant 0 : i32
      %dma_wait3A_257 = tpu.memref_slice %arg2[%dma_wait3A, %dma_wait3A_255, %dma_wait3A_256] : memref<48x512x512xf32, #tpu.memory_space<hbm>> -> memref<9x4x512xf32, #tpu.memory_space<hbm>>
      %dma_wait3A_258 = arith.constant 0 : i32
      %dma_wait3A_259 = arith.constant 0 : i32
      %dma_wait3A_260 = arith.constant 0 : i32
      %dma_wait3A_261 = tpu.memref_slice %arg2[%dma_wait3A_258, %dma_wait3A_259, %dma_wait3A_260] : memref<48x512x512xf32, #tpu.memory_space<hbm>> -> memref<9x4x512xf32, #tpu.memory_space<hbm>>
      tpu.wait_dma2 semaphore(%arg14 : memref<!tpu.dma_semaphore, #tpu.memory_space<semaphore_mem>>) src(%dma_wait3A_261 : memref<9x4x512xf32, #tpu.memory_space<hbm>>) dst(%arg8 : memref<9x4x512xf32, #tpu.memory_space<vmem>>)
      %parallel_loop3A = arith.constant 0 : i32
      %parallel_loop3A_262 = arith.constant 128 : i32
      %parallel_loop3A_263 = arith.constant 8 : i32
      %parallel_loop3A_264:16 = scf.for %parallel_loop3A_343 = %parallel_loop3A to %parallel_loop3A_262 step %parallel_loop3A_263 iter_args(%parallel_loop3A_344 = %scan3A_239, %parallel_loop3A_345 = %scan3A_240, %parallel_loop3A_346 = %scan3A_241, %parallel_loop3A_347 = %scan3A_242, %parallel_loop3A_348 = %scan3A_243, %parallel_loop3A_349 = %scan3A_244, %parallel_loop3A_350 = %scan3A_245, %parallel_loop3A_351 = %scan3A_246, %parallel_loop3A_352 = %scan3A_247, %parallel_loop3A_353 = %scan3A_248, %parallel_loop3A_354 = %scan3A_249, %parallel_loop3A_355 = %scan3A_250, %parallel_loop3A_356 = %scan3A_251, %parallel_loop3A_357 = %scan3A_252, %parallel_loop3A_358 = %scan3A_253, %parallel_loop3A_359 = %scan3A_254) -> (vector<16xf32>, vector<16xf32>, vector<16xf32>, vector<16xf32>, vector<16xf32>, vector<16xf32>, vector<16xf32>, vector<16xf32>, vector<16xf32>, vector<16xf32>, vector<16xf32>, vector<16xf32>, vector<16xf32>, vector<16xf32>, vector<16xf32>, vector<16xf32>)  : i32 {
        %parallel_loop3A_360 = arith.constant 5 : i32
        %parallel_loop3A_361 = arith.shrsi %parallel_loop3A_343, %parallel_loop3A_360 : i32
        %parallel_loop3A_362 = arith.constant 31 : i32
        %parallel_loop3A_363 = arith.andi %parallel_loop3A_343, %parallel_loop3A_362 : i32
        %parallel_loop3A_364 = arith.constant 0 : i32
        %parallel_loop3A_365 = arith.addi %parallel_loop3A_363, %parallel_loop3A_364 : i32
        %parallel_loop3A_366 = arith.constant 16 : i32
        %parallel_loop3A_367 = arith.muli %parallel_loop3A_365, %parallel_loop3A_366 : i32
        %parallel_loop3A_368 = arith.constant 0 : i32
        %parallel_loop3A_369 = arith.index_cast %parallel_loop3A_368 : i32 to index
        %parallel_loop3A_370 = arith.index_cast %parallel_loop3A_361 : i32 to index
        %parallel_loop3A_371 = arith.index_cast %parallel_loop3A_367 : i32 to index
        %parallel_loop3A_372 = tpu.vector_load %arg8[%parallel_loop3A_369, %parallel_loop3A_370, %parallel_loop3A_371] {strides = array<i32>} : memref<9x4x512xf32, #tpu.memory_space<vmem>>, vector<16xf32>,
        %parallel_loop3A_373 = arith.constant 2.550000e+02 : f32
        %parallel_loop3A_374 = vector.broadcast %parallel_loop3A_373 : f32 to vector<16xf32>
        %parallel_loop3A_375 = arith.mulf %parallel_loop3A_372, %parallel_loop3A_374 : vector<16xf32>
        %parallel_loop3A_376 = arith.constant 1.250000e-01 : f32
        %parallel_loop3A_377 = vector.broadcast %parallel_loop3A_376 : f32 to vector<16xf32>
        %parallel_loop3A_378 = arith.mulf %parallel_loop3A_375, %parallel_loop3A_377 : vector<16xf32>
        %parallel_loop3A_379 = arith.fptosi %parallel_loop3A_378 : vector<16xf32> to vector<16xi32>
        %parallel_loop3A_380 = arith.constant 1 : i32
        %parallel_loop3A_381 = arith.index_cast %parallel_loop3A_380 : i32 to index
        %parallel_loop3A_382 = arith.index_cast %parallel_loop3A_361 : i32 to index
        %parallel_loop3A_383 = arith.index_cast %parallel_loop3A_367 : i32 to index
        %parallel_loop3A_384 = tpu.vector_load %arg8[%parallel_loop3A_381, %parallel_loop3A_382, %parallel_loop3A_383] {strides = array<i32>} : memref<9x4x512xf32, #tpu.memory_space<vmem>>, vector<16xf32>,
        %parallel_loop3A_385 = arith.constant 2.550000e+02 : f32
        %parallel_loop3A_386 = vector.broadcast %parallel_loop3A_385 : f32 to vector<16xf32>
        %parallel_loop3A_387 = arith.mulf %parallel_loop3A_384, %parallel_loop3A_386 : vector<16xf32>
        %parallel_loop3A_388 = arith.constant 1.250000e-01 : f32
        %parallel_loop3A_389 = vector.broadcast %parallel_loop3A_388 : f32 to vector<16xf32>
        %parallel_loop3A_390 = arith.mulf %parallel_loop3A_387, %parallel_loop3A_389 : vector<16xf32>
        %parallel_loop3A_391 = arith.fptosi %parallel_loop3A_390 : vector<16xf32> to vector<16xi32>
        %parallel_loop3A_392 = arith.constant 2 : i32
        %parallel_loop3A_393 = arith.index_cast %parallel_loop3A_392 : i32 to index
        %parallel_loop3A_394 = arith.index_cast %parallel_loop3A_361 : i32 to index
        %parallel_loop3A_395 = arith.index_cast %parallel_loop3A_367 : i32 to index
        %parallel_loop3A_396 = tpu.vector_load %arg8[%parallel_loop3A_393, %parallel_loop3A_394, %parallel_loop3A_395] {strides = array<i32>} : memref<9x4x512xf32, #tpu.memory_space<vmem>>, vector<16xf32>,
        %parallel_loop3A_397 = arith.constant 2.550000e+02 : f32
        %parallel_loop3A_398 = vector.broadcast %parallel_loop3A_397 : f32 to vector<16xf32>
        %parallel_loop3A_399 = arith.mulf %parallel_loop3A_396, %parallel_loop3A_398 : vector<16xf32>
        %parallel_loop3A_400 = arith.constant 1.250000e-01 : f32
        %parallel_loop3A_401 = vector.broadcast %parallel_loop3A_400 : f32 to vector<16xf32>
        %parallel_loop3A_402 = arith.mulf %parallel_loop3A_399, %parallel_loop3A_401 : vector<16xf32>
        %parallel_loop3A_403 = arith.fptosi %parallel_loop3A_402 : vector<16xf32> to vector<16xi32>
        %parallel_loop3A_404 = arith.constant 1024 : i32
        %parallel_loop3A_405 = vector.broadcast %parallel_loop3A_404 : i32 to vector<16xi32>
        %parallel_loop3A_406 = arith.muli %parallel_loop3A_379, %parallel_loop3A_405 : vector<16xi32>
        %parallel_loop3A_407 = arith.constant 32 : i32
        %parallel_loop3A_408 = vector.broadcast %parallel_loop3A_407 : i32 to vector<16xi32>
        %parallel_loop3A_409 = arith.muli %parallel_loop3A_391, %parallel_loop3A_408 : vector<16xi32>
        %parallel_loop3A_410 = arith.addi %parallel_loop3A_406, %parallel_loop3A_409 : vector<16xi32>
        %parallel_loop3A_411 = arith.addi %parallel_loop3A_410, %parallel_loop3A_403 : vector<16xi32>
        %parallel_loop3A_412 = tpu.bitcast %parallel_loop3A_411 : vector<16xi32> -> vector<16xi32>
        %parallel_loop3A_413 = arith.constant 32767 : i32
        %parallel_loop3A_414 = vector.broadcast %parallel_loop3A_413 : i32 to vector<16xi32>
        %parallel_loop3A_415 = arith.minui %parallel_loop3A_412, %parallel_loop3A_414 : vector<16xi32>
        %parallel_loop3A_416 = tpu.bitcast %parallel_loop3A_415 : vector<16xi32> -> vector<16xi32>
        %parallel_loop3A_417 = tpu.vector_load_idx %arg7[%parallel_loop3A_416] : memref<32768xf32, #tpu.memory_space<vmem>>[vector<16xi32>], vector<16xf32>,
        %parallel_loop3A_418 = arith.constant 3 : i32
        %parallel_loop3A_419 = arith.index_cast %parallel_loop3A_418 : i32 to index
        %parallel_loop3A_420 = arith.index_cast %parallel_loop3A_361 : i32 to index
        %parallel_loop3A_421 = arith.index_cast %parallel_loop3A_367 : i32 to index
        %parallel_loop3A_422 = tpu.vector_load %arg8[%parallel_loop3A_419, %parallel_loop3A_420, %parallel_loop3A_421] {strides = array<i32>} : memref<9x4x512xf32, #tpu.memory_space<vmem>>, vector<16xf32>,
        %parallel_loop3A_423 = arith.constant 6 : i32
        %parallel_loop3A_424 = arith.index_cast %parallel_loop3A_423 : i32 to index
        %parallel_loop3A_425 = arith.index_cast %parallel_loop3A_361 : i32 to index
        %parallel_loop3A_426 = arith.index_cast %parallel_loop3A_367 : i32 to index
        %parallel_loop3A_427 = tpu.vector_load %arg8[%parallel_loop3A_424, %parallel_loop3A_425, %parallel_loop3A_426] {strides = array<i32>} : memref<9x4x512xf32, #tpu.memory_space<vmem>>, vector<16xf32>,
        %parallel_loop3A_428 = arith.subf %parallel_loop3A_422, %parallel_loop3A_427 : vector<16xf32>
        %parallel_loop3A_429 = math.absf %parallel_loop3A_428 : vector<16xf32>
        %parallel_loop3A_430 = arith.constant 4 : i32
        %parallel_loop3A_431 = arith.index_cast %parallel_loop3A_430 : i32 to index
        %parallel_loop3A_432 = arith.index_cast %parallel_loop3A_361 : i32 to index
        %parallel_loop3A_433 = arith.index_cast %parallel_loop3A_367 : i32 to index
        %parallel_loop3A_434 = tpu.vector_load %arg8[%parallel_loop3A_431, %parallel_loop3A_432, %parallel_loop3A_433] {strides = array<i32>} : memref<9x4x512xf32, #tpu.memory_space<vmem>>, vector<16xf32>,
        %parallel_loop3A_435 = arith.constant 7 : i32
        %parallel_loop3A_436 = arith.index_cast %parallel_loop3A_435 : i32 to index
        %parallel_loop3A_437 = arith.index_cast %parallel_loop3A_361 : i32 to index
        %parallel_loop3A_438 = arith.index_cast %parallel_loop3A_367 : i32 to index
        %parallel_loop3A_439 = tpu.vector_load %arg8[%parallel_loop3A_436, %parallel_loop3A_437, %parallel_loop3A_438] {strides = array<i32>} : memref<9x4x512xf32, #tpu.memory_space<vmem>>, vector<16xf32>,
        %parallel_loop3A_440 = arith.subf %parallel_loop3A_434, %parallel_loop3A_439 : vector<16xf32>
        %parallel_loop3A_441 = math.absf %parallel_loop3A_440 : vector<16xf32>
        %parallel_loop3A_442 = arith.addf %parallel_loop3A_429, %parallel_loop3A_441 : vector<16xf32>
        %parallel_loop3A_443 = arith.constant 5 : i32
        %parallel_loop3A_444 = arith.index_cast %parallel_loop3A_443 : i32 to index
        %parallel_loop3A_445 = arith.index_cast %parallel_loop3A_361 : i32 to index
        %parallel_loop3A_446 = arith.index_cast %parallel_loop3A_367 : i32 to index
        %parallel_loop3A_447 = tpu.vector_load %arg8[%parallel_loop3A_444, %parallel_loop3A_445, %parallel_loop3A_446] {strides = array<i32>} : memref<9x4x512xf32, #tpu.memory_space<vmem>>, vector<16xf32>,
        %parallel_loop3A_448 = arith.constant 8 : i32
        %parallel_loop3A_449 = arith.index_cast %parallel_loop3A_448 : i32 to index
        %parallel_loop3A_450 = arith.index_cast %parallel_loop3A_361 : i32 to index
        %parallel_loop3A_451 = arith.index_cast %parallel_loop3A_367 : i32 to index
        %parallel_loop3A_452 = tpu.vector_load %arg8[%parallel_loop3A_449, %parallel_loop3A_450, %parallel_loop3A_451] {strides = array<i32>} : memref<9x4x512xf32, #tpu.memory_space<vmem>>, vector<16xf32>,
        %parallel_loop3A_453 = arith.subf %parallel_loop3A_447, %parallel_loop3A_452 : vector<16xf32>
        %parallel_loop3A_454 = math.absf %parallel_loop3A_453 : vector<16xf32>
        %parallel_loop3A_455 = arith.addf %parallel_loop3A_442, %parallel_loop3A_454 : vector<16xf32>
        %parallel_loop3A_456 = arith.mulf %parallel_loop3A_417, %parallel_loop3A_455 : vector<16xf32>
        %parallel_loop3A_457 = arith.addf %parallel_loop3A_344, %parallel_loop3A_456 : vector<16xf32>
        %parallel_loop3A_458 = arith.addf %parallel_loop3A_345, %parallel_loop3A_417 : vector<16xf32>
        %parallel_loop3A_459 = arith.constant 5 : i32
        %parallel_loop3A_460 = arith.shrsi %parallel_loop3A_343, %parallel_loop3A_459 : i32
        %parallel_loop3A_461 = arith.constant 31 : i32
        %parallel_loop3A_462 = arith.andi %parallel_loop3A_343, %parallel_loop3A_461 : i32
        %parallel_loop3A_463 = arith.constant 1 : i32
        %parallel_loop3A_464 = arith.addi %parallel_loop3A_462, %parallel_loop3A_463 : i32
        %parallel_loop3A_465 = arith.constant 16 : i32
        %parallel_loop3A_466 = arith.muli %parallel_loop3A_464, %parallel_loop3A_465 : i32
        %parallel_loop3A_467 = arith.constant 0 : i32
        %parallel_loop3A_468 = arith.index_cast %parallel_loop3A_467 : i32 to index
        %parallel_loop3A_469 = arith.index_cast %parallel_loop3A_460 : i32 to index
        %parallel_loop3A_470 = arith.index_cast %parallel_loop3A_466 : i32 to index
        %parallel_loop3A_471 = tpu.vector_load %arg8[%parallel_loop3A_468, %parallel_loop3A_469, %parallel_loop3A_470] {strides = array<i32>} : memref<9x4x512xf32, #tpu.memory_space<vmem>>, vector<16xf32>,
        %parallel_loop3A_472 = arith.constant 2.550000e+02 : f32
        %parallel_loop3A_473 = vector.broadcast %parallel_loop3A_472 : f32 to vector<16xf32>
        %parallel_loop3A_474 = arith.mulf %parallel_loop3A_471, %parallel_loop3A_473 : vector<16xf32>
        %parallel_loop3A_475 = arith.constant 1.250000e-01 : f32
        %parallel_loop3A_476 = vector.broadcast %parallel_loop3A_475 : f32 to vector<16xf32>
        %parallel_loop3A_477 = arith.mulf %parallel_loop3A_474, %parallel_loop3A_476 : vector<16xf32>
        %parallel_loop3A_478 = arith.fptosi %parallel_loop3A_477 : vector<16xf32> to vector<16xi32>
        %parallel_loop3A_479 = arith.constant 1 : i32
        %parallel_loop3A_480 = arith.index_cast %parallel_loop3A_479 : i32 to index
        %parallel_loop3A_481 = arith.index_cast %parallel_loop3A_460 : i32 to index
        %parallel_loop3A_482 = arith.index_cast %parallel_loop3A_466 : i32 to index
        %parallel_loop3A_483 = tpu.vector_load %arg8[%parallel_loop3A_480, %parallel_loop3A_481, %parallel_loop3A_482] {strides = array<i32>} : memref<9x4x512xf32, #tpu.memory_space<vmem>>, vector<16xf32>,
        %parallel_loop3A_484 = arith.constant 2.550000e+02 : f32
        %parallel_loop3A_485 = vector.broadcast %parallel_loop3A_484 : f32 to vector<16xf32>
        %parallel_loop3A_486 = arith.mulf %parallel_loop3A_483, %parallel_loop3A_485 : vector<16xf32>
        %parallel_loop3A_487 = arith.constant 1.250000e-01 : f32
        %parallel_loop3A_488 = vector.broadcast %parallel_loop3A_487 : f32 to vector<16xf32>
        %parallel_loop3A_489 = arith.mulf %parallel_loop3A_486, %parallel_loop3A_488 : vector<16xf32>
        %parallel_loop3A_490 = arith.fptosi %parallel_loop3A_489 : vector<16xf32> to vector<16xi32>
        %parallel_loop3A_491 = arith.constant 2 : i32
        %parallel_loop3A_492 = arith.index_cast %parallel_loop3A_491 : i32 to index
        %parallel_loop3A_493 = arith.index_cast %parallel_loop3A_460 : i32 to index
        %parallel_loop3A_494 = arith.index_cast %parallel_loop3A_466 : i32 to index
        %parallel_loop3A_495 = tpu.vector_load %arg8[%parallel_loop3A_492, %parallel_loop3A_493, %parallel_loop3A_494] {strides = array<i32>} : memref<9x4x512xf32, #tpu.memory_space<vmem>>, vector<16xf32>,
        %parallel_loop3A_496 = arith.constant 2.550000e+02 : f32
        %parallel_loop3A_497 = vector.broadcast %parallel_loop3A_496 : f32 to vector<16xf32>
        %parallel_loop3A_498 = arith.mulf %parallel_loop3A_495, %parallel_loop3A_497 : vector<16xf32>
        %parallel_loop3A_499 = arith.constant 1.250000e-01 : f32
        %parallel_loop3A_500 = vector.broadcast %parallel_loop3A_499 : f32 to vector<16xf32>
        %parallel_loop3A_501 = arith.mulf %parallel_loop3A_498, %parallel_loop3A_500 : vector<16xf32>
        %parallel_loop3A_502 = arith.fptosi %parallel_loop3A_501 : vector<16xf32> to vector<16xi32>
        %parallel_loop3A_503 = arith.constant 1024 : i32
        %parallel_loop3A_504 = vector.broadcast %parallel_loop3A_503 : i32 to vector<16xi32>
        %parallel_loop3A_505 = arith.muli %parallel_loop3A_478, %parallel_loop3A_504 : vector<16xi32>
        %parallel_loop3A_506 = arith.constant 32 : i32
        %parallel_loop3A_507 = vector.broadcast %parallel_loop3A_506 : i32 to vector<16xi32>
        %parallel_loop3A_508 = arith.muli %parallel_loop3A_490, %parallel_loop3A_507 : vector<16xi32>
        %parallel_loop3A_509 = arith.addi %parallel_loop3A_505, %parallel_loop3A_508 : vector<16xi32>
        %parallel_loop3A_510 = arith.addi %parallel_loop3A_509, %parallel_loop3A_502 : vector<16xi32>
        %parallel_loop3A_511 = tpu.bitcast %parallel_loop3A_510 : vector<16xi32> -> vector<16xi32>
        %parallel_loop3A_512 = arith.constant 32767 : i32
        %parallel_loop3A_513 = vector.broadcast %parallel_loop3A_512 : i32 to vector<16xi32>
        %parallel_loop3A_514 = arith.minui %parallel_loop3A_511, %parallel_loop3A_513 : vector<16xi32>
        %parallel_loop3A_515 = tpu.bitcast %parallel_loop3A_514 : vector<16xi32> -> vector<16xi32>
        %parallel_loop3A_516 = tpu.vector_load_idx %arg7[%parallel_loop3A_515] : memref<32768xf32, #tpu.memory_space<vmem>>[vector<16xi32>], vector<16xf32>,
        %parallel_loop3A_517 = arith.constant 3 : i32
        %parallel_loop3A_518 = arith.index_cast %parallel_loop3A_517 : i32 to index
        %parallel_loop3A_519 = arith.index_cast %parallel_loop3A_460 : i32 to index
        %parallel_loop3A_520 = arith.index_cast %parallel_loop3A_466 : i32 to index
        %parallel_loop3A_521 = tpu.vector_load %arg8[%parallel_loop3A_518, %parallel_loop3A_519, %parallel_loop3A_520] {strides = array<i32>} : memref<9x4x512xf32, #tpu.memory_space<vmem>>, vector<16xf32>,
        %parallel_loop3A_522 = arith.constant 6 : i32
        %parallel_loop3A_523 = arith.index_cast %parallel_loop3A_522 : i32 to index
        %parallel_loop3A_524 = arith.index_cast %parallel_loop3A_460 : i32 to index
        %parallel_loop3A_525 = arith.index_cast %parallel_loop3A_466 : i32 to index
        %parallel_loop3A_526 = tpu.vector_load %arg8[%parallel_loop3A_523, %parallel_loop3A_524, %parallel_loop3A_525] {strides = array<i32>} : memref<9x4x512xf32, #tpu.memory_space<vmem>>, vector<16xf32>,
        %parallel_loop3A_527 = arith.subf %parallel_loop3A_521, %parallel_loop3A_526 : vector<16xf32>
        %parallel_loop3A_528 = math.absf %parallel_loop3A_527 : vector<16xf32>
        %parallel_loop3A_529 = arith.constant 4 : i32
        %parallel_loop3A_530 = arith.index_cast %parallel_loop3A_529 : i32 to index
        %parallel_loop3A_531 = arith.index_cast %parallel_loop3A_460 : i32 to index
        %parallel_loop3A_532 = arith.index_cast %parallel_loop3A_466 : i32 to index
        %parallel_loop3A_533 = tpu.vector_load %arg8[%parallel_loop3A_530, %parallel_loop3A_531, %parallel_loop3A_532] {strides = array<i32>} : memref<9x4x512xf32, #tpu.memory_space<vmem>>, vector<16xf32>,
        %parallel_loop3A_534 = arith.constant 7 : i32
        %parallel_loop3A_535 = arith.index_cast %parallel_loop3A_534 : i32 to index
        %parallel_loop3A_536 = arith.index_cast %parallel_loop3A_460 : i32 to index
        %parallel_loop3A_537 = arith.index_cast %parallel_loop3A_466 : i32 to index
        %parallel_loop3A_538 = tpu.vector_load %arg8[%parallel_loop3A_535, %parallel_loop3A_536, %parallel_loop3A_537] {strides = array<i32>} : memref<9x4x512xf32, #tpu.memory_space<vmem>>, vector<16xf32>,
        %parallel_loop3A_539 = arith.subf %parallel_loop3A_533, %parallel_loop3A_538 : vector<16xf32>
        %parallel_loop3A_540 = math.absf %parallel_loop3A_539 : vector<16xf32>
        %parallel_loop3A_541 = arith.addf %parallel_loop3A_528, %parallel_loop3A_540 : vector<16xf32>
        %parallel_loop3A_542 = arith.constant 5 : i32
        %parallel_loop3A_543 = arith.index_cast %parallel_loop3A_542 : i32 to index
        %parallel_loop3A_544 = arith.index_cast %parallel_loop3A_460 : i32 to index
        %parallel_loop3A_545 = arith.index_cast %parallel_loop3A_466 : i32 to index
        %parallel_loop3A_546 = tpu.vector_load %arg8[%parallel_loop3A_543, %parallel_loop3A_544, %parallel_loop3A_545] {strides = array<i32>} : memref<9x4x512xf32, #tpu.memory_space<vmem>>, vector<16xf32>,
        %parallel_loop3A_547 = arith.constant 8 : i32
        %parallel_loop3A_548 = arith.index_cast %parallel_loop3A_547 : i32 to index
        %parallel_loop3A_549 = arith.index_cast %parallel_loop3A_460 : i32 to index
        %parallel_loop3A_550 = arith.index_cast %parallel_loop3A_466 : i32 to index
        %parallel_loop3A_551 = tpu.vector_load %arg8[%parallel_loop3A_548, %parallel_loop3A_549, %parallel_loop3A_550] {strides = array<i32>} : memref<9x4x512xf32, #tpu.memory_space<vmem>>, vector<16xf32>,
        %parallel_loop3A_552 = arith.subf %parallel_loop3A_546, %parallel_loop3A_551 : vector<16xf32>
        %parallel_loop3A_553 = math.absf %parallel_loop3A_552 : vector<16xf32>
        %parallel_loop3A_554 = arith.addf %parallel_loop3A_541, %parallel_loop3A_553 : vector<16xf32>
        %parallel_loop3A_555 = arith.mulf %parallel_loop3A_516, %parallel_loop3A_554 : vector<16xf32>
        %parallel_loop3A_556 = arith.addf %parallel_loop3A_346, %parallel_loop3A_555 : vector<16xf32>
        %parallel_loop3A_557 = arith.addf %parallel_loop3A_347, %parallel_loop3A_516 : vector<16xf32>
        %parallel_loop3A_558 = arith.constant 5 : i32
        %parallel_loop3A_559 = arith.shrsi %parallel_loop3A_343, %parallel_loop3A_558 : i32
        %parallel_loop3A_560 = arith.constant 31 : i32
        %parallel_loop3A_561 = arith.andi %parallel_loop3A_343, %parallel_loop3A_560 : i32
        %parallel_loop3A_562 = arith.constant 2 : i32
        %parallel_loop3A_563 = arith.addi %parallel_loop3A_561, %parallel_loop3A_562 : i32
        %parallel_loop3A_564 = arith.constant 16 : i32
        %parallel_loop3A_565 = arith.muli %parallel_loop3A_563, %parallel_loop3A_564 : i32
        %parallel_loop3A_566 = arith.constant 0 : i32
        %parallel_loop3A_567 = arith.index_cast %parallel_loop3A_566 : i32 to index
        %parallel_loop3A_568 = arith.index_cast %parallel_loop3A_559 : i32 to index
        %parallel_loop3A_569 = arith.index_cast %parallel_loop3A_565 : i32 to index
        %parallel_loop3A_570 = tpu.vector_load %arg8[%parallel_loop3A_567, %parallel_loop3A_568, %parallel_loop3A_569] {strides = array<i32>} : memref<9x4x512xf32, #tpu.memory_space<vmem>>, vector<16xf32>,
        %parallel_loop3A_571 = arith.constant 2.550000e+02 : f32
        %parallel_loop3A_572 = vector.broadcast %parallel_loop3A_571 : f32 to vector<16xf32>
        %parallel_loop3A_573 = arith.mulf %parallel_loop3A_570, %parallel_loop3A_572 : vector<16xf32>
        %parallel_loop3A_574 = arith.constant 1.250000e-01 : f32
        %parallel_loop3A_575 = vector.broadcast %parallel_loop3A_574 : f32 to vector<16xf32>
        %parallel_loop3A_576 = arith.mulf %parallel_loop3A_573, %parallel_loop3A_575 : vector<16xf32>
        %parallel_loop3A_577 = arith.fptosi %parallel_loop3A_576 : vector<16xf32> to vector<16xi32>
        %parallel_loop3A_578 = arith.constant 1 : i32
        %parallel_loop3A_579 = arith.index_cast %parallel_loop3A_578 : i32 to index
        %parallel_loop3A_580 = arith.index_cast %parallel_loop3A_559 : i32 to index
        %parallel_loop3A_581 = arith.index_cast %parallel_loop3A_565 : i32 to index
        %parallel_loop3A_582 = tpu.vector_load %arg8[%parallel_loop3A_579, %parallel_loop3A_580, %parallel_loop3A_581] {strides = array<i32>} : memref<9x4x512xf32, #tpu.memory_space<vmem>>, vector<16xf32>,
        %parallel_loop3A_583 = arith.constant 2.550000e+02 : f32
        %parallel_loop3A_584 = vector.broadcast %parallel_loop3A_583 : f32 to vector<16xf32>
        %parallel_loop3A_585 = arith.mulf %parallel_loop3A_582, %parallel_loop3A_584 : vector<16xf32>
        %parallel_loop3A_586 = arith.constant 1.250000e-01 : f32
        %parallel_loop3A_587 = vector.broadcast %parallel_loop3A_586 : f32 to vector<16xf32>
        %parallel_loop3A_588 = arith.mulf %parallel_loop3A_585, %parallel_loop3A_587 : vector<16xf32>
        %parallel_loop3A_589 = arith.fptosi %parallel_loop3A_588 : vector<16xf32> to vector<16xi32>
        %parallel_loop3A_590 = arith.constant 2 : i32
        %parallel_loop3A_591 = arith.index_cast %parallel_loop3A_590 : i32 to index
        %parallel_loop3A_592 = arith.index_cast %parallel_loop3A_559 : i32 to index
        %parallel_loop3A_593 = arith.index_cast %parallel_loop3A_565 : i32 to index
        %parallel_loop3A_594 = tpu.vector_load %arg8[%parallel_loop3A_591, %parallel_loop3A_592, %parallel_loop3A_593] {strides = array<i32>} : memref<9x4x512xf32, #tpu.memory_space<vmem>>, vector<16xf32>,
        %parallel_loop3A_595 = arith.constant 2.550000e+02 : f32
        %parallel_loop3A_596 = vector.broadcast %parallel_loop3A_595 : f32 to vector<16xf32>
        %parallel_loop3A_597 = arith.mulf %parallel_loop3A_594, %parallel_loop3A_596 : vector<16xf32>
        %parallel_loop3A_598 = arith.constant 1.250000e-01 : f32
        %parallel_loop3A_599 = vector.broadcast %parallel_loop3A_598 : f32 to vector<16xf32>
        %parallel_loop3A_600 = arith.mulf %parallel_loop3A_597, %parallel_loop3A_599 : vector<16xf32>
        %parallel_loop3A_601 = arith.fptosi %parallel_loop3A_600 : vector<16xf32> to vector<16xi32>
        %parallel_loop3A_602 = arith.constant 1024 : i32
        %parallel_loop3A_603 = vector.broadcast %parallel_loop3A_602 : i32 to vector<16xi32>
        %parallel_loop3A_604 = arith.muli %parallel_loop3A_577, %parallel_loop3A_603 : vector<16xi32>
        %parallel_loop3A_605 = arith.constant 32 : i32
        %parallel_loop3A_606 = vector.broadcast %parallel_loop3A_605 : i32 to vector<16xi32>
        %parallel_loop3A_607 = arith.muli %parallel_loop3A_589, %parallel_loop3A_606 : vector<16xi32>
        %parallel_loop3A_608 = arith.addi %parallel_loop3A_604, %parallel_loop3A_607 : vector<16xi32>
        %parallel_loop3A_609 = arith.addi %parallel_loop3A_608, %parallel_loop3A_601 : vector<16xi32>
        %parallel_loop3A_610 = tpu.bitcast %parallel_loop3A_609 : vector<16xi32> -> vector<16xi32>
        %parallel_loop3A_611 = arith.constant 32767 : i32
        %parallel_loop3A_612 = vector.broadcast %parallel_loop3A_611 : i32 to vector<16xi32>
        %parallel_loop3A_613 = arith.minui %parallel_loop3A_610, %parallel_loop3A_612 : vector<16xi32>
        %parallel_loop3A_614 = tpu.bitcast %parallel_loop3A_613 : vector<16xi32> -> vector<16xi32>
        %parallel_loop3A_615 = tpu.vector_load_idx %arg7[%parallel_loop3A_614] : memref<32768xf32, #tpu.memory_space<vmem>>[vector<16xi32>], vector<16xf32>,
        %parallel_loop3A_616 = arith.constant 3 : i32
        %parallel_loop3A_617 = arith.index_cast %parallel_loop3A_616 : i32 to index
        %parallel_loop3A_618 = arith.index_cast %parallel_loop3A_559 : i32 to index
        %parallel_loop3A_619 = arith.index_cast %parallel_loop3A_565 : i32 to index
        %parallel_loop3A_620 = tpu.vector_load %arg8[%parallel_loop3A_617, %parallel_loop3A_618, %parallel_loop3A_619] {strides = array<i32>} : memref<9x4x512xf32, #tpu.memory_space<vmem>>, vector<16xf32>,
        %parallel_loop3A_621 = arith.constant 6 : i32
        %parallel_loop3A_622 = arith.index_cast %parallel_loop3A_621 : i32 to index
        %parallel_loop3A_623 = arith.index_cast %parallel_loop3A_559 : i32 to index
        %parallel_loop3A_624 = arith.index_cast %parallel_loop3A_565 : i32 to index
        %parallel_loop3A_625 = tpu.vector_load %arg8[%parallel_loop3A_622, %parallel_loop3A_623, %parallel_loop3A_624] {strides = array<i32>} : memref<9x4x512xf32, #tpu.memory_space<vmem>>, vector<16xf32>,
        %parallel_loop3A_626 = arith.subf %parallel_loop3A_620, %parallel_loop3A_625 : vector<16xf32>
        %parallel_loop3A_627 = math.absf %parallel_loop3A_626 : vector<16xf32>
        %parallel_loop3A_628 = arith.constant 4 : i32
        %parallel_loop3A_629 = arith.index_cast %parallel_loop3A_628 : i32 to index
        %parallel_loop3A_630 = arith.index_cast %parallel_loop3A_559 : i32 to index
        %parallel_loop3A_631 = arith.index_cast %parallel_loop3A_565 : i32 to index
        %parallel_loop3A_632 = tpu.vector_load %arg8[%parallel_loop3A_629, %parallel_loop3A_630, %parallel_loop3A_631] {strides = array<i32>} : memref<9x4x512xf32, #tpu.memory_space<vmem>>, vector<16xf32>,
        %parallel_loop3A_633 = arith.constant 7 : i32
        %parallel_loop3A_634 = arith.index_cast %parallel_loop3A_633 : i32 to index
        %parallel_loop3A_635 = arith.index_cast %parallel_loop3A_559 : i32 to index
        %parallel_loop3A_636 = arith.index_cast %parallel_loop3A_565 : i32 to index
        %parallel_loop3A_637 = tpu.vector_load %arg8[%parallel_loop3A_634, %parallel_loop3A_635, %parallel_loop3A_636] {strides = array<i32>} : memref<9x4x512xf32, #tpu.memory_space<vmem>>, vector<16xf32>,
        %parallel_loop3A_638 = arith.subf %parallel_loop3A_632, %parallel_loop3A_637 : vector<16xf32>
        %parallel_loop3A_639 = math.absf %parallel_loop3A_638 : vector<16xf32>
        %parallel_loop3A_640 = arith.addf %parallel_loop3A_627, %parallel_loop3A_639 : vector<16xf32>
        %parallel_loop3A_641 = arith.constant 5 : i32
        %parallel_loop3A_642 = arith.index_cast %parallel_loop3A_641 : i32 to index
        %parallel_loop3A_643 = arith.index_cast %parallel_loop3A_559 : i32 to index
        %parallel_loop3A_644 = arith.index_cast %parallel_loop3A_565 : i32 to index
        %parallel_loop3A_645 = tpu.vector_load %arg8[%parallel_loop3A_642, %parallel_loop3A_643, %parallel_loop3A_644] {strides = array<i32>} : memref<9x4x512xf32, #tpu.memory_space<vmem>>, vector<16xf32>,
        %parallel_loop3A_646 = arith.constant 8 : i32
        %parallel_loop3A_647 = arith.index_cast %parallel_loop3A_646 : i32 to index
        %parallel_loop3A_648 = arith.index_cast %parallel_loop3A_559 : i32 to index
        %parallel_loop3A_649 = arith.index_cast %parallel_loop3A_565 : i32 to index
        %parallel_loop3A_650 = tpu.vector_load %arg8[%parallel_loop3A_647, %parallel_loop3A_648, %parallel_loop3A_649] {strides = array<i32>} : memref<9x4x512xf32, #tpu.memory_space<vmem>>, vector<16xf32>,
        %parallel_loop3A_651 = arith.subf %parallel_loop3A_645, %parallel_loop3A_650 : vector<16xf32>
        %parallel_loop3A_652 = math.absf %parallel_loop3A_651 : vector<16xf32>
        %parallel_loop3A_653 = arith.addf %parallel_loop3A_640, %parallel_loop3A_652 : vector<16xf32>
        %parallel_loop3A_654 = arith.mulf %parallel_loop3A_615, %parallel_loop3A_653 : vector<16xf32>
        %parallel_loop3A_655 = arith.addf %parallel_loop3A_348, %parallel_loop3A_654 : vector<16xf32>
        %parallel_loop3A_656 = arith.addf %parallel_loop3A_349, %parallel_loop3A_615 : vector<16xf32>
        %parallel_loop3A_657 = arith.constant 5 : i32
        %parallel_loop3A_658 = arith.shrsi %parallel_loop3A_343, %parallel_loop3A_657 : i32
        %parallel_loop3A_659 = arith.constant 31 : i32
        %parallel_loop3A_660 = arith.andi %parallel_loop3A_343, %parallel_loop3A_659 : i32
        %parallel_loop3A_661 = arith.constant 3 : i32
        %parallel_loop3A_662 = arith.addi %parallel_loop3A_660, %parallel_loop3A_661 : i32
        %parallel_loop3A_663 = arith.constant 16 : i32
        %parallel_loop3A_664 = arith.muli %parallel_loop3A_662, %parallel_loop3A_663 : i32
        %parallel_loop3A_665 = arith.constant 0 : i32
        %parallel_loop3A_666 = arith.index_cast %parallel_loop3A_665 : i32 to index
        %parallel_loop3A_667 = arith.index_cast %parallel_loop3A_658 : i32 to index
        %parallel_loop3A_668 = arith.index_cast %parallel_loop3A_664 : i32 to index
        %parallel_loop3A_669 = tpu.vector_load %arg8[%parallel_loop3A_666, %parallel_loop3A_667, %parallel_loop3A_668] {strides = array<i32>} : memref<9x4x512xf32, #tpu.memory_space<vmem>>, vector<16xf32>,
        %parallel_loop3A_670 = arith.constant 2.550000e+02 : f32
        %parallel_loop3A_671 = vector.broadcast %parallel_loop3A_670 : f32 to vector<16xf32>
        %parallel_loop3A_672 = arith.mulf %parallel_loop3A_669, %parallel_loop3A_671 : vector<16xf32>
        %parallel_loop3A_673 = arith.constant 1.250000e-01 : f32
        %parallel_loop3A_674 = vector.broadcast %parallel_loop3A_673 : f32 to vector<16xf32>
        %parallel_loop3A_675 = arith.mulf %parallel_loop3A_672, %parallel_loop3A_674 : vector<16xf32>
        %parallel_loop3A_676 = arith.fptosi %parallel_loop3A_675 : vector<16xf32> to vector<16xi32>
        %parallel_loop3A_677 = arith.constant 1 : i32
        %parallel_loop3A_678 = arith.index_cast %parallel_loop3A_677 : i32 to index
        %parallel_loop3A_679 = arith.index_cast %parallel_loop3A_658 : i32 to index
        %parallel_loop3A_680 = arith.index_cast %parallel_loop3A_664 : i32 to index
        %parallel_loop3A_681 = tpu.vector_load %arg8[%parallel_loop3A_678, %parallel_loop3A_679, %parallel_loop3A_680] {strides = array<i32>} : memref<9x4x512xf32, #tpu.memory_space<vmem>>, vector<16xf32>,
        %parallel_loop3A_682 = arith.constant 2.550000e+02 : f32
        %parallel_loop3A_683 = vector.broadcast %parallel_loop3A_682 : f32 to vector<16xf32>
        %parallel_loop3A_684 = arith.mulf %parallel_loop3A_681, %parallel_loop3A_683 : vector<16xf32>
        %parallel_loop3A_685 = arith.constant 1.250000e-01 : f32
        %parallel_loop3A_686 = vector.broadcast %parallel_loop3A_685 : f32 to vector<16xf32>
        %parallel_loop3A_687 = arith.mulf %parallel_loop3A_684, %parallel_loop3A_686 : vector<16xf32>
        %parallel_loop3A_688 = arith.fptosi %parallel_loop3A_687 : vector<16xf32> to vector<16xi32>
        %parallel_loop3A_689 = arith.constant 2 : i32
        %parallel_loop3A_690 = arith.index_cast %parallel_loop3A_689 : i32 to index
        %parallel_loop3A_691 = arith.index_cast %parallel_loop3A_658 : i32 to index
        %parallel_loop3A_692 = arith.index_cast %parallel_loop3A_664 : i32 to index
        %parallel_loop3A_693 = tpu.vector_load %arg8[%parallel_loop3A_690, %parallel_loop3A_691, %parallel_loop3A_692] {strides = array<i32>} : memref<9x4x512xf32, #tpu.memory_space<vmem>>, vector<16xf32>,
        %parallel_loop3A_694 = arith.constant 2.550000e+02 : f32
        %parallel_loop3A_695 = vector.broadcast %parallel_loop3A_694 : f32 to vector<16xf32>
        %parallel_loop3A_696 = arith.mulf %parallel_loop3A_693, %parallel_loop3A_695 : vector<16xf32>
        %parallel_loop3A_697 = arith.constant 1.250000e-01 : f32
        %parallel_loop3A_698 = vector.broadcast %parallel_loop3A_697 : f32 to vector<16xf32>
        %parallel_loop3A_699 = arith.mulf %parallel_loop3A_696, %parallel_loop3A_698 : vector<16xf32>
        %parallel_loop3A_700 = arith.fptosi %parallel_loop3A_699 : vector<16xf32> to vector<16xi32>
        %parallel_loop3A_701 = arith.constant 1024 : i32
        %parallel_loop3A_702 = vector.broadcast %parallel_loop3A_701 : i32 to vector<16xi32>
        %parallel_loop3A_703 = arith.muli %parallel_loop3A_676, %parallel_loop3A_702 : vector<16xi32>
        %parallel_loop3A_704 = arith.constant 32 : i32
        %parallel_loop3A_705 = vector.broadcast %parallel_loop3A_704 : i32 to vector<16xi32>
        %parallel_loop3A_706 = arith.muli %parallel_loop3A_688, %parallel_loop3A_705 : vector<16xi32>
        %parallel_loop3A_707 = arith.addi %parallel_loop3A_703, %parallel_loop3A_706 : vector<16xi32>
        %parallel_loop3A_708 = arith.addi %parallel_loop3A_707, %parallel_loop3A_700 : vector<16xi32>
        %parallel_loop3A_709 = tpu.bitcast %parallel_loop3A_708 : vector<16xi32> -> vector<16xi32>
        %parallel_loop3A_710 = arith.constant 32767 : i32
        %parallel_loop3A_711 = vector.broadcast %parallel_loop3A_710 : i32 to vector<16xi32>
        %parallel_loop3A_712 = arith.minui %parallel_loop3A_709, %parallel_loop3A_711 : vector<16xi32>
        %parallel_loop3A_713 = tpu.bitcast %parallel_loop3A_712 : vector<16xi32> -> vector<16xi32>
        %parallel_loop3A_714 = tpu.vector_load_idx %arg7[%parallel_loop3A_713] : memref<32768xf32, #tpu.memory_space<vmem>>[vector<16xi32>], vector<16xf32>,
        %parallel_loop3A_715 = arith.constant 3 : i32
        %parallel_loop3A_716 = arith.index_cast %parallel_loop3A_715 : i32 to index
        %parallel_loop3A_717 = arith.index_cast %parallel_loop3A_658 : i32 to index
        %parallel_loop3A_718 = arith.index_cast %parallel_loop3A_664 : i32 to index
        %parallel_loop3A_719 = tpu.vector_load %arg8[%parallel_loop3A_716, %parallel_loop3A_717, %parallel_loop3A_718] {strides = array<i32>} : memref<9x4x512xf32, #tpu.memory_space<vmem>>, vector<16xf32>,
        %parallel_loop3A_720 = arith.constant 6 : i32
        %parallel_loop3A_721 = arith.index_cast %parallel_loop3A_720 : i32 to index
        %parallel_loop3A_722 = arith.index_cast %parallel_loop3A_658 : i32 to index
        %parallel_loop3A_723 = arith.index_cast %parallel_loop3A_664 : i32 to index
        %parallel_loop3A_724 = tpu.vector_load %arg8[%parallel_loop3A_721, %parallel_loop3A_722, %parallel_loop3A_723] {strides = array<i32>} : memref<9x4x512xf32, #tpu.memory_space<vmem>>, vector<16xf32>,
        %parallel_loop3A_725 = arith.subf %parallel_loop3A_719, %parallel_loop3A_724 : vector<16xf32>
        %parallel_loop3A_726 = math.absf %parallel_loop3A_725 : vector<16xf32>
        %parallel_loop3A_727 = arith.constant 4 : i32
        %parallel_loop3A_728 = arith.index_cast %parallel_loop3A_727 : i32 to index
        %parallel_loop3A_729 = arith.index_cast %parallel_loop3A_658 : i32 to index
        %parallel_loop3A_730 = arith.index_cast %parallel_loop3A_664 : i32 to index
        %parallel_loop3A_731 = tpu.vector_load %arg8[%parallel_loop3A_728, %parallel_loop3A_729, %parallel_loop3A_730] {strides = array<i32>} : memref<9x4x512xf32, #tpu.memory_space<vmem>>, vector<16xf32>,
        %parallel_loop3A_732 = arith.constant 7 : i32
        %parallel_loop3A_733 = arith.index_cast %parallel_loop3A_732 : i32 to index
        %parallel_loop3A_734 = arith.index_cast %parallel_loop3A_658 : i32 to index
        %parallel_loop3A_735 = arith.index_cast %parallel_loop3A_664 : i32 to index
        %parallel_loop3A_736 = tpu.vector_load %arg8[%parallel_loop3A_733, %parallel_loop3A_734, %parallel_loop3A_735] {strides = array<i32>} : memref<9x4x512xf32, #tpu.memory_space<vmem>>, vector<16xf32>,
        %parallel_loop3A_737 = arith.subf %parallel_loop3A_731, %parallel_loop3A_736 : vector<16xf32>
        %parallel_loop3A_738 = math.absf %parallel_loop3A_737 : vector<16xf32>
        %parallel_loop3A_739 = arith.addf %parallel_loop3A_726, %parallel_loop3A_738 : vector<16xf32>
        %parallel_loop3A_740 = arith.constant 5 : i32
        %parallel_loop3A_741 = arith.index_cast %parallel_loop3A_740 : i32 to index
        %parallel_loop3A_742 = arith.index_cast %parallel_loop3A_658 : i32 to index
        %parallel_loop3A_743 = arith.index_cast %parallel_loop3A_664 : i32 to index
        %parallel_loop3A_744 = tpu.vector_load %arg8[%parallel_loop3A_741, %parallel_loop3A_742, %parallel_loop3A_743] {strides = array<i32>} : memref<9x4x512xf32, #tpu.memory_space<vmem>>, vector<16xf32>,
        %parallel_loop3A_745 = arith.constant 8 : i32
        %parallel_loop3A_746 = arith.index_cast %parallel_loop3A_745 : i32 to index
        %parallel_loop3A_747 = arith.index_cast %parallel_loop3A_658 : i32 to index
        %parallel_loop3A_748 = arith.index_cast %parallel_loop3A_664 : i32 to index
        %parallel_loop3A_749 = tpu.vector_load %arg8[%parallel_loop3A_746, %parallel_loop3A_747, %parallel_loop3A_748] {strides = array<i32>} : memref<9x4x512xf32, #tpu.memory_space<vmem>>, vector<16xf32>,
        %parallel_loop3A_750 = arith.subf %parallel_loop3A_744, %parallel_loop3A_749 : vector<16xf32>
        %parallel_loop3A_751 = math.absf %parallel_loop3A_750 : vector<16xf32>
        %parallel_loop3A_752 = arith.addf %parallel_loop3A_739, %parallel_loop3A_751 : vector<16xf32>
        %parallel_loop3A_753 = arith.mulf %parallel_loop3A_714, %parallel_loop3A_752 : vector<16xf32>
        %parallel_loop3A_754 = arith.addf %parallel_loop3A_350, %parallel_loop3A_753 : vector<16xf32>
        %parallel_loop3A_755 = arith.addf %parallel_loop3A_351, %parallel_loop3A_714 : vector<16xf32>
        %parallel_loop3A_756 = arith.constant 5 : i32
        %parallel_loop3A_757 = arith.shrsi %parallel_loop3A_343, %parallel_loop3A_756 : i32
        %parallel_loop3A_758 = arith.constant 31 : i32
        %parallel_loop3A_759 = arith.andi %parallel_loop3A_343, %parallel_loop3A_758 : i32
        %parallel_loop3A_760 = arith.constant 4 : i32
        %parallel_loop3A_761 = arith.addi %parallel_loop3A_759, %parallel_loop3A_760 : i32
        %parallel_loop3A_762 = arith.constant 16 : i32
        %parallel_loop3A_763 = arith.muli %parallel_loop3A_761, %parallel_loop3A_762 : i32
        %parallel_loop3A_764 = arith.constant 0 : i32
        %parallel_loop3A_765 = arith.index_cast %parallel_loop3A_764 : i32 to index
        %parallel_loop3A_766 = arith.index_cast %parallel_loop3A_757 : i32 to index
        %parallel_loop3A_767 = arith.index_cast %parallel_loop3A_763 : i32 to index
        %parallel_loop3A_768 = tpu.vector_load %arg8[%parallel_loop3A_765, %parallel_loop3A_766, %parallel_loop3A_767] {strides = array<i32>} : memref<9x4x512xf32, #tpu.memory_space<vmem>>, vector<16xf32>,
        %parallel_loop3A_769 = arith.constant 2.550000e+02 : f32
        %parallel_loop3A_770 = vector.broadcast %parallel_loop3A_769 : f32 to vector<16xf32>
        %parallel_loop3A_771 = arith.mulf %parallel_loop3A_768, %parallel_loop3A_770 : vector<16xf32>
        %parallel_loop3A_772 = arith.constant 1.250000e-01 : f32
        %parallel_loop3A_773 = vector.broadcast %parallel_loop3A_772 : f32 to vector<16xf32>
        %parallel_loop3A_774 = arith.mulf %parallel_loop3A_771, %parallel_loop3A_773 : vector<16xf32>
        %parallel_loop3A_775 = arith.fptosi %parallel_loop3A_774 : vector<16xf32> to vector<16xi32>
        %parallel_loop3A_776 = arith.constant 1 : i32
        %parallel_loop3A_777 = arith.index_cast %parallel_loop3A_776 : i32 to index
        %parallel_loop3A_778 = arith.index_cast %parallel_loop3A_757 : i32 to index
        %parallel_loop3A_779 = arith.index_cast %parallel_loop3A_763 : i32 to index
        %parallel_loop3A_780 = tpu.vector_load %arg8[%parallel_loop3A_777, %parallel_loop3A_778, %parallel_loop3A_779] {strides = array<i32>} : memref<9x4x512xf32, #tpu.memory_space<vmem>>, vector<16xf32>,
        %parallel_loop3A_781 = arith.constant 2.550000e+02 : f32
        %parallel_loop3A_782 = vector.broadcast %parallel_loop3A_781 : f32 to vector<16xf32>
        %parallel_loop3A_783 = arith.mulf %parallel_loop3A_780, %parallel_loop3A_782 : vector<16xf32>
        %parallel_loop3A_784 = arith.constant 1.250000e-01 : f32
        %parallel_loop3A_785 = vector.broadcast %parallel_loop3A_784 : f32 to vector<16xf32>
        %parallel_loop3A_786 = arith.mulf %parallel_loop3A_783, %parallel_loop3A_785 : vector<16xf32>
        %parallel_loop3A_787 = arith.fptosi %parallel_loop3A_786 : vector<16xf32> to vector<16xi32>
        %parallel_loop3A_788 = arith.constant 2 : i32
        %parallel_loop3A_789 = arith.index_cast %parallel_loop3A_788 : i32 to index
        %parallel_loop3A_790 = arith.index_cast %parallel_loop3A_757 : i32 to index
        %parallel_loop3A_791 = arith.index_cast %parallel_loop3A_763 : i32 to index
        %parallel_loop3A_792 = tpu.vector_load %arg8[%parallel_loop3A_789, %parallel_loop3A_790, %parallel_loop3A_791] {strides = array<i32>} : memref<9x4x512xf32, #tpu.memory_space<vmem>>, vector<16xf32>,
        %parallel_loop3A_793 = arith.constant 2.550000e+02 : f32
        %parallel_loop3A_794 = vector.broadcast %parallel_loop3A_793 : f32 to vector<16xf32>
        %parallel_loop3A_795 = arith.mulf %parallel_loop3A_792, %parallel_loop3A_794 : vector<16xf32>
        %parallel_loop3A_796 = arith.constant 1.250000e-01 : f32
        %parallel_loop3A_797 = vector.broadcast %parallel_loop3A_796 : f32 to vector<16xf32>
        %parallel_loop3A_798 = arith.mulf %parallel_loop3A_795, %parallel_loop3A_797 : vector<16xf32>
        %parallel_loop3A_799 = arith.fptosi %parallel_loop3A_798 : vector<16xf32> to vector<16xi32>
        %parallel_loop3A_800 = arith.constant 1024 : i32
        %parallel_loop3A_801 = vector.broadcast %parallel_loop3A_800 : i32 to vector<16xi32>
        %parallel_loop3A_802 = arith.muli %parallel_loop3A_775, %parallel_loop3A_801 : vector<16xi32>
        %parallel_loop3A_803 = arith.constant 32 : i32
        %parallel_loop3A_804 = vector.broadcast %parallel_loop3A_803 : i32 to vector<16xi32>
        %parallel_loop3A_805 = arith.muli %parallel_loop3A_787, %parallel_loop3A_804 : vector<16xi32>
        %parallel_loop3A_806 = arith.addi %parallel_loop3A_802, %parallel_loop3A_805 : vector<16xi32>
        %parallel_loop3A_807 = arith.addi %parallel_loop3A_806, %parallel_loop3A_799 : vector<16xi32>
        %parallel_loop3A_808 = tpu.bitcast %parallel_loop3A_807 : vector<16xi32> -> vector<16xi32>
        %parallel_loop3A_809 = arith.constant 32767 : i32
        %parallel_loop3A_810 = vector.broadcast %parallel_loop3A_809 : i32 to vector<16xi32>
        %parallel_loop3A_811 = arith.minui %parallel_loop3A_808, %parallel_loop3A_810 : vector<16xi32>
        %parallel_loop3A_812 = tpu.bitcast %parallel_loop3A_811 : vector<16xi32> -> vector<16xi32>
        %parallel_loop3A_813 = tpu.vector_load_idx %arg7[%parallel_loop3A_812] : memref<32768xf32, #tpu.memory_space<vmem>>[vector<16xi32>], vector<16xf32>,
        %parallel_loop3A_814 = arith.constant 3 : i32
        %parallel_loop3A_815 = arith.index_cast %parallel_loop3A_814 : i32 to index
        %parallel_loop3A_816 = arith.index_cast %parallel_loop3A_757 : i32 to index
        %parallel_loop3A_817 = arith.index_cast %parallel_loop3A_763 : i32 to index
        %parallel_loop3A_818 = tpu.vector_load %arg8[%parallel_loop3A_815, %parallel_loop3A_816, %parallel_loop3A_817] {strides = array<i32>} : memref<9x4x512xf32, #tpu.memory_space<vmem>>, vector<16xf32>,
        %parallel_loop3A_819 = arith.constant 6 : i32
        %parallel_loop3A_820 = arith.index_cast %parallel_loop3A_819 : i32 to index
        %parallel_loop3A_821 = arith.index_cast %parallel_loop3A_757 : i32 to index
        %parallel_loop3A_822 = arith.index_cast %parallel_loop3A_763 : i32 to index
        %parallel_loop3A_823 = tpu.vector_load %arg8[%parallel_loop3A_820, %parallel_loop3A_821, %parallel_loop3A_822] {strides = array<i32>} : memref<9x4x512xf32, #tpu.memory_space<vmem>>, vector<16xf32>,
        %parallel_loop3A_824 = arith.subf %parallel_loop3A_818, %parallel_loop3A_823 : vector<16xf32>
        %parallel_loop3A_825 = math.absf %parallel_loop3A_824 : vector<16xf32>
        %parallel_loop3A_826 = arith.constant 4 : i32
        %parallel_loop3A_827 = arith.index_cast %parallel_loop3A_826 : i32 to index
        %parallel_loop3A_828 = arith.index_cast %parallel_loop3A_757 : i32 to index
        %parallel_loop3A_829 = arith.index_cast %parallel_loop3A_763 : i32 to index
        %parallel_loop3A_830 = tpu.vector_load %arg8[%parallel_loop3A_827, %parallel_loop3A_828, %parallel_loop3A_829] {strides = array<i32>} : memref<9x4x512xf32, #tpu.memory_space<vmem>>, vector<16xf32>,
        %parallel_loop3A_831 = arith.constant 7 : i32
        %parallel_loop3A_832 = arith.index_cast %parallel_loop3A_831 : i32 to index
        %parallel_loop3A_833 = arith.index_cast %parallel_loop3A_757 : i32 to index
        %parallel_loop3A_834 = arith.index_cast %parallel_loop3A_763 : i32 to index
        %parallel_loop3A_835 = tpu.vector_load %arg8[%parallel_loop3A_832, %parallel_loop3A_833, %parallel_loop3A_834] {strides = array<i32>} : memref<9x4x512xf32, #tpu.memory_space<vmem>>, vector<16xf32>,
        %parallel_loop3A_836 = arith.subf %parallel_loop3A_830, %parallel_loop3A_835 : vector<16xf32>
        %parallel_loop3A_837 = math.absf %parallel_loop3A_836 : vector<16xf32>
        %parallel_loop3A_838 = arith.addf %parallel_loop3A_825, %parallel_loop3A_837 : vector<16xf32>
        %parallel_loop3A_839 = arith.constant 5 : i32
        %parallel_loop3A_840 = arith.index_cast %parallel_loop3A_839 : i32 to index
        %parallel_loop3A_841 = arith.index_cast %parallel_loop3A_757 : i32 to index
        %parallel_loop3A_842 = arith.index_cast %parallel_loop3A_763 : i32 to index
        %parallel_loop3A_843 = tpu.vector_load %arg8[%parallel_loop3A_840, %parallel_loop3A_841, %parallel_loop3A_842] {strides = array<i32>} : memref<9x4x512xf32, #tpu.memory_space<vmem>>, vector<16xf32>,
        %parallel_loop3A_844 = arith.constant 8 : i32
        %parallel_loop3A_845 = arith.index_cast %parallel_loop3A_844 : i32 to index
        %parallel_loop3A_846 = arith.index_cast %parallel_loop3A_757 : i32 to index
        %parallel_loop3A_847 = arith.index_cast %parallel_loop3A_763 : i32 to index
        %parallel_loop3A_848 = tpu.vector_load %arg8[%parallel_loop3A_845, %parallel_loop3A_846, %parallel_loop3A_847] {strides = array<i32>} : memref<9x4x512xf32, #tpu.memory_space<vmem>>, vector<16xf32>,
        %parallel_loop3A_849 = arith.subf %parallel_loop3A_843, %parallel_loop3A_848 : vector<16xf32>
        %parallel_loop3A_850 = math.absf %parallel_loop3A_849 : vector<16xf32>
        %parallel_loop3A_851 = arith.addf %parallel_loop3A_838, %parallel_loop3A_850 : vector<16xf32>
        %parallel_loop3A_852 = arith.mulf %parallel_loop3A_813, %parallel_loop3A_851 : vector<16xf32>
        %parallel_loop3A_853 = arith.addf %parallel_loop3A_352, %parallel_loop3A_852 : vector<16xf32>
        %parallel_loop3A_854 = arith.addf %parallel_loop3A_353, %parallel_loop3A_813 : vector<16xf32>
        %parallel_loop3A_855 = arith.constant 5 : i32
        %parallel_loop3A_856 = arith.shrsi %parallel_loop3A_343, %parallel_loop3A_855 : i32
        %parallel_loop3A_857 = arith.constant 31 : i32
        %parallel_loop3A_858 = arith.andi %parallel_loop3A_343, %parallel_loop3A_857 : i32
        %parallel_loop3A_859 = arith.constant 5 : i32
        %parallel_loop3A_860 = arith.addi %parallel_loop3A_858, %parallel_loop3A_859 : i32
        %parallel_loop3A_861 = arith.constant 16 : i32
        %parallel_loop3A_862 = arith.muli %parallel_loop3A_860, %parallel_loop3A_861 : i32
        %parallel_loop3A_863 = arith.constant 0 : i32
        %parallel_loop3A_864 = arith.index_cast %parallel_loop3A_863 : i32 to index
        %parallel_loop3A_865 = arith.index_cast %parallel_loop3A_856 : i32 to index
        %parallel_loop3A_866 = arith.index_cast %parallel_loop3A_862 : i32 to index
        %parallel_loop3A_867 = tpu.vector_load %arg8[%parallel_loop3A_864, %parallel_loop3A_865, %parallel_loop3A_866] {strides = array<i32>} : memref<9x4x512xf32, #tpu.memory_space<vmem>>, vector<16xf32>,
        %parallel_loop3A_868 = arith.constant 2.550000e+02 : f32
        %parallel_loop3A_869 = vector.broadcast %parallel_loop3A_868 : f32 to vector<16xf32>
        %parallel_loop3A_870 = arith.mulf %parallel_loop3A_867, %parallel_loop3A_869 : vector<16xf32>
        %parallel_loop3A_871 = arith.constant 1.250000e-01 : f32
        %parallel_loop3A_872 = vector.broadcast %parallel_loop3A_871 : f32 to vector<16xf32>
        %parallel_loop3A_873 = arith.mulf %parallel_loop3A_870, %parallel_loop3A_872 : vector<16xf32>
        %parallel_loop3A_874 = arith.fptosi %parallel_loop3A_873 : vector<16xf32> to vector<16xi32>
        %parallel_loop3A_875 = arith.constant 1 : i32
        %parallel_loop3A_876 = arith.index_cast %parallel_loop3A_875 : i32 to index
        %parallel_loop3A_877 = arith.index_cast %parallel_loop3A_856 : i32 to index
        %parallel_loop3A_878 = arith.index_cast %parallel_loop3A_862 : i32 to index
        %parallel_loop3A_879 = tpu.vector_load %arg8[%parallel_loop3A_876, %parallel_loop3A_877, %parallel_loop3A_878] {strides = array<i32>} : memref<9x4x512xf32, #tpu.memory_space<vmem>>, vector<16xf32>,
        %parallel_loop3A_880 = arith.constant 2.550000e+02 : f32
        %parallel_loop3A_881 = vector.broadcast %parallel_loop3A_880 : f32 to vector<16xf32>
        %parallel_loop3A_882 = arith.mulf %parallel_loop3A_879, %parallel_loop3A_881 : vector<16xf32>
        %parallel_loop3A_883 = arith.constant 1.250000e-01 : f32
        %parallel_loop3A_884 = vector.broadcast %parallel_loop3A_883 : f32 to vector<16xf32>
        %parallel_loop3A_885 = arith.mulf %parallel_loop3A_882, %parallel_loop3A_884 : vector<16xf32>
        %parallel_loop3A_886 = arith.fptosi %parallel_loop3A_885 : vector<16xf32> to vector<16xi32>
        %parallel_loop3A_887 = arith.constant 2 : i32
        %parallel_loop3A_888 = arith.index_cast %parallel_loop3A_887 : i32 to index
        %parallel_loop3A_889 = arith.index_cast %parallel_loop3A_856 : i32 to index
        %parallel_loop3A_890 = arith.index_cast %parallel_loop3A_862 : i32 to index
        %parallel_loop3A_891 = tpu.vector_load %arg8[%parallel_loop3A_888, %parallel_loop3A_889, %parallel_loop3A_890] {strides = array<i32>} : memref<9x4x512xf32, #tpu.memory_space<vmem>>, vector<16xf32>,
        %parallel_loop3A_892 = arith.constant 2.550000e+02 : f32
        %parallel_loop3A_893 = vector.broadcast %parallel_loop3A_892 : f32 to vector<16xf32>
        %parallel_loop3A_894 = arith.mulf %parallel_loop3A_891, %parallel_loop3A_893 : vector<16xf32>
        %parallel_loop3A_895 = arith.constant 1.250000e-01 : f32
        %parallel_loop3A_896 = vector.broadcast %parallel_loop3A_895 : f32 to vector<16xf32>
        %parallel_loop3A_897 = arith.mulf %parallel_loop3A_894, %parallel_loop3A_896 : vector<16xf32>
        %parallel_loop3A_898 = arith.fptosi %parallel_loop3A_897 : vector<16xf32> to vector<16xi32>
        %parallel_loop3A_899 = arith.constant 1024 : i32
        %parallel_loop3A_900 = vector.broadcast %parallel_loop3A_899 : i32 to vector<16xi32>
        %parallel_loop3A_901 = arith.muli %parallel_loop3A_874, %parallel_loop3A_900 : vector<16xi32>
        %parallel_loop3A_902 = arith.constant 32 : i32
        %parallel_loop3A_903 = vector.broadcast %parallel_loop3A_902 : i32 to vector<16xi32>
        %parallel_loop3A_904 = arith.muli %parallel_loop3A_886, %parallel_loop3A_903 : vector<16xi32>
        %parallel_loop3A_905 = arith.addi %parallel_loop3A_901, %parallel_loop3A_904 : vector<16xi32>
        %parallel_loop3A_906 = arith.addi %parallel_loop3A_905, %parallel_loop3A_898 : vector<16xi32>
        %parallel_loop3A_907 = tpu.bitcast %parallel_loop3A_906 : vector<16xi32> -> vector<16xi32>
        %parallel_loop3A_908 = arith.constant 32767 : i32
        %parallel_loop3A_909 = vector.broadcast %parallel_loop3A_908 : i32 to vector<16xi32>
        %parallel_loop3A_910 = arith.minui %parallel_loop3A_907, %parallel_loop3A_909 : vector<16xi32>
        %parallel_loop3A_911 = tpu.bitcast %parallel_loop3A_910 : vector<16xi32> -> vector<16xi32>
        %parallel_loop3A_912 = tpu.vector_load_idx %arg7[%parallel_loop3A_911] : memref<32768xf32, #tpu.memory_space<vmem>>[vector<16xi32>], vector<16xf32>,
        %parallel_loop3A_913 = arith.constant 3 : i32
        %parallel_loop3A_914 = arith.index_cast %parallel_loop3A_913 : i32 to index
        %parallel_loop3A_915 = arith.index_cast %parallel_loop3A_856 : i32 to index
        %parallel_loop3A_916 = arith.index_cast %parallel_loop3A_862 : i32 to index
        %parallel_loop3A_917 = tpu.vector_load %arg8[%parallel_loop3A_914, %parallel_loop3A_915, %parallel_loop3A_916] {strides = array<i32>} : memref<9x4x512xf32, #tpu.memory_space<vmem>>, vector<16xf32>,
        %parallel_loop3A_918 = arith.constant 6 : i32
        %parallel_loop3A_919 = arith.index_cast %parallel_loop3A_918 : i32 to index
        %parallel_loop3A_920 = arith.index_cast %parallel_loop3A_856 : i32 to index
        %parallel_loop3A_921 = arith.index_cast %parallel_loop3A_862 : i32 to index
        %parallel_loop3A_922 = tpu.vector_load %arg8[%parallel_loop3A_919, %parallel_loop3A_920, %parallel_loop3A_921] {strides = array<i32>} : memref<9x4x512xf32, #tpu.memory_space<vmem>>, vector<16xf32>,
        %parallel_loop3A_923 = arith.subf %parallel_loop3A_917, %parallel_loop3A_922 : vector<16xf32>
        %parallel_loop3A_924 = math.absf %parallel_loop3A_923 : vector<16xf32>
        %parallel_loop3A_925 = arith.constant 4 : i32
        %parallel_loop3A_926 = arith.index_cast %parallel_loop3A_925 : i32 to index
        %parallel_loop3A_927 = arith.index_cast %parallel_loop3A_856 : i32 to index
        %parallel_loop3A_928 = arith.index_cast %parallel_loop3A_862 : i32 to index
        %parallel_loop3A_929 = tpu.vector_load %arg8[%parallel_loop3A_926, %parallel_loop3A_927, %parallel_loop3A_928] {strides = array<i32>} : memref<9x4x512xf32, #tpu.memory_space<vmem>>, vector<16xf32>,
        %parallel_loop3A_930 = arith.constant 7 : i32
        %parallel_loop3A_931 = arith.index_cast %parallel_loop3A_930 : i32 to index
        %parallel_loop3A_932 = arith.index_cast %parallel_loop3A_856 : i32 to index
        %parallel_loop3A_933 = arith.index_cast %parallel_loop3A_862 : i32 to index
        %parallel_loop3A_934 = tpu.vector_load %arg8[%parallel_loop3A_931, %parallel_loop3A_932, %parallel_loop3A_933] {strides = array<i32>} : memref<9x4x512xf32, #tpu.memory_space<vmem>>, vector<16xf32>,
        %parallel_loop3A_935 = arith.subf %parallel_loop3A_929, %parallel_loop3A_934 : vector<16xf32>
        %parallel_loop3A_936 = math.absf %parallel_loop3A_935 : vector<16xf32>
        %parallel_loop3A_937 = arith.addf %parallel_loop3A_924, %parallel_loop3A_936 : vector<16xf32>
        %parallel_loop3A_938 = arith.constant 5 : i32
        %parallel_loop3A_939 = arith.index_cast %parallel_loop3A_938 : i32 to index
        %parallel_loop3A_940 = arith.index_cast %parallel_loop3A_856 : i32 to index
        %parallel_loop3A_941 = arith.index_cast %parallel_loop3A_862 : i32 to index
        %parallel_loop3A_942 = tpu.vector_load %arg8[%parallel_loop3A_939, %parallel_loop3A_940, %parallel_loop3A_941] {strides = array<i32>} : memref<9x4x512xf32, #tpu.memory_space<vmem>>, vector<16xf32>,
        %parallel_loop3A_943 = arith.constant 8 : i32
        %parallel_loop3A_944 = arith.index_cast %parallel_loop3A_943 : i32 to index
        %parallel_loop3A_945 = arith.index_cast %parallel_loop3A_856 : i32 to index
        %parallel_loop3A_946 = arith.index_cast %parallel_loop3A_862 : i32 to index
        %parallel_loop3A_947 = tpu.vector_load %arg8[%parallel_loop3A_944, %parallel_loop3A_945, %parallel_loop3A_946] {strides = array<i32>} : memref<9x4x512xf32, #tpu.memory_space<vmem>>, vector<16xf32>,
        %parallel_loop3A_948 = arith.subf %parallel_loop3A_942, %parallel_loop3A_947 : vector<16xf32>
        %parallel_loop3A_949 = math.absf %parallel_loop3A_948 : vector<16xf32>
        %parallel_loop3A_950 = arith.addf %parallel_loop3A_937, %parallel_loop3A_949 : vector<16xf32>
        %parallel_loop3A_951 = arith.mulf %parallel_loop3A_912, %parallel_loop3A_950 : vector<16xf32>
        %parallel_loop3A_952 = arith.addf %parallel_loop3A_354, %parallel_loop3A_951 : vector<16xf32>
        %parallel_loop3A_953 = arith.addf %parallel_loop3A_355, %parallel_loop3A_912 : vector<16xf32>
        %parallel_loop3A_954 = arith.constant 5 : i32
        %parallel_loop3A_955 = arith.shrsi %parallel_loop3A_343, %parallel_loop3A_954 : i32
        %parallel_loop3A_956 = arith.constant 31 : i32
        %parallel_loop3A_957 = arith.andi %parallel_loop3A_343, %parallel_loop3A_956 : i32
        %parallel_loop3A_958 = arith.constant 6 : i32
        %parallel_loop3A_959 = arith.addi %parallel_loop3A_957, %parallel_loop3A_958 : i32
        %parallel_loop3A_960 = arith.constant 16 : i32
        %parallel_loop3A_961 = arith.muli %parallel_loop3A_959, %parallel_loop3A_960 : i32
        %parallel_loop3A_962 = arith.constant 0 : i32
        %parallel_loop3A_963 = arith.index_cast %parallel_loop3A_962 : i32 to index
        %parallel_loop3A_964 = arith.index_cast %parallel_loop3A_955 : i32 to index
        %parallel_loop3A_965 = arith.index_cast %parallel_loop3A_961 : i32 to index
        %parallel_loop3A_966 = tpu.vector_load %arg8[%parallel_loop3A_963, %parallel_loop3A_964, %parallel_loop3A_965] {strides = array<i32>} : memref<9x4x512xf32, #tpu.memory_space<vmem>>, vector<16xf32>,
        %parallel_loop3A_967 = arith.constant 2.550000e+02 : f32
        %parallel_loop3A_968 = vector.broadcast %parallel_loop3A_967 : f32 to vector<16xf32>
        %parallel_loop3A_969 = arith.mulf %parallel_loop3A_966, %parallel_loop3A_968 : vector<16xf32>
        %parallel_loop3A_970 = arith.constant 1.250000e-01 : f32
        %parallel_loop3A_971 = vector.broadcast %parallel_loop3A_970 : f32 to vector<16xf32>
        %parallel_loop3A_972 = arith.mulf %parallel_loop3A_969, %parallel_loop3A_971 : vector<16xf32>
        %parallel_loop3A_973 = arith.fptosi %parallel_loop3A_972 : vector<16xf32> to vector<16xi32>
        %parallel_loop3A_974 = arith.constant 1 : i32
        %parallel_loop3A_975 = arith.index_cast %parallel_loop3A_974 : i32 to index
        %parallel_loop3A_976 = arith.index_cast %parallel_loop3A_955 : i32 to index
        %parallel_loop3A_977 = arith.index_cast %parallel_loop3A_961 : i32 to index
        %parallel_loop3A_978 = tpu.vector_load %arg8[%parallel_loop3A_975, %parallel_loop3A_976, %parallel_loop3A_977] {strides = array<i32>} : memref<9x4x512xf32, #tpu.memory_space<vmem>>, vector<16xf32>,
        %parallel_loop3A_979 = arith.constant 2.550000e+02 : f32
        %parallel_loop3A_980 = vector.broadcast %parallel_loop3A_979 : f32 to vector<16xf32>
        %parallel_loop3A_981 = arith.mulf %parallel_loop3A_978, %parallel_loop3A_980 : vector<16xf32>
        %parallel_loop3A_982 = arith.constant 1.250000e-01 : f32
        %parallel_loop3A_983 = vector.broadcast %parallel_loop3A_982 : f32 to vector<16xf32>
        %parallel_loop3A_984 = arith.mulf %parallel_loop3A_981, %parallel_loop3A_983 : vector<16xf32>
        %parallel_loop3A_985 = arith.fptosi %parallel_loop3A_984 : vector<16xf32> to vector<16xi32>
        %parallel_loop3A_986 = arith.constant 2 : i32
        %parallel_loop3A_987 = arith.index_cast %parallel_loop3A_986 : i32 to index
        %parallel_loop3A_988 = arith.index_cast %parallel_loop3A_955 : i32 to index
        %parallel_loop3A_989 = arith.index_cast %parallel_loop3A_961 : i32 to index
        %parallel_loop3A_990 = tpu.vector_load %arg8[%parallel_loop3A_987, %parallel_loop3A_988, %parallel_loop3A_989] {strides = array<i32>} : memref<9x4x512xf32, #tpu.memory_space<vmem>>, vector<16xf32>,
        %parallel_loop3A_991 = arith.constant 2.550000e+02 : f32
        %parallel_loop3A_992 = vector.broadcast %parallel_loop3A_991 : f32 to vector<16xf32>
        %parallel_loop3A_993 = arith.mulf %parallel_loop3A_990, %parallel_loop3A_992 : vector<16xf32>
        %parallel_loop3A_994 = arith.constant 1.250000e-01 : f32
        %parallel_loop3A_995 = vector.broadcast %parallel_loop3A_994 : f32 to vector<16xf32>
        %parallel_loop3A_996 = arith.mulf %parallel_loop3A_993, %parallel_loop3A_995 : vector<16xf32>
        %parallel_loop3A_997 = arith.fptosi %parallel_loop3A_996 : vector<16xf32> to vector<16xi32>
        %parallel_loop3A_998 = arith.constant 1024 : i32
        %parallel_loop3A_999 = vector.broadcast %parallel_loop3A_998 : i32 to vector<16xi32>
        %parallel_loop3A_1000 = arith.muli %parallel_loop3A_973, %parallel_loop3A_999 : vector<16xi32>
        %parallel_loop3A_1001 = arith.constant 32 : i32
        %parallel_loop3A_1002 = vector.broadcast %parallel_loop3A_1001 : i32 to vector<16xi32>
        %parallel_loop3A_1003 = arith.muli %parallel_loop3A_985, %parallel_loop3A_1002 : vector<16xi32>
        %parallel_loop3A_1004 = arith.addi %parallel_loop3A_1000, %parallel_loop3A_1003 : vector<16xi32>
        %parallel_loop3A_1005 = arith.addi %parallel_loop3A_1004, %parallel_loop3A_997 : vector<16xi32>
        %parallel_loop3A_1006 = tpu.bitcast %parallel_loop3A_1005 : vector<16xi32> -> vector<16xi32>
        %parallel_loop3A_1007 = arith.constant 32767 : i32
        %parallel_loop3A_1008 = vector.broadcast %parallel_loop3A_1007 : i32 to vector<16xi32>
        %parallel_loop3A_1009 = arith.minui %parallel_loop3A_1006, %parallel_loop3A_1008 : vector<16xi32>
        %parallel_loop3A_1010 = tpu.bitcast %parallel_loop3A_1009 : vector<16xi32> -> vector<16xi32>
        %parallel_loop3A_1011 = tpu.vector_load_idx %arg7[%parallel_loop3A_1010] : memref<32768xf32, #tpu.memory_space<vmem>>[vector<16xi32>], vector<16xf32>,
        %parallel_loop3A_1012 = arith.constant 3 : i32
        %parallel_loop3A_1013 = arith.index_cast %parallel_loop3A_1012 : i32 to index
        %parallel_loop3A_1014 = arith.index_cast %parallel_loop3A_955 : i32 to index
        %parallel_loop3A_1015 = arith.index_cast %parallel_loop3A_961 : i32 to index
        %parallel_loop3A_1016 = tpu.vector_load %arg8[%parallel_loop3A_1013, %parallel_loop3A_1014, %parallel_loop3A_1015] {strides = array<i32>} : memref<9x4x512xf32, #tpu.memory_space<vmem>>, vector<16xf32>,
        %parallel_loop3A_1017 = arith.constant 6 : i32
        %parallel_loop3A_1018 = arith.index_cast %parallel_loop3A_1017 : i32 to index
        %parallel_loop3A_1019 = arith.index_cast %parallel_loop3A_955 : i32 to index
        %parallel_loop3A_1020 = arith.index_cast %parallel_loop3A_961 : i32 to index
        %parallel_loop3A_1021 = tpu.vector_load %arg8[%parallel_loop3A_1018, %parallel_loop3A_1019, %parallel_loop3A_1020] {strides = array<i32>} : memref<9x4x512xf32, #tpu.memory_space<vmem>>, vector<16xf32>,
        %parallel_loop3A_1022 = arith.subf %parallel_loop3A_1016, %parallel_loop3A_1021 : vector<16xf32>
        %parallel_loop3A_1023 = math.absf %parallel_loop3A_1022 : vector<16xf32>
        %parallel_loop3A_1024 = arith.constant 4 : i32
        %parallel_loop3A_1025 = arith.index_cast %parallel_loop3A_1024 : i32 to index
        %parallel_loop3A_1026 = arith.index_cast %parallel_loop3A_955 : i32 to index
        %parallel_loop3A_1027 = arith.index_cast %parallel_loop3A_961 : i32 to index
        %parallel_loop3A_1028 = tpu.vector_load %arg8[%parallel_loop3A_1025, %parallel_loop3A_1026, %parallel_loop3A_1027] {strides = array<i32>} : memref<9x4x512xf32, #tpu.memory_space<vmem>>, vector<16xf32>,
        %parallel_loop3A_1029 = arith.constant 7 : i32
        %parallel_loop3A_1030 = arith.index_cast %parallel_loop3A_1029 : i32 to index
        %parallel_loop3A_1031 = arith.index_cast %parallel_loop3A_955 : i32 to index
        %parallel_loop3A_1032 = arith.index_cast %parallel_loop3A_961 : i32 to index
        %parallel_loop3A_1033 = tpu.vector_load %arg8[%parallel_loop3A_1030, %parallel_loop3A_1031, %parallel_loop3A_1032] {strides = array<i32>} : memref<9x4x512xf32, #tpu.memory_space<vmem>>, vector<16xf32>,
        %parallel_loop3A_1034 = arith.subf %parallel_loop3A_1028, %parallel_loop3A_1033 : vector<16xf32>
        %parallel_loop3A_1035 = math.absf %parallel_loop3A_1034 : vector<16xf32>
        %parallel_loop3A_1036 = arith.addf %parallel_loop3A_1023, %parallel_loop3A_1035 : vector<16xf32>
        %parallel_loop3A_1037 = arith.constant 5 : i32
        %parallel_loop3A_1038 = arith.index_cast %parallel_loop3A_1037 : i32 to index
        %parallel_loop3A_1039 = arith.index_cast %parallel_loop3A_955 : i32 to index
        %parallel_loop3A_1040 = arith.index_cast %parallel_loop3A_961 : i32 to index
        %parallel_loop3A_1041 = tpu.vector_load %arg8[%parallel_loop3A_1038, %parallel_loop3A_1039, %parallel_loop3A_1040] {strides = array<i32>} : memref<9x4x512xf32, #tpu.memory_space<vmem>>, vector<16xf32>,
        %parallel_loop3A_1042 = arith.constant 8 : i32
        %parallel_loop3A_1043 = arith.index_cast %parallel_loop3A_1042 : i32 to index
        %parallel_loop3A_1044 = arith.index_cast %parallel_loop3A_955 : i32 to index
        %parallel_loop3A_1045 = arith.index_cast %parallel_loop3A_961 : i32 to index
        %parallel_loop3A_1046 = tpu.vector_load %arg8[%parallel_loop3A_1043, %parallel_loop3A_1044, %parallel_loop3A_1045] {strides = array<i32>} : memref<9x4x512xf32, #tpu.memory_space<vmem>>, vector<16xf32>,
        %parallel_loop3A_1047 = arith.subf %parallel_loop3A_1041, %parallel_loop3A_1046 : vector<16xf32>
        %parallel_loop3A_1048 = math.absf %parallel_loop3A_1047 : vector<16xf32>
        %parallel_loop3A_1049 = arith.addf %parallel_loop3A_1036, %parallel_loop3A_1048 : vector<16xf32>
        %parallel_loop3A_1050 = arith.mulf %parallel_loop3A_1011, %parallel_loop3A_1049 : vector<16xf32>
        %parallel_loop3A_1051 = arith.addf %parallel_loop3A_356, %parallel_loop3A_1050 : vector<16xf32>
        %parallel_loop3A_1052 = arith.addf %parallel_loop3A_357, %parallel_loop3A_1011 : vector<16xf32>
        %parallel_loop3A_1053 = arith.constant 5 : i32
        %parallel_loop3A_1054 = arith.shrsi %parallel_loop3A_343, %parallel_loop3A_1053 : i32
        %parallel_loop3A_1055 = arith.constant 31 : i32
        %parallel_loop3A_1056 = arith.andi %parallel_loop3A_343, %parallel_loop3A_1055 : i32
        %parallel_loop3A_1057 = arith.constant 7 : i32
        %parallel_loop3A_1058 = arith.addi %parallel_loop3A_1056, %parallel_loop3A_1057 : i32
        %parallel_loop3A_1059 = arith.constant 16 : i32
        %parallel_loop3A_1060 = arith.muli %parallel_loop3A_1058, %parallel_loop3A_1059 : i32
        %parallel_loop3A_1061 = arith.constant 0 : i32
        %parallel_loop3A_1062 = arith.index_cast %parallel_loop3A_1061 : i32 to index
        %parallel_loop3A_1063 = arith.index_cast %parallel_loop3A_1054 : i32 to index
        %parallel_loop3A_1064 = arith.index_cast %parallel_loop3A_1060 : i32 to index
        %parallel_loop3A_1065 = tpu.vector_load %arg8[%parallel_loop3A_1062, %parallel_loop3A_1063, %parallel_loop3A_1064] {strides = array<i32>} : memref<9x4x512xf32, #tpu.memory_space<vmem>>, vector<16xf32>,
        %parallel_loop3A_1066 = arith.constant 2.550000e+02 : f32
        %parallel_loop3A_1067 = vector.broadcast %parallel_loop3A_1066 : f32 to vector<16xf32>
        %parallel_loop3A_1068 = arith.mulf %parallel_loop3A_1065, %parallel_loop3A_1067 : vector<16xf32>
        %parallel_loop3A_1069 = arith.constant 1.250000e-01 : f32
        %parallel_loop3A_1070 = vector.broadcast %parallel_loop3A_1069 : f32 to vector<16xf32>
        %parallel_loop3A_1071 = arith.mulf %parallel_loop3A_1068, %parallel_loop3A_1070 : vector<16xf32>
        %parallel_loop3A_1072 = arith.fptosi %parallel_loop3A_1071 : vector<16xf32> to vector<16xi32>
        %parallel_loop3A_1073 = arith.constant 1 : i32
        %parallel_loop3A_1074 = arith.index_cast %parallel_loop3A_1073 : i32 to index
        %parallel_loop3A_1075 = arith.index_cast %parallel_loop3A_1054 : i32 to index
        %parallel_loop3A_1076 = arith.index_cast %parallel_loop3A_1060 : i32 to index
        %parallel_loop3A_1077 = tpu.vector_load %arg8[%parallel_loop3A_1074, %parallel_loop3A_1075, %parallel_loop3A_1076] {strides = array<i32>} : memref<9x4x512xf32, #tpu.memory_space<vmem>>, vector<16xf32>,
        %parallel_loop3A_1078 = arith.constant 2.550000e+02 : f32
        %parallel_loop3A_1079 = vector.broadcast %parallel_loop3A_1078 : f32 to vector<16xf32>
        %parallel_loop3A_1080 = arith.mulf %parallel_loop3A_1077, %parallel_loop3A_1079 : vector<16xf32>
        %parallel_loop3A_1081 = arith.constant 1.250000e-01 : f32
        %parallel_loop3A_1082 = vector.broadcast %parallel_loop3A_1081 : f32 to vector<16xf32>
        %parallel_loop3A_1083 = arith.mulf %parallel_loop3A_1080, %parallel_loop3A_1082 : vector<16xf32>
        %parallel_loop3A_1084 = arith.fptosi %parallel_loop3A_1083 : vector<16xf32> to vector<16xi32>
        %parallel_loop3A_1085 = arith.constant 2 : i32
        %parallel_loop3A_1086 = arith.index_cast %parallel_loop3A_1085 : i32 to index
        %parallel_loop3A_1087 = arith.index_cast %parallel_loop3A_1054 : i32 to index
        %parallel_loop3A_1088 = arith.index_cast %parallel_loop3A_1060 : i32 to index
        %parallel_loop3A_1089 = tpu.vector_load %arg8[%parallel_loop3A_1086, %parallel_loop3A_1087, %parallel_loop3A_1088] {strides = array<i32>} : memref<9x4x512xf32, #tpu.memory_space<vmem>>, vector<16xf32>,
        %parallel_loop3A_1090 = arith.constant 2.550000e+02 : f32
        %parallel_loop3A_1091 = vector.broadcast %parallel_loop3A_1090 : f32 to vector<16xf32>
        %parallel_loop3A_1092 = arith.mulf %parallel_loop3A_1089, %parallel_loop3A_1091 : vector<16xf32>
        %parallel_loop3A_1093 = arith.constant 1.250000e-01 : f32
        %parallel_loop3A_1094 = vector.broadcast %parallel_loop3A_1093 : f32 to vector<16xf32>
        %parallel_loop3A_1095 = arith.mulf %parallel_loop3A_1092, %parallel_loop3A_1094 : vector<16xf32>
        %parallel_loop3A_1096 = arith.fptosi %parallel_loop3A_1095 : vector<16xf32> to vector<16xi32>
        %parallel_loop3A_1097 = arith.constant 1024 : i32
        %parallel_loop3A_1098 = vector.broadcast %parallel_loop3A_1097 : i32 to vector<16xi32>
        %parallel_loop3A_1099 = arith.muli %parallel_loop3A_1072, %parallel_loop3A_1098 : vector<16xi32>
        %parallel_loop3A_1100 = arith.constant 32 : i32
        %parallel_loop3A_1101 = vector.broadcast %parallel_loop3A_1100 : i32 to vector<16xi32>
        %parallel_loop3A_1102 = arith.muli %parallel_loop3A_1084, %parallel_loop3A_1101 : vector<16xi32>
        %parallel_loop3A_1103 = arith.addi %parallel_loop3A_1099, %parallel_loop3A_1102 : vector<16xi32>
        %parallel_loop3A_1104 = arith.addi %parallel_loop3A_1103, %parallel_loop3A_1096 : vector<16xi32>
        %parallel_loop3A_1105 = tpu.bitcast %parallel_loop3A_1104 : vector<16xi32> -> vector<16xi32>
        %parallel_loop3A_1106 = arith.constant 32767 : i32
        %parallel_loop3A_1107 = vector.broadcast %parallel_loop3A_1106 : i32 to vector<16xi32>
        %parallel_loop3A_1108 = arith.minui %parallel_loop3A_1105, %parallel_loop3A_1107 : vector<16xi32>
        %parallel_loop3A_1109 = tpu.bitcast %parallel_loop3A_1108 : vector<16xi32> -> vector<16xi32>
        %parallel_loop3A_1110 = tpu.vector_load_idx %arg7[%parallel_loop3A_1109] : memref<32768xf32, #tpu.memory_space<vmem>>[vector<16xi32>], vector<16xf32>,
        %parallel_loop3A_1111 = arith.constant 3 : i32
        %parallel_loop3A_1112 = arith.index_cast %parallel_loop3A_1111 : i32 to index
        %parallel_loop3A_1113 = arith.index_cast %parallel_loop3A_1054 : i32 to index
        %parallel_loop3A_1114 = arith.index_cast %parallel_loop3A_1060 : i32 to index
        %parallel_loop3A_1115 = tpu.vector_load %arg8[%parallel_loop3A_1112, %parallel_loop3A_1113, %parallel_loop3A_1114] {strides = array<i32>} : memref<9x4x512xf32, #tpu.memory_space<vmem>>, vector<16xf32>,
        %parallel_loop3A_1116 = arith.constant 6 : i32
        %parallel_loop3A_1117 = arith.index_cast %parallel_loop3A_1116 : i32 to index
        %parallel_loop3A_1118 = arith.index_cast %parallel_loop3A_1054 : i32 to index
        %parallel_loop3A_1119 = arith.index_cast %parallel_loop3A_1060 : i32 to index
        %parallel_loop3A_1120 = tpu.vector_load %arg8[%parallel_loop3A_1117, %parallel_loop3A_1118, %parallel_loop3A_1119] {strides = array<i32>} : memref<9x4x512xf32, #tpu.memory_space<vmem>>, vector<16xf32>,
        %parallel_loop3A_1121 = arith.subf %parallel_loop3A_1115, %parallel_loop3A_1120 : vector<16xf32>
        %parallel_loop3A_1122 = math.absf %parallel_loop3A_1121 : vector<16xf32>
        %parallel_loop3A_1123 = arith.constant 4 : i32
        %parallel_loop3A_1124 = arith.index_cast %parallel_loop3A_1123 : i32 to index
        %parallel_loop3A_1125 = arith.index_cast %parallel_loop3A_1054 : i32 to index
        %parallel_loop3A_1126 = arith.index_cast %parallel_loop3A_1060 : i32 to index
        %parallel_loop3A_1127 = tpu.vector_load %arg8[%parallel_loop3A_1124, %parallel_loop3A_1125, %parallel_loop3A_1126] {strides = array<i32>} : memref<9x4x512xf32, #tpu.memory_space<vmem>>, vector<16xf32>,
        %parallel_loop3A_1128 = arith.constant 7 : i32
        %parallel_loop3A_1129 = arith.index_cast %parallel_loop3A_1128 : i32 to index
        %parallel_loop3A_1130 = arith.index_cast %parallel_loop3A_1054 : i32 to index
        %parallel_loop3A_1131 = arith.index_cast %parallel_loop3A_1060 : i32 to index
        %parallel_loop3A_1132 = tpu.vector_load %arg8[%parallel_loop3A_1129, %parallel_loop3A_1130, %parallel_loop3A_1131] {strides = array<i32>} : memref<9x4x512xf32, #tpu.memory_space<vmem>>, vector<16xf32>,
        %parallel_loop3A_1133 = arith.subf %parallel_loop3A_1127, %parallel_loop3A_1132 : vector<16xf32>
        %parallel_loop3A_1134 = math.absf %parallel_loop3A_1133 : vector<16xf32>
        %parallel_loop3A_1135 = arith.addf %parallel_loop3A_1122, %parallel_loop3A_1134 : vector<16xf32>
        %parallel_loop3A_1136 = arith.constant 5 : i32
        %parallel_loop3A_1137 = arith.index_cast %parallel_loop3A_1136 : i32 to index
        %parallel_loop3A_1138 = arith.index_cast %parallel_loop3A_1054 : i32 to index
        %parallel_loop3A_1139 = arith.index_cast %parallel_loop3A_1060 : i32 to index
        %parallel_loop3A_1140 = tpu.vector_load %arg8[%parallel_loop3A_1137, %parallel_loop3A_1138, %parallel_loop3A_1139] {strides = array<i32>} : memref<9x4x512xf32, #tpu.memory_space<vmem>>, vector<16xf32>,
        %parallel_loop3A_1141 = arith.constant 8 : i32
        %parallel_loop3A_1142 = arith.index_cast %parallel_loop3A_1141 : i32 to index
        %parallel_loop3A_1143 = arith.index_cast %parallel_loop3A_1054 : i32 to index
        %parallel_loop3A_1144 = arith.index_cast %parallel_loop3A_1060 : i32 to index
        %parallel_loop3A_1145 = tpu.vector_load %arg8[%parallel_loop3A_1142, %parallel_loop3A_1143, %parallel_loop3A_1144] {strides = array<i32>} : memref<9x4x512xf32, #tpu.memory_space<vmem>>, vector<16xf32>,
        %parallel_loop3A_1146 = arith.subf %parallel_loop3A_1140, %parallel_loop3A_1145 : vector<16xf32>
        %parallel_loop3A_1147 = math.absf %parallel_loop3A_1146 : vector<16xf32>
        %parallel_loop3A_1148 = arith.addf %parallel_loop3A_1135, %parallel_loop3A_1147 : vector<16xf32>
        %parallel_loop3A_1149 = arith.mulf %parallel_loop3A_1110, %parallel_loop3A_1148 : vector<16xf32>
        %parallel_loop3A_1150 = arith.addf %parallel_loop3A_358, %parallel_loop3A_1149 : vector<16xf32>
        %parallel_loop3A_1151 = arith.addf %parallel_loop3A_359, %parallel_loop3A_1110 : vector<16xf32>
        scf.yield %parallel_loop3A_457, %parallel_loop3A_458, %parallel_loop3A_556, %parallel_loop3A_557, %parallel_loop3A_655, %parallel_loop3A_656, %parallel_loop3A_754, %parallel_loop3A_755, %parallel_loop3A_853, %parallel_loop3A_854, %parallel_loop3A_952, %parallel_loop3A_953, %parallel_loop3A_1051, %parallel_loop3A_1052, %parallel_loop3A_1150, %parallel_loop3A_1151 : vector<16xf32>, vector<16xf32>, vector<16xf32>, vector<16xf32>, vector<16xf32>, vector<16xf32>, vector<16xf32>, vector<16xf32>, vector<16xf32>, vector<16xf32>, vector<16xf32>, vector<16xf32>, vector<16xf32>, vector<16xf32>, vector<16xf32>, vector<16xf32>
      } {sc.loop_unroll_factor = 1 : i64, sc.parallel_access}
      %mul3A_265 = arith.constant 4 : i32
      %mul3A_266 = arith.muli %mul3A_265, %scan3A_238 : i32
      %add3A_267 = arith.constant 0 : i32
      %add3A_268 = arith.addi %mul3A_266, %add3A_267 : i32
      %add3A_269 = arith.constant 4 : i32
      %add3A_270 = arith.addi %add3A_268, %add3A_269 : i32
      %lt3A_271 = arith.constant 64 : i32
      %lt3A_272 = arith.cmpi slt, %add3A_270, %lt3A_271 : i32
      %convert_element_type3A = arith.extui %lt3A_272 : i1 to i32
      %cond3A = arith.constant 0 : i32
      %cond3A_273 = arith.cmpi ne, %convert_element_type3A, %cond3A : i32
      scf.if %cond3A_273 {
        %mul3A_343 = arith.constant 4 : i32
        %mul3A_344 = arith.muli %mul3A_343, %scan3A_238 : i32
        %add3A_345 = arith.constant 0 : i32
        %add3A_346 = arith.addi %mul3A_344, %add3A_345 : i32
        %add3A_347 = arith.constant 4 : i32
        %add3A_348 = arith.addi %add3A_346, %add3A_347 : i32
        %mul3A_349 = arith.constant 4 : i32
        %mul3A_350 = arith.muli %add3A_348, %mul3A_349 : i32
        %add3A_351 = arith.addi %mul3A_32, %mul3A_350 : i32
        %mul3A_352 = arith.constant 3 : i32
        %mul3A_353 = arith.muli %mul3A_352, %select_n3A : i32
        %dma_start3A_354 = arith.constant 0 : i32
        %dma_start3A_355 = arith.constant 0 : i32
        %dma_start3A_356 = arith.constant 0 : i32
        %dma_start3A_357 = tpu.memref_slice %arg8[%dma_start3A_354, %dma_start3A_355, %dma_start3A_356] : memref<9x4x512xf32, #tpu.memory_space<vmem>> -> memref<3x4x512xf32, #tpu.memory_space<vmem>>
        %dma_start3A_358 = arith.constant 0 : i32
        %dma_start3A_359 = tpu.memref_slice %arg4[%mul3A_353, %add3A_351, %dma_start3A_358] : memref<48x512x512xf32, #tpu.memory_space<hbm>> -> memref<3x4x512xf32, #tpu.memory_space<hbm>>
        %dma_start3A_360 = arith.constant 0 : i32
        %dma_start3A_361 = arith.constant 0 : i32
        %dma_start3A_362 = arith.constant 0 : i32
        %dma_start3A_363 = tpu.memref_slice %arg8[%dma_start3A_360, %dma_start3A_361, %dma_start3A_362] : memref<9x4x512xf32, #tpu.memory_space<vmem>> -> memref<3x4x512xf32, #tpu.memory_space<vmem>>
        %dma_start3A_364 = arith.constant 0 : i32
        %dma_start3A_365 = tpu.memref_slice %arg4[%mul3A_353, %add3A_351, %dma_start3A_364] : memref<48x512x512xf32, #tpu.memory_space<hbm>> -> memref<3x4x512xf32, #tpu.memory_space<hbm>>
        tpu.enqueue_dma source(%dma_start3A_365 : memref<3x4x512xf32, #tpu.memory_space<hbm>>) target(%dma_start3A_363 : memref<3x4x512xf32, #tpu.memory_space<vmem>>) target_semaphore(%arg14 : memref<!tpu.dma_semaphore, #tpu.memory_space<semaphore_mem>>)
        %mul3A_366 = arith.constant 3 : i32
        %mul3A_367 = arith.muli %mul3A_366, %select_n3A : i32
        %dma_start3A_368 = arith.constant 3 : i32
        %dma_start3A_369 = arith.constant 0 : i32
        %dma_start3A_370 = arith.constant 0 : i32
        %dma_start3A_371 = tpu.memref_slice %arg8[%dma_start3A_368, %dma_start3A_369, %dma_start3A_370] : memref<9x4x512xf32, #tpu.memory_space<vmem>> -> memref<3x4x512xf32, #tpu.memory_space<vmem>>
        %dma_start3A_372 = arith.constant 0 : i32
        %dma_start3A_373 = tpu.memref_slice %arg2[%mul3A_367, %add3A_351, %dma_start3A_372] : memref<48x512x512xf32, #tpu.memory_space<hbm>> -> memref<3x4x512xf32, #tpu.memory_space<hbm>>
        %dma_start3A_374 = arith.constant 3 : i32
        %dma_start3A_375 = arith.constant 0 : i32
        %dma_start3A_376 = arith.constant 0 : i32
        %dma_start3A_377 = tpu.memref_slice %arg8[%dma_start3A_374, %dma_start3A_375, %dma_start3A_376] : memref<9x4x512xf32, #tpu.memory_space<vmem>> -> memref<3x4x512xf32, #tpu.memory_space<vmem>>
        %dma_start3A_378 = arith.constant 0 : i32
        %dma_start3A_379 = tpu.memref_slice %arg2[%mul3A_367, %add3A_351, %dma_start3A_378] : memref<48x512x512xf32, #tpu.memory_space<hbm>> -> memref<3x4x512xf32, #tpu.memory_space<hbm>>
        tpu.enqueue_dma source(%dma_start3A_379 : memref<3x4x512xf32, #tpu.memory_space<hbm>>) target(%dma_start3A_377 : memref<3x4x512xf32, #tpu.memory_space<vmem>>) target_semaphore(%arg14 : memref<!tpu.dma_semaphore, #tpu.memory_space<semaphore_mem>>)
        %mul3A_380 = arith.constant 3 : i32
        %mul3A_381 = arith.muli %mul3A_380, %select_n3A : i32
        %dma_start3A_382 = arith.constant 6 : i32
        %dma_start3A_383 = arith.constant 0 : i32
        %dma_start3A_384 = arith.constant 0 : i32
        %dma_start3A_385 = tpu.memref_slice %arg8[%dma_start3A_382, %dma_start3A_383, %dma_start3A_384] : memref<9x4x512xf32, #tpu.memory_space<vmem>> -> memref<3x4x512xf32, #tpu.memory_space<vmem>>
        %dma_start3A_386 = arith.constant 0 : i32
        %dma_start3A_387 = tpu.memref_slice %arg3[%mul3A_381, %add3A_351, %dma_start3A_386] : memref<48x512x512xf32, #tpu.memory_space<hbm>> -> memref<3x4x512xf32, #tpu.memory_space<hbm>>
        %dma_start3A_388 = arith.constant 6 : i32
        %dma_start3A_389 = arith.constant 0 : i32
        %dma_start3A_390 = arith.constant 0 : i32
        %dma_start3A_391 = tpu.memref_slice %arg8[%dma_start3A_388, %dma_start3A_389, %dma_start3A_390] : memref<9x4x512xf32, #tpu.memory_space<vmem>> -> memref<3x4x512xf32, #tpu.memory_space<vmem>>
        %dma_start3A_392 = arith.constant 0 : i32
        %dma_start3A_393 = tpu.memref_slice %arg3[%mul3A_381, %add3A_351, %dma_start3A_392] : memref<48x512x512xf32, #tpu.memory_space<hbm>> -> memref<3x4x512xf32, #tpu.memory_space<hbm>>
        tpu.enqueue_dma source(%dma_start3A_393 : memref<3x4x512xf32, #tpu.memory_space<hbm>>) target(%dma_start3A_391 : memref<3x4x512xf32, #tpu.memory_space<vmem>>) target_semaphore(%arg14 : memref<!tpu.dma_semaphore, #tpu.memory_space<semaphore_mem>>)
      } else {
      }
      %dma_wait3A_274 = arith.constant 0 : i32
      %dma_wait3A_275 = arith.constant 0 : i32
      %dma_wait3A_276 = arith.constant 0 : i32
      %dma_wait3A_277 = tpu.memref_slice %arg2[%dma_wait3A_274, %dma_wait3A_275, %dma_wait3A_276] : memref<48x512x512xf32, #tpu.memory_space<hbm>> -> memref<9x4x512xf32, #tpu.memory_space<hbm>>
      %dma_wait3A_278 = arith.constant 0 : i32
      %dma_wait3A_279 = arith.constant 0 : i32
      %dma_wait3A_280 = arith.constant 0 : i32
      %dma_wait3A_281 = tpu.memref_slice %arg2[%dma_wait3A_278, %dma_wait3A_279, %dma_wait3A_280] : memref<48x512x512xf32, #tpu.memory_space<hbm>> -> memref<9x4x512xf32, #tpu.memory_space<hbm>>
      tpu.wait_dma2 semaphore(%arg15 : memref<!tpu.dma_semaphore, #tpu.memory_space<semaphore_mem>>) src(%dma_wait3A_281 : memref<9x4x512xf32, #tpu.memory_space<hbm>>) dst(%arg9 : memref<9x4x512xf32, #tpu.memory_space<vmem>>)
      %parallel_loop3A_282 = arith.constant 0 : i32
      %parallel_loop3A_283 = arith.constant 128 : i32
      %parallel_loop3A_284 = arith.constant 8 : i32
      %parallel_loop3A_285:16 = scf.for %parallel_loop3A_343 = %parallel_loop3A_282 to %parallel_loop3A_283 step %parallel_loop3A_284 iter_args(%parallel_loop3A_344 = %parallel_loop3A_264#0, %parallel_loop3A_345 = %parallel_loop3A_264#1, %parallel_loop3A_346 = %parallel_loop3A_264#2, %parallel_loop3A_347 = %parallel_loop3A_264#3, %parallel_loop3A_348 = %parallel_loop3A_264#4, %parallel_loop3A_349 = %parallel_loop3A_264#5, %parallel_loop3A_350 = %parallel_loop3A_264#6, %parallel_loop3A_351 = %parallel_loop3A_264#7, %parallel_loop3A_352 = %parallel_loop3A_264#8, %parallel_loop3A_353 = %parallel_loop3A_264#9, %parallel_loop3A_354 = %parallel_loop3A_264#10, %parallel_loop3A_355 = %parallel_loop3A_264#11, %parallel_loop3A_356 = %parallel_loop3A_264#12, %parallel_loop3A_357 = %parallel_loop3A_264#13, %parallel_loop3A_358 = %parallel_loop3A_264#14, %parallel_loop3A_359 = %parallel_loop3A_264#15) -> (vector<16xf32>, vector<16xf32>, vector<16xf32>, vector<16xf32>, vector<16xf32>, vector<16xf32>, vector<16xf32>, vector<16xf32>, vector<16xf32>, vector<16xf32>, vector<16xf32>, vector<16xf32>, vector<16xf32>, vector<16xf32>, vector<16xf32>, vector<16xf32>)  : i32 {
        %parallel_loop3A_360 = arith.constant 5 : i32
        %parallel_loop3A_361 = arith.shrsi %parallel_loop3A_343, %parallel_loop3A_360 : i32
        %parallel_loop3A_362 = arith.constant 31 : i32
        %parallel_loop3A_363 = arith.andi %parallel_loop3A_343, %parallel_loop3A_362 : i32
        %parallel_loop3A_364 = arith.constant 0 : i32
        %parallel_loop3A_365 = arith.addi %parallel_loop3A_363, %parallel_loop3A_364 : i32
        %parallel_loop3A_366 = arith.constant 16 : i32
        %parallel_loop3A_367 = arith.muli %parallel_loop3A_365, %parallel_loop3A_366 : i32
        %parallel_loop3A_368 = arith.constant 0 : i32
        %parallel_loop3A_369 = arith.index_cast %parallel_loop3A_368 : i32 to index
        %parallel_loop3A_370 = arith.index_cast %parallel_loop3A_361 : i32 to index
        %parallel_loop3A_371 = arith.index_cast %parallel_loop3A_367 : i32 to index
        %parallel_loop3A_372 = tpu.vector_load %arg9[%parallel_loop3A_369, %parallel_loop3A_370, %parallel_loop3A_371] {strides = array<i32>} : memref<9x4x512xf32, #tpu.memory_space<vmem>>, vector<16xf32>,
        %parallel_loop3A_373 = arith.constant 2.550000e+02 : f32
        %parallel_loop3A_374 = vector.broadcast %parallel_loop3A_373 : f32 to vector<16xf32>
        %parallel_loop3A_375 = arith.mulf %parallel_loop3A_372, %parallel_loop3A_374 : vector<16xf32>
        %parallel_loop3A_376 = arith.constant 1.250000e-01 : f32
        %parallel_loop3A_377 = vector.broadcast %parallel_loop3A_376 : f32 to vector<16xf32>
        %parallel_loop3A_378 = arith.mulf %parallel_loop3A_375, %parallel_loop3A_377 : vector<16xf32>
        %parallel_loop3A_379 = arith.fptosi %parallel_loop3A_378 : vector<16xf32> to vector<16xi32>
        %parallel_loop3A_380 = arith.constant 1 : i32
        %parallel_loop3A_381 = arith.index_cast %parallel_loop3A_380 : i32 to index
        %parallel_loop3A_382 = arith.index_cast %parallel_loop3A_361 : i32 to index
        %parallel_loop3A_383 = arith.index_cast %parallel_loop3A_367 : i32 to index
        %parallel_loop3A_384 = tpu.vector_load %arg9[%parallel_loop3A_381, %parallel_loop3A_382, %parallel_loop3A_383] {strides = array<i32>} : memref<9x4x512xf32, #tpu.memory_space<vmem>>, vector<16xf32>,
        %parallel_loop3A_385 = arith.constant 2.550000e+02 : f32
        %parallel_loop3A_386 = vector.broadcast %parallel_loop3A_385 : f32 to vector<16xf32>
        %parallel_loop3A_387 = arith.mulf %parallel_loop3A_384, %parallel_loop3A_386 : vector<16xf32>
        %parallel_loop3A_388 = arith.constant 1.250000e-01 : f32
        %parallel_loop3A_389 = vector.broadcast %parallel_loop3A_388 : f32 to vector<16xf32>
        %parallel_loop3A_390 = arith.mulf %parallel_loop3A_387, %parallel_loop3A_389 : vector<16xf32>
        %parallel_loop3A_391 = arith.fptosi %parallel_loop3A_390 : vector<16xf32> to vector<16xi32>
        %parallel_loop3A_392 = arith.constant 2 : i32
        %parallel_loop3A_393 = arith.index_cast %parallel_loop3A_392 : i32 to index
        %parallel_loop3A_394 = arith.index_cast %parallel_loop3A_361 : i32 to index
        %parallel_loop3A_395 = arith.index_cast %parallel_loop3A_367 : i32 to index
        %parallel_loop3A_396 = tpu.vector_load %arg9[%parallel_loop3A_393, %parallel_loop3A_394, %parallel_loop3A_395] {strides = array<i32>} : memref<9x4x512xf32, #tpu.memory_space<vmem>>, vector<16xf32>,
        %parallel_loop3A_397 = arith.constant 2.550000e+02 : f32
        %parallel_loop3A_398 = vector.broadcast %parallel_loop3A_397 : f32 to vector<16xf32>
        %parallel_loop3A_399 = arith.mulf %parallel_loop3A_396, %parallel_loop3A_398 : vector<16xf32>
        %parallel_loop3A_400 = arith.constant 1.250000e-01 : f32
        %parallel_loop3A_401 = vector.broadcast %parallel_loop3A_400 : f32 to vector<16xf32>
        %parallel_loop3A_402 = arith.mulf %parallel_loop3A_399, %parallel_loop3A_401 : vector<16xf32>
        %parallel_loop3A_403 = arith.fptosi %parallel_loop3A_402 : vector<16xf32> to vector<16xi32>
        %parallel_loop3A_404 = arith.constant 1024 : i32
        %parallel_loop3A_405 = vector.broadcast %parallel_loop3A_404 : i32 to vector<16xi32>
        %parallel_loop3A_406 = arith.muli %parallel_loop3A_379, %parallel_loop3A_405 : vector<16xi32>
        %parallel_loop3A_407 = arith.constant 32 : i32
        %parallel_loop3A_408 = vector.broadcast %parallel_loop3A_407 : i32 to vector<16xi32>
        %parallel_loop3A_409 = arith.muli %parallel_loop3A_391, %parallel_loop3A_408 : vector<16xi32>
        %parallel_loop3A_410 = arith.addi %parallel_loop3A_406, %parallel_loop3A_409 : vector<16xi32>
        %parallel_loop3A_411 = arith.addi %parallel_loop3A_410, %parallel_loop3A_403 : vector<16xi32>
        %parallel_loop3A_412 = tpu.bitcast %parallel_loop3A_411 : vector<16xi32> -> vector<16xi32>
        %parallel_loop3A_413 = arith.constant 32767 : i32
        %parallel_loop3A_414 = vector.broadcast %parallel_loop3A_413 : i32 to vector<16xi32>
        %parallel_loop3A_415 = arith.minui %parallel_loop3A_412, %parallel_loop3A_414 : vector<16xi32>
        %parallel_loop3A_416 = tpu.bitcast %parallel_loop3A_415 : vector<16xi32> -> vector<16xi32>
        %parallel_loop3A_417 = tpu.vector_load_idx %arg7[%parallel_loop3A_416] : memref<32768xf32, #tpu.memory_space<vmem>>[vector<16xi32>], vector<16xf32>,
        %parallel_loop3A_418 = arith.constant 3 : i32
        %parallel_loop3A_419 = arith.index_cast %parallel_loop3A_418 : i32 to index
        %parallel_loop3A_420 = arith.index_cast %parallel_loop3A_361 : i32 to index
        %parallel_loop3A_421 = arith.index_cast %parallel_loop3A_367 : i32 to index
        %parallel_loop3A_422 = tpu.vector_load %arg9[%parallel_loop3A_419, %parallel_loop3A_420, %parallel_loop3A_421] {strides = array<i32>} : memref<9x4x512xf32, #tpu.memory_space<vmem>>, vector<16xf32>,
        %parallel_loop3A_423 = arith.constant 6 : i32
        %parallel_loop3A_424 = arith.index_cast %parallel_loop3A_423 : i32 to index
        %parallel_loop3A_425 = arith.index_cast %parallel_loop3A_361 : i32 to index
        %parallel_loop3A_426 = arith.index_cast %parallel_loop3A_367 : i32 to index
        %parallel_loop3A_427 = tpu.vector_load %arg9[%parallel_loop3A_424, %parallel_loop3A_425, %parallel_loop3A_426] {strides = array<i32>} : memref<9x4x512xf32, #tpu.memory_space<vmem>>, vector<16xf32>,
        %parallel_loop3A_428 = arith.subf %parallel_loop3A_422, %parallel_loop3A_427 : vector<16xf32>
        %parallel_loop3A_429 = math.absf %parallel_loop3A_428 : vector<16xf32>
        %parallel_loop3A_430 = arith.constant 4 : i32
        %parallel_loop3A_431 = arith.index_cast %parallel_loop3A_430 : i32 to index
        %parallel_loop3A_432 = arith.index_cast %parallel_loop3A_361 : i32 to index
        %parallel_loop3A_433 = arith.index_cast %parallel_loop3A_367 : i32 to index
        %parallel_loop3A_434 = tpu.vector_load %arg9[%parallel_loop3A_431, %parallel_loop3A_432, %parallel_loop3A_433] {strides = array<i32>} : memref<9x4x512xf32, #tpu.memory_space<vmem>>, vector<16xf32>,
        %parallel_loop3A_435 = arith.constant 7 : i32
        %parallel_loop3A_436 = arith.index_cast %parallel_loop3A_435 : i32 to index
        %parallel_loop3A_437 = arith.index_cast %parallel_loop3A_361 : i32 to index
        %parallel_loop3A_438 = arith.index_cast %parallel_loop3A_367 : i32 to index
        %parallel_loop3A_439 = tpu.vector_load %arg9[%parallel_loop3A_436, %parallel_loop3A_437, %parallel_loop3A_438] {strides = array<i32>} : memref<9x4x512xf32, #tpu.memory_space<vmem>>, vector<16xf32>,
        %parallel_loop3A_440 = arith.subf %parallel_loop3A_434, %parallel_loop3A_439 : vector<16xf32>
        %parallel_loop3A_441 = math.absf %parallel_loop3A_440 : vector<16xf32>
        %parallel_loop3A_442 = arith.addf %parallel_loop3A_429, %parallel_loop3A_441 : vector<16xf32>
        %parallel_loop3A_443 = arith.constant 5 : i32
        %parallel_loop3A_444 = arith.index_cast %parallel_loop3A_443 : i32 to index
        %parallel_loop3A_445 = arith.index_cast %parallel_loop3A_361 : i32 to index
        %parallel_loop3A_446 = arith.index_cast %parallel_loop3A_367 : i32 to index
        %parallel_loop3A_447 = tpu.vector_load %arg9[%parallel_loop3A_444, %parallel_loop3A_445, %parallel_loop3A_446] {strides = array<i32>} : memref<9x4x512xf32, #tpu.memory_space<vmem>>, vector<16xf32>,
        %parallel_loop3A_448 = arith.constant 8 : i32
        %parallel_loop3A_449 = arith.index_cast %parallel_loop3A_448 : i32 to index
        %parallel_loop3A_450 = arith.index_cast %parallel_loop3A_361 : i32 to index
        %parallel_loop3A_451 = arith.index_cast %parallel_loop3A_367 : i32 to index
        %parallel_loop3A_452 = tpu.vector_load %arg9[%parallel_loop3A_449, %parallel_loop3A_450, %parallel_loop3A_451] {strides = array<i32>} : memref<9x4x512xf32, #tpu.memory_space<vmem>>, vector<16xf32>,
        %parallel_loop3A_453 = arith.subf %parallel_loop3A_447, %parallel_loop3A_452 : vector<16xf32>
        %parallel_loop3A_454 = math.absf %parallel_loop3A_453 : vector<16xf32>
        %parallel_loop3A_455 = arith.addf %parallel_loop3A_442, %parallel_loop3A_454 : vector<16xf32>
        %parallel_loop3A_456 = arith.mulf %parallel_loop3A_417, %parallel_loop3A_455 : vector<16xf32>
        %parallel_loop3A_457 = arith.addf %parallel_loop3A_344, %parallel_loop3A_456 : vector<16xf32>
        %parallel_loop3A_458 = arith.addf %parallel_loop3A_345, %parallel_loop3A_417 : vector<16xf32>
        %parallel_loop3A_459 = arith.constant 5 : i32
        %parallel_loop3A_460 = arith.shrsi %parallel_loop3A_343, %parallel_loop3A_459 : i32
        %parallel_loop3A_461 = arith.constant 31 : i32
        %parallel_loop3A_462 = arith.andi %parallel_loop3A_343, %parallel_loop3A_461 : i32
        %parallel_loop3A_463 = arith.constant 1 : i32
        %parallel_loop3A_464 = arith.addi %parallel_loop3A_462, %parallel_loop3A_463 : i32
        %parallel_loop3A_465 = arith.constant 16 : i32
        %parallel_loop3A_466 = arith.muli %parallel_loop3A_464, %parallel_loop3A_465 : i32
        %parallel_loop3A_467 = arith.constant 0 : i32
        %parallel_loop3A_468 = arith.index_cast %parallel_loop3A_467 : i32 to index
        %parallel_loop3A_469 = arith.index_cast %parallel_loop3A_460 : i32 to index
        %parallel_loop3A_470 = arith.index_cast %parallel_loop3A_466 : i32 to index
        %parallel_loop3A_471 = tpu.vector_load %arg9[%parallel_loop3A_468, %parallel_loop3A_469, %parallel_loop3A_470] {strides = array<i32>} : memref<9x4x512xf32, #tpu.memory_space<vmem>>, vector<16xf32>,
        %parallel_loop3A_472 = arith.constant 2.550000e+02 : f32
        %parallel_loop3A_473 = vector.broadcast %parallel_loop3A_472 : f32 to vector<16xf32>
        %parallel_loop3A_474 = arith.mulf %parallel_loop3A_471, %parallel_loop3A_473 : vector<16xf32>
        %parallel_loop3A_475 = arith.constant 1.250000e-01 : f32
        %parallel_loop3A_476 = vector.broadcast %parallel_loop3A_475 : f32 to vector<16xf32>
        %parallel_loop3A_477 = arith.mulf %parallel_loop3A_474, %parallel_loop3A_476 : vector<16xf32>
        %parallel_loop3A_478 = arith.fptosi %parallel_loop3A_477 : vector<16xf32> to vector<16xi32>
        %parallel_loop3A_479 = arith.constant 1 : i32
        %parallel_loop3A_480 = arith.index_cast %parallel_loop3A_479 : i32 to index
        %parallel_loop3A_481 = arith.index_cast %parallel_loop3A_460 : i32 to index
        %parallel_loop3A_482 = arith.index_cast %parallel_loop3A_466 : i32 to index
        %parallel_loop3A_483 = tpu.vector_load %arg9[%parallel_loop3A_480, %parallel_loop3A_481, %parallel_loop3A_482] {strides = array<i32>} : memref<9x4x512xf32, #tpu.memory_space<vmem>>, vector<16xf32>,
        %parallel_loop3A_484 = arith.constant 2.550000e+02 : f32
        %parallel_loop3A_485 = vector.broadcast %parallel_loop3A_484 : f32 to vector<16xf32>
        %parallel_loop3A_486 = arith.mulf %parallel_loop3A_483, %parallel_loop3A_485 : vector<16xf32>
        %parallel_loop3A_487 = arith.constant 1.250000e-01 : f32
        %parallel_loop3A_488 = vector.broadcast %parallel_loop3A_487 : f32 to vector<16xf32>
        %parallel_loop3A_489 = arith.mulf %parallel_loop3A_486, %parallel_loop3A_488 : vector<16xf32>
        %parallel_loop3A_490 = arith.fptosi %parallel_loop3A_489 : vector<16xf32> to vector<16xi32>
        %parallel_loop3A_491 = arith.constant 2 : i32
        %parallel_loop3A_492 = arith.index_cast %parallel_loop3A_491 : i32 to index
        %parallel_loop3A_493 = arith.index_cast %parallel_loop3A_460 : i32 to index
        %parallel_loop3A_494 = arith.index_cast %parallel_loop3A_466 : i32 to index
        %parallel_loop3A_495 = tpu.vector_load %arg9[%parallel_loop3A_492, %parallel_loop3A_493, %parallel_loop3A_494] {strides = array<i32>} : memref<9x4x512xf32, #tpu.memory_space<vmem>>, vector<16xf32>,
        %parallel_loop3A_496 = arith.constant 2.550000e+02 : f32
        %parallel_loop3A_497 = vector.broadcast %parallel_loop3A_496 : f32 to vector<16xf32>
        %parallel_loop3A_498 = arith.mulf %parallel_loop3A_495, %parallel_loop3A_497 : vector<16xf32>
        %parallel_loop3A_499 = arith.constant 1.250000e-01 : f32
        %parallel_loop3A_500 = vector.broadcast %parallel_loop3A_499 : f32 to vector<16xf32>
        %parallel_loop3A_501 = arith.mulf %parallel_loop3A_498, %parallel_loop3A_500 : vector<16xf32>
        %parallel_loop3A_502 = arith.fptosi %parallel_loop3A_501 : vector<16xf32> to vector<16xi32>
        %parallel_loop3A_503 = arith.constant 1024 : i32
        %parallel_loop3A_504 = vector.broadcast %parallel_loop3A_503 : i32 to vector<16xi32>
        %parallel_loop3A_505 = arith.muli %parallel_loop3A_478, %parallel_loop3A_504 : vector<16xi32>
        %parallel_loop3A_506 = arith.constant 32 : i32
        %parallel_loop3A_507 = vector.broadcast %parallel_loop3A_506 : i32 to vector<16xi32>
        %parallel_loop3A_508 = arith.muli %parallel_loop3A_490, %parallel_loop3A_507 : vector<16xi32>
        %parallel_loop3A_509 = arith.addi %parallel_loop3A_505, %parallel_loop3A_508 : vector<16xi32>
        %parallel_loop3A_510 = arith.addi %parallel_loop3A_509, %parallel_loop3A_502 : vector<16xi32>
        %parallel_loop3A_511 = tpu.bitcast %parallel_loop3A_510 : vector<16xi32> -> vector<16xi32>
        %parallel_loop3A_512 = arith.constant 32767 : i32
        %parallel_loop3A_513 = vector.broadcast %parallel_loop3A_512 : i32 to vector<16xi32>
        %parallel_loop3A_514 = arith.minui %parallel_loop3A_511, %parallel_loop3A_513 : vector<16xi32>
        %parallel_loop3A_515 = tpu.bitcast %parallel_loop3A_514 : vector<16xi32> -> vector<16xi32>
        %parallel_loop3A_516 = tpu.vector_load_idx %arg7[%parallel_loop3A_515] : memref<32768xf32, #tpu.memory_space<vmem>>[vector<16xi32>], vector<16xf32>,
        %parallel_loop3A_517 = arith.constant 3 : i32
        %parallel_loop3A_518 = arith.index_cast %parallel_loop3A_517 : i32 to index
        %parallel_loop3A_519 = arith.index_cast %parallel_loop3A_460 : i32 to index
        %parallel_loop3A_520 = arith.index_cast %parallel_loop3A_466 : i32 to index
        %parallel_loop3A_521 = tpu.vector_load %arg9[%parallel_loop3A_518, %parallel_loop3A_519, %parallel_loop3A_520] {strides = array<i32>} : memref<9x4x512xf32, #tpu.memory_space<vmem>>, vector<16xf32>,
        %parallel_loop3A_522 = arith.constant 6 : i32
        %parallel_loop3A_523 = arith.index_cast %parallel_loop3A_522 : i32 to index
        %parallel_loop3A_524 = arith.index_cast %parallel_loop3A_460 : i32 to index
        %parallel_loop3A_525 = arith.index_cast %parallel_loop3A_466 : i32 to index
        %parallel_loop3A_526 = tpu.vector_load %arg9[%parallel_loop3A_523, %parallel_loop3A_524, %parallel_loop3A_525] {strides = array<i32>} : memref<9x4x512xf32, #tpu.memory_space<vmem>>, vector<16xf32>,
        %parallel_loop3A_527 = arith.subf %parallel_loop3A_521, %parallel_loop3A_526 : vector<16xf32>
        %parallel_loop3A_528 = math.absf %parallel_loop3A_527 : vector<16xf32>
        %parallel_loop3A_529 = arith.constant 4 : i32
        %parallel_loop3A_530 = arith.index_cast %parallel_loop3A_529 : i32 to index
        %parallel_loop3A_531 = arith.index_cast %parallel_loop3A_460 : i32 to index
        %parallel_loop3A_532 = arith.index_cast %parallel_loop3A_466 : i32 to index
        %parallel_loop3A_533 = tpu.vector_load %arg9[%parallel_loop3A_530, %parallel_loop3A_531, %parallel_loop3A_532] {strides = array<i32>} : memref<9x4x512xf32, #tpu.memory_space<vmem>>, vector<16xf32>,
        %parallel_loop3A_534 = arith.constant 7 : i32
        %parallel_loop3A_535 = arith.index_cast %parallel_loop3A_534 : i32 to index
        %parallel_loop3A_536 = arith.index_cast %parallel_loop3A_460 : i32 to index
        %parallel_loop3A_537 = arith.index_cast %parallel_loop3A_466 : i32 to index
        %parallel_loop3A_538 = tpu.vector_load %arg9[%parallel_loop3A_535, %parallel_loop3A_536, %parallel_loop3A_537] {strides = array<i32>} : memref<9x4x512xf32, #tpu.memory_space<vmem>>, vector<16xf32>,
        %parallel_loop3A_539 = arith.subf %parallel_loop3A_533, %parallel_loop3A_538 : vector<16xf32>
        %parallel_loop3A_540 = math.absf %parallel_loop3A_539 : vector<16xf32>
        %parallel_loop3A_541 = arith.addf %parallel_loop3A_528, %parallel_loop3A_540 : vector<16xf32>
        %parallel_loop3A_542 = arith.constant 5 : i32
        %parallel_loop3A_543 = arith.index_cast %parallel_loop3A_542 : i32 to index
        %parallel_loop3A_544 = arith.index_cast %parallel_loop3A_460 : i32 to index
        %parallel_loop3A_545 = arith.index_cast %parallel_loop3A_466 : i32 to index
        %parallel_loop3A_546 = tpu.vector_load %arg9[%parallel_loop3A_543, %parallel_loop3A_544, %parallel_loop3A_545] {strides = array<i32>} : memref<9x4x512xf32, #tpu.memory_space<vmem>>, vector<16xf32>,
        %parallel_loop3A_547 = arith.constant 8 : i32
        %parallel_loop3A_548 = arith.index_cast %parallel_loop3A_547 : i32 to index
        %parallel_loop3A_549 = arith.index_cast %parallel_loop3A_460 : i32 to index
        %parallel_loop3A_550 = arith.index_cast %parallel_loop3A_466 : i32 to index
        %parallel_loop3A_551 = tpu.vector_load %arg9[%parallel_loop3A_548, %parallel_loop3A_549, %parallel_loop3A_550] {strides = array<i32>} : memref<9x4x512xf32, #tpu.memory_space<vmem>>, vector<16xf32>,
        %parallel_loop3A_552 = arith.subf %parallel_loop3A_546, %parallel_loop3A_551 : vector<16xf32>
        %parallel_loop3A_553 = math.absf %parallel_loop3A_552 : vector<16xf32>
        %parallel_loop3A_554 = arith.addf %parallel_loop3A_541, %parallel_loop3A_553 : vector<16xf32>
        %parallel_loop3A_555 = arith.mulf %parallel_loop3A_516, %parallel_loop3A_554 : vector<16xf32>
        %parallel_loop3A_556 = arith.addf %parallel_loop3A_346, %parallel_loop3A_555 : vector<16xf32>
        %parallel_loop3A_557 = arith.addf %parallel_loop3A_347, %parallel_loop3A_516 : vector<16xf32>
        %parallel_loop3A_558 = arith.constant 5 : i32
        %parallel_loop3A_559 = arith.shrsi %parallel_loop3A_343, %parallel_loop3A_558 : i32
        %parallel_loop3A_560 = arith.constant 31 : i32
        %parallel_loop3A_561 = arith.andi %parallel_loop3A_343, %parallel_loop3A_560 : i32
        %parallel_loop3A_562 = arith.constant 2 : i32
        %parallel_loop3A_563 = arith.addi %parallel_loop3A_561, %parallel_loop3A_562 : i32
        %parallel_loop3A_564 = arith.constant 16 : i32
        %parallel_loop3A_565 = arith.muli %parallel_loop3A_563, %parallel_loop3A_564 : i32
        %parallel_loop3A_566 = arith.constant 0 : i32
        %parallel_loop3A_567 = arith.index_cast %parallel_loop3A_566 : i32 to index
        %parallel_loop3A_568 = arith.index_cast %parallel_loop3A_559 : i32 to index
        %parallel_loop3A_569 = arith.index_cast %parallel_loop3A_565 : i32 to index
        %parallel_loop3A_570 = tpu.vector_load %arg9[%parallel_loop3A_567, %parallel_loop3A_568, %parallel_loop3A_569] {strides = array<i32>} : memref<9x4x512xf32, #tpu.memory_space<vmem>>, vector<16xf32>,
        %parallel_loop3A_571 = arith.constant 2.550000e+02 : f32
        %parallel_loop3A_572 = vector.broadcast %parallel_loop3A_571 : f32 to vector<16xf32>
        %parallel_loop3A_573 = arith.mulf %parallel_loop3A_570, %parallel_loop3A_572 : vector<16xf32>
        %parallel_loop3A_574 = arith.constant 1.250000e-01 : f32
        %parallel_loop3A_575 = vector.broadcast %parallel_loop3A_574 : f32 to vector<16xf32>
        %parallel_loop3A_576 = arith.mulf %parallel_loop3A_573, %parallel_loop3A_575 : vector<16xf32>
        %parallel_loop3A_577 = arith.fptosi %parallel_loop3A_576 : vector<16xf32> to vector<16xi32>
        %parallel_loop3A_578 = arith.constant 1 : i32
        %parallel_loop3A_579 = arith.index_cast %parallel_loop3A_578 : i32 to index
        %parallel_loop3A_580 = arith.index_cast %parallel_loop3A_559 : i32 to index
        %parallel_loop3A_581 = arith.index_cast %parallel_loop3A_565 : i32 to index
        %parallel_loop3A_582 = tpu.vector_load %arg9[%parallel_loop3A_579, %parallel_loop3A_580, %parallel_loop3A_581] {strides = array<i32>} : memref<9x4x512xf32, #tpu.memory_space<vmem>>, vector<16xf32>,
        %parallel_loop3A_583 = arith.constant 2.550000e+02 : f32
        %parallel_loop3A_584 = vector.broadcast %parallel_loop3A_583 : f32 to vector<16xf32>
        %parallel_loop3A_585 = arith.mulf %parallel_loop3A_582, %parallel_loop3A_584 : vector<16xf32>
        %parallel_loop3A_586 = arith.constant 1.250000e-01 : f32
        %parallel_loop3A_587 = vector.broadcast %parallel_loop3A_586 : f32 to vector<16xf32>
        %parallel_loop3A_588 = arith.mulf %parallel_loop3A_585, %parallel_loop3A_587 : vector<16xf32>
        %parallel_loop3A_589 = arith.fptosi %parallel_loop3A_588 : vector<16xf32> to vector<16xi32>
        %parallel_loop3A_590 = arith.constant 2 : i32
        %parallel_loop3A_591 = arith.index_cast %parallel_loop3A_590 : i32 to index
        %parallel_loop3A_592 = arith.index_cast %parallel_loop3A_559 : i32 to index
        %parallel_loop3A_593 = arith.index_cast %parallel_loop3A_565 : i32 to index
        %parallel_loop3A_594 = tpu.vector_load %arg9[%parallel_loop3A_591, %parallel_loop3A_592, %parallel_loop3A_593] {strides = array<i32>} : memref<9x4x512xf32, #tpu.memory_space<vmem>>, vector<16xf32>,
        %parallel_loop3A_595 = arith.constant 2.550000e+02 : f32
        %parallel_loop3A_596 = vector.broadcast %parallel_loop3A_595 : f32 to vector<16xf32>
        %parallel_loop3A_597 = arith.mulf %parallel_loop3A_594, %parallel_loop3A_596 : vector<16xf32>
        %parallel_loop3A_598 = arith.constant 1.250000e-01 : f32
        %parallel_loop3A_599 = vector.broadcast %parallel_loop3A_598 : f32 to vector<16xf32>
        %parallel_loop3A_600 = arith.mulf %parallel_loop3A_597, %parallel_loop3A_599 : vector<16xf32>
        %parallel_loop3A_601 = arith.fptosi %parallel_loop3A_600 : vector<16xf32> to vector<16xi32>
        %parallel_loop3A_602 = arith.constant 1024 : i32
        %parallel_loop3A_603 = vector.broadcast %parallel_loop3A_602 : i32 to vector<16xi32>
        %parallel_loop3A_604 = arith.muli %parallel_loop3A_577, %parallel_loop3A_603 : vector<16xi32>
        %parallel_loop3A_605 = arith.constant 32 : i32
        %parallel_loop3A_606 = vector.broadcast %parallel_loop3A_605 : i32 to vector<16xi32>
        %parallel_loop3A_607 = arith.muli %parallel_loop3A_589, %parallel_loop3A_606 : vector<16xi32>
        %parallel_loop3A_608 = arith.addi %parallel_loop3A_604, %parallel_loop3A_607 : vector<16xi32>
        %parallel_loop3A_609 = arith.addi %parallel_loop3A_608, %parallel_loop3A_601 : vector<16xi32>
        %parallel_loop3A_610 = tpu.bitcast %parallel_loop3A_609 : vector<16xi32> -> vector<16xi32>
        %parallel_loop3A_611 = arith.constant 32767 : i32
        %parallel_loop3A_612 = vector.broadcast %parallel_loop3A_611 : i32 to vector<16xi32>
        %parallel_loop3A_613 = arith.minui %parallel_loop3A_610, %parallel_loop3A_612 : vector<16xi32>
        %parallel_loop3A_614 = tpu.bitcast %parallel_loop3A_613 : vector<16xi32> -> vector<16xi32>
        %parallel_loop3A_615 = tpu.vector_load_idx %arg7[%parallel_loop3A_614] : memref<32768xf32, #tpu.memory_space<vmem>>[vector<16xi32>], vector<16xf32>,
        %parallel_loop3A_616 = arith.constant 3 : i32
        %parallel_loop3A_617 = arith.index_cast %parallel_loop3A_616 : i32 to index
        %parallel_loop3A_618 = arith.index_cast %parallel_loop3A_559 : i32 to index
        %parallel_loop3A_619 = arith.index_cast %parallel_loop3A_565 : i32 to index
        %parallel_loop3A_620 = tpu.vector_load %arg9[%parallel_loop3A_617, %parallel_loop3A_618, %parallel_loop3A_619] {strides = array<i32>} : memref<9x4x512xf32, #tpu.memory_space<vmem>>, vector<16xf32>,
        %parallel_loop3A_621 = arith.constant 6 : i32
        %parallel_loop3A_622 = arith.index_cast %parallel_loop3A_621 : i32 to index
        %parallel_loop3A_623 = arith.index_cast %parallel_loop3A_559 : i32 to index
        %parallel_loop3A_624 = arith.index_cast %parallel_loop3A_565 : i32 to index
        %parallel_loop3A_625 = tpu.vector_load %arg9[%parallel_loop3A_622, %parallel_loop3A_623, %parallel_loop3A_624] {strides = array<i32>} : memref<9x4x512xf32, #tpu.memory_space<vmem>>, vector<16xf32>,
        %parallel_loop3A_626 = arith.subf %parallel_loop3A_620, %parallel_loop3A_625 : vector<16xf32>
        %parallel_loop3A_627 = math.absf %parallel_loop3A_626 : vector<16xf32>
        %parallel_loop3A_628 = arith.constant 4 : i32
        %parallel_loop3A_629 = arith.index_cast %parallel_loop3A_628 : i32 to index
        %parallel_loop3A_630 = arith.index_cast %parallel_loop3A_559 : i32 to index
        %parallel_loop3A_631 = arith.index_cast %parallel_loop3A_565 : i32 to index
        %parallel_loop3A_632 = tpu.vector_load %arg9[%parallel_loop3A_629, %parallel_loop3A_630, %parallel_loop3A_631] {strides = array<i32>} : memref<9x4x512xf32, #tpu.memory_space<vmem>>, vector<16xf32>,
        %parallel_loop3A_633 = arith.constant 7 : i32
        %parallel_loop3A_634 = arith.index_cast %parallel_loop3A_633 : i32 to index
        %parallel_loop3A_635 = arith.index_cast %parallel_loop3A_559 : i32 to index
        %parallel_loop3A_636 = arith.index_cast %parallel_loop3A_565 : i32 to index
        %parallel_loop3A_637 = tpu.vector_load %arg9[%parallel_loop3A_634, %parallel_loop3A_635, %parallel_loop3A_636] {strides = array<i32>} : memref<9x4x512xf32, #tpu.memory_space<vmem>>, vector<16xf32>,
        %parallel_loop3A_638 = arith.subf %parallel_loop3A_632, %parallel_loop3A_637 : vector<16xf32>
        %parallel_loop3A_639 = math.absf %parallel_loop3A_638 : vector<16xf32>
        %parallel_loop3A_640 = arith.addf %parallel_loop3A_627, %parallel_loop3A_639 : vector<16xf32>
        %parallel_loop3A_641 = arith.constant 5 : i32
        %parallel_loop3A_642 = arith.index_cast %parallel_loop3A_641 : i32 to index
        %parallel_loop3A_643 = arith.index_cast %parallel_loop3A_559 : i32 to index
        %parallel_loop3A_644 = arith.index_cast %parallel_loop3A_565 : i32 to index
        %parallel_loop3A_645 = tpu.vector_load %arg9[%parallel_loop3A_642, %parallel_loop3A_643, %parallel_loop3A_644] {strides = array<i32>} : memref<9x4x512xf32, #tpu.memory_space<vmem>>, vector<16xf32>,
        %parallel_loop3A_646 = arith.constant 8 : i32
        %parallel_loop3A_647 = arith.index_cast %parallel_loop3A_646 : i32 to index
        %parallel_loop3A_648 = arith.index_cast %parallel_loop3A_559 : i32 to index
        %parallel_loop3A_649 = arith.index_cast %parallel_loop3A_565 : i32 to index
        %parallel_loop3A_650 = tpu.vector_load %arg9[%parallel_loop3A_647, %parallel_loop3A_648, %parallel_loop3A_649] {strides = array<i32>} : memref<9x4x512xf32, #tpu.memory_space<vmem>>, vector<16xf32>,
        %parallel_loop3A_651 = arith.subf %parallel_loop3A_645, %parallel_loop3A_650 : vector<16xf32>
        %parallel_loop3A_652 = math.absf %parallel_loop3A_651 : vector<16xf32>
        %parallel_loop3A_653 = arith.addf %parallel_loop3A_640, %parallel_loop3A_652 : vector<16xf32>
        %parallel_loop3A_654 = arith.mulf %parallel_loop3A_615, %parallel_loop3A_653 : vector<16xf32>
        %parallel_loop3A_655 = arith.addf %parallel_loop3A_348, %parallel_loop3A_654 : vector<16xf32>
        %parallel_loop3A_656 = arith.addf %parallel_loop3A_349, %parallel_loop3A_615 : vector<16xf32>
        %parallel_loop3A_657 = arith.constant 5 : i32
        %parallel_loop3A_658 = arith.shrsi %parallel_loop3A_343, %parallel_loop3A_657 : i32
        %parallel_loop3A_659 = arith.constant 31 : i32
        %parallel_loop3A_660 = arith.andi %parallel_loop3A_343, %parallel_loop3A_659 : i32
        %parallel_loop3A_661 = arith.constant 3 : i32
        %parallel_loop3A_662 = arith.addi %parallel_loop3A_660, %parallel_loop3A_661 : i32
        %parallel_loop3A_663 = arith.constant 16 : i32
        %parallel_loop3A_664 = arith.muli %parallel_loop3A_662, %parallel_loop3A_663 : i32
        %parallel_loop3A_665 = arith.constant 0 : i32
        %parallel_loop3A_666 = arith.index_cast %parallel_loop3A_665 : i32 to index
        %parallel_loop3A_667 = arith.index_cast %parallel_loop3A_658 : i32 to index
        %parallel_loop3A_668 = arith.index_cast %parallel_loop3A_664 : i32 to index
        %parallel_loop3A_669 = tpu.vector_load %arg9[%parallel_loop3A_666, %parallel_loop3A_667, %parallel_loop3A_668] {strides = array<i32>} : memref<9x4x512xf32, #tpu.memory_space<vmem>>, vector<16xf32>,
        %parallel_loop3A_670 = arith.constant 2.550000e+02 : f32
        %parallel_loop3A_671 = vector.broadcast %parallel_loop3A_670 : f32 to vector<16xf32>
        %parallel_loop3A_672 = arith.mulf %parallel_loop3A_669, %parallel_loop3A_671 : vector<16xf32>
        %parallel_loop3A_673 = arith.constant 1.250000e-01 : f32
        %parallel_loop3A_674 = vector.broadcast %parallel_loop3A_673 : f32 to vector<16xf32>
        %parallel_loop3A_675 = arith.mulf %parallel_loop3A_672, %parallel_loop3A_674 : vector<16xf32>
        %parallel_loop3A_676 = arith.fptosi %parallel_loop3A_675 : vector<16xf32> to vector<16xi32>
        %parallel_loop3A_677 = arith.constant 1 : i32
        %parallel_loop3A_678 = arith.index_cast %parallel_loop3A_677 : i32 to index
        %parallel_loop3A_679 = arith.index_cast %parallel_loop3A_658 : i32 to index
        %parallel_loop3A_680 = arith.index_cast %parallel_loop3A_664 : i32 to index
        %parallel_loop3A_681 = tpu.vector_load %arg9[%parallel_loop3A_678, %parallel_loop3A_679, %parallel_loop3A_680] {strides = array<i32>} : memref<9x4x512xf32, #tpu.memory_space<vmem>>, vector<16xf32>,
        %parallel_loop3A_682 = arith.constant 2.550000e+02 : f32
        %parallel_loop3A_683 = vector.broadcast %parallel_loop3A_682 : f32 to vector<16xf32>
        %parallel_loop3A_684 = arith.mulf %parallel_loop3A_681, %parallel_loop3A_683 : vector<16xf32>
        %parallel_loop3A_685 = arith.constant 1.250000e-01 : f32
        %parallel_loop3A_686 = vector.broadcast %parallel_loop3A_685 : f32 to vector<16xf32>
        %parallel_loop3A_687 = arith.mulf %parallel_loop3A_684, %parallel_loop3A_686 : vector<16xf32>
        %parallel_loop3A_688 = arith.fptosi %parallel_loop3A_687 : vector<16xf32> to vector<16xi32>
        %parallel_loop3A_689 = arith.constant 2 : i32
        %parallel_loop3A_690 = arith.index_cast %parallel_loop3A_689 : i32 to index
        %parallel_loop3A_691 = arith.index_cast %parallel_loop3A_658 : i32 to index
        %parallel_loop3A_692 = arith.index_cast %parallel_loop3A_664 : i32 to index
        %parallel_loop3A_693 = tpu.vector_load %arg9[%parallel_loop3A_690, %parallel_loop3A_691, %parallel_loop3A_692] {strides = array<i32>} : memref<9x4x512xf32, #tpu.memory_space<vmem>>, vector<16xf32>,
        %parallel_loop3A_694 = arith.constant 2.550000e+02 : f32
        %parallel_loop3A_695 = vector.broadcast %parallel_loop3A_694 : f32 to vector<16xf32>
        %parallel_loop3A_696 = arith.mulf %parallel_loop3A_693, %parallel_loop3A_695 : vector<16xf32>
        %parallel_loop3A_697 = arith.constant 1.250000e-01 : f32
        %parallel_loop3A_698 = vector.broadcast %parallel_loop3A_697 : f32 to vector<16xf32>
        %parallel_loop3A_699 = arith.mulf %parallel_loop3A_696, %parallel_loop3A_698 : vector<16xf32>
        %parallel_loop3A_700 = arith.fptosi %parallel_loop3A_699 : vector<16xf32> to vector<16xi32>
        %parallel_loop3A_701 = arith.constant 1024 : i32
        %parallel_loop3A_702 = vector.broadcast %parallel_loop3A_701 : i32 to vector<16xi32>
        %parallel_loop3A_703 = arith.muli %parallel_loop3A_676, %parallel_loop3A_702 : vector<16xi32>
        %parallel_loop3A_704 = arith.constant 32 : i32
        %parallel_loop3A_705 = vector.broadcast %parallel_loop3A_704 : i32 to vector<16xi32>
        %parallel_loop3A_706 = arith.muli %parallel_loop3A_688, %parallel_loop3A_705 : vector<16xi32>
        %parallel_loop3A_707 = arith.addi %parallel_loop3A_703, %parallel_loop3A_706 : vector<16xi32>
        %parallel_loop3A_708 = arith.addi %parallel_loop3A_707, %parallel_loop3A_700 : vector<16xi32>
        %parallel_loop3A_709 = tpu.bitcast %parallel_loop3A_708 : vector<16xi32> -> vector<16xi32>
        %parallel_loop3A_710 = arith.constant 32767 : i32
        %parallel_loop3A_711 = vector.broadcast %parallel_loop3A_710 : i32 to vector<16xi32>
        %parallel_loop3A_712 = arith.minui %parallel_loop3A_709, %parallel_loop3A_711 : vector<16xi32>
        %parallel_loop3A_713 = tpu.bitcast %parallel_loop3A_712 : vector<16xi32> -> vector<16xi32>
        %parallel_loop3A_714 = tpu.vector_load_idx %arg7[%parallel_loop3A_713] : memref<32768xf32, #tpu.memory_space<vmem>>[vector<16xi32>], vector<16xf32>,
        %parallel_loop3A_715 = arith.constant 3 : i32
        %parallel_loop3A_716 = arith.index_cast %parallel_loop3A_715 : i32 to index
        %parallel_loop3A_717 = arith.index_cast %parallel_loop3A_658 : i32 to index
        %parallel_loop3A_718 = arith.index_cast %parallel_loop3A_664 : i32 to index
        %parallel_loop3A_719 = tpu.vector_load %arg9[%parallel_loop3A_716, %parallel_loop3A_717, %parallel_loop3A_718] {strides = array<i32>} : memref<9x4x512xf32, #tpu.memory_space<vmem>>, vector<16xf32>,
        %parallel_loop3A_720 = arith.constant 6 : i32
        %parallel_loop3A_721 = arith.index_cast %parallel_loop3A_720 : i32 to index
        %parallel_loop3A_722 = arith.index_cast %parallel_loop3A_658 : i32 to index
        %parallel_loop3A_723 = arith.index_cast %parallel_loop3A_664 : i32 to index
        %parallel_loop3A_724 = tpu.vector_load %arg9[%parallel_loop3A_721, %parallel_loop3A_722, %parallel_loop3A_723] {strides = array<i32>} : memref<9x4x512xf32, #tpu.memory_space<vmem>>, vector<16xf32>,
        %parallel_loop3A_725 = arith.subf %parallel_loop3A_719, %parallel_loop3A_724 : vector<16xf32>
        %parallel_loop3A_726 = math.absf %parallel_loop3A_725 : vector<16xf32>
        %parallel_loop3A_727 = arith.constant 4 : i32
        %parallel_loop3A_728 = arith.index_cast %parallel_loop3A_727 : i32 to index
        %parallel_loop3A_729 = arith.index_cast %parallel_loop3A_658 : i32 to index
        %parallel_loop3A_730 = arith.index_cast %parallel_loop3A_664 : i32 to index
        %parallel_loop3A_731 = tpu.vector_load %arg9[%parallel_loop3A_728, %parallel_loop3A_729, %parallel_loop3A_730] {strides = array<i32>} : memref<9x4x512xf32, #tpu.memory_space<vmem>>, vector<16xf32>,
        %parallel_loop3A_732 = arith.constant 7 : i32
        %parallel_loop3A_733 = arith.index_cast %parallel_loop3A_732 : i32 to index
        %parallel_loop3A_734 = arith.index_cast %parallel_loop3A_658 : i32 to index
        %parallel_loop3A_735 = arith.index_cast %parallel_loop3A_664 : i32 to index
        %parallel_loop3A_736 = tpu.vector_load %arg9[%parallel_loop3A_733, %parallel_loop3A_734, %parallel_loop3A_735] {strides = array<i32>} : memref<9x4x512xf32, #tpu.memory_space<vmem>>, vector<16xf32>,
        %parallel_loop3A_737 = arith.subf %parallel_loop3A_731, %parallel_loop3A_736 : vector<16xf32>
        %parallel_loop3A_738 = math.absf %parallel_loop3A_737 : vector<16xf32>
        %parallel_loop3A_739 = arith.addf %parallel_loop3A_726, %parallel_loop3A_738 : vector<16xf32>
        %parallel_loop3A_740 = arith.constant 5 : i32
        %parallel_loop3A_741 = arith.index_cast %parallel_loop3A_740 : i32 to index
        %parallel_loop3A_742 = arith.index_cast %parallel_loop3A_658 : i32 to index
        %parallel_loop3A_743 = arith.index_cast %parallel_loop3A_664 : i32 to index
        %parallel_loop3A_744 = tpu.vector_load %arg9[%parallel_loop3A_741, %parallel_loop3A_742, %parallel_loop3A_743] {strides = array<i32>} : memref<9x4x512xf32, #tpu.memory_space<vmem>>, vector<16xf32>,
        %parallel_loop3A_745 = arith.constant 8 : i32
        %parallel_loop3A_746 = arith.index_cast %parallel_loop3A_745 : i32 to index
        %parallel_loop3A_747 = arith.index_cast %parallel_loop3A_658 : i32 to index
        %parallel_loop3A_748 = arith.index_cast %parallel_loop3A_664 : i32 to index
        %parallel_loop3A_749 = tpu.vector_load %arg9[%parallel_loop3A_746, %parallel_loop3A_747, %parallel_loop3A_748] {strides = array<i32>} : memref<9x4x512xf32, #tpu.memory_space<vmem>>, vector<16xf32>,
        %parallel_loop3A_750 = arith.subf %parallel_loop3A_744, %parallel_loop3A_749 : vector<16xf32>
        %parallel_loop3A_751 = math.absf %parallel_loop3A_750 : vector<16xf32>
        %parallel_loop3A_752 = arith.addf %parallel_loop3A_739, %parallel_loop3A_751 : vector<16xf32>
        %parallel_loop3A_753 = arith.mulf %parallel_loop3A_714, %parallel_loop3A_752 : vector<16xf32>
        %parallel_loop3A_754 = arith.addf %parallel_loop3A_350, %parallel_loop3A_753 : vector<16xf32>
        %parallel_loop3A_755 = arith.addf %parallel_loop3A_351, %parallel_loop3A_714 : vector<16xf32>
        %parallel_loop3A_756 = arith.constant 5 : i32
        %parallel_loop3A_757 = arith.shrsi %parallel_loop3A_343, %parallel_loop3A_756 : i32
        %parallel_loop3A_758 = arith.constant 31 : i32
        %parallel_loop3A_759 = arith.andi %parallel_loop3A_343, %parallel_loop3A_758 : i32
        %parallel_loop3A_760 = arith.constant 4 : i32
        %parallel_loop3A_761 = arith.addi %parallel_loop3A_759, %parallel_loop3A_760 : i32
        %parallel_loop3A_762 = arith.constant 16 : i32
        %parallel_loop3A_763 = arith.muli %parallel_loop3A_761, %parallel_loop3A_762 : i32
        %parallel_loop3A_764 = arith.constant 0 : i32
        %parallel_loop3A_765 = arith.index_cast %parallel_loop3A_764 : i32 to index
        %parallel_loop3A_766 = arith.index_cast %parallel_loop3A_757 : i32 to index
        %parallel_loop3A_767 = arith.index_cast %parallel_loop3A_763 : i32 to index
        %parallel_loop3A_768 = tpu.vector_load %arg9[%parallel_loop3A_765, %parallel_loop3A_766, %parallel_loop3A_767] {strides = array<i32>} : memref<9x4x512xf32, #tpu.memory_space<vmem>>, vector<16xf32>,
        %parallel_loop3A_769 = arith.constant 2.550000e+02 : f32
        %parallel_loop3A_770 = vector.broadcast %parallel_loop3A_769 : f32 to vector<16xf32>
        %parallel_loop3A_771 = arith.mulf %parallel_loop3A_768, %parallel_loop3A_770 : vector<16xf32>
        %parallel_loop3A_772 = arith.constant 1.250000e-01 : f32
        %parallel_loop3A_773 = vector.broadcast %parallel_loop3A_772 : f32 to vector<16xf32>
        %parallel_loop3A_774 = arith.mulf %parallel_loop3A_771, %parallel_loop3A_773 : vector<16xf32>
        %parallel_loop3A_775 = arith.fptosi %parallel_loop3A_774 : vector<16xf32> to vector<16xi32>
        %parallel_loop3A_776 = arith.constant 1 : i32
        %parallel_loop3A_777 = arith.index_cast %parallel_loop3A_776 : i32 to index
        %parallel_loop3A_778 = arith.index_cast %parallel_loop3A_757 : i32 to index
        %parallel_loop3A_779 = arith.index_cast %parallel_loop3A_763 : i32 to index
        %parallel_loop3A_780 = tpu.vector_load %arg9[%parallel_loop3A_777, %parallel_loop3A_778, %parallel_loop3A_779] {strides = array<i32>} : memref<9x4x512xf32, #tpu.memory_space<vmem>>, vector<16xf32>,
        %parallel_loop3A_781 = arith.constant 2.550000e+02 : f32
        %parallel_loop3A_782 = vector.broadcast %parallel_loop3A_781 : f32 to vector<16xf32>
        %parallel_loop3A_783 = arith.mulf %parallel_loop3A_780, %parallel_loop3A_782 : vector<16xf32>
        %parallel_loop3A_784 = arith.constant 1.250000e-01 : f32
        %parallel_loop3A_785 = vector.broadcast %parallel_loop3A_784 : f32 to vector<16xf32>
        %parallel_loop3A_786 = arith.mulf %parallel_loop3A_783, %parallel_loop3A_785 : vector<16xf32>
        %parallel_loop3A_787 = arith.fptosi %parallel_loop3A_786 : vector<16xf32> to vector<16xi32>
        %parallel_loop3A_788 = arith.constant 2 : i32
        %parallel_loop3A_789 = arith.index_cast %parallel_loop3A_788 : i32 to index
        %parallel_loop3A_790 = arith.index_cast %parallel_loop3A_757 : i32 to index
        %parallel_loop3A_791 = arith.index_cast %parallel_loop3A_763 : i32 to index
        %parallel_loop3A_792 = tpu.vector_load %arg9[%parallel_loop3A_789, %parallel_loop3A_790, %parallel_loop3A_791] {strides = array<i32>} : memref<9x4x512xf32, #tpu.memory_space<vmem>>, vector<16xf32>,
        %parallel_loop3A_793 = arith.constant 2.550000e+02 : f32
        %parallel_loop3A_794 = vector.broadcast %parallel_loop3A_793 : f32 to vector<16xf32>
        %parallel_loop3A_795 = arith.mulf %parallel_loop3A_792, %parallel_loop3A_794 : vector<16xf32>
        %parallel_loop3A_796 = arith.constant 1.250000e-01 : f32
        %parallel_loop3A_797 = vector.broadcast %parallel_loop3A_796 : f32 to vector<16xf32>
        %parallel_loop3A_798 = arith.mulf %parallel_loop3A_795, %parallel_loop3A_797 : vector<16xf32>
        %parallel_loop3A_799 = arith.fptosi %parallel_loop3A_798 : vector<16xf32> to vector<16xi32>
        %parallel_loop3A_800 = arith.constant 1024 : i32
        %parallel_loop3A_801 = vector.broadcast %parallel_loop3A_800 : i32 to vector<16xi32>
        %parallel_loop3A_802 = arith.muli %parallel_loop3A_775, %parallel_loop3A_801 : vector<16xi32>
        %parallel_loop3A_803 = arith.constant 32 : i32
        %parallel_loop3A_804 = vector.broadcast %parallel_loop3A_803 : i32 to vector<16xi32>
        %parallel_loop3A_805 = arith.muli %parallel_loop3A_787, %parallel_loop3A_804 : vector<16xi32>
        %parallel_loop3A_806 = arith.addi %parallel_loop3A_802, %parallel_loop3A_805 : vector<16xi32>
        %parallel_loop3A_807 = arith.addi %parallel_loop3A_806, %parallel_loop3A_799 : vector<16xi32>
        %parallel_loop3A_808 = tpu.bitcast %parallel_loop3A_807 : vector<16xi32> -> vector<16xi32>
        %parallel_loop3A_809 = arith.constant 32767 : i32
        %parallel_loop3A_810 = vector.broadcast %parallel_loop3A_809 : i32 to vector<16xi32>
        %parallel_loop3A_811 = arith.minui %parallel_loop3A_808, %parallel_loop3A_810 : vector<16xi32>
        %parallel_loop3A_812 = tpu.bitcast %parallel_loop3A_811 : vector<16xi32> -> vector<16xi32>
        %parallel_loop3A_813 = tpu.vector_load_idx %arg7[%parallel_loop3A_812] : memref<32768xf32, #tpu.memory_space<vmem>>[vector<16xi32>], vector<16xf32>,
        %parallel_loop3A_814 = arith.constant 3 : i32
        %parallel_loop3A_815 = arith.index_cast %parallel_loop3A_814 : i32 to index
        %parallel_loop3A_816 = arith.index_cast %parallel_loop3A_757 : i32 to index
        %parallel_loop3A_817 = arith.index_cast %parallel_loop3A_763 : i32 to index
        %parallel_loop3A_818 = tpu.vector_load %arg9[%parallel_loop3A_815, %parallel_loop3A_816, %parallel_loop3A_817] {strides = array<i32>} : memref<9x4x512xf32, #tpu.memory_space<vmem>>, vector<16xf32>,
        %parallel_loop3A_819 = arith.constant 6 : i32
        %parallel_loop3A_820 = arith.index_cast %parallel_loop3A_819 : i32 to index
        %parallel_loop3A_821 = arith.index_cast %parallel_loop3A_757 : i32 to index
        %parallel_loop3A_822 = arith.index_cast %parallel_loop3A_763 : i32 to index
        %parallel_loop3A_823 = tpu.vector_load %arg9[%parallel_loop3A_820, %parallel_loop3A_821, %parallel_loop3A_822] {strides = array<i32>} : memref<9x4x512xf32, #tpu.memory_space<vmem>>, vector<16xf32>,
        %parallel_loop3A_824 = arith.subf %parallel_loop3A_818, %parallel_loop3A_823 : vector<16xf32>
        %parallel_loop3A_825 = math.absf %parallel_loop3A_824 : vector<16xf32>
        %parallel_loop3A_826 = arith.constant 4 : i32
        %parallel_loop3A_827 = arith.index_cast %parallel_loop3A_826 : i32 to index
        %parallel_loop3A_828 = arith.index_cast %parallel_loop3A_757 : i32 to index
        %parallel_loop3A_829 = arith.index_cast %parallel_loop3A_763 : i32 to index
        %parallel_loop3A_830 = tpu.vector_load %arg9[%parallel_loop3A_827, %parallel_loop3A_828, %parallel_loop3A_829] {strides = array<i32>} : memref<9x4x512xf32, #tpu.memory_space<vmem>>, vector<16xf32>,
        %parallel_loop3A_831 = arith.constant 7 : i32
        %parallel_loop3A_832 = arith.index_cast %parallel_loop3A_831 : i32 to index
        %parallel_loop3A_833 = arith.index_cast %parallel_loop3A_757 : i32 to index
        %parallel_loop3A_834 = arith.index_cast %parallel_loop3A_763 : i32 to index
        %parallel_loop3A_835 = tpu.vector_load %arg9[%parallel_loop3A_832, %parallel_loop3A_833, %parallel_loop3A_834] {strides = array<i32>} : memref<9x4x512xf32, #tpu.memory_space<vmem>>, vector<16xf32>,
        %parallel_loop3A_836 = arith.subf %parallel_loop3A_830, %parallel_loop3A_835 : vector<16xf32>
        %parallel_loop3A_837 = math.absf %parallel_loop3A_836 : vector<16xf32>
        %parallel_loop3A_838 = arith.addf %parallel_loop3A_825, %parallel_loop3A_837 : vector<16xf32>
        %parallel_loop3A_839 = arith.constant 5 : i32
        %parallel_loop3A_840 = arith.index_cast %parallel_loop3A_839 : i32 to index
        %parallel_loop3A_841 = arith.index_cast %parallel_loop3A_757 : i32 to index
        %parallel_loop3A_842 = arith.index_cast %parallel_loop3A_763 : i32 to index
        %parallel_loop3A_843 = tpu.vector_load %arg9[%parallel_loop3A_840, %parallel_loop3A_841, %parallel_loop3A_842] {strides = array<i32>} : memref<9x4x512xf32, #tpu.memory_space<vmem>>, vector<16xf32>,
        %parallel_loop3A_844 = arith.constant 8 : i32
        %parallel_loop3A_845 = arith.index_cast %parallel_loop3A_844 : i32 to index
        %parallel_loop3A_846 = arith.index_cast %parallel_loop3A_757 : i32 to index
        %parallel_loop3A_847 = arith.index_cast %parallel_loop3A_763 : i32 to index
        %parallel_loop3A_848 = tpu.vector_load %arg9[%parallel_loop3A_845, %parallel_loop3A_846, %parallel_loop3A_847] {strides = array<i32>} : memref<9x4x512xf32, #tpu.memory_space<vmem>>, vector<16xf32>,
        %parallel_loop3A_849 = arith.subf %parallel_loop3A_843, %parallel_loop3A_848 : vector<16xf32>
        %parallel_loop3A_850 = math.absf %parallel_loop3A_849 : vector<16xf32>
        %parallel_loop3A_851 = arith.addf %parallel_loop3A_838, %parallel_loop3A_850 : vector<16xf32>
        %parallel_loop3A_852 = arith.mulf %parallel_loop3A_813, %parallel_loop3A_851 : vector<16xf32>
        %parallel_loop3A_853 = arith.addf %parallel_loop3A_352, %parallel_loop3A_852 : vector<16xf32>
        %parallel_loop3A_854 = arith.addf %parallel_loop3A_353, %parallel_loop3A_813 : vector<16xf32>
        %parallel_loop3A_855 = arith.constant 5 : i32
        %parallel_loop3A_856 = arith.shrsi %parallel_loop3A_343, %parallel_loop3A_855 : i32
        %parallel_loop3A_857 = arith.constant 31 : i32
        %parallel_loop3A_858 = arith.andi %parallel_loop3A_343, %parallel_loop3A_857 : i32
        %parallel_loop3A_859 = arith.constant 5 : i32
        %parallel_loop3A_860 = arith.addi %parallel_loop3A_858, %parallel_loop3A_859 : i32
        %parallel_loop3A_861 = arith.constant 16 : i32
        %parallel_loop3A_862 = arith.muli %parallel_loop3A_860, %parallel_loop3A_861 : i32
        %parallel_loop3A_863 = arith.constant 0 : i32
        %parallel_loop3A_864 = arith.index_cast %parallel_loop3A_863 : i32 to index
        %parallel_loop3A_865 = arith.index_cast %parallel_loop3A_856 : i32 to index
        %parallel_loop3A_866 = arith.index_cast %parallel_loop3A_862 : i32 to index
        %parallel_loop3A_867 = tpu.vector_load %arg9[%parallel_loop3A_864, %parallel_loop3A_865, %parallel_loop3A_866] {strides = array<i32>} : memref<9x4x512xf32, #tpu.memory_space<vmem>>, vector<16xf32>,
        %parallel_loop3A_868 = arith.constant 2.550000e+02 : f32
        %parallel_loop3A_869 = vector.broadcast %parallel_loop3A_868 : f32 to vector<16xf32>
        %parallel_loop3A_870 = arith.mulf %parallel_loop3A_867, %parallel_loop3A_869 : vector<16xf32>
        %parallel_loop3A_871 = arith.constant 1.250000e-01 : f32
        %parallel_loop3A_872 = vector.broadcast %parallel_loop3A_871 : f32 to vector<16xf32>
        %parallel_loop3A_873 = arith.mulf %parallel_loop3A_870, %parallel_loop3A_872 : vector<16xf32>
        %parallel_loop3A_874 = arith.fptosi %parallel_loop3A_873 : vector<16xf32> to vector<16xi32>
        %parallel_loop3A_875 = arith.constant 1 : i32
        %parallel_loop3A_876 = arith.index_cast %parallel_loop3A_875 : i32 to index
        %parallel_loop3A_877 = arith.index_cast %parallel_loop3A_856 : i32 to index
        %parallel_loop3A_878 = arith.index_cast %parallel_loop3A_862 : i32 to index
        %parallel_loop3A_879 = tpu.vector_load %arg9[%parallel_loop3A_876, %parallel_loop3A_877, %parallel_loop3A_878] {strides = array<i32>} : memref<9x4x512xf32, #tpu.memory_space<vmem>>, vector<16xf32>,
        %parallel_loop3A_880 = arith.constant 2.550000e+02 : f32
        %parallel_loop3A_881 = vector.broadcast %parallel_loop3A_880 : f32 to vector<16xf32>
        %parallel_loop3A_882 = arith.mulf %parallel_loop3A_879, %parallel_loop3A_881 : vector<16xf32>
        %parallel_loop3A_883 = arith.constant 1.250000e-01 : f32
        %parallel_loop3A_884 = vector.broadcast %parallel_loop3A_883 : f32 to vector<16xf32>
        %parallel_loop3A_885 = arith.mulf %parallel_loop3A_882, %parallel_loop3A_884 : vector<16xf32>
        %parallel_loop3A_886 = arith.fptosi %parallel_loop3A_885 : vector<16xf32> to vector<16xi32>
        %parallel_loop3A_887 = arith.constant 2 : i32
        %parallel_loop3A_888 = arith.index_cast %parallel_loop3A_887 : i32 to index
        %parallel_loop3A_889 = arith.index_cast %parallel_loop3A_856 : i32 to index
        %parallel_loop3A_890 = arith.index_cast %parallel_loop3A_862 : i32 to index
        %parallel_loop3A_891 = tpu.vector_load %arg9[%parallel_loop3A_888, %parallel_loop3A_889, %parallel_loop3A_890] {strides = array<i32>} : memref<9x4x512xf32, #tpu.memory_space<vmem>>, vector<16xf32>,
        %parallel_loop3A_892 = arith.constant 2.550000e+02 : f32
        %parallel_loop3A_893 = vector.broadcast %parallel_loop3A_892 : f32 to vector<16xf32>
        %parallel_loop3A_894 = arith.mulf %parallel_loop3A_891, %parallel_loop3A_893 : vector<16xf32>
        %parallel_loop3A_895 = arith.constant 1.250000e-01 : f32
        %parallel_loop3A_896 = vector.broadcast %parallel_loop3A_895 : f32 to vector<16xf32>
        %parallel_loop3A_897 = arith.mulf %parallel_loop3A_894, %parallel_loop3A_896 : vector<16xf32>
        %parallel_loop3A_898 = arith.fptosi %parallel_loop3A_897 : vector<16xf32> to vector<16xi32>
        %parallel_loop3A_899 = arith.constant 1024 : i32
        %parallel_loop3A_900 = vector.broadcast %parallel_loop3A_899 : i32 to vector<16xi32>
        %parallel_loop3A_901 = arith.muli %parallel_loop3A_874, %parallel_loop3A_900 : vector<16xi32>
        %parallel_loop3A_902 = arith.constant 32 : i32
        %parallel_loop3A_903 = vector.broadcast %parallel_loop3A_902 : i32 to vector<16xi32>
        %parallel_loop3A_904 = arith.muli %parallel_loop3A_886, %parallel_loop3A_903 : vector<16xi32>
        %parallel_loop3A_905 = arith.addi %parallel_loop3A_901, %parallel_loop3A_904 : vector<16xi32>
        %parallel_loop3A_906 = arith.addi %parallel_loop3A_905, %parallel_loop3A_898 : vector<16xi32>
        %parallel_loop3A_907 = tpu.bitcast %parallel_loop3A_906 : vector<16xi32> -> vector<16xi32>
        %parallel_loop3A_908 = arith.constant 32767 : i32
        %parallel_loop3A_909 = vector.broadcast %parallel_loop3A_908 : i32 to vector<16xi32>
        %parallel_loop3A_910 = arith.minui %parallel_loop3A_907, %parallel_loop3A_909 : vector<16xi32>
        %parallel_loop3A_911 = tpu.bitcast %parallel_loop3A_910 : vector<16xi32> -> vector<16xi32>
        %parallel_loop3A_912 = tpu.vector_load_idx %arg7[%parallel_loop3A_911] : memref<32768xf32, #tpu.memory_space<vmem>>[vector<16xi32>], vector<16xf32>,
        %parallel_loop3A_913 = arith.constant 3 : i32
        %parallel_loop3A_914 = arith.index_cast %parallel_loop3A_913 : i32 to index
        %parallel_loop3A_915 = arith.index_cast %parallel_loop3A_856 : i32 to index
        %parallel_loop3A_916 = arith.index_cast %parallel_loop3A_862 : i32 to index
        %parallel_loop3A_917 = tpu.vector_load %arg9[%parallel_loop3A_914, %parallel_loop3A_915, %parallel_loop3A_916] {strides = array<i32>} : memref<9x4x512xf32, #tpu.memory_space<vmem>>, vector<16xf32>,
        %parallel_loop3A_918 = arith.constant 6 : i32
        %parallel_loop3A_919 = arith.index_cast %parallel_loop3A_918 : i32 to index
        %parallel_loop3A_920 = arith.index_cast %parallel_loop3A_856 : i32 to index
        %parallel_loop3A_921 = arith.index_cast %parallel_loop3A_862 : i32 to index
        %parallel_loop3A_922 = tpu.vector_load %arg9[%parallel_loop3A_919, %parallel_loop3A_920, %parallel_loop3A_921] {strides = array<i32>} : memref<9x4x512xf32, #tpu.memory_space<vmem>>, vector<16xf32>,
        %parallel_loop3A_923 = arith.subf %parallel_loop3A_917, %parallel_loop3A_922 : vector<16xf32>
        %parallel_loop3A_924 = math.absf %parallel_loop3A_923 : vector<16xf32>
        %parallel_loop3A_925 = arith.constant 4 : i32
        %parallel_loop3A_926 = arith.index_cast %parallel_loop3A_925 : i32 to index
        %parallel_loop3A_927 = arith.index_cast %parallel_loop3A_856 : i32 to index
        %parallel_loop3A_928 = arith.index_cast %parallel_loop3A_862 : i32 to index
        %parallel_loop3A_929 = tpu.vector_load %arg9[%parallel_loop3A_926, %parallel_loop3A_927, %parallel_loop3A_928] {strides = array<i32>} : memref<9x4x512xf32, #tpu.memory_space<vmem>>, vector<16xf32>,
        %parallel_loop3A_930 = arith.constant 7 : i32
        %parallel_loop3A_931 = arith.index_cast %parallel_loop3A_930 : i32 to index
        %parallel_loop3A_932 = arith.index_cast %parallel_loop3A_856 : i32 to index
        %parallel_loop3A_933 = arith.index_cast %parallel_loop3A_862 : i32 to index
        %parallel_loop3A_934 = tpu.vector_load %arg9[%parallel_loop3A_931, %parallel_loop3A_932, %parallel_loop3A_933] {strides = array<i32>} : memref<9x4x512xf32, #tpu.memory_space<vmem>>, vector<16xf32>,
        %parallel_loop3A_935 = arith.subf %parallel_loop3A_929, %parallel_loop3A_934 : vector<16xf32>
        %parallel_loop3A_936 = math.absf %parallel_loop3A_935 : vector<16xf32>
        %parallel_loop3A_937 = arith.addf %parallel_loop3A_924, %parallel_loop3A_936 : vector<16xf32>
        %parallel_loop3A_938 = arith.constant 5 : i32
        %parallel_loop3A_939 = arith.index_cast %parallel_loop3A_938 : i32 to index
        %parallel_loop3A_940 = arith.index_cast %parallel_loop3A_856 : i32 to index
        %parallel_loop3A_941 = arith.index_cast %parallel_loop3A_862 : i32 to index
        %parallel_loop3A_942 = tpu.vector_load %arg9[%parallel_loop3A_939, %parallel_loop3A_940, %parallel_loop3A_941] {strides = array<i32>} : memref<9x4x512xf32, #tpu.memory_space<vmem>>, vector<16xf32>,
        %parallel_loop3A_943 = arith.constant 8 : i32
        %parallel_loop3A_944 = arith.index_cast %parallel_loop3A_943 : i32 to index
        %parallel_loop3A_945 = arith.index_cast %parallel_loop3A_856 : i32 to index
        %parallel_loop3A_946 = arith.index_cast %parallel_loop3A_862 : i32 to index
        %parallel_loop3A_947 = tpu.vector_load %arg9[%parallel_loop3A_944, %parallel_loop3A_945, %parallel_loop3A_946] {strides = array<i32>} : memref<9x4x512xf32, #tpu.memory_space<vmem>>, vector<16xf32>,
        %parallel_loop3A_948 = arith.subf %parallel_loop3A_942, %parallel_loop3A_947 : vector<16xf32>
        %parallel_loop3A_949 = math.absf %parallel_loop3A_948 : vector<16xf32>
        %parallel_loop3A_950 = arith.addf %parallel_loop3A_937, %parallel_loop3A_949 : vector<16xf32>
        %parallel_loop3A_951 = arith.mulf %parallel_loop3A_912, %parallel_loop3A_950 : vector<16xf32>
        %parallel_loop3A_952 = arith.addf %parallel_loop3A_354, %parallel_loop3A_951 : vector<16xf32>
        %parallel_loop3A_953 = arith.addf %parallel_loop3A_355, %parallel_loop3A_912 : vector<16xf32>
        %parallel_loop3A_954 = arith.constant 5 : i32
        %parallel_loop3A_955 = arith.shrsi %parallel_loop3A_343, %parallel_loop3A_954 : i32
        %parallel_loop3A_956 = arith.constant 31 : i32
        %parallel_loop3A_957 = arith.andi %parallel_loop3A_343, %parallel_loop3A_956 : i32
        %parallel_loop3A_958 = arith.constant 6 : i32
        %parallel_loop3A_959 = arith.addi %parallel_loop3A_957, %parallel_loop3A_958 : i32
        %parallel_loop3A_960 = arith.constant 16 : i32
        %parallel_loop3A_961 = arith.muli %parallel_loop3A_959, %parallel_loop3A_960 : i32
        %parallel_loop3A_962 = arith.constant 0 : i32
        %parallel_loop3A_963 = arith.index_cast %parallel_loop3A_962 : i32 to index
        %parallel_loop3A_964 = arith.index_cast %parallel_loop3A_955 : i32 to index
        %parallel_loop3A_965 = arith.index_cast %parallel_loop3A_961 : i32 to index
        %parallel_loop3A_966 = tpu.vector_load %arg9[%parallel_loop3A_963, %parallel_loop3A_964, %parallel_loop3A_965] {strides = array<i32>} : memref<9x4x512xf32, #tpu.memory_space<vmem>>, vector<16xf32>,
        %parallel_loop3A_967 = arith.constant 2.550000e+02 : f32
        %parallel_loop3A_968 = vector.broadcast %parallel_loop3A_967 : f32 to vector<16xf32>
        %parallel_loop3A_969 = arith.mulf %parallel_loop3A_966, %parallel_loop3A_968 : vector<16xf32>
        %parallel_loop3A_970 = arith.constant 1.250000e-01 : f32
        %parallel_loop3A_971 = vector.broadcast %parallel_loop3A_970 : f32 to vector<16xf32>
        %parallel_loop3A_972 = arith.mulf %parallel_loop3A_969, %parallel_loop3A_971 : vector<16xf32>
        %parallel_loop3A_973 = arith.fptosi %parallel_loop3A_972 : vector<16xf32> to vector<16xi32>
        %parallel_loop3A_974 = arith.constant 1 : i32
        %parallel_loop3A_975 = arith.index_cast %parallel_loop3A_974 : i32 to index
        %parallel_loop3A_976 = arith.index_cast %parallel_loop3A_955 : i32 to index
        %parallel_loop3A_977 = arith.index_cast %parallel_loop3A_961 : i32 to index
        %parallel_loop3A_978 = tpu.vector_load %arg9[%parallel_loop3A_975, %parallel_loop3A_976, %parallel_loop3A_977] {strides = array<i32>} : memref<9x4x512xf32, #tpu.memory_space<vmem>>, vector<16xf32>,
        %parallel_loop3A_979 = arith.constant 2.550000e+02 : f32
        %parallel_loop3A_980 = vector.broadcast %parallel_loop3A_979 : f32 to vector<16xf32>
        %parallel_loop3A_981 = arith.mulf %parallel_loop3A_978, %parallel_loop3A_980 : vector<16xf32>
        %parallel_loop3A_982 = arith.constant 1.250000e-01 : f32
        %parallel_loop3A_983 = vector.broadcast %parallel_loop3A_982 : f32 to vector<16xf32>
        %parallel_loop3A_984 = arith.mulf %parallel_loop3A_981, %parallel_loop3A_983 : vector<16xf32>
        %parallel_loop3A_985 = arith.fptosi %parallel_loop3A_984 : vector<16xf32> to vector<16xi32>
        %parallel_loop3A_986 = arith.constant 2 : i32
        %parallel_loop3A_987 = arith.index_cast %parallel_loop3A_986 : i32 to index
        %parallel_loop3A_988 = arith.index_cast %parallel_loop3A_955 : i32 to index
        %parallel_loop3A_989 = arith.index_cast %parallel_loop3A_961 : i32 to index
        %parallel_loop3A_990 = tpu.vector_load %arg9[%parallel_loop3A_987, %parallel_loop3A_988, %parallel_loop3A_989] {strides = array<i32>} : memref<9x4x512xf32, #tpu.memory_space<vmem>>, vector<16xf32>,
        %parallel_loop3A_991 = arith.constant 2.550000e+02 : f32
        %parallel_loop3A_992 = vector.broadcast %parallel_loop3A_991 : f32 to vector<16xf32>
        %parallel_loop3A_993 = arith.mulf %parallel_loop3A_990, %parallel_loop3A_992 : vector<16xf32>
        %parallel_loop3A_994 = arith.constant 1.250000e-01 : f32
        %parallel_loop3A_995 = vector.broadcast %parallel_loop3A_994 : f32 to vector<16xf32>
        %parallel_loop3A_996 = arith.mulf %parallel_loop3A_993, %parallel_loop3A_995 : vector<16xf32>
        %parallel_loop3A_997 = arith.fptosi %parallel_loop3A_996 : vector<16xf32> to vector<16xi32>
        %parallel_loop3A_998 = arith.constant 1024 : i32
        %parallel_loop3A_999 = vector.broadcast %parallel_loop3A_998 : i32 to vector<16xi32>
        %parallel_loop3A_1000 = arith.muli %parallel_loop3A_973, %parallel_loop3A_999 : vector<16xi32>
        %parallel_loop3A_1001 = arith.constant 32 : i32
        %parallel_loop3A_1002 = vector.broadcast %parallel_loop3A_1001 : i32 to vector<16xi32>
        %parallel_loop3A_1003 = arith.muli %parallel_loop3A_985, %parallel_loop3A_1002 : vector<16xi32>
        %parallel_loop3A_1004 = arith.addi %parallel_loop3A_1000, %parallel_loop3A_1003 : vector<16xi32>
        %parallel_loop3A_1005 = arith.addi %parallel_loop3A_1004, %parallel_loop3A_997 : vector<16xi32>
        %parallel_loop3A_1006 = tpu.bitcast %parallel_loop3A_1005 : vector<16xi32> -> vector<16xi32>
        %parallel_loop3A_1007 = arith.constant 32767 : i32
        %parallel_loop3A_1008 = vector.broadcast %parallel_loop3A_1007 : i32 to vector<16xi32>
        %parallel_loop3A_1009 = arith.minui %parallel_loop3A_1006, %parallel_loop3A_1008 : vector<16xi32>
        %parallel_loop3A_1010 = tpu.bitcast %parallel_loop3A_1009 : vector<16xi32> -> vector<16xi32>
        %parallel_loop3A_1011 = tpu.vector_load_idx %arg7[%parallel_loop3A_1010] : memref<32768xf32, #tpu.memory_space<vmem>>[vector<16xi32>], vector<16xf32>,
        %parallel_loop3A_1012 = arith.constant 3 : i32
        %parallel_loop3A_1013 = arith.index_cast %parallel_loop3A_1012 : i32 to index
        %parallel_loop3A_1014 = arith.index_cast %parallel_loop3A_955 : i32 to index
        %parallel_loop3A_1015 = arith.index_cast %parallel_loop3A_961 : i32 to index
        %parallel_loop3A_1016 = tpu.vector_load %arg9[%parallel_loop3A_1013, %parallel_loop3A_1014, %parallel_loop3A_1015] {strides = array<i32>} : memref<9x4x512xf32, #tpu.memory_space<vmem>>, vector<16xf32>,
        %parallel_loop3A_1017 = arith.constant 6 : i32
        %parallel_loop3A_1018 = arith.index_cast %parallel_loop3A_1017 : i32 to index
        %parallel_loop3A_1019 = arith.index_cast %parallel_loop3A_955 : i32 to index
        %parallel_loop3A_1020 = arith.index_cast %parallel_loop3A_961 : i32 to index
        %parallel_loop3A_1021 = tpu.vector_load %arg9[%parallel_loop3A_1018, %parallel_loop3A_1019, %parallel_loop3A_1020] {strides = array<i32>} : memref<9x4x512xf32, #tpu.memory_space<vmem>>, vector<16xf32>,
        %parallel_loop3A_1022 = arith.subf %parallel_loop3A_1016, %parallel_loop3A_1021 : vector<16xf32>
        %parallel_loop3A_1023 = math.absf %parallel_loop3A_1022 : vector<16xf32>
        %parallel_loop3A_1024 = arith.constant 4 : i32
        %parallel_loop3A_1025 = arith.index_cast %parallel_loop3A_1024 : i32 to index
        %parallel_loop3A_1026 = arith.index_cast %parallel_loop3A_955 : i32 to index
        %parallel_loop3A_1027 = arith.index_cast %parallel_loop3A_961 : i32 to index
        %parallel_loop3A_1028 = tpu.vector_load %arg9[%parallel_loop3A_1025, %parallel_loop3A_1026, %parallel_loop3A_1027] {strides = array<i32>} : memref<9x4x512xf32, #tpu.memory_space<vmem>>, vector<16xf32>,
        %parallel_loop3A_1029 = arith.constant 7 : i32
        %parallel_loop3A_1030 = arith.index_cast %parallel_loop3A_1029 : i32 to index
        %parallel_loop3A_1031 = arith.index_cast %parallel_loop3A_955 : i32 to index
        %parallel_loop3A_1032 = arith.index_cast %parallel_loop3A_961 : i32 to index
        %parallel_loop3A_1033 = tpu.vector_load %arg9[%parallel_loop3A_1030, %parallel_loop3A_1031, %parallel_loop3A_1032] {strides = array<i32>} : memref<9x4x512xf32, #tpu.memory_space<vmem>>, vector<16xf32>,
        %parallel_loop3A_1034 = arith.subf %parallel_loop3A_1028, %parallel_loop3A_1033 : vector<16xf32>
        %parallel_loop3A_1035 = math.absf %parallel_loop3A_1034 : vector<16xf32>
        %parallel_loop3A_1036 = arith.addf %parallel_loop3A_1023, %parallel_loop3A_1035 : vector<16xf32>
        %parallel_loop3A_1037 = arith.constant 5 : i32
        %parallel_loop3A_1038 = arith.index_cast %parallel_loop3A_1037 : i32 to index
        %parallel_loop3A_1039 = arith.index_cast %parallel_loop3A_955 : i32 to index
        %parallel_loop3A_1040 = arith.index_cast %parallel_loop3A_961 : i32 to index
        %parallel_loop3A_1041 = tpu.vector_load %arg9[%parallel_loop3A_1038, %parallel_loop3A_1039, %parallel_loop3A_1040] {strides = array<i32>} : memref<9x4x512xf32, #tpu.memory_space<vmem>>, vector<16xf32>,
        %parallel_loop3A_1042 = arith.constant 8 : i32
        %parallel_loop3A_1043 = arith.index_cast %parallel_loop3A_1042 : i32 to index
        %parallel_loop3A_1044 = arith.index_cast %parallel_loop3A_955 : i32 to index
        %parallel_loop3A_1045 = arith.index_cast %parallel_loop3A_961 : i32 to index
        %parallel_loop3A_1046 = tpu.vector_load %arg9[%parallel_loop3A_1043, %parallel_loop3A_1044, %parallel_loop3A_1045] {strides = array<i32>} : memref<9x4x512xf32, #tpu.memory_space<vmem>>, vector<16xf32>,
        %parallel_loop3A_1047 = arith.subf %parallel_loop3A_1041, %parallel_loop3A_1046 : vector<16xf32>
        %parallel_loop3A_1048 = math.absf %parallel_loop3A_1047 : vector<16xf32>
        %parallel_loop3A_1049 = arith.addf %parallel_loop3A_1036, %parallel_loop3A_1048 : vector<16xf32>
        %parallel_loop3A_1050 = arith.mulf %parallel_loop3A_1011, %parallel_loop3A_1049 : vector<16xf32>
        %parallel_loop3A_1051 = arith.addf %parallel_loop3A_356, %parallel_loop3A_1050 : vector<16xf32>
        %parallel_loop3A_1052 = arith.addf %parallel_loop3A_357, %parallel_loop3A_1011 : vector<16xf32>
        %parallel_loop3A_1053 = arith.constant 5 : i32
        %parallel_loop3A_1054 = arith.shrsi %parallel_loop3A_343, %parallel_loop3A_1053 : i32
        %parallel_loop3A_1055 = arith.constant 31 : i32
        %parallel_loop3A_1056 = arith.andi %parallel_loop3A_343, %parallel_loop3A_1055 : i32
        %parallel_loop3A_1057 = arith.constant 7 : i32
        %parallel_loop3A_1058 = arith.addi %parallel_loop3A_1056, %parallel_loop3A_1057 : i32
        %parallel_loop3A_1059 = arith.constant 16 : i32
        %parallel_loop3A_1060 = arith.muli %parallel_loop3A_1058, %parallel_loop3A_1059 : i32
        %parallel_loop3A_1061 = arith.constant 0 : i32
        %parallel_loop3A_1062 = arith.index_cast %parallel_loop3A_1061 : i32 to index
        %parallel_loop3A_1063 = arith.index_cast %parallel_loop3A_1054 : i32 to index
        %parallel_loop3A_1064 = arith.index_cast %parallel_loop3A_1060 : i32 to index
        %parallel_loop3A_1065 = tpu.vector_load %arg9[%parallel_loop3A_1062, %parallel_loop3A_1063, %parallel_loop3A_1064] {strides = array<i32>} : memref<9x4x512xf32, #tpu.memory_space<vmem>>, vector<16xf32>,
        %parallel_loop3A_1066 = arith.constant 2.550000e+02 : f32
        %parallel_loop3A_1067 = vector.broadcast %parallel_loop3A_1066 : f32 to vector<16xf32>
        %parallel_loop3A_1068 = arith.mulf %parallel_loop3A_1065, %parallel_loop3A_1067 : vector<16xf32>
        %parallel_loop3A_1069 = arith.constant 1.250000e-01 : f32
        %parallel_loop3A_1070 = vector.broadcast %parallel_loop3A_1069 : f32 to vector<16xf32>
        %parallel_loop3A_1071 = arith.mulf %parallel_loop3A_1068, %parallel_loop3A_1070 : vector<16xf32>
        %parallel_loop3A_1072 = arith.fptosi %parallel_loop3A_1071 : vector<16xf32> to vector<16xi32>
        %parallel_loop3A_1073 = arith.constant 1 : i32
        %parallel_loop3A_1074 = arith.index_cast %parallel_loop3A_1073 : i32 to index
        %parallel_loop3A_1075 = arith.index_cast %parallel_loop3A_1054 : i32 to index
        %parallel_loop3A_1076 = arith.index_cast %parallel_loop3A_1060 : i32 to index
        %parallel_loop3A_1077 = tpu.vector_load %arg9[%parallel_loop3A_1074, %parallel_loop3A_1075, %parallel_loop3A_1076] {strides = array<i32>} : memref<9x4x512xf32, #tpu.memory_space<vmem>>, vector<16xf32>,
        %parallel_loop3A_1078 = arith.constant 2.550000e+02 : f32
        %parallel_loop3A_1079 = vector.broadcast %parallel_loop3A_1078 : f32 to vector<16xf32>
        %parallel_loop3A_1080 = arith.mulf %parallel_loop3A_1077, %parallel_loop3A_1079 : vector<16xf32>
        %parallel_loop3A_1081 = arith.constant 1.250000e-01 : f32
        %parallel_loop3A_1082 = vector.broadcast %parallel_loop3A_1081 : f32 to vector<16xf32>
        %parallel_loop3A_1083 = arith.mulf %parallel_loop3A_1080, %parallel_loop3A_1082 : vector<16xf32>
        %parallel_loop3A_1084 = arith.fptosi %parallel_loop3A_1083 : vector<16xf32> to vector<16xi32>
        %parallel_loop3A_1085 = arith.constant 2 : i32
        %parallel_loop3A_1086 = arith.index_cast %parallel_loop3A_1085 : i32 to index
        %parallel_loop3A_1087 = arith.index_cast %parallel_loop3A_1054 : i32 to index
        %parallel_loop3A_1088 = arith.index_cast %parallel_loop3A_1060 : i32 to index
        %parallel_loop3A_1089 = tpu.vector_load %arg9[%parallel_loop3A_1086, %parallel_loop3A_1087, %parallel_loop3A_1088] {strides = array<i32>} : memref<9x4x512xf32, #tpu.memory_space<vmem>>, vector<16xf32>,
        %parallel_loop3A_1090 = arith.constant 2.550000e+02 : f32
        %parallel_loop3A_1091 = vector.broadcast %parallel_loop3A_1090 : f32 to vector<16xf32>
        %parallel_loop3A_1092 = arith.mulf %parallel_loop3A_1089, %parallel_loop3A_1091 : vector<16xf32>
        %parallel_loop3A_1093 = arith.constant 1.250000e-01 : f32
        %parallel_loop3A_1094 = vector.broadcast %parallel_loop3A_1093 : f32 to vector<16xf32>
        %parallel_loop3A_1095 = arith.mulf %parallel_loop3A_1092, %parallel_loop3A_1094 : vector<16xf32>
        %parallel_loop3A_1096 = arith.fptosi %parallel_loop3A_1095 : vector<16xf32> to vector<16xi32>
        %parallel_loop3A_1097 = arith.constant 1024 : i32
        %parallel_loop3A_1098 = vector.broadcast %parallel_loop3A_1097 : i32 to vector<16xi32>
        %parallel_loop3A_1099 = arith.muli %parallel_loop3A_1072, %parallel_loop3A_1098 : vector<16xi32>
        %parallel_loop3A_1100 = arith.constant 32 : i32
        %parallel_loop3A_1101 = vector.broadcast %parallel_loop3A_1100 : i32 to vector<16xi32>
        %parallel_loop3A_1102 = arith.muli %parallel_loop3A_1084, %parallel_loop3A_1101 : vector<16xi32>
        %parallel_loop3A_1103 = arith.addi %parallel_loop3A_1099, %parallel_loop3A_1102 : vector<16xi32>
        %parallel_loop3A_1104 = arith.addi %parallel_loop3A_1103, %parallel_loop3A_1096 : vector<16xi32>
        %parallel_loop3A_1105 = tpu.bitcast %parallel_loop3A_1104 : vector<16xi32> -> vector<16xi32>
        %parallel_loop3A_1106 = arith.constant 32767 : i32
        %parallel_loop3A_1107 = vector.broadcast %parallel_loop3A_1106 : i32 to vector<16xi32>
        %parallel_loop3A_1108 = arith.minui %parallel_loop3A_1105, %parallel_loop3A_1107 : vector<16xi32>
        %parallel_loop3A_1109 = tpu.bitcast %parallel_loop3A_1108 : vector<16xi32> -> vector<16xi32>
        %parallel_loop3A_1110 = tpu.vector_load_idx %arg7[%parallel_loop3A_1109] : memref<32768xf32, #tpu.memory_space<vmem>>[vector<16xi32>], vector<16xf32>,
        %parallel_loop3A_1111 = arith.constant 3 : i32
        %parallel_loop3A_1112 = arith.index_cast %parallel_loop3A_1111 : i32 to index
        %parallel_loop3A_1113 = arith.index_cast %parallel_loop3A_1054 : i32 to index
        %parallel_loop3A_1114 = arith.index_cast %parallel_loop3A_1060 : i32 to index
        %parallel_loop3A_1115 = tpu.vector_load %arg9[%parallel_loop3A_1112, %parallel_loop3A_1113, %parallel_loop3A_1114] {strides = array<i32>} : memref<9x4x512xf32, #tpu.memory_space<vmem>>, vector<16xf32>,
        %parallel_loop3A_1116 = arith.constant 6 : i32
        %parallel_loop3A_1117 = arith.index_cast %parallel_loop3A_1116 : i32 to index
        %parallel_loop3A_1118 = arith.index_cast %parallel_loop3A_1054 : i32 to index
        %parallel_loop3A_1119 = arith.index_cast %parallel_loop3A_1060 : i32 to index
        %parallel_loop3A_1120 = tpu.vector_load %arg9[%parallel_loop3A_1117, %parallel_loop3A_1118, %parallel_loop3A_1119] {strides = array<i32>} : memref<9x4x512xf32, #tpu.memory_space<vmem>>, vector<16xf32>,
        %parallel_loop3A_1121 = arith.subf %parallel_loop3A_1115, %parallel_loop3A_1120 : vector<16xf32>
        %parallel_loop3A_1122 = math.absf %parallel_loop3A_1121 : vector<16xf32>
        %parallel_loop3A_1123 = arith.constant 4 : i32
        %parallel_loop3A_1124 = arith.index_cast %parallel_loop3A_1123 : i32 to index
        %parallel_loop3A_1125 = arith.index_cast %parallel_loop3A_1054 : i32 to index
        %parallel_loop3A_1126 = arith.index_cast %parallel_loop3A_1060 : i32 to index
        %parallel_loop3A_1127 = tpu.vector_load %arg9[%parallel_loop3A_1124, %parallel_loop3A_1125, %parallel_loop3A_1126] {strides = array<i32>} : memref<9x4x512xf32, #tpu.memory_space<vmem>>, vector<16xf32>,
        %parallel_loop3A_1128 = arith.constant 7 : i32
        %parallel_loop3A_1129 = arith.index_cast %parallel_loop3A_1128 : i32 to index
        %parallel_loop3A_1130 = arith.index_cast %parallel_loop3A_1054 : i32 to index
        %parallel_loop3A_1131 = arith.index_cast %parallel_loop3A_1060 : i32 to index
        %parallel_loop3A_1132 = tpu.vector_load %arg9[%parallel_loop3A_1129, %parallel_loop3A_1130, %parallel_loop3A_1131] {strides = array<i32>} : memref<9x4x512xf32, #tpu.memory_space<vmem>>, vector<16xf32>,
        %parallel_loop3A_1133 = arith.subf %parallel_loop3A_1127, %parallel_loop3A_1132 : vector<16xf32>
        %parallel_loop3A_1134 = math.absf %parallel_loop3A_1133 : vector<16xf32>
        %parallel_loop3A_1135 = arith.addf %parallel_loop3A_1122, %parallel_loop3A_1134 : vector<16xf32>
        %parallel_loop3A_1136 = arith.constant 5 : i32
        %parallel_loop3A_1137 = arith.index_cast %parallel_loop3A_1136 : i32 to index
        %parallel_loop3A_1138 = arith.index_cast %parallel_loop3A_1054 : i32 to index
        %parallel_loop3A_1139 = arith.index_cast %parallel_loop3A_1060 : i32 to index
        %parallel_loop3A_1140 = tpu.vector_load %arg9[%parallel_loop3A_1137, %parallel_loop3A_1138, %parallel_loop3A_1139] {strides = array<i32>} : memref<9x4x512xf32, #tpu.memory_space<vmem>>, vector<16xf32>,
        %parallel_loop3A_1141 = arith.constant 8 : i32
        %parallel_loop3A_1142 = arith.index_cast %parallel_loop3A_1141 : i32 to index
        %parallel_loop3A_1143 = arith.index_cast %parallel_loop3A_1054 : i32 to index
        %parallel_loop3A_1144 = arith.index_cast %parallel_loop3A_1060 : i32 to index
        %parallel_loop3A_1145 = tpu.vector_load %arg9[%parallel_loop3A_1142, %parallel_loop3A_1143, %parallel_loop3A_1144] {strides = array<i32>} : memref<9x4x512xf32, #tpu.memory_space<vmem>>, vector<16xf32>,
        %parallel_loop3A_1146 = arith.subf %parallel_loop3A_1140, %parallel_loop3A_1145 : vector<16xf32>
        %parallel_loop3A_1147 = math.absf %parallel_loop3A_1146 : vector<16xf32>
        %parallel_loop3A_1148 = arith.addf %parallel_loop3A_1135, %parallel_loop3A_1147 : vector<16xf32>
        %parallel_loop3A_1149 = arith.mulf %parallel_loop3A_1110, %parallel_loop3A_1148 : vector<16xf32>
        %parallel_loop3A_1150 = arith.addf %parallel_loop3A_358, %parallel_loop3A_1149 : vector<16xf32>
        %parallel_loop3A_1151 = arith.addf %parallel_loop3A_359, %parallel_loop3A_1110 : vector<16xf32>
        scf.yield %parallel_loop3A_457, %parallel_loop3A_458, %parallel_loop3A_556, %parallel_loop3A_557, %parallel_loop3A_655, %parallel_loop3A_656, %parallel_loop3A_754, %parallel_loop3A_755, %parallel_loop3A_853, %parallel_loop3A_854, %parallel_loop3A_952, %parallel_loop3A_953, %parallel_loop3A_1051, %parallel_loop3A_1052, %parallel_loop3A_1150, %parallel_loop3A_1151 : vector<16xf32>, vector<16xf32>, vector<16xf32>, vector<16xf32>, vector<16xf32>, vector<16xf32>, vector<16xf32>, vector<16xf32>, vector<16xf32>, vector<16xf32>, vector<16xf32>, vector<16xf32>, vector<16xf32>, vector<16xf32>, vector<16xf32>, vector<16xf32>
      } {sc.loop_unroll_factor = 1 : i64, sc.parallel_access}
      %mul3A_286 = arith.constant 4 : i32
      %mul3A_287 = arith.muli %mul3A_286, %scan3A_238 : i32
      %add3A_288 = arith.constant 1 : i32
      %add3A_289 = arith.addi %mul3A_287, %add3A_288 : i32
      %add3A_290 = arith.constant 4 : i32
      %add3A_291 = arith.addi %add3A_289, %add3A_290 : i32
      %lt3A_292 = arith.constant 64 : i32
      %lt3A_293 = arith.cmpi slt, %add3A_291, %lt3A_292 : i32
      %convert_element_type3A_294 = arith.extui %lt3A_293 : i1 to i32
      %cond3A_295 = arith.constant 0 : i32
      %cond3A_296 = arith.cmpi ne, %convert_element_type3A_294, %cond3A_295 : i32
      scf.if %cond3A_296 {
        %mul3A_343 = arith.constant 4 : i32
        %mul3A_344 = arith.muli %mul3A_343, %scan3A_238 : i32
        %add3A_345 = arith.constant 1 : i32
        %add3A_346 = arith.addi %mul3A_344, %add3A_345 : i32
        %add3A_347 = arith.constant 4 : i32
        %add3A_348 = arith.addi %add3A_346, %add3A_347 : i32
        %mul3A_349 = arith.constant 4 : i32
        %mul3A_350 = arith.muli %add3A_348, %mul3A_349 : i32
        %add3A_351 = arith.addi %mul3A_32, %mul3A_350 : i32
        %mul3A_352 = arith.constant 3 : i32
        %mul3A_353 = arith.muli %mul3A_352, %select_n3A : i32
        %dma_start3A_354 = arith.constant 0 : i32
        %dma_start3A_355 = arith.constant 0 : i32
        %dma_start3A_356 = arith.constant 0 : i32
        %dma_start3A_357 = tpu.memref_slice %arg9[%dma_start3A_354, %dma_start3A_355, %dma_start3A_356] : memref<9x4x512xf32, #tpu.memory_space<vmem>> -> memref<3x4x512xf32, #tpu.memory_space<vmem>>
        %dma_start3A_358 = arith.constant 0 : i32
        %dma_start3A_359 = tpu.memref_slice %arg4[%mul3A_353, %add3A_351, %dma_start3A_358] : memref<48x512x512xf32, #tpu.memory_space<hbm>> -> memref<3x4x512xf32, #tpu.memory_space<hbm>>
        %dma_start3A_360 = arith.constant 0 : i32
        %dma_start3A_361 = arith.constant 0 : i32
        %dma_start3A_362 = arith.constant 0 : i32
        %dma_start3A_363 = tpu.memref_slice %arg9[%dma_start3A_360, %dma_start3A_361, %dma_start3A_362] : memref<9x4x512xf32, #tpu.memory_space<vmem>> -> memref<3x4x512xf32, #tpu.memory_space<vmem>>
        %dma_start3A_364 = arith.constant 0 : i32
        %dma_start3A_365 = tpu.memref_slice %arg4[%mul3A_353, %add3A_351, %dma_start3A_364] : memref<48x512x512xf32, #tpu.memory_space<hbm>> -> memref<3x4x512xf32, #tpu.memory_space<hbm>>
        tpu.enqueue_dma source(%dma_start3A_365 : memref<3x4x512xf32, #tpu.memory_space<hbm>>) target(%dma_start3A_363 : memref<3x4x512xf32, #tpu.memory_space<vmem>>) target_semaphore(%arg15 : memref<!tpu.dma_semaphore, #tpu.memory_space<semaphore_mem>>)
        %mul3A_366 = arith.constant 3 : i32
        %mul3A_367 = arith.muli %mul3A_366, %select_n3A : i32
        %dma_start3A_368 = arith.constant 3 : i32
        %dma_start3A_369 = arith.constant 0 : i32
        %dma_start3A_370 = arith.constant 0 : i32
        %dma_start3A_371 = tpu.memref_slice %arg9[%dma_start3A_368, %dma_start3A_369, %dma_start3A_370] : memref<9x4x512xf32, #tpu.memory_space<vmem>> -> memref<3x4x512xf32, #tpu.memory_space<vmem>>
        %dma_start3A_372 = arith.constant 0 : i32
        %dma_start3A_373 = tpu.memref_slice %arg2[%mul3A_367, %add3A_351, %dma_start3A_372] : memref<48x512x512xf32, #tpu.memory_space<hbm>> -> memref<3x4x512xf32, #tpu.memory_space<hbm>>
        %dma_start3A_374 = arith.constant 3 : i32
        %dma_start3A_375 = arith.constant 0 : i32
        %dma_start3A_376 = arith.constant 0 : i32
        %dma_start3A_377 = tpu.memref_slice %arg9[%dma_start3A_374, %dma_start3A_375, %dma_start3A_376] : memref<9x4x512xf32, #tpu.memory_space<vmem>> -> memref<3x4x512xf32, #tpu.memory_space<vmem>>
        %dma_start3A_378 = arith.constant 0 : i32
        %dma_start3A_379 = tpu.memref_slice %arg2[%mul3A_367, %add3A_351, %dma_start3A_378] : memref<48x512x512xf32, #tpu.memory_space<hbm>> -> memref<3x4x512xf32, #tpu.memory_space<hbm>>
        tpu.enqueue_dma source(%dma_start3A_379 : memref<3x4x512xf32, #tpu.memory_space<hbm>>) target(%dma_start3A_377 : memref<3x4x512xf32, #tpu.memory_space<vmem>>) target_semaphore(%arg15 : memref<!tpu.dma_semaphore, #tpu.memory_space<semaphore_mem>>)
        %mul3A_380 = arith.constant 3 : i32
        %mul3A_381 = arith.muli %mul3A_380, %select_n3A : i32
        %dma_start3A_382 = arith.constant 6 : i32
        %dma_start3A_383 = arith.constant 0 : i32
        %dma_start3A_384 = arith.constant 0 : i32
        %dma_start3A_385 = tpu.memref_slice %arg9[%dma_start3A_382, %dma_start3A_383, %dma_start3A_384] : memref<9x4x512xf32, #tpu.memory_space<vmem>> -> memref<3x4x512xf32, #tpu.memory_space<vmem>>
        %dma_start3A_386 = arith.constant 0 : i32
        %dma_start3A_387 = tpu.memref_slice %arg3[%mul3A_381, %add3A_351, %dma_start3A_386] : memref<48x512x512xf32, #tpu.memory_space<hbm>> -> memref<3x4x512xf32, #tpu.memory_space<hbm>>
        %dma_start3A_388 = arith.constant 6 : i32
        %dma_start3A_389 = arith.constant 0 : i32
        %dma_start3A_390 = arith.constant 0 : i32
        %dma_start3A_391 = tpu.memref_slice %arg9[%dma_start3A_388, %dma_start3A_389, %dma_start3A_390] : memref<9x4x512xf32, #tpu.memory_space<vmem>> -> memref<3x4x512xf32, #tpu.memory_space<vmem>>
        %dma_start3A_392 = arith.constant 0 : i32
        %dma_start3A_393 = tpu.memref_slice %arg3[%mul3A_381, %add3A_351, %dma_start3A_392] : memref<48x512x512xf32, #tpu.memory_space<hbm>> -> memref<3x4x512xf32, #tpu.memory_space<hbm>>
        tpu.enqueue_dma source(%dma_start3A_393 : memref<3x4x512xf32, #tpu.memory_space<hbm>>) target(%dma_start3A_391 : memref<3x4x512xf32, #tpu.memory_space<vmem>>) target_semaphore(%arg15 : memref<!tpu.dma_semaphore, #tpu.memory_space<semaphore_mem>>)
      } else {
      }
      %dma_wait3A_297 = arith.constant 0 : i32
      %dma_wait3A_298 = arith.constant 0 : i32
      %dma_wait3A_299 = arith.constant 0 : i32
      %dma_wait3A_300 = tpu.memref_slice %arg2[%dma_wait3A_297, %dma_wait3A_298, %dma_wait3A_299] : memref<48x512x512xf32, #tpu.memory_space<hbm>> -> memref<9x4x512xf32, #tpu.memory_space<hbm>>
      %dma_wait3A_301 = arith.constant 0 : i32
      %dma_wait3A_302 = arith.constant 0 : i32
      %dma_wait3A_303 = arith.constant 0 : i32
      %dma_wait3A_304 = tpu.memref_slice %arg2[%dma_wait3A_301, %dma_wait3A_302, %dma_wait3A_303] : memref<48x512x512xf32, #tpu.memory_space<hbm>> -> memref<9x4x512xf32, #tpu.memory_space<hbm>>
      tpu.wait_dma2 semaphore(%arg16 : memref<!tpu.dma_semaphore, #tpu.memory_space<semaphore_mem>>) src(%dma_wait3A_304 : memref<9x4x512xf32, #tpu.memory_space<hbm>>) dst(%arg10 : memref<9x4x512xf32, #tpu.memory_space<vmem>>)
      %parallel_loop3A_305 = arith.constant 0 : i32
      %parallel_loop3A_306 = arith.constant 128 : i32
      %parallel_loop3A_307 = arith.constant 8 : i32
      %parallel_loop3A_308:16 = scf.for %parallel_loop3A_343 = %parallel_loop3A_305 to %parallel_loop3A_306 step %parallel_loop3A_307 iter_args(%parallel_loop3A_344 = %parallel_loop3A_285#0, %parallel_loop3A_345 = %parallel_loop3A_285#1, %parallel_loop3A_346 = %parallel_loop3A_285#2, %parallel_loop3A_347 = %parallel_loop3A_285#3, %parallel_loop3A_348 = %parallel_loop3A_285#4, %parallel_loop3A_349 = %parallel_loop3A_285#5, %parallel_loop3A_350 = %parallel_loop3A_285#6, %parallel_loop3A_351 = %parallel_loop3A_285#7, %parallel_loop3A_352 = %parallel_loop3A_285#8, %parallel_loop3A_353 = %parallel_loop3A_285#9, %parallel_loop3A_354 = %parallel_loop3A_285#10, %parallel_loop3A_355 = %parallel_loop3A_285#11, %parallel_loop3A_356 = %parallel_loop3A_285#12, %parallel_loop3A_357 = %parallel_loop3A_285#13, %parallel_loop3A_358 = %parallel_loop3A_285#14, %parallel_loop3A_359 = %parallel_loop3A_285#15) -> (vector<16xf32>, vector<16xf32>, vector<16xf32>, vector<16xf32>, vector<16xf32>, vector<16xf32>, vector<16xf32>, vector<16xf32>, vector<16xf32>, vector<16xf32>, vector<16xf32>, vector<16xf32>, vector<16xf32>, vector<16xf32>, vector<16xf32>, vector<16xf32>)  : i32 {
        %parallel_loop3A_360 = arith.constant 5 : i32
        %parallel_loop3A_361 = arith.shrsi %parallel_loop3A_343, %parallel_loop3A_360 : i32
        %parallel_loop3A_362 = arith.constant 31 : i32
        %parallel_loop3A_363 = arith.andi %parallel_loop3A_343, %parallel_loop3A_362 : i32
        %parallel_loop3A_364 = arith.constant 0 : i32
        %parallel_loop3A_365 = arith.addi %parallel_loop3A_363, %parallel_loop3A_364 : i32
        %parallel_loop3A_366 = arith.constant 16 : i32
        %parallel_loop3A_367 = arith.muli %parallel_loop3A_365, %parallel_loop3A_366 : i32
        %parallel_loop3A_368 = arith.constant 0 : i32
        %parallel_loop3A_369 = arith.index_cast %parallel_loop3A_368 : i32 to index
        %parallel_loop3A_370 = arith.index_cast %parallel_loop3A_361 : i32 to index
        %parallel_loop3A_371 = arith.index_cast %parallel_loop3A_367 : i32 to index
        %parallel_loop3A_372 = tpu.vector_load %arg10[%parallel_loop3A_369, %parallel_loop3A_370, %parallel_loop3A_371] {strides = array<i32>} : memref<9x4x512xf32, #tpu.memory_space<vmem>>, vector<16xf32>,
        %parallel_loop3A_373 = arith.constant 2.550000e+02 : f32
        %parallel_loop3A_374 = vector.broadcast %parallel_loop3A_373 : f32 to vector<16xf32>
        %parallel_loop3A_375 = arith.mulf %parallel_loop3A_372, %parallel_loop3A_374 : vector<16xf32>
        %parallel_loop3A_376 = arith.constant 1.250000e-01 : f32
        %parallel_loop3A_377 = vector.broadcast %parallel_loop3A_376 : f32 to vector<16xf32>
        %parallel_loop3A_378 = arith.mulf %parallel_loop3A_375, %parallel_loop3A_377 : vector<16xf32>
        %parallel_loop3A_379 = arith.fptosi %parallel_loop3A_378 : vector<16xf32> to vector<16xi32>
        %parallel_loop3A_380 = arith.constant 1 : i32
        %parallel_loop3A_381 = arith.index_cast %parallel_loop3A_380 : i32 to index
        %parallel_loop3A_382 = arith.index_cast %parallel_loop3A_361 : i32 to index
        %parallel_loop3A_383 = arith.index_cast %parallel_loop3A_367 : i32 to index
        %parallel_loop3A_384 = tpu.vector_load %arg10[%parallel_loop3A_381, %parallel_loop3A_382, %parallel_loop3A_383] {strides = array<i32>} : memref<9x4x512xf32, #tpu.memory_space<vmem>>, vector<16xf32>,
        %parallel_loop3A_385 = arith.constant 2.550000e+02 : f32
        %parallel_loop3A_386 = vector.broadcast %parallel_loop3A_385 : f32 to vector<16xf32>
        %parallel_loop3A_387 = arith.mulf %parallel_loop3A_384, %parallel_loop3A_386 : vector<16xf32>
        %parallel_loop3A_388 = arith.constant 1.250000e-01 : f32
        %parallel_loop3A_389 = vector.broadcast %parallel_loop3A_388 : f32 to vector<16xf32>
        %parallel_loop3A_390 = arith.mulf %parallel_loop3A_387, %parallel_loop3A_389 : vector<16xf32>
        %parallel_loop3A_391 = arith.fptosi %parallel_loop3A_390 : vector<16xf32> to vector<16xi32>
        %parallel_loop3A_392 = arith.constant 2 : i32
        %parallel_loop3A_393 = arith.index_cast %parallel_loop3A_392 : i32 to index
        %parallel_loop3A_394 = arith.index_cast %parallel_loop3A_361 : i32 to index
        %parallel_loop3A_395 = arith.index_cast %parallel_loop3A_367 : i32 to index
        %parallel_loop3A_396 = tpu.vector_load %arg10[%parallel_loop3A_393, %parallel_loop3A_394, %parallel_loop3A_395] {strides = array<i32>} : memref<9x4x512xf32, #tpu.memory_space<vmem>>, vector<16xf32>,
        %parallel_loop3A_397 = arith.constant 2.550000e+02 : f32
        %parallel_loop3A_398 = vector.broadcast %parallel_loop3A_397 : f32 to vector<16xf32>
        %parallel_loop3A_399 = arith.mulf %parallel_loop3A_396, %parallel_loop3A_398 : vector<16xf32>
        %parallel_loop3A_400 = arith.constant 1.250000e-01 : f32
        %parallel_loop3A_401 = vector.broadcast %parallel_loop3A_400 : f32 to vector<16xf32>
        %parallel_loop3A_402 = arith.mulf %parallel_loop3A_399, %parallel_loop3A_401 : vector<16xf32>
        %parallel_loop3A_403 = arith.fptosi %parallel_loop3A_402 : vector<16xf32> to vector<16xi32>
        %parallel_loop3A_404 = arith.constant 1024 : i32
        %parallel_loop3A_405 = vector.broadcast %parallel_loop3A_404 : i32 to vector<16xi32>
        %parallel_loop3A_406 = arith.muli %parallel_loop3A_379, %parallel_loop3A_405 : vector<16xi32>
        %parallel_loop3A_407 = arith.constant 32 : i32
        %parallel_loop3A_408 = vector.broadcast %parallel_loop3A_407 : i32 to vector<16xi32>
        %parallel_loop3A_409 = arith.muli %parallel_loop3A_391, %parallel_loop3A_408 : vector<16xi32>
        %parallel_loop3A_410 = arith.addi %parallel_loop3A_406, %parallel_loop3A_409 : vector<16xi32>
        %parallel_loop3A_411 = arith.addi %parallel_loop3A_410, %parallel_loop3A_403 : vector<16xi32>
        %parallel_loop3A_412 = tpu.bitcast %parallel_loop3A_411 : vector<16xi32> -> vector<16xi32>
        %parallel_loop3A_413 = arith.constant 32767 : i32
        %parallel_loop3A_414 = vector.broadcast %parallel_loop3A_413 : i32 to vector<16xi32>
        %parallel_loop3A_415 = arith.minui %parallel_loop3A_412, %parallel_loop3A_414 : vector<16xi32>
        %parallel_loop3A_416 = tpu.bitcast %parallel_loop3A_415 : vector<16xi32> -> vector<16xi32>
        %parallel_loop3A_417 = tpu.vector_load_idx %arg7[%parallel_loop3A_416] : memref<32768xf32, #tpu.memory_space<vmem>>[vector<16xi32>], vector<16xf32>,
        %parallel_loop3A_418 = arith.constant 3 : i32
        %parallel_loop3A_419 = arith.index_cast %parallel_loop3A_418 : i32 to index
        %parallel_loop3A_420 = arith.index_cast %parallel_loop3A_361 : i32 to index
        %parallel_loop3A_421 = arith.index_cast %parallel_loop3A_367 : i32 to index
        %parallel_loop3A_422 = tpu.vector_load %arg10[%parallel_loop3A_419, %parallel_loop3A_420, %parallel_loop3A_421] {strides = array<i32>} : memref<9x4x512xf32, #tpu.memory_space<vmem>>, vector<16xf32>,
        %parallel_loop3A_423 = arith.constant 6 : i32
        %parallel_loop3A_424 = arith.index_cast %parallel_loop3A_423 : i32 to index
        %parallel_loop3A_425 = arith.index_cast %parallel_loop3A_361 : i32 to index
        %parallel_loop3A_426 = arith.index_cast %parallel_loop3A_367 : i32 to index
        %parallel_loop3A_427 = tpu.vector_load %arg10[%parallel_loop3A_424, %parallel_loop3A_425, %parallel_loop3A_426] {strides = array<i32>} : memref<9x4x512xf32, #tpu.memory_space<vmem>>, vector<16xf32>,
        %parallel_loop3A_428 = arith.subf %parallel_loop3A_422, %parallel_loop3A_427 : vector<16xf32>
        %parallel_loop3A_429 = math.absf %parallel_loop3A_428 : vector<16xf32>
        %parallel_loop3A_430 = arith.constant 4 : i32
        %parallel_loop3A_431 = arith.index_cast %parallel_loop3A_430 : i32 to index
        %parallel_loop3A_432 = arith.index_cast %parallel_loop3A_361 : i32 to index
        %parallel_loop3A_433 = arith.index_cast %parallel_loop3A_367 : i32 to index
        %parallel_loop3A_434 = tpu.vector_load %arg10[%parallel_loop3A_431, %parallel_loop3A_432, %parallel_loop3A_433] {strides = array<i32>} : memref<9x4x512xf32, #tpu.memory_space<vmem>>, vector<16xf32>,
        %parallel_loop3A_435 = arith.constant 7 : i32
        %parallel_loop3A_436 = arith.index_cast %parallel_loop3A_435 : i32 to index
        %parallel_loop3A_437 = arith.index_cast %parallel_loop3A_361 : i32 to index
        %parallel_loop3A_438 = arith.index_cast %parallel_loop3A_367 : i32 to index
        %parallel_loop3A_439 = tpu.vector_load %arg10[%parallel_loop3A_436, %parallel_loop3A_437, %parallel_loop3A_438] {strides = array<i32>} : memref<9x4x512xf32, #tpu.memory_space<vmem>>, vector<16xf32>,
        %parallel_loop3A_440 = arith.subf %parallel_loop3A_434, %parallel_loop3A_439 : vector<16xf32>
        %parallel_loop3A_441 = math.absf %parallel_loop3A_440 : vector<16xf32>
        %parallel_loop3A_442 = arith.addf %parallel_loop3A_429, %parallel_loop3A_441 : vector<16xf32>
        %parallel_loop3A_443 = arith.constant 5 : i32
        %parallel_loop3A_444 = arith.index_cast %parallel_loop3A_443 : i32 to index
        %parallel_loop3A_445 = arith.index_cast %parallel_loop3A_361 : i32 to index
        %parallel_loop3A_446 = arith.index_cast %parallel_loop3A_367 : i32 to index
        %parallel_loop3A_447 = tpu.vector_load %arg10[%parallel_loop3A_444, %parallel_loop3A_445, %parallel_loop3A_446] {strides = array<i32>} : memref<9x4x512xf32, #tpu.memory_space<vmem>>, vector<16xf32>,
        %parallel_loop3A_448 = arith.constant 8 : i32
        %parallel_loop3A_449 = arith.index_cast %parallel_loop3A_448 : i32 to index
        %parallel_loop3A_450 = arith.index_cast %parallel_loop3A_361 : i32 to index
        %parallel_loop3A_451 = arith.index_cast %parallel_loop3A_367 : i32 to index
        %parallel_loop3A_452 = tpu.vector_load %arg10[%parallel_loop3A_449, %parallel_loop3A_450, %parallel_loop3A_451] {strides = array<i32>} : memref<9x4x512xf32, #tpu.memory_space<vmem>>, vector<16xf32>,
        %parallel_loop3A_453 = arith.subf %parallel_loop3A_447, %parallel_loop3A_452 : vector<16xf32>
        %parallel_loop3A_454 = math.absf %parallel_loop3A_453 : vector<16xf32>
        %parallel_loop3A_455 = arith.addf %parallel_loop3A_442, %parallel_loop3A_454 : vector<16xf32>
        %parallel_loop3A_456 = arith.mulf %parallel_loop3A_417, %parallel_loop3A_455 : vector<16xf32>
        %parallel_loop3A_457 = arith.addf %parallel_loop3A_344, %parallel_loop3A_456 : vector<16xf32>
        %parallel_loop3A_458 = arith.addf %parallel_loop3A_345, %parallel_loop3A_417 : vector<16xf32>
        %parallel_loop3A_459 = arith.constant 5 : i32
        %parallel_loop3A_460 = arith.shrsi %parallel_loop3A_343, %parallel_loop3A_459 : i32
        %parallel_loop3A_461 = arith.constant 31 : i32
        %parallel_loop3A_462 = arith.andi %parallel_loop3A_343, %parallel_loop3A_461 : i32
        %parallel_loop3A_463 = arith.constant 1 : i32
        %parallel_loop3A_464 = arith.addi %parallel_loop3A_462, %parallel_loop3A_463 : i32
        %parallel_loop3A_465 = arith.constant 16 : i32
        %parallel_loop3A_466 = arith.muli %parallel_loop3A_464, %parallel_loop3A_465 : i32
        %parallel_loop3A_467 = arith.constant 0 : i32
        %parallel_loop3A_468 = arith.index_cast %parallel_loop3A_467 : i32 to index
        %parallel_loop3A_469 = arith.index_cast %parallel_loop3A_460 : i32 to index
        %parallel_loop3A_470 = arith.index_cast %parallel_loop3A_466 : i32 to index
        %parallel_loop3A_471 = tpu.vector_load %arg10[%parallel_loop3A_468, %parallel_loop3A_469, %parallel_loop3A_470] {strides = array<i32>} : memref<9x4x512xf32, #tpu.memory_space<vmem>>, vector<16xf32>,
        %parallel_loop3A_472 = arith.constant 2.550000e+02 : f32
        %parallel_loop3A_473 = vector.broadcast %parallel_loop3A_472 : f32 to vector<16xf32>
        %parallel_loop3A_474 = arith.mulf %parallel_loop3A_471, %parallel_loop3A_473 : vector<16xf32>
        %parallel_loop3A_475 = arith.constant 1.250000e-01 : f32
        %parallel_loop3A_476 = vector.broadcast %parallel_loop3A_475 : f32 to vector<16xf32>
        %parallel_loop3A_477 = arith.mulf %parallel_loop3A_474, %parallel_loop3A_476 : vector<16xf32>
        %parallel_loop3A_478 = arith.fptosi %parallel_loop3A_477 : vector<16xf32> to vector<16xi32>
        %parallel_loop3A_479 = arith.constant 1 : i32
        %parallel_loop3A_480 = arith.index_cast %parallel_loop3A_479 : i32 to index
        %parallel_loop3A_481 = arith.index_cast %parallel_loop3A_460 : i32 to index
        %parallel_loop3A_482 = arith.index_cast %parallel_loop3A_466 : i32 to index
        %parallel_loop3A_483 = tpu.vector_load %arg10[%parallel_loop3A_480, %parallel_loop3A_481, %parallel_loop3A_482] {strides = array<i32>} : memref<9x4x512xf32, #tpu.memory_space<vmem>>, vector<16xf32>,
        %parallel_loop3A_484 = arith.constant 2.550000e+02 : f32
        %parallel_loop3A_485 = vector.broadcast %parallel_loop3A_484 : f32 to vector<16xf32>
        %parallel_loop3A_486 = arith.mulf %parallel_loop3A_483, %parallel_loop3A_485 : vector<16xf32>
        %parallel_loop3A_487 = arith.constant 1.250000e-01 : f32
        %parallel_loop3A_488 = vector.broadcast %parallel_loop3A_487 : f32 to vector<16xf32>
        %parallel_loop3A_489 = arith.mulf %parallel_loop3A_486, %parallel_loop3A_488 : vector<16xf32>
        %parallel_loop3A_490 = arith.fptosi %parallel_loop3A_489 : vector<16xf32> to vector<16xi32>
        %parallel_loop3A_491 = arith.constant 2 : i32
        %parallel_loop3A_492 = arith.index_cast %parallel_loop3A_491 : i32 to index
        %parallel_loop3A_493 = arith.index_cast %parallel_loop3A_460 : i32 to index
        %parallel_loop3A_494 = arith.index_cast %parallel_loop3A_466 : i32 to index
        %parallel_loop3A_495 = tpu.vector_load %arg10[%parallel_loop3A_492, %parallel_loop3A_493, %parallel_loop3A_494] {strides = array<i32>} : memref<9x4x512xf32, #tpu.memory_space<vmem>>, vector<16xf32>,
        %parallel_loop3A_496 = arith.constant 2.550000e+02 : f32
        %parallel_loop3A_497 = vector.broadcast %parallel_loop3A_496 : f32 to vector<16xf32>
        %parallel_loop3A_498 = arith.mulf %parallel_loop3A_495, %parallel_loop3A_497 : vector<16xf32>
        %parallel_loop3A_499 = arith.constant 1.250000e-01 : f32
        %parallel_loop3A_500 = vector.broadcast %parallel_loop3A_499 : f32 to vector<16xf32>
        %parallel_loop3A_501 = arith.mulf %parallel_loop3A_498, %parallel_loop3A_500 : vector<16xf32>
        %parallel_loop3A_502 = arith.fptosi %parallel_loop3A_501 : vector<16xf32> to vector<16xi32>
        %parallel_loop3A_503 = arith.constant 1024 : i32
        %parallel_loop3A_504 = vector.broadcast %parallel_loop3A_503 : i32 to vector<16xi32>
        %parallel_loop3A_505 = arith.muli %parallel_loop3A_478, %parallel_loop3A_504 : vector<16xi32>
        %parallel_loop3A_506 = arith.constant 32 : i32
        %parallel_loop3A_507 = vector.broadcast %parallel_loop3A_506 : i32 to vector<16xi32>
        %parallel_loop3A_508 = arith.muli %parallel_loop3A_490, %parallel_loop3A_507 : vector<16xi32>
        %parallel_loop3A_509 = arith.addi %parallel_loop3A_505, %parallel_loop3A_508 : vector<16xi32>
        %parallel_loop3A_510 = arith.addi %parallel_loop3A_509, %parallel_loop3A_502 : vector<16xi32>
        %parallel_loop3A_511 = tpu.bitcast %parallel_loop3A_510 : vector<16xi32> -> vector<16xi32>
        %parallel_loop3A_512 = arith.constant 32767 : i32
        %parallel_loop3A_513 = vector.broadcast %parallel_loop3A_512 : i32 to vector<16xi32>
        %parallel_loop3A_514 = arith.minui %parallel_loop3A_511, %parallel_loop3A_513 : vector<16xi32>
        %parallel_loop3A_515 = tpu.bitcast %parallel_loop3A_514 : vector<16xi32> -> vector<16xi32>
        %parallel_loop3A_516 = tpu.vector_load_idx %arg7[%parallel_loop3A_515] : memref<32768xf32, #tpu.memory_space<vmem>>[vector<16xi32>], vector<16xf32>,
        %parallel_loop3A_517 = arith.constant 3 : i32
        %parallel_loop3A_518 = arith.index_cast %parallel_loop3A_517 : i32 to index
        %parallel_loop3A_519 = arith.index_cast %parallel_loop3A_460 : i32 to index
        %parallel_loop3A_520 = arith.index_cast %parallel_loop3A_466 : i32 to index
        %parallel_loop3A_521 = tpu.vector_load %arg10[%parallel_loop3A_518, %parallel_loop3A_519, %parallel_loop3A_520] {strides = array<i32>} : memref<9x4x512xf32, #tpu.memory_space<vmem>>, vector<16xf32>,
        %parallel_loop3A_522 = arith.constant 6 : i32
        %parallel_loop3A_523 = arith.index_cast %parallel_loop3A_522 : i32 to index
        %parallel_loop3A_524 = arith.index_cast %parallel_loop3A_460 : i32 to index
        %parallel_loop3A_525 = arith.index_cast %parallel_loop3A_466 : i32 to index
        %parallel_loop3A_526 = tpu.vector_load %arg10[%parallel_loop3A_523, %parallel_loop3A_524, %parallel_loop3A_525] {strides = array<i32>} : memref<9x4x512xf32, #tpu.memory_space<vmem>>, vector<16xf32>,
        %parallel_loop3A_527 = arith.subf %parallel_loop3A_521, %parallel_loop3A_526 : vector<16xf32>
        %parallel_loop3A_528 = math.absf %parallel_loop3A_527 : vector<16xf32>
        %parallel_loop3A_529 = arith.constant 4 : i32
        %parallel_loop3A_530 = arith.index_cast %parallel_loop3A_529 : i32 to index
        %parallel_loop3A_531 = arith.index_cast %parallel_loop3A_460 : i32 to index
        %parallel_loop3A_532 = arith.index_cast %parallel_loop3A_466 : i32 to index
        %parallel_loop3A_533 = tpu.vector_load %arg10[%parallel_loop3A_530, %parallel_loop3A_531, %parallel_loop3A_532] {strides = array<i32>} : memref<9x4x512xf32, #tpu.memory_space<vmem>>, vector<16xf32>,
        %parallel_loop3A_534 = arith.constant 7 : i32
        %parallel_loop3A_535 = arith.index_cast %parallel_loop3A_534 : i32 to index
        %parallel_loop3A_536 = arith.index_cast %parallel_loop3A_460 : i32 to index
        %parallel_loop3A_537 = arith.index_cast %parallel_loop3A_466 : i32 to index
        %parallel_loop3A_538 = tpu.vector_load %arg10[%parallel_loop3A_535, %parallel_loop3A_536, %parallel_loop3A_537] {strides = array<i32>} : memref<9x4x512xf32, #tpu.memory_space<vmem>>, vector<16xf32>,
        %parallel_loop3A_539 = arith.subf %parallel_loop3A_533, %parallel_loop3A_538 : vector<16xf32>
        %parallel_loop3A_540 = math.absf %parallel_loop3A_539 : vector<16xf32>
        %parallel_loop3A_541 = arith.addf %parallel_loop3A_528, %parallel_loop3A_540 : vector<16xf32>
        %parallel_loop3A_542 = arith.constant 5 : i32
        %parallel_loop3A_543 = arith.index_cast %parallel_loop3A_542 : i32 to index
        %parallel_loop3A_544 = arith.index_cast %parallel_loop3A_460 : i32 to index
        %parallel_loop3A_545 = arith.index_cast %parallel_loop3A_466 : i32 to index
        %parallel_loop3A_546 = tpu.vector_load %arg10[%parallel_loop3A_543, %parallel_loop3A_544, %parallel_loop3A_545] {strides = array<i32>} : memref<9x4x512xf32, #tpu.memory_space<vmem>>, vector<16xf32>,
        %parallel_loop3A_547 = arith.constant 8 : i32
        %parallel_loop3A_548 = arith.index_cast %parallel_loop3A_547 : i32 to index
        %parallel_loop3A_549 = arith.index_cast %parallel_loop3A_460 : i32 to index
        %parallel_loop3A_550 = arith.index_cast %parallel_loop3A_466 : i32 to index
        %parallel_loop3A_551 = tpu.vector_load %arg10[%parallel_loop3A_548, %parallel_loop3A_549, %parallel_loop3A_550] {strides = array<i32>} : memref<9x4x512xf32, #tpu.memory_space<vmem>>, vector<16xf32>,
        %parallel_loop3A_552 = arith.subf %parallel_loop3A_546, %parallel_loop3A_551 : vector<16xf32>
        %parallel_loop3A_553 = math.absf %parallel_loop3A_552 : vector<16xf32>
        %parallel_loop3A_554 = arith.addf %parallel_loop3A_541, %parallel_loop3A_553 : vector<16xf32>
        %parallel_loop3A_555 = arith.mulf %parallel_loop3A_516, %parallel_loop3A_554 : vector<16xf32>
        %parallel_loop3A_556 = arith.addf %parallel_loop3A_346, %parallel_loop3A_555 : vector<16xf32>
        %parallel_loop3A_557 = arith.addf %parallel_loop3A_347, %parallel_loop3A_516 : vector<16xf32>
        %parallel_loop3A_558 = arith.constant 5 : i32
        %parallel_loop3A_559 = arith.shrsi %parallel_loop3A_343, %parallel_loop3A_558 : i32
        %parallel_loop3A_560 = arith.constant 31 : i32
        %parallel_loop3A_561 = arith.andi %parallel_loop3A_343, %parallel_loop3A_560 : i32
        %parallel_loop3A_562 = arith.constant 2 : i32
        %parallel_loop3A_563 = arith.addi %parallel_loop3A_561, %parallel_loop3A_562 : i32
        %parallel_loop3A_564 = arith.constant 16 : i32
        %parallel_loop3A_565 = arith.muli %parallel_loop3A_563, %parallel_loop3A_564 : i32
        %parallel_loop3A_566 = arith.constant 0 : i32
        %parallel_loop3A_567 = arith.index_cast %parallel_loop3A_566 : i32 to index
        %parallel_loop3A_568 = arith.index_cast %parallel_loop3A_559 : i32 to index
        %parallel_loop3A_569 = arith.index_cast %parallel_loop3A_565 : i32 to index
        %parallel_loop3A_570 = tpu.vector_load %arg10[%parallel_loop3A_567, %parallel_loop3A_568, %parallel_loop3A_569] {strides = array<i32>} : memref<9x4x512xf32, #tpu.memory_space<vmem>>, vector<16xf32>,
        %parallel_loop3A_571 = arith.constant 2.550000e+02 : f32
        %parallel_loop3A_572 = vector.broadcast %parallel_loop3A_571 : f32 to vector<16xf32>
        %parallel_loop3A_573 = arith.mulf %parallel_loop3A_570, %parallel_loop3A_572 : vector<16xf32>
        %parallel_loop3A_574 = arith.constant 1.250000e-01 : f32
        %parallel_loop3A_575 = vector.broadcast %parallel_loop3A_574 : f32 to vector<16xf32>
        %parallel_loop3A_576 = arith.mulf %parallel_loop3A_573, %parallel_loop3A_575 : vector<16xf32>
        %parallel_loop3A_577 = arith.fptosi %parallel_loop3A_576 : vector<16xf32> to vector<16xi32>
        %parallel_loop3A_578 = arith.constant 1 : i32
        %parallel_loop3A_579 = arith.index_cast %parallel_loop3A_578 : i32 to index
        %parallel_loop3A_580 = arith.index_cast %parallel_loop3A_559 : i32 to index
        %parallel_loop3A_581 = arith.index_cast %parallel_loop3A_565 : i32 to index
        %parallel_loop3A_582 = tpu.vector_load %arg10[%parallel_loop3A_579, %parallel_loop3A_580, %parallel_loop3A_581] {strides = array<i32>} : memref<9x4x512xf32, #tpu.memory_space<vmem>>, vector<16xf32>,
        %parallel_loop3A_583 = arith.constant 2.550000e+02 : f32
        %parallel_loop3A_584 = vector.broadcast %parallel_loop3A_583 : f32 to vector<16xf32>
        %parallel_loop3A_585 = arith.mulf %parallel_loop3A_582, %parallel_loop3A_584 : vector<16xf32>
        %parallel_loop3A_586 = arith.constant 1.250000e-01 : f32
        %parallel_loop3A_587 = vector.broadcast %parallel_loop3A_586 : f32 to vector<16xf32>
        %parallel_loop3A_588 = arith.mulf %parallel_loop3A_585, %parallel_loop3A_587 : vector<16xf32>
        %parallel_loop3A_589 = arith.fptosi %parallel_loop3A_588 : vector<16xf32> to vector<16xi32>
        %parallel_loop3A_590 = arith.constant 2 : i32
        %parallel_loop3A_591 = arith.index_cast %parallel_loop3A_590 : i32 to index
        %parallel_loop3A_592 = arith.index_cast %parallel_loop3A_559 : i32 to index
        %parallel_loop3A_593 = arith.index_cast %parallel_loop3A_565 : i32 to index
        %parallel_loop3A_594 = tpu.vector_load %arg10[%parallel_loop3A_591, %parallel_loop3A_592, %parallel_loop3A_593] {strides = array<i32>} : memref<9x4x512xf32, #tpu.memory_space<vmem>>, vector<16xf32>,
        %parallel_loop3A_595 = arith.constant 2.550000e+02 : f32
        %parallel_loop3A_596 = vector.broadcast %parallel_loop3A_595 : f32 to vector<16xf32>
        %parallel_loop3A_597 = arith.mulf %parallel_loop3A_594, %parallel_loop3A_596 : vector<16xf32>
        %parallel_loop3A_598 = arith.constant 1.250000e-01 : f32
        %parallel_loop3A_599 = vector.broadcast %parallel_loop3A_598 : f32 to vector<16xf32>
        %parallel_loop3A_600 = arith.mulf %parallel_loop3A_597, %parallel_loop3A_599 : vector<16xf32>
        %parallel_loop3A_601 = arith.fptosi %parallel_loop3A_600 : vector<16xf32> to vector<16xi32>
        %parallel_loop3A_602 = arith.constant 1024 : i32
        %parallel_loop3A_603 = vector.broadcast %parallel_loop3A_602 : i32 to vector<16xi32>
        %parallel_loop3A_604 = arith.muli %parallel_loop3A_577, %parallel_loop3A_603 : vector<16xi32>
        %parallel_loop3A_605 = arith.constant 32 : i32
        %parallel_loop3A_606 = vector.broadcast %parallel_loop3A_605 : i32 to vector<16xi32>
        %parallel_loop3A_607 = arith.muli %parallel_loop3A_589, %parallel_loop3A_606 : vector<16xi32>
        %parallel_loop3A_608 = arith.addi %parallel_loop3A_604, %parallel_loop3A_607 : vector<16xi32>
        %parallel_loop3A_609 = arith.addi %parallel_loop3A_608, %parallel_loop3A_601 : vector<16xi32>
        %parallel_loop3A_610 = tpu.bitcast %parallel_loop3A_609 : vector<16xi32> -> vector<16xi32>
        %parallel_loop3A_611 = arith.constant 32767 : i32
        %parallel_loop3A_612 = vector.broadcast %parallel_loop3A_611 : i32 to vector<16xi32>
        %parallel_loop3A_613 = arith.minui %parallel_loop3A_610, %parallel_loop3A_612 : vector<16xi32>
        %parallel_loop3A_614 = tpu.bitcast %parallel_loop3A_613 : vector<16xi32> -> vector<16xi32>
        %parallel_loop3A_615 = tpu.vector_load_idx %arg7[%parallel_loop3A_614] : memref<32768xf32, #tpu.memory_space<vmem>>[vector<16xi32>], vector<16xf32>,
        %parallel_loop3A_616 = arith.constant 3 : i32
        %parallel_loop3A_617 = arith.index_cast %parallel_loop3A_616 : i32 to index
        %parallel_loop3A_618 = arith.index_cast %parallel_loop3A_559 : i32 to index
        %parallel_loop3A_619 = arith.index_cast %parallel_loop3A_565 : i32 to index
        %parallel_loop3A_620 = tpu.vector_load %arg10[%parallel_loop3A_617, %parallel_loop3A_618, %parallel_loop3A_619] {strides = array<i32>} : memref<9x4x512xf32, #tpu.memory_space<vmem>>, vector<16xf32>,
        %parallel_loop3A_621 = arith.constant 6 : i32
        %parallel_loop3A_622 = arith.index_cast %parallel_loop3A_621 : i32 to index
        %parallel_loop3A_623 = arith.index_cast %parallel_loop3A_559 : i32 to index
        %parallel_loop3A_624 = arith.index_cast %parallel_loop3A_565 : i32 to index
        %parallel_loop3A_625 = tpu.vector_load %arg10[%parallel_loop3A_622, %parallel_loop3A_623, %parallel_loop3A_624] {strides = array<i32>} : memref<9x4x512xf32, #tpu.memory_space<vmem>>, vector<16xf32>,
        %parallel_loop3A_626 = arith.subf %parallel_loop3A_620, %parallel_loop3A_625 : vector<16xf32>
        %parallel_loop3A_627 = math.absf %parallel_loop3A_626 : vector<16xf32>
        %parallel_loop3A_628 = arith.constant 4 : i32
        %parallel_loop3A_629 = arith.index_cast %parallel_loop3A_628 : i32 to index
        %parallel_loop3A_630 = arith.index_cast %parallel_loop3A_559 : i32 to index
        %parallel_loop3A_631 = arith.index_cast %parallel_loop3A_565 : i32 to index
        %parallel_loop3A_632 = tpu.vector_load %arg10[%parallel_loop3A_629, %parallel_loop3A_630, %parallel_loop3A_631] {strides = array<i32>} : memref<9x4x512xf32, #tpu.memory_space<vmem>>, vector<16xf32>,
        %parallel_loop3A_633 = arith.constant 7 : i32
        %parallel_loop3A_634 = arith.index_cast %parallel_loop3A_633 : i32 to index
        %parallel_loop3A_635 = arith.index_cast %parallel_loop3A_559 : i32 to index
        %parallel_loop3A_636 = arith.index_cast %parallel_loop3A_565 : i32 to index
        %parallel_loop3A_637 = tpu.vector_load %arg10[%parallel_loop3A_634, %parallel_loop3A_635, %parallel_loop3A_636] {strides = array<i32>} : memref<9x4x512xf32, #tpu.memory_space<vmem>>, vector<16xf32>,
        %parallel_loop3A_638 = arith.subf %parallel_loop3A_632, %parallel_loop3A_637 : vector<16xf32>
        %parallel_loop3A_639 = math.absf %parallel_loop3A_638 : vector<16xf32>
        %parallel_loop3A_640 = arith.addf %parallel_loop3A_627, %parallel_loop3A_639 : vector<16xf32>
        %parallel_loop3A_641 = arith.constant 5 : i32
        %parallel_loop3A_642 = arith.index_cast %parallel_loop3A_641 : i32 to index
        %parallel_loop3A_643 = arith.index_cast %parallel_loop3A_559 : i32 to index
        %parallel_loop3A_644 = arith.index_cast %parallel_loop3A_565 : i32 to index
        %parallel_loop3A_645 = tpu.vector_load %arg10[%parallel_loop3A_642, %parallel_loop3A_643, %parallel_loop3A_644] {strides = array<i32>} : memref<9x4x512xf32, #tpu.memory_space<vmem>>, vector<16xf32>,
        %parallel_loop3A_646 = arith.constant 8 : i32
        %parallel_loop3A_647 = arith.index_cast %parallel_loop3A_646 : i32 to index
        %parallel_loop3A_648 = arith.index_cast %parallel_loop3A_559 : i32 to index
        %parallel_loop3A_649 = arith.index_cast %parallel_loop3A_565 : i32 to index
        %parallel_loop3A_650 = tpu.vector_load %arg10[%parallel_loop3A_647, %parallel_loop3A_648, %parallel_loop3A_649] {strides = array<i32>} : memref<9x4x512xf32, #tpu.memory_space<vmem>>, vector<16xf32>,
        %parallel_loop3A_651 = arith.subf %parallel_loop3A_645, %parallel_loop3A_650 : vector<16xf32>
        %parallel_loop3A_652 = math.absf %parallel_loop3A_651 : vector<16xf32>
        %parallel_loop3A_653 = arith.addf %parallel_loop3A_640, %parallel_loop3A_652 : vector<16xf32>
        %parallel_loop3A_654 = arith.mulf %parallel_loop3A_615, %parallel_loop3A_653 : vector<16xf32>
        %parallel_loop3A_655 = arith.addf %parallel_loop3A_348, %parallel_loop3A_654 : vector<16xf32>
        %parallel_loop3A_656 = arith.addf %parallel_loop3A_349, %parallel_loop3A_615 : vector<16xf32>
        %parallel_loop3A_657 = arith.constant 5 : i32
        %parallel_loop3A_658 = arith.shrsi %parallel_loop3A_343, %parallel_loop3A_657 : i32
        %parallel_loop3A_659 = arith.constant 31 : i32
        %parallel_loop3A_660 = arith.andi %parallel_loop3A_343, %parallel_loop3A_659 : i32
        %parallel_loop3A_661 = arith.constant 3 : i32
        %parallel_loop3A_662 = arith.addi %parallel_loop3A_660, %parallel_loop3A_661 : i32
        %parallel_loop3A_663 = arith.constant 16 : i32
        %parallel_loop3A_664 = arith.muli %parallel_loop3A_662, %parallel_loop3A_663 : i32
        %parallel_loop3A_665 = arith.constant 0 : i32
        %parallel_loop3A_666 = arith.index_cast %parallel_loop3A_665 : i32 to index
        %parallel_loop3A_667 = arith.index_cast %parallel_loop3A_658 : i32 to index
        %parallel_loop3A_668 = arith.index_cast %parallel_loop3A_664 : i32 to index
        %parallel_loop3A_669 = tpu.vector_load %arg10[%parallel_loop3A_666, %parallel_loop3A_667, %parallel_loop3A_668] {strides = array<i32>} : memref<9x4x512xf32, #tpu.memory_space<vmem>>, vector<16xf32>,
        %parallel_loop3A_670 = arith.constant 2.550000e+02 : f32
        %parallel_loop3A_671 = vector.broadcast %parallel_loop3A_670 : f32 to vector<16xf32>
        %parallel_loop3A_672 = arith.mulf %parallel_loop3A_669, %parallel_loop3A_671 : vector<16xf32>
        %parallel_loop3A_673 = arith.constant 1.250000e-01 : f32
        %parallel_loop3A_674 = vector.broadcast %parallel_loop3A_673 : f32 to vector<16xf32>
        %parallel_loop3A_675 = arith.mulf %parallel_loop3A_672, %parallel_loop3A_674 : vector<16xf32>
        %parallel_loop3A_676 = arith.fptosi %parallel_loop3A_675 : vector<16xf32> to vector<16xi32>
        %parallel_loop3A_677 = arith.constant 1 : i32
        %parallel_loop3A_678 = arith.index_cast %parallel_loop3A_677 : i32 to index
        %parallel_loop3A_679 = arith.index_cast %parallel_loop3A_658 : i32 to index
        %parallel_loop3A_680 = arith.index_cast %parallel_loop3A_664 : i32 to index
        %parallel_loop3A_681 = tpu.vector_load %arg10[%parallel_loop3A_678, %parallel_loop3A_679, %parallel_loop3A_680] {strides = array<i32>} : memref<9x4x512xf32, #tpu.memory_space<vmem>>, vector<16xf32>,
        %parallel_loop3A_682 = arith.constant 2.550000e+02 : f32
        %parallel_loop3A_683 = vector.broadcast %parallel_loop3A_682 : f32 to vector<16xf32>
        %parallel_loop3A_684 = arith.mulf %parallel_loop3A_681, %parallel_loop3A_683 : vector<16xf32>
        %parallel_loop3A_685 = arith.constant 1.250000e-01 : f32
        %parallel_loop3A_686 = vector.broadcast %parallel_loop3A_685 : f32 to vector<16xf32>
        %parallel_loop3A_687 = arith.mulf %parallel_loop3A_684, %parallel_loop3A_686 : vector<16xf32>
        %parallel_loop3A_688 = arith.fptosi %parallel_loop3A_687 : vector<16xf32> to vector<16xi32>
        %parallel_loop3A_689 = arith.constant 2 : i32
        %parallel_loop3A_690 = arith.index_cast %parallel_loop3A_689 : i32 to index
        %parallel_loop3A_691 = arith.index_cast %parallel_loop3A_658 : i32 to index
        %parallel_loop3A_692 = arith.index_cast %parallel_loop3A_664 : i32 to index
        %parallel_loop3A_693 = tpu.vector_load %arg10[%parallel_loop3A_690, %parallel_loop3A_691, %parallel_loop3A_692] {strides = array<i32>} : memref<9x4x512xf32, #tpu.memory_space<vmem>>, vector<16xf32>,
        %parallel_loop3A_694 = arith.constant 2.550000e+02 : f32
        %parallel_loop3A_695 = vector.broadcast %parallel_loop3A_694 : f32 to vector<16xf32>
        %parallel_loop3A_696 = arith.mulf %parallel_loop3A_693, %parallel_loop3A_695 : vector<16xf32>
        %parallel_loop3A_697 = arith.constant 1.250000e-01 : f32
        %parallel_loop3A_698 = vector.broadcast %parallel_loop3A_697 : f32 to vector<16xf32>
        %parallel_loop3A_699 = arith.mulf %parallel_loop3A_696, %parallel_loop3A_698 : vector<16xf32>
        %parallel_loop3A_700 = arith.fptosi %parallel_loop3A_699 : vector<16xf32> to vector<16xi32>
        %parallel_loop3A_701 = arith.constant 1024 : i32
        %parallel_loop3A_702 = vector.broadcast %parallel_loop3A_701 : i32 to vector<16xi32>
        %parallel_loop3A_703 = arith.muli %parallel_loop3A_676, %parallel_loop3A_702 : vector<16xi32>
        %parallel_loop3A_704 = arith.constant 32 : i32
        %parallel_loop3A_705 = vector.broadcast %parallel_loop3A_704 : i32 to vector<16xi32>
        %parallel_loop3A_706 = arith.muli %parallel_loop3A_688, %parallel_loop3A_705 : vector<16xi32>
        %parallel_loop3A_707 = arith.addi %parallel_loop3A_703, %parallel_loop3A_706 : vector<16xi32>
        %parallel_loop3A_708 = arith.addi %parallel_loop3A_707, %parallel_loop3A_700 : vector<16xi32>
        %parallel_loop3A_709 = tpu.bitcast %parallel_loop3A_708 : vector<16xi32> -> vector<16xi32>
        %parallel_loop3A_710 = arith.constant 32767 : i32
        %parallel_loop3A_711 = vector.broadcast %parallel_loop3A_710 : i32 to vector<16xi32>
        %parallel_loop3A_712 = arith.minui %parallel_loop3A_709, %parallel_loop3A_711 : vector<16xi32>
        %parallel_loop3A_713 = tpu.bitcast %parallel_loop3A_712 : vector<16xi32> -> vector<16xi32>
        %parallel_loop3A_714 = tpu.vector_load_idx %arg7[%parallel_loop3A_713] : memref<32768xf32, #tpu.memory_space<vmem>>[vector<16xi32>], vector<16xf32>,
        %parallel_loop3A_715 = arith.constant 3 : i32
        %parallel_loop3A_716 = arith.index_cast %parallel_loop3A_715 : i32 to index
        %parallel_loop3A_717 = arith.index_cast %parallel_loop3A_658 : i32 to index
        %parallel_loop3A_718 = arith.index_cast %parallel_loop3A_664 : i32 to index
        %parallel_loop3A_719 = tpu.vector_load %arg10[%parallel_loop3A_716, %parallel_loop3A_717, %parallel_loop3A_718] {strides = array<i32>} : memref<9x4x512xf32, #tpu.memory_space<vmem>>, vector<16xf32>,
        %parallel_loop3A_720 = arith.constant 6 : i32
        %parallel_loop3A_721 = arith.index_cast %parallel_loop3A_720 : i32 to index
        %parallel_loop3A_722 = arith.index_cast %parallel_loop3A_658 : i32 to index
        %parallel_loop3A_723 = arith.index_cast %parallel_loop3A_664 : i32 to index
        %parallel_loop3A_724 = tpu.vector_load %arg10[%parallel_loop3A_721, %parallel_loop3A_722, %parallel_loop3A_723] {strides = array<i32>} : memref<9x4x512xf32, #tpu.memory_space<vmem>>, vector<16xf32>,
        %parallel_loop3A_725 = arith.subf %parallel_loop3A_719, %parallel_loop3A_724 : vector<16xf32>
        %parallel_loop3A_726 = math.absf %parallel_loop3A_725 : vector<16xf32>
        %parallel_loop3A_727 = arith.constant 4 : i32
        %parallel_loop3A_728 = arith.index_cast %parallel_loop3A_727 : i32 to index
        %parallel_loop3A_729 = arith.index_cast %parallel_loop3A_658 : i32 to index
        %parallel_loop3A_730 = arith.index_cast %parallel_loop3A_664 : i32 to index
        %parallel_loop3A_731 = tpu.vector_load %arg10[%parallel_loop3A_728, %parallel_loop3A_729, %parallel_loop3A_730] {strides = array<i32>} : memref<9x4x512xf32, #tpu.memory_space<vmem>>, vector<16xf32>,
        %parallel_loop3A_732 = arith.constant 7 : i32
        %parallel_loop3A_733 = arith.index_cast %parallel_loop3A_732 : i32 to index
        %parallel_loop3A_734 = arith.index_cast %parallel_loop3A_658 : i32 to index
        %parallel_loop3A_735 = arith.index_cast %parallel_loop3A_664 : i32 to index
        %parallel_loop3A_736 = tpu.vector_load %arg10[%parallel_loop3A_733, %parallel_loop3A_734, %parallel_loop3A_735] {strides = array<i32>} : memref<9x4x512xf32, #tpu.memory_space<vmem>>, vector<16xf32>,
        %parallel_loop3A_737 = arith.subf %parallel_loop3A_731, %parallel_loop3A_736 : vector<16xf32>
        %parallel_loop3A_738 = math.absf %parallel_loop3A_737 : vector<16xf32>
        %parallel_loop3A_739 = arith.addf %parallel_loop3A_726, %parallel_loop3A_738 : vector<16xf32>
        %parallel_loop3A_740 = arith.constant 5 : i32
        %parallel_loop3A_741 = arith.index_cast %parallel_loop3A_740 : i32 to index
        %parallel_loop3A_742 = arith.index_cast %parallel_loop3A_658 : i32 to index
        %parallel_loop3A_743 = arith.index_cast %parallel_loop3A_664 : i32 to index
        %parallel_loop3A_744 = tpu.vector_load %arg10[%parallel_loop3A_741, %parallel_loop3A_742, %parallel_loop3A_743] {strides = array<i32>} : memref<9x4x512xf32, #tpu.memory_space<vmem>>, vector<16xf32>,
        %parallel_loop3A_745 = arith.constant 8 : i32
        %parallel_loop3A_746 = arith.index_cast %parallel_loop3A_745 : i32 to index
        %parallel_loop3A_747 = arith.index_cast %parallel_loop3A_658 : i32 to index
        %parallel_loop3A_748 = arith.index_cast %parallel_loop3A_664 : i32 to index
        %parallel_loop3A_749 = tpu.vector_load %arg10[%parallel_loop3A_746, %parallel_loop3A_747, %parallel_loop3A_748] {strides = array<i32>} : memref<9x4x512xf32, #tpu.memory_space<vmem>>, vector<16xf32>,
        %parallel_loop3A_750 = arith.subf %parallel_loop3A_744, %parallel_loop3A_749 : vector<16xf32>
        %parallel_loop3A_751 = math.absf %parallel_loop3A_750 : vector<16xf32>
        %parallel_loop3A_752 = arith.addf %parallel_loop3A_739, %parallel_loop3A_751 : vector<16xf32>
        %parallel_loop3A_753 = arith.mulf %parallel_loop3A_714, %parallel_loop3A_752 : vector<16xf32>
        %parallel_loop3A_754 = arith.addf %parallel_loop3A_350, %parallel_loop3A_753 : vector<16xf32>
        %parallel_loop3A_755 = arith.addf %parallel_loop3A_351, %parallel_loop3A_714 : vector<16xf32>
        %parallel_loop3A_756 = arith.constant 5 : i32
        %parallel_loop3A_757 = arith.shrsi %parallel_loop3A_343, %parallel_loop3A_756 : i32
        %parallel_loop3A_758 = arith.constant 31 : i32
        %parallel_loop3A_759 = arith.andi %parallel_loop3A_343, %parallel_loop3A_758 : i32
        %parallel_loop3A_760 = arith.constant 4 : i32
        %parallel_loop3A_761 = arith.addi %parallel_loop3A_759, %parallel_loop3A_760 : i32
        %parallel_loop3A_762 = arith.constant 16 : i32
        %parallel_loop3A_763 = arith.muli %parallel_loop3A_761, %parallel_loop3A_762 : i32
        %parallel_loop3A_764 = arith.constant 0 : i32
        %parallel_loop3A_765 = arith.index_cast %parallel_loop3A_764 : i32 to index
        %parallel_loop3A_766 = arith.index_cast %parallel_loop3A_757 : i32 to index
        %parallel_loop3A_767 = arith.index_cast %parallel_loop3A_763 : i32 to index
        %parallel_loop3A_768 = tpu.vector_load %arg10[%parallel_loop3A_765, %parallel_loop3A_766, %parallel_loop3A_767] {strides = array<i32>} : memref<9x4x512xf32, #tpu.memory_space<vmem>>, vector<16xf32>,
        %parallel_loop3A_769 = arith.constant 2.550000e+02 : f32
        %parallel_loop3A_770 = vector.broadcast %parallel_loop3A_769 : f32 to vector<16xf32>
        %parallel_loop3A_771 = arith.mulf %parallel_loop3A_768, %parallel_loop3A_770 : vector<16xf32>
        %parallel_loop3A_772 = arith.constant 1.250000e-01 : f32
        %parallel_loop3A_773 = vector.broadcast %parallel_loop3A_772 : f32 to vector<16xf32>
        %parallel_loop3A_774 = arith.mulf %parallel_loop3A_771, %parallel_loop3A_773 : vector<16xf32>
        %parallel_loop3A_775 = arith.fptosi %parallel_loop3A_774 : vector<16xf32> to vector<16xi32>
        %parallel_loop3A_776 = arith.constant 1 : i32
        %parallel_loop3A_777 = arith.index_cast %parallel_loop3A_776 : i32 to index
        %parallel_loop3A_778 = arith.index_cast %parallel_loop3A_757 : i32 to index
        %parallel_loop3A_779 = arith.index_cast %parallel_loop3A_763 : i32 to index
        %parallel_loop3A_780 = tpu.vector_load %arg10[%parallel_loop3A_777, %parallel_loop3A_778, %parallel_loop3A_779] {strides = array<i32>} : memref<9x4x512xf32, #tpu.memory_space<vmem>>, vector<16xf32>,
        %parallel_loop3A_781 = arith.constant 2.550000e+02 : f32
        %parallel_loop3A_782 = vector.broadcast %parallel_loop3A_781 : f32 to vector<16xf32>
        %parallel_loop3A_783 = arith.mulf %parallel_loop3A_780, %parallel_loop3A_782 : vector<16xf32>
        %parallel_loop3A_784 = arith.constant 1.250000e-01 : f32
        %parallel_loop3A_785 = vector.broadcast %parallel_loop3A_784 : f32 to vector<16xf32>
        %parallel_loop3A_786 = arith.mulf %parallel_loop3A_783, %parallel_loop3A_785 : vector<16xf32>
        %parallel_loop3A_787 = arith.fptosi %parallel_loop3A_786 : vector<16xf32> to vector<16xi32>
        %parallel_loop3A_788 = arith.constant 2 : i32
        %parallel_loop3A_789 = arith.index_cast %parallel_loop3A_788 : i32 to index
        %parallel_loop3A_790 = arith.index_cast %parallel_loop3A_757 : i32 to index
        %parallel_loop3A_791 = arith.index_cast %parallel_loop3A_763 : i32 to index
        %parallel_loop3A_792 = tpu.vector_load %arg10[%parallel_loop3A_789, %parallel_loop3A_790, %parallel_loop3A_791] {strides = array<i32>} : memref<9x4x512xf32, #tpu.memory_space<vmem>>, vector<16xf32>,
        %parallel_loop3A_793 = arith.constant 2.550000e+02 : f32
        %parallel_loop3A_794 = vector.broadcast %parallel_loop3A_793 : f32 to vector<16xf32>
        %parallel_loop3A_795 = arith.mulf %parallel_loop3A_792, %parallel_loop3A_794 : vector<16xf32>
        %parallel_loop3A_796 = arith.constant 1.250000e-01 : f32
        %parallel_loop3A_797 = vector.broadcast %parallel_loop3A_796 : f32 to vector<16xf32>
        %parallel_loop3A_798 = arith.mulf %parallel_loop3A_795, %parallel_loop3A_797 : vector<16xf32>
        %parallel_loop3A_799 = arith.fptosi %parallel_loop3A_798 : vector<16xf32> to vector<16xi32>
        %parallel_loop3A_800 = arith.constant 1024 : i32
        %parallel_loop3A_801 = vector.broadcast %parallel_loop3A_800 : i32 to vector<16xi32>
        %parallel_loop3A_802 = arith.muli %parallel_loop3A_775, %parallel_loop3A_801 : vector<16xi32>
        %parallel_loop3A_803 = arith.constant 32 : i32
        %parallel_loop3A_804 = vector.broadcast %parallel_loop3A_803 : i32 to vector<16xi32>
        %parallel_loop3A_805 = arith.muli %parallel_loop3A_787, %parallel_loop3A_804 : vector<16xi32>
        %parallel_loop3A_806 = arith.addi %parallel_loop3A_802, %parallel_loop3A_805 : vector<16xi32>
        %parallel_loop3A_807 = arith.addi %parallel_loop3A_806, %parallel_loop3A_799 : vector<16xi32>
        %parallel_loop3A_808 = tpu.bitcast %parallel_loop3A_807 : vector<16xi32> -> vector<16xi32>
        %parallel_loop3A_809 = arith.constant 32767 : i32
        %parallel_loop3A_810 = vector.broadcast %parallel_loop3A_809 : i32 to vector<16xi32>
        %parallel_loop3A_811 = arith.minui %parallel_loop3A_808, %parallel_loop3A_810 : vector<16xi32>
        %parallel_loop3A_812 = tpu.bitcast %parallel_loop3A_811 : vector<16xi32> -> vector<16xi32>
        %parallel_loop3A_813 = tpu.vector_load_idx %arg7[%parallel_loop3A_812] : memref<32768xf32, #tpu.memory_space<vmem>>[vector<16xi32>], vector<16xf32>,
        %parallel_loop3A_814 = arith.constant 3 : i32
        %parallel_loop3A_815 = arith.index_cast %parallel_loop3A_814 : i32 to index
        %parallel_loop3A_816 = arith.index_cast %parallel_loop3A_757 : i32 to index
        %parallel_loop3A_817 = arith.index_cast %parallel_loop3A_763 : i32 to index
        %parallel_loop3A_818 = tpu.vector_load %arg10[%parallel_loop3A_815, %parallel_loop3A_816, %parallel_loop3A_817] {strides = array<i32>} : memref<9x4x512xf32, #tpu.memory_space<vmem>>, vector<16xf32>,
        %parallel_loop3A_819 = arith.constant 6 : i32
        %parallel_loop3A_820 = arith.index_cast %parallel_loop3A_819 : i32 to index
        %parallel_loop3A_821 = arith.index_cast %parallel_loop3A_757 : i32 to index
        %parallel_loop3A_822 = arith.index_cast %parallel_loop3A_763 : i32 to index
        %parallel_loop3A_823 = tpu.vector_load %arg10[%parallel_loop3A_820, %parallel_loop3A_821, %parallel_loop3A_822] {strides = array<i32>} : memref<9x4x512xf32, #tpu.memory_space<vmem>>, vector<16xf32>,
        %parallel_loop3A_824 = arith.subf %parallel_loop3A_818, %parallel_loop3A_823 : vector<16xf32>
        %parallel_loop3A_825 = math.absf %parallel_loop3A_824 : vector<16xf32>
        %parallel_loop3A_826 = arith.constant 4 : i32
        %parallel_loop3A_827 = arith.index_cast %parallel_loop3A_826 : i32 to index
        %parallel_loop3A_828 = arith.index_cast %parallel_loop3A_757 : i32 to index
        %parallel_loop3A_829 = arith.index_cast %parallel_loop3A_763 : i32 to index
        %parallel_loop3A_830 = tpu.vector_load %arg10[%parallel_loop3A_827, %parallel_loop3A_828, %parallel_loop3A_829] {strides = array<i32>} : memref<9x4x512xf32, #tpu.memory_space<vmem>>, vector<16xf32>,
        %parallel_loop3A_831 = arith.constant 7 : i32
        %parallel_loop3A_832 = arith.index_cast %parallel_loop3A_831 : i32 to index
        %parallel_loop3A_833 = arith.index_cast %parallel_loop3A_757 : i32 to index
        %parallel_loop3A_834 = arith.index_cast %parallel_loop3A_763 : i32 to index
        %parallel_loop3A_835 = tpu.vector_load %arg10[%parallel_loop3A_832, %parallel_loop3A_833, %parallel_loop3A_834] {strides = array<i32>} : memref<9x4x512xf32, #tpu.memory_space<vmem>>, vector<16xf32>,
        %parallel_loop3A_836 = arith.subf %parallel_loop3A_830, %parallel_loop3A_835 : vector<16xf32>
        %parallel_loop3A_837 = math.absf %parallel_loop3A_836 : vector<16xf32>
        %parallel_loop3A_838 = arith.addf %parallel_loop3A_825, %parallel_loop3A_837 : vector<16xf32>
        %parallel_loop3A_839 = arith.constant 5 : i32
        %parallel_loop3A_840 = arith.index_cast %parallel_loop3A_839 : i32 to index
        %parallel_loop3A_841 = arith.index_cast %parallel_loop3A_757 : i32 to index
        %parallel_loop3A_842 = arith.index_cast %parallel_loop3A_763 : i32 to index
        %parallel_loop3A_843 = tpu.vector_load %arg10[%parallel_loop3A_840, %parallel_loop3A_841, %parallel_loop3A_842] {strides = array<i32>} : memref<9x4x512xf32, #tpu.memory_space<vmem>>, vector<16xf32>,
        %parallel_loop3A_844 = arith.constant 8 : i32
        %parallel_loop3A_845 = arith.index_cast %parallel_loop3A_844 : i32 to index
        %parallel_loop3A_846 = arith.index_cast %parallel_loop3A_757 : i32 to index
        %parallel_loop3A_847 = arith.index_cast %parallel_loop3A_763 : i32 to index
        %parallel_loop3A_848 = tpu.vector_load %arg10[%parallel_loop3A_845, %parallel_loop3A_846, %parallel_loop3A_847] {strides = array<i32>} : memref<9x4x512xf32, #tpu.memory_space<vmem>>, vector<16xf32>,
        %parallel_loop3A_849 = arith.subf %parallel_loop3A_843, %parallel_loop3A_848 : vector<16xf32>
        %parallel_loop3A_850 = math.absf %parallel_loop3A_849 : vector<16xf32>
        %parallel_loop3A_851 = arith.addf %parallel_loop3A_838, %parallel_loop3A_850 : vector<16xf32>
        %parallel_loop3A_852 = arith.mulf %parallel_loop3A_813, %parallel_loop3A_851 : vector<16xf32>
        %parallel_loop3A_853 = arith.addf %parallel_loop3A_352, %parallel_loop3A_852 : vector<16xf32>
        %parallel_loop3A_854 = arith.addf %parallel_loop3A_353, %parallel_loop3A_813 : vector<16xf32>
        %parallel_loop3A_855 = arith.constant 5 : i32
        %parallel_loop3A_856 = arith.shrsi %parallel_loop3A_343, %parallel_loop3A_855 : i32
        %parallel_loop3A_857 = arith.constant 31 : i32
        %parallel_loop3A_858 = arith.andi %parallel_loop3A_343, %parallel_loop3A_857 : i32
        %parallel_loop3A_859 = arith.constant 5 : i32
        %parallel_loop3A_860 = arith.addi %parallel_loop3A_858, %parallel_loop3A_859 : i32
        %parallel_loop3A_861 = arith.constant 16 : i32
        %parallel_loop3A_862 = arith.muli %parallel_loop3A_860, %parallel_loop3A_861 : i32
        %parallel_loop3A_863 = arith.constant 0 : i32
        %parallel_loop3A_864 = arith.index_cast %parallel_loop3A_863 : i32 to index
        %parallel_loop3A_865 = arith.index_cast %parallel_loop3A_856 : i32 to index
        %parallel_loop3A_866 = arith.index_cast %parallel_loop3A_862 : i32 to index
        %parallel_loop3A_867 = tpu.vector_load %arg10[%parallel_loop3A_864, %parallel_loop3A_865, %parallel_loop3A_866] {strides = array<i32>} : memref<9x4x512xf32, #tpu.memory_space<vmem>>, vector<16xf32>,
        %parallel_loop3A_868 = arith.constant 2.550000e+02 : f32
        %parallel_loop3A_869 = vector.broadcast %parallel_loop3A_868 : f32 to vector<16xf32>
        %parallel_loop3A_870 = arith.mulf %parallel_loop3A_867, %parallel_loop3A_869 : vector<16xf32>
        %parallel_loop3A_871 = arith.constant 1.250000e-01 : f32
        %parallel_loop3A_872 = vector.broadcast %parallel_loop3A_871 : f32 to vector<16xf32>
        %parallel_loop3A_873 = arith.mulf %parallel_loop3A_870, %parallel_loop3A_872 : vector<16xf32>
        %parallel_loop3A_874 = arith.fptosi %parallel_loop3A_873 : vector<16xf32> to vector<16xi32>
        %parallel_loop3A_875 = arith.constant 1 : i32
        %parallel_loop3A_876 = arith.index_cast %parallel_loop3A_875 : i32 to index
        %parallel_loop3A_877 = arith.index_cast %parallel_loop3A_856 : i32 to index
        %parallel_loop3A_878 = arith.index_cast %parallel_loop3A_862 : i32 to index
        %parallel_loop3A_879 = tpu.vector_load %arg10[%parallel_loop3A_876, %parallel_loop3A_877, %parallel_loop3A_878] {strides = array<i32>} : memref<9x4x512xf32, #tpu.memory_space<vmem>>, vector<16xf32>,
        %parallel_loop3A_880 = arith.constant 2.550000e+02 : f32
        %parallel_loop3A_881 = vector.broadcast %parallel_loop3A_880 : f32 to vector<16xf32>
        %parallel_loop3A_882 = arith.mulf %parallel_loop3A_879, %parallel_loop3A_881 : vector<16xf32>
        %parallel_loop3A_883 = arith.constant 1.250000e-01 : f32
        %parallel_loop3A_884 = vector.broadcast %parallel_loop3A_883 : f32 to vector<16xf32>
        %parallel_loop3A_885 = arith.mulf %parallel_loop3A_882, %parallel_loop3A_884 : vector<16xf32>
        %parallel_loop3A_886 = arith.fptosi %parallel_loop3A_885 : vector<16xf32> to vector<16xi32>
        %parallel_loop3A_887 = arith.constant 2 : i32
        %parallel_loop3A_888 = arith.index_cast %parallel_loop3A_887 : i32 to index
        %parallel_loop3A_889 = arith.index_cast %parallel_loop3A_856 : i32 to index
        %parallel_loop3A_890 = arith.index_cast %parallel_loop3A_862 : i32 to index
        %parallel_loop3A_891 = tpu.vector_load %arg10[%parallel_loop3A_888, %parallel_loop3A_889, %parallel_loop3A_890] {strides = array<i32>} : memref<9x4x512xf32, #tpu.memory_space<vmem>>, vector<16xf32>,
        %parallel_loop3A_892 = arith.constant 2.550000e+02 : f32
        %parallel_loop3A_893 = vector.broadcast %parallel_loop3A_892 : f32 to vector<16xf32>
        %parallel_loop3A_894 = arith.mulf %parallel_loop3A_891, %parallel_loop3A_893 : vector<16xf32>
        %parallel_loop3A_895 = arith.constant 1.250000e-01 : f32
        %parallel_loop3A_896 = vector.broadcast %parallel_loop3A_895 : f32 to vector<16xf32>
        %parallel_loop3A_897 = arith.mulf %parallel_loop3A_894, %parallel_loop3A_896 : vector<16xf32>
        %parallel_loop3A_898 = arith.fptosi %parallel_loop3A_897 : vector<16xf32> to vector<16xi32>
        %parallel_loop3A_899 = arith.constant 1024 : i32
        %parallel_loop3A_900 = vector.broadcast %parallel_loop3A_899 : i32 to vector<16xi32>
        %parallel_loop3A_901 = arith.muli %parallel_loop3A_874, %parallel_loop3A_900 : vector<16xi32>
        %parallel_loop3A_902 = arith.constant 32 : i32
        %parallel_loop3A_903 = vector.broadcast %parallel_loop3A_902 : i32 to vector<16xi32>
        %parallel_loop3A_904 = arith.muli %parallel_loop3A_886, %parallel_loop3A_903 : vector<16xi32>
        %parallel_loop3A_905 = arith.addi %parallel_loop3A_901, %parallel_loop3A_904 : vector<16xi32>
        %parallel_loop3A_906 = arith.addi %parallel_loop3A_905, %parallel_loop3A_898 : vector<16xi32>
        %parallel_loop3A_907 = tpu.bitcast %parallel_loop3A_906 : vector<16xi32> -> vector<16xi32>
        %parallel_loop3A_908 = arith.constant 32767 : i32
        %parallel_loop3A_909 = vector.broadcast %parallel_loop3A_908 : i32 to vector<16xi32>
        %parallel_loop3A_910 = arith.minui %parallel_loop3A_907, %parallel_loop3A_909 : vector<16xi32>
        %parallel_loop3A_911 = tpu.bitcast %parallel_loop3A_910 : vector<16xi32> -> vector<16xi32>
        %parallel_loop3A_912 = tpu.vector_load_idx %arg7[%parallel_loop3A_911] : memref<32768xf32, #tpu.memory_space<vmem>>[vector<16xi32>], vector<16xf32>,
        %parallel_loop3A_913 = arith.constant 3 : i32
        %parallel_loop3A_914 = arith.index_cast %parallel_loop3A_913 : i32 to index
        %parallel_loop3A_915 = arith.index_cast %parallel_loop3A_856 : i32 to index
        %parallel_loop3A_916 = arith.index_cast %parallel_loop3A_862 : i32 to index
        %parallel_loop3A_917 = tpu.vector_load %arg10[%parallel_loop3A_914, %parallel_loop3A_915, %parallel_loop3A_916] {strides = array<i32>} : memref<9x4x512xf32, #tpu.memory_space<vmem>>, vector<16xf32>,
        %parallel_loop3A_918 = arith.constant 6 : i32
        %parallel_loop3A_919 = arith.index_cast %parallel_loop3A_918 : i32 to index
        %parallel_loop3A_920 = arith.index_cast %parallel_loop3A_856 : i32 to index
        %parallel_loop3A_921 = arith.index_cast %parallel_loop3A_862 : i32 to index
        %parallel_loop3A_922 = tpu.vector_load %arg10[%parallel_loop3A_919, %parallel_loop3A_920, %parallel_loop3A_921] {strides = array<i32>} : memref<9x4x512xf32, #tpu.memory_space<vmem>>, vector<16xf32>,
        %parallel_loop3A_923 = arith.subf %parallel_loop3A_917, %parallel_loop3A_922 : vector<16xf32>
        %parallel_loop3A_924 = math.absf %parallel_loop3A_923 : vector<16xf32>
        %parallel_loop3A_925 = arith.constant 4 : i32
        %parallel_loop3A_926 = arith.index_cast %parallel_loop3A_925 : i32 to index
        %parallel_loop3A_927 = arith.index_cast %parallel_loop3A_856 : i32 to index
        %parallel_loop3A_928 = arith.index_cast %parallel_loop3A_862 : i32 to index
        %parallel_loop3A_929 = tpu.vector_load %arg10[%parallel_loop3A_926, %parallel_loop3A_927, %parallel_loop3A_928] {strides = array<i32>} : memref<9x4x512xf32, #tpu.memory_space<vmem>>, vector<16xf32>,
        %parallel_loop3A_930 = arith.constant 7 : i32
        %parallel_loop3A_931 = arith.index_cast %parallel_loop3A_930 : i32 to index
        %parallel_loop3A_932 = arith.index_cast %parallel_loop3A_856 : i32 to index
        %parallel_loop3A_933 = arith.index_cast %parallel_loop3A_862 : i32 to index
        %parallel_loop3A_934 = tpu.vector_load %arg10[%parallel_loop3A_931, %parallel_loop3A_932, %parallel_loop3A_933] {strides = array<i32>} : memref<9x4x512xf32, #tpu.memory_space<vmem>>, vector<16xf32>,
        %parallel_loop3A_935 = arith.subf %parallel_loop3A_929, %parallel_loop3A_934 : vector<16xf32>
        %parallel_loop3A_936 = math.absf %parallel_loop3A_935 : vector<16xf32>
        %parallel_loop3A_937 = arith.addf %parallel_loop3A_924, %parallel_loop3A_936 : vector<16xf32>
        %parallel_loop3A_938 = arith.constant 5 : i32
        %parallel_loop3A_939 = arith.index_cast %parallel_loop3A_938 : i32 to index
        %parallel_loop3A_940 = arith.index_cast %parallel_loop3A_856 : i32 to index
        %parallel_loop3A_941 = arith.index_cast %parallel_loop3A_862 : i32 to index
        %parallel_loop3A_942 = tpu.vector_load %arg10[%parallel_loop3A_939, %parallel_loop3A_940, %parallel_loop3A_941] {strides = array<i32>} : memref<9x4x512xf32, #tpu.memory_space<vmem>>, vector<16xf32>,
        %parallel_loop3A_943 = arith.constant 8 : i32
        %parallel_loop3A_944 = arith.index_cast %parallel_loop3A_943 : i32 to index
        %parallel_loop3A_945 = arith.index_cast %parallel_loop3A_856 : i32 to index
        %parallel_loop3A_946 = arith.index_cast %parallel_loop3A_862 : i32 to index
        %parallel_loop3A_947 = tpu.vector_load %arg10[%parallel_loop3A_944, %parallel_loop3A_945, %parallel_loop3A_946] {strides = array<i32>} : memref<9x4x512xf32, #tpu.memory_space<vmem>>, vector<16xf32>,
        %parallel_loop3A_948 = arith.subf %parallel_loop3A_942, %parallel_loop3A_947 : vector<16xf32>
        %parallel_loop3A_949 = math.absf %parallel_loop3A_948 : vector<16xf32>
        %parallel_loop3A_950 = arith.addf %parallel_loop3A_937, %parallel_loop3A_949 : vector<16xf32>
        %parallel_loop3A_951 = arith.mulf %parallel_loop3A_912, %parallel_loop3A_950 : vector<16xf32>
        %parallel_loop3A_952 = arith.addf %parallel_loop3A_354, %parallel_loop3A_951 : vector<16xf32>
        %parallel_loop3A_953 = arith.addf %parallel_loop3A_355, %parallel_loop3A_912 : vector<16xf32>
        %parallel_loop3A_954 = arith.constant 5 : i32
        %parallel_loop3A_955 = arith.shrsi %parallel_loop3A_343, %parallel_loop3A_954 : i32
        %parallel_loop3A_956 = arith.constant 31 : i32
        %parallel_loop3A_957 = arith.andi %parallel_loop3A_343, %parallel_loop3A_956 : i32
        %parallel_loop3A_958 = arith.constant 6 : i32
        %parallel_loop3A_959 = arith.addi %parallel_loop3A_957, %parallel_loop3A_958 : i32
        %parallel_loop3A_960 = arith.constant 16 : i32
        %parallel_loop3A_961 = arith.muli %parallel_loop3A_959, %parallel_loop3A_960 : i32
        %parallel_loop3A_962 = arith.constant 0 : i32
        %parallel_loop3A_963 = arith.index_cast %parallel_loop3A_962 : i32 to index
        %parallel_loop3A_964 = arith.index_cast %parallel_loop3A_955 : i32 to index
        %parallel_loop3A_965 = arith.index_cast %parallel_loop3A_961 : i32 to index
        %parallel_loop3A_966 = tpu.vector_load %arg10[%parallel_loop3A_963, %parallel_loop3A_964, %parallel_loop3A_965] {strides = array<i32>} : memref<9x4x512xf32, #tpu.memory_space<vmem>>, vector<16xf32>,
        %parallel_loop3A_967 = arith.constant 2.550000e+02 : f32
        %parallel_loop3A_968 = vector.broadcast %parallel_loop3A_967 : f32 to vector<16xf32>
        %parallel_loop3A_969 = arith.mulf %parallel_loop3A_966, %parallel_loop3A_968 : vector<16xf32>
        %parallel_loop3A_970 = arith.constant 1.250000e-01 : f32
        %parallel_loop3A_971 = vector.broadcast %parallel_loop3A_970 : f32 to vector<16xf32>
        %parallel_loop3A_972 = arith.mulf %parallel_loop3A_969, %parallel_loop3A_971 : vector<16xf32>
        %parallel_loop3A_973 = arith.fptosi %parallel_loop3A_972 : vector<16xf32> to vector<16xi32>
        %parallel_loop3A_974 = arith.constant 1 : i32
        %parallel_loop3A_975 = arith.index_cast %parallel_loop3A_974 : i32 to index
        %parallel_loop3A_976 = arith.index_cast %parallel_loop3A_955 : i32 to index
        %parallel_loop3A_977 = arith.index_cast %parallel_loop3A_961 : i32 to index
        %parallel_loop3A_978 = tpu.vector_load %arg10[%parallel_loop3A_975, %parallel_loop3A_976, %parallel_loop3A_977] {strides = array<i32>} : memref<9x4x512xf32, #tpu.memory_space<vmem>>, vector<16xf32>,
        %parallel_loop3A_979 = arith.constant 2.550000e+02 : f32
        %parallel_loop3A_980 = vector.broadcast %parallel_loop3A_979 : f32 to vector<16xf32>
        %parallel_loop3A_981 = arith.mulf %parallel_loop3A_978, %parallel_loop3A_980 : vector<16xf32>
        %parallel_loop3A_982 = arith.constant 1.250000e-01 : f32
        %parallel_loop3A_983 = vector.broadcast %parallel_loop3A_982 : f32 to vector<16xf32>
        %parallel_loop3A_984 = arith.mulf %parallel_loop3A_981, %parallel_loop3A_983 : vector<16xf32>
        %parallel_loop3A_985 = arith.fptosi %parallel_loop3A_984 : vector<16xf32> to vector<16xi32>
        %parallel_loop3A_986 = arith.constant 2 : i32
        %parallel_loop3A_987 = arith.index_cast %parallel_loop3A_986 : i32 to index
        %parallel_loop3A_988 = arith.index_cast %parallel_loop3A_955 : i32 to index
        %parallel_loop3A_989 = arith.index_cast %parallel_loop3A_961 : i32 to index
        %parallel_loop3A_990 = tpu.vector_load %arg10[%parallel_loop3A_987, %parallel_loop3A_988, %parallel_loop3A_989] {strides = array<i32>} : memref<9x4x512xf32, #tpu.memory_space<vmem>>, vector<16xf32>,
        %parallel_loop3A_991 = arith.constant 2.550000e+02 : f32
        %parallel_loop3A_992 = vector.broadcast %parallel_loop3A_991 : f32 to vector<16xf32>
        %parallel_loop3A_993 = arith.mulf %parallel_loop3A_990, %parallel_loop3A_992 : vector<16xf32>
        %parallel_loop3A_994 = arith.constant 1.250000e-01 : f32
        %parallel_loop3A_995 = vector.broadcast %parallel_loop3A_994 : f32 to vector<16xf32>
        %parallel_loop3A_996 = arith.mulf %parallel_loop3A_993, %parallel_loop3A_995 : vector<16xf32>
        %parallel_loop3A_997 = arith.fptosi %parallel_loop3A_996 : vector<16xf32> to vector<16xi32>
        %parallel_loop3A_998 = arith.constant 1024 : i32
        %parallel_loop3A_999 = vector.broadcast %parallel_loop3A_998 : i32 to vector<16xi32>
        %parallel_loop3A_1000 = arith.muli %parallel_loop3A_973, %parallel_loop3A_999 : vector<16xi32>
        %parallel_loop3A_1001 = arith.constant 32 : i32
        %parallel_loop3A_1002 = vector.broadcast %parallel_loop3A_1001 : i32 to vector<16xi32>
        %parallel_loop3A_1003 = arith.muli %parallel_loop3A_985, %parallel_loop3A_1002 : vector<16xi32>
        %parallel_loop3A_1004 = arith.addi %parallel_loop3A_1000, %parallel_loop3A_1003 : vector<16xi32>
        %parallel_loop3A_1005 = arith.addi %parallel_loop3A_1004, %parallel_loop3A_997 : vector<16xi32>
        %parallel_loop3A_1006 = tpu.bitcast %parallel_loop3A_1005 : vector<16xi32> -> vector<16xi32>
        %parallel_loop3A_1007 = arith.constant 32767 : i32
        %parallel_loop3A_1008 = vector.broadcast %parallel_loop3A_1007 : i32 to vector<16xi32>
        %parallel_loop3A_1009 = arith.minui %parallel_loop3A_1006, %parallel_loop3A_1008 : vector<16xi32>
        %parallel_loop3A_1010 = tpu.bitcast %parallel_loop3A_1009 : vector<16xi32> -> vector<16xi32>
        %parallel_loop3A_1011 = tpu.vector_load_idx %arg7[%parallel_loop3A_1010] : memref<32768xf32, #tpu.memory_space<vmem>>[vector<16xi32>], vector<16xf32>,
        %parallel_loop3A_1012 = arith.constant 3 : i32
        %parallel_loop3A_1013 = arith.index_cast %parallel_loop3A_1012 : i32 to index
        %parallel_loop3A_1014 = arith.index_cast %parallel_loop3A_955 : i32 to index
        %parallel_loop3A_1015 = arith.index_cast %parallel_loop3A_961 : i32 to index
        %parallel_loop3A_1016 = tpu.vector_load %arg10[%parallel_loop3A_1013, %parallel_loop3A_1014, %parallel_loop3A_1015] {strides = array<i32>} : memref<9x4x512xf32, #tpu.memory_space<vmem>>, vector<16xf32>,
        %parallel_loop3A_1017 = arith.constant 6 : i32
        %parallel_loop3A_1018 = arith.index_cast %parallel_loop3A_1017 : i32 to index
        %parallel_loop3A_1019 = arith.index_cast %parallel_loop3A_955 : i32 to index
        %parallel_loop3A_1020 = arith.index_cast %parallel_loop3A_961 : i32 to index
        %parallel_loop3A_1021 = tpu.vector_load %arg10[%parallel_loop3A_1018, %parallel_loop3A_1019, %parallel_loop3A_1020] {strides = array<i32>} : memref<9x4x512xf32, #tpu.memory_space<vmem>>, vector<16xf32>,
        %parallel_loop3A_1022 = arith.subf %parallel_loop3A_1016, %parallel_loop3A_1021 : vector<16xf32>
        %parallel_loop3A_1023 = math.absf %parallel_loop3A_1022 : vector<16xf32>
        %parallel_loop3A_1024 = arith.constant 4 : i32
        %parallel_loop3A_1025 = arith.index_cast %parallel_loop3A_1024 : i32 to index
        %parallel_loop3A_1026 = arith.index_cast %parallel_loop3A_955 : i32 to index
        %parallel_loop3A_1027 = arith.index_cast %parallel_loop3A_961 : i32 to index
        %parallel_loop3A_1028 = tpu.vector_load %arg10[%parallel_loop3A_1025, %parallel_loop3A_1026, %parallel_loop3A_1027] {strides = array<i32>} : memref<9x4x512xf32, #tpu.memory_space<vmem>>, vector<16xf32>,
        %parallel_loop3A_1029 = arith.constant 7 : i32
        %parallel_loop3A_1030 = arith.index_cast %parallel_loop3A_1029 : i32 to index
        %parallel_loop3A_1031 = arith.index_cast %parallel_loop3A_955 : i32 to index
        %parallel_loop3A_1032 = arith.index_cast %parallel_loop3A_961 : i32 to index
        %parallel_loop3A_1033 = tpu.vector_load %arg10[%parallel_loop3A_1030, %parallel_loop3A_1031, %parallel_loop3A_1032] {strides = array<i32>} : memref<9x4x512xf32, #tpu.memory_space<vmem>>, vector<16xf32>,
        %parallel_loop3A_1034 = arith.subf %parallel_loop3A_1028, %parallel_loop3A_1033 : vector<16xf32>
        %parallel_loop3A_1035 = math.absf %parallel_loop3A_1034 : vector<16xf32>
        %parallel_loop3A_1036 = arith.addf %parallel_loop3A_1023, %parallel_loop3A_1035 : vector<16xf32>
        %parallel_loop3A_1037 = arith.constant 5 : i32
        %parallel_loop3A_1038 = arith.index_cast %parallel_loop3A_1037 : i32 to index
        %parallel_loop3A_1039 = arith.index_cast %parallel_loop3A_955 : i32 to index
        %parallel_loop3A_1040 = arith.index_cast %parallel_loop3A_961 : i32 to index
        %parallel_loop3A_1041 = tpu.vector_load %arg10[%parallel_loop3A_1038, %parallel_loop3A_1039, %parallel_loop3A_1040] {strides = array<i32>} : memref<9x4x512xf32, #tpu.memory_space<vmem>>, vector<16xf32>,
        %parallel_loop3A_1042 = arith.constant 8 : i32
        %parallel_loop3A_1043 = arith.index_cast %parallel_loop3A_1042 : i32 to index
        %parallel_loop3A_1044 = arith.index_cast %parallel_loop3A_955 : i32 to index
        %parallel_loop3A_1045 = arith.index_cast %parallel_loop3A_961 : i32 to index
        %parallel_loop3A_1046 = tpu.vector_load %arg10[%parallel_loop3A_1043, %parallel_loop3A_1044, %parallel_loop3A_1045] {strides = array<i32>} : memref<9x4x512xf32, #tpu.memory_space<vmem>>, vector<16xf32>,
        %parallel_loop3A_1047 = arith.subf %parallel_loop3A_1041, %parallel_loop3A_1046 : vector<16xf32>
        %parallel_loop3A_1048 = math.absf %parallel_loop3A_1047 : vector<16xf32>
        %parallel_loop3A_1049 = arith.addf %parallel_loop3A_1036, %parallel_loop3A_1048 : vector<16xf32>
        %parallel_loop3A_1050 = arith.mulf %parallel_loop3A_1011, %parallel_loop3A_1049 : vector<16xf32>
        %parallel_loop3A_1051 = arith.addf %parallel_loop3A_356, %parallel_loop3A_1050 : vector<16xf32>
        %parallel_loop3A_1052 = arith.addf %parallel_loop3A_357, %parallel_loop3A_1011 : vector<16xf32>
        %parallel_loop3A_1053 = arith.constant 5 : i32
        %parallel_loop3A_1054 = arith.shrsi %parallel_loop3A_343, %parallel_loop3A_1053 : i32
        %parallel_loop3A_1055 = arith.constant 31 : i32
        %parallel_loop3A_1056 = arith.andi %parallel_loop3A_343, %parallel_loop3A_1055 : i32
        %parallel_loop3A_1057 = arith.constant 7 : i32
        %parallel_loop3A_1058 = arith.addi %parallel_loop3A_1056, %parallel_loop3A_1057 : i32
        %parallel_loop3A_1059 = arith.constant 16 : i32
        %parallel_loop3A_1060 = arith.muli %parallel_loop3A_1058, %parallel_loop3A_1059 : i32
        %parallel_loop3A_1061 = arith.constant 0 : i32
        %parallel_loop3A_1062 = arith.index_cast %parallel_loop3A_1061 : i32 to index
        %parallel_loop3A_1063 = arith.index_cast %parallel_loop3A_1054 : i32 to index
        %parallel_loop3A_1064 = arith.index_cast %parallel_loop3A_1060 : i32 to index
        %parallel_loop3A_1065 = tpu.vector_load %arg10[%parallel_loop3A_1062, %parallel_loop3A_1063, %parallel_loop3A_1064] {strides = array<i32>} : memref<9x4x512xf32, #tpu.memory_space<vmem>>, vector<16xf32>,
        %parallel_loop3A_1066 = arith.constant 2.550000e+02 : f32
        %parallel_loop3A_1067 = vector.broadcast %parallel_loop3A_1066 : f32 to vector<16xf32>
        %parallel_loop3A_1068 = arith.mulf %parallel_loop3A_1065, %parallel_loop3A_1067 : vector<16xf32>
        %parallel_loop3A_1069 = arith.constant 1.250000e-01 : f32
        %parallel_loop3A_1070 = vector.broadcast %parallel_loop3A_1069 : f32 to vector<16xf32>
        %parallel_loop3A_1071 = arith.mulf %parallel_loop3A_1068, %parallel_loop3A_1070 : vector<16xf32>
        %parallel_loop3A_1072 = arith.fptosi %parallel_loop3A_1071 : vector<16xf32> to vector<16xi32>
        %parallel_loop3A_1073 = arith.constant 1 : i32
        %parallel_loop3A_1074 = arith.index_cast %parallel_loop3A_1073 : i32 to index
        %parallel_loop3A_1075 = arith.index_cast %parallel_loop3A_1054 : i32 to index
        %parallel_loop3A_1076 = arith.index_cast %parallel_loop3A_1060 : i32 to index
        %parallel_loop3A_1077 = tpu.vector_load %arg10[%parallel_loop3A_1074, %parallel_loop3A_1075, %parallel_loop3A_1076] {strides = array<i32>} : memref<9x4x512xf32, #tpu.memory_space<vmem>>, vector<16xf32>,
        %parallel_loop3A_1078 = arith.constant 2.550000e+02 : f32
        %parallel_loop3A_1079 = vector.broadcast %parallel_loop3A_1078 : f32 to vector<16xf32>
        %parallel_loop3A_1080 = arith.mulf %parallel_loop3A_1077, %parallel_loop3A_1079 : vector<16xf32>
        %parallel_loop3A_1081 = arith.constant 1.250000e-01 : f32
        %parallel_loop3A_1082 = vector.broadcast %parallel_loop3A_1081 : f32 to vector<16xf32>
        %parallel_loop3A_1083 = arith.mulf %parallel_loop3A_1080, %parallel_loop3A_1082 : vector<16xf32>
        %parallel_loop3A_1084 = arith.fptosi %parallel_loop3A_1083 : vector<16xf32> to vector<16xi32>
        %parallel_loop3A_1085 = arith.constant 2 : i32
        %parallel_loop3A_1086 = arith.index_cast %parallel_loop3A_1085 : i32 to index
        %parallel_loop3A_1087 = arith.index_cast %parallel_loop3A_1054 : i32 to index
        %parallel_loop3A_1088 = arith.index_cast %parallel_loop3A_1060 : i32 to index
        %parallel_loop3A_1089 = tpu.vector_load %arg10[%parallel_loop3A_1086, %parallel_loop3A_1087, %parallel_loop3A_1088] {strides = array<i32>} : memref<9x4x512xf32, #tpu.memory_space<vmem>>, vector<16xf32>,
        %parallel_loop3A_1090 = arith.constant 2.550000e+02 : f32
        %parallel_loop3A_1091 = vector.broadcast %parallel_loop3A_1090 : f32 to vector<16xf32>
        %parallel_loop3A_1092 = arith.mulf %parallel_loop3A_1089, %parallel_loop3A_1091 : vector<16xf32>
        %parallel_loop3A_1093 = arith.constant 1.250000e-01 : f32
        %parallel_loop3A_1094 = vector.broadcast %parallel_loop3A_1093 : f32 to vector<16xf32>
        %parallel_loop3A_1095 = arith.mulf %parallel_loop3A_1092, %parallel_loop3A_1094 : vector<16xf32>
        %parallel_loop3A_1096 = arith.fptosi %parallel_loop3A_1095 : vector<16xf32> to vector<16xi32>
        %parallel_loop3A_1097 = arith.constant 1024 : i32
        %parallel_loop3A_1098 = vector.broadcast %parallel_loop3A_1097 : i32 to vector<16xi32>
        %parallel_loop3A_1099 = arith.muli %parallel_loop3A_1072, %parallel_loop3A_1098 : vector<16xi32>
        %parallel_loop3A_1100 = arith.constant 32 : i32
        %parallel_loop3A_1101 = vector.broadcast %parallel_loop3A_1100 : i32 to vector<16xi32>
        %parallel_loop3A_1102 = arith.muli %parallel_loop3A_1084, %parallel_loop3A_1101 : vector<16xi32>
        %parallel_loop3A_1103 = arith.addi %parallel_loop3A_1099, %parallel_loop3A_1102 : vector<16xi32>
        %parallel_loop3A_1104 = arith.addi %parallel_loop3A_1103, %parallel_loop3A_1096 : vector<16xi32>
        %parallel_loop3A_1105 = tpu.bitcast %parallel_loop3A_1104 : vector<16xi32> -> vector<16xi32>
        %parallel_loop3A_1106 = arith.constant 32767 : i32
        %parallel_loop3A_1107 = vector.broadcast %parallel_loop3A_1106 : i32 to vector<16xi32>
        %parallel_loop3A_1108 = arith.minui %parallel_loop3A_1105, %parallel_loop3A_1107 : vector<16xi32>
        %parallel_loop3A_1109 = tpu.bitcast %parallel_loop3A_1108 : vector<16xi32> -> vector<16xi32>
        %parallel_loop3A_1110 = tpu.vector_load_idx %arg7[%parallel_loop3A_1109] : memref<32768xf32, #tpu.memory_space<vmem>>[vector<16xi32>], vector<16xf32>,
        %parallel_loop3A_1111 = arith.constant 3 : i32
        %parallel_loop3A_1112 = arith.index_cast %parallel_loop3A_1111 : i32 to index
        %parallel_loop3A_1113 = arith.index_cast %parallel_loop3A_1054 : i32 to index
        %parallel_loop3A_1114 = arith.index_cast %parallel_loop3A_1060 : i32 to index
        %parallel_loop3A_1115 = tpu.vector_load %arg10[%parallel_loop3A_1112, %parallel_loop3A_1113, %parallel_loop3A_1114] {strides = array<i32>} : memref<9x4x512xf32, #tpu.memory_space<vmem>>, vector<16xf32>,
        %parallel_loop3A_1116 = arith.constant 6 : i32
        %parallel_loop3A_1117 = arith.index_cast %parallel_loop3A_1116 : i32 to index
        %parallel_loop3A_1118 = arith.index_cast %parallel_loop3A_1054 : i32 to index
        %parallel_loop3A_1119 = arith.index_cast %parallel_loop3A_1060 : i32 to index
        %parallel_loop3A_1120 = tpu.vector_load %arg10[%parallel_loop3A_1117, %parallel_loop3A_1118, %parallel_loop3A_1119] {strides = array<i32>} : memref<9x4x512xf32, #tpu.memory_space<vmem>>, vector<16xf32>,
        %parallel_loop3A_1121 = arith.subf %parallel_loop3A_1115, %parallel_loop3A_1120 : vector<16xf32>
        %parallel_loop3A_1122 = math.absf %parallel_loop3A_1121 : vector<16xf32>
        %parallel_loop3A_1123 = arith.constant 4 : i32
        %parallel_loop3A_1124 = arith.index_cast %parallel_loop3A_1123 : i32 to index
        %parallel_loop3A_1125 = arith.index_cast %parallel_loop3A_1054 : i32 to index
        %parallel_loop3A_1126 = arith.index_cast %parallel_loop3A_1060 : i32 to index
        %parallel_loop3A_1127 = tpu.vector_load %arg10[%parallel_loop3A_1124, %parallel_loop3A_1125, %parallel_loop3A_1126] {strides = array<i32>} : memref<9x4x512xf32, #tpu.memory_space<vmem>>, vector<16xf32>,
        %parallel_loop3A_1128 = arith.constant 7 : i32
        %parallel_loop3A_1129 = arith.index_cast %parallel_loop3A_1128 : i32 to index
        %parallel_loop3A_1130 = arith.index_cast %parallel_loop3A_1054 : i32 to index
        %parallel_loop3A_1131 = arith.index_cast %parallel_loop3A_1060 : i32 to index
        %parallel_loop3A_1132 = tpu.vector_load %arg10[%parallel_loop3A_1129, %parallel_loop3A_1130, %parallel_loop3A_1131] {strides = array<i32>} : memref<9x4x512xf32, #tpu.memory_space<vmem>>, vector<16xf32>,
        %parallel_loop3A_1133 = arith.subf %parallel_loop3A_1127, %parallel_loop3A_1132 : vector<16xf32>
        %parallel_loop3A_1134 = math.absf %parallel_loop3A_1133 : vector<16xf32>
        %parallel_loop3A_1135 = arith.addf %parallel_loop3A_1122, %parallel_loop3A_1134 : vector<16xf32>
        %parallel_loop3A_1136 = arith.constant 5 : i32
        %parallel_loop3A_1137 = arith.index_cast %parallel_loop3A_1136 : i32 to index
        %parallel_loop3A_1138 = arith.index_cast %parallel_loop3A_1054 : i32 to index
        %parallel_loop3A_1139 = arith.index_cast %parallel_loop3A_1060 : i32 to index
        %parallel_loop3A_1140 = tpu.vector_load %arg10[%parallel_loop3A_1137, %parallel_loop3A_1138, %parallel_loop3A_1139] {strides = array<i32>} : memref<9x4x512xf32, #tpu.memory_space<vmem>>, vector<16xf32>,
        %parallel_loop3A_1141 = arith.constant 8 : i32
        %parallel_loop3A_1142 = arith.index_cast %parallel_loop3A_1141 : i32 to index
        %parallel_loop3A_1143 = arith.index_cast %parallel_loop3A_1054 : i32 to index
        %parallel_loop3A_1144 = arith.index_cast %parallel_loop3A_1060 : i32 to index
        %parallel_loop3A_1145 = tpu.vector_load %arg10[%parallel_loop3A_1142, %parallel_loop3A_1143, %parallel_loop3A_1144] {strides = array<i32>} : memref<9x4x512xf32, #tpu.memory_space<vmem>>, vector<16xf32>,
        %parallel_loop3A_1146 = arith.subf %parallel_loop3A_1140, %parallel_loop3A_1145 : vector<16xf32>
        %parallel_loop3A_1147 = math.absf %parallel_loop3A_1146 : vector<16xf32>
        %parallel_loop3A_1148 = arith.addf %parallel_loop3A_1135, %parallel_loop3A_1147 : vector<16xf32>
        %parallel_loop3A_1149 = arith.mulf %parallel_loop3A_1110, %parallel_loop3A_1148 : vector<16xf32>
        %parallel_loop3A_1150 = arith.addf %parallel_loop3A_358, %parallel_loop3A_1149 : vector<16xf32>
        %parallel_loop3A_1151 = arith.addf %parallel_loop3A_359, %parallel_loop3A_1110 : vector<16xf32>
        scf.yield %parallel_loop3A_457, %parallel_loop3A_458, %parallel_loop3A_556, %parallel_loop3A_557, %parallel_loop3A_655, %parallel_loop3A_656, %parallel_loop3A_754, %parallel_loop3A_755, %parallel_loop3A_853, %parallel_loop3A_854, %parallel_loop3A_952, %parallel_loop3A_953, %parallel_loop3A_1051, %parallel_loop3A_1052, %parallel_loop3A_1150, %parallel_loop3A_1151 : vector<16xf32>, vector<16xf32>, vector<16xf32>, vector<16xf32>, vector<16xf32>, vector<16xf32>, vector<16xf32>, vector<16xf32>, vector<16xf32>, vector<16xf32>, vector<16xf32>, vector<16xf32>, vector<16xf32>, vector<16xf32>, vector<16xf32>, vector<16xf32>
      } {sc.loop_unroll_factor = 1 : i64, sc.parallel_access}
      %mul3A_309 = arith.constant 4 : i32
      %mul3A_310 = arith.muli %mul3A_309, %scan3A_238 : i32
      %add3A_311 = arith.constant 2 : i32
      %add3A_312 = arith.addi %mul3A_310, %add3A_311 : i32
      %add3A_313 = arith.constant 4 : i32
      %add3A_314 = arith.addi %add3A_312, %add3A_313 : i32
      %lt3A_315 = arith.constant 64 : i32
      %lt3A_316 = arith.cmpi slt, %add3A_314, %lt3A_315 : i32
      %convert_element_type3A_317 = arith.extui %lt3A_316 : i1 to i32
      %cond3A_318 = arith.constant 0 : i32
      %cond3A_319 = arith.cmpi ne, %convert_element_type3A_317, %cond3A_318 : i32
      scf.if %cond3A_319 {
        %mul3A_343 = arith.constant 4 : i32
        %mul3A_344 = arith.muli %mul3A_343, %scan3A_238 : i32
        %add3A_345 = arith.constant 2 : i32
        %add3A_346 = arith.addi %mul3A_344, %add3A_345 : i32
        %add3A_347 = arith.constant 4 : i32
        %add3A_348 = arith.addi %add3A_346, %add3A_347 : i32
        %mul3A_349 = arith.constant 4 : i32
        %mul3A_350 = arith.muli %add3A_348, %mul3A_349 : i32
        %add3A_351 = arith.addi %mul3A_32, %mul3A_350 : i32
        %mul3A_352 = arith.constant 3 : i32
        %mul3A_353 = arith.muli %mul3A_352, %select_n3A : i32
        %dma_start3A_354 = arith.constant 0 : i32
        %dma_start3A_355 = arith.constant 0 : i32
        %dma_start3A_356 = arith.constant 0 : i32
        %dma_start3A_357 = tpu.memref_slice %arg10[%dma_start3A_354, %dma_start3A_355, %dma_start3A_356] : memref<9x4x512xf32, #tpu.memory_space<vmem>> -> memref<3x4x512xf32, #tpu.memory_space<vmem>>
        %dma_start3A_358 = arith.constant 0 : i32
        %dma_start3A_359 = tpu.memref_slice %arg4[%mul3A_353, %add3A_351, %dma_start3A_358] : memref<48x512x512xf32, #tpu.memory_space<hbm>> -> memref<3x4x512xf32, #tpu.memory_space<hbm>>
        %dma_start3A_360 = arith.constant 0 : i32
        %dma_start3A_361 = arith.constant 0 : i32
        %dma_start3A_362 = arith.constant 0 : i32
        %dma_start3A_363 = tpu.memref_slice %arg10[%dma_start3A_360, %dma_start3A_361, %dma_start3A_362] : memref<9x4x512xf32, #tpu.memory_space<vmem>> -> memref<3x4x512xf32, #tpu.memory_space<vmem>>
        %dma_start3A_364 = arith.constant 0 : i32
        %dma_start3A_365 = tpu.memref_slice %arg4[%mul3A_353, %add3A_351, %dma_start3A_364] : memref<48x512x512xf32, #tpu.memory_space<hbm>> -> memref<3x4x512xf32, #tpu.memory_space<hbm>>
        tpu.enqueue_dma source(%dma_start3A_365 : memref<3x4x512xf32, #tpu.memory_space<hbm>>) target(%dma_start3A_363 : memref<3x4x512xf32, #tpu.memory_space<vmem>>) target_semaphore(%arg16 : memref<!tpu.dma_semaphore, #tpu.memory_space<semaphore_mem>>)
        %mul3A_366 = arith.constant 3 : i32
        %mul3A_367 = arith.muli %mul3A_366, %select_n3A : i32
        %dma_start3A_368 = arith.constant 3 : i32
        %dma_start3A_369 = arith.constant 0 : i32
        %dma_start3A_370 = arith.constant 0 : i32
        %dma_start3A_371 = tpu.memref_slice %arg10[%dma_start3A_368, %dma_start3A_369, %dma_start3A_370] : memref<9x4x512xf32, #tpu.memory_space<vmem>> -> memref<3x4x512xf32, #tpu.memory_space<vmem>>
        %dma_start3A_372 = arith.constant 0 : i32
        %dma_start3A_373 = tpu.memref_slice %arg2[%mul3A_367, %add3A_351, %dma_start3A_372] : memref<48x512x512xf32, #tpu.memory_space<hbm>> -> memref<3x4x512xf32, #tpu.memory_space<hbm>>
        %dma_start3A_374 = arith.constant 3 : i32
        %dma_start3A_375 = arith.constant 0 : i32
        %dma_start3A_376 = arith.constant 0 : i32
        %dma_start3A_377 = tpu.memref_slice %arg10[%dma_start3A_374, %dma_start3A_375, %dma_start3A_376] : memref<9x4x512xf32, #tpu.memory_space<vmem>> -> memref<3x4x512xf32, #tpu.memory_space<vmem>>
        %dma_start3A_378 = arith.constant 0 : i32
        %dma_start3A_379 = tpu.memref_slice %arg2[%mul3A_367, %add3A_351, %dma_start3A_378] : memref<48x512x512xf32, #tpu.memory_space<hbm>> -> memref<3x4x512xf32, #tpu.memory_space<hbm>>
        tpu.enqueue_dma source(%dma_start3A_379 : memref<3x4x512xf32, #tpu.memory_space<hbm>>) target(%dma_start3A_377 : memref<3x4x512xf32, #tpu.memory_space<vmem>>) target_semaphore(%arg16 : memref<!tpu.dma_semaphore, #tpu.memory_space<semaphore_mem>>)
        %mul3A_380 = arith.constant 3 : i32
        %mul3A_381 = arith.muli %mul3A_380, %select_n3A : i32
        %dma_start3A_382 = arith.constant 6 : i32
        %dma_start3A_383 = arith.constant 0 : i32
        %dma_start3A_384 = arith.constant 0 : i32
        %dma_start3A_385 = tpu.memref_slice %arg10[%dma_start3A_382, %dma_start3A_383, %dma_start3A_384] : memref<9x4x512xf32, #tpu.memory_space<vmem>> -> memref<3x4x512xf32, #tpu.memory_space<vmem>>
        %dma_start3A_386 = arith.constant 0 : i32
        %dma_start3A_387 = tpu.memref_slice %arg3[%mul3A_381, %add3A_351, %dma_start3A_386] : memref<48x512x512xf32, #tpu.memory_space<hbm>> -> memref<3x4x512xf32, #tpu.memory_space<hbm>>
        %dma_start3A_388 = arith.constant 6 : i32
        %dma_start3A_389 = arith.constant 0 : i32
        %dma_start3A_390 = arith.constant 0 : i32
        %dma_start3A_391 = tpu.memref_slice %arg10[%dma_start3A_388, %dma_start3A_389, %dma_start3A_390] : memref<9x4x512xf32, #tpu.memory_space<vmem>> -> memref<3x4x512xf32, #tpu.memory_space<vmem>>
        %dma_start3A_392 = arith.constant 0 : i32
        %dma_start3A_393 = tpu.memref_slice %arg3[%mul3A_381, %add3A_351, %dma_start3A_392] : memref<48x512x512xf32, #tpu.memory_space<hbm>> -> memref<3x4x512xf32, #tpu.memory_space<hbm>>
        tpu.enqueue_dma source(%dma_start3A_393 : memref<3x4x512xf32, #tpu.memory_space<hbm>>) target(%dma_start3A_391 : memref<3x4x512xf32, #tpu.memory_space<vmem>>) target_semaphore(%arg16 : memref<!tpu.dma_semaphore, #tpu.memory_space<semaphore_mem>>)
      } else {
      }
      %dma_wait3A_320 = arith.constant 0 : i32
      %dma_wait3A_321 = arith.constant 0 : i32
      %dma_wait3A_322 = arith.constant 0 : i32
      %dma_wait3A_323 = tpu.memref_slice %arg2[%dma_wait3A_320, %dma_wait3A_321, %dma_wait3A_322] : memref<48x512x512xf32, #tpu.memory_space<hbm>> -> memref<9x4x512xf32, #tpu.memory_space<hbm>>
      %dma_wait3A_324 = arith.constant 0 : i32
      %dma_wait3A_325 = arith.constant 0 : i32
      %dma_wait3A_326 = arith.constant 0 : i32
      %dma_wait3A_327 = tpu.memref_slice %arg2[%dma_wait3A_324, %dma_wait3A_325, %dma_wait3A_326] : memref<48x512x512xf32, #tpu.memory_space<hbm>> -> memref<9x4x512xf32, #tpu.memory_space<hbm>>
      tpu.wait_dma2 semaphore(%arg17 : memref<!tpu.dma_semaphore, #tpu.memory_space<semaphore_mem>>) src(%dma_wait3A_327 : memref<9x4x512xf32, #tpu.memory_space<hbm>>) dst(%arg11 : memref<9x4x512xf32, #tpu.memory_space<vmem>>)
      %parallel_loop3A_328 = arith.constant 0 : i32
      %parallel_loop3A_329 = arith.constant 128 : i32
      %parallel_loop3A_330 = arith.constant 8 : i32
      %parallel_loop3A_331:16 = scf.for %parallel_loop3A_343 = %parallel_loop3A_328 to %parallel_loop3A_329 step %parallel_loop3A_330 iter_args(%parallel_loop3A_344 = %parallel_loop3A_308#0, %parallel_loop3A_345 = %parallel_loop3A_308#1, %parallel_loop3A_346 = %parallel_loop3A_308#2, %parallel_loop3A_347 = %parallel_loop3A_308#3, %parallel_loop3A_348 = %parallel_loop3A_308#4, %parallel_loop3A_349 = %parallel_loop3A_308#5, %parallel_loop3A_350 = %parallel_loop3A_308#6, %parallel_loop3A_351 = %parallel_loop3A_308#7, %parallel_loop3A_352 = %parallel_loop3A_308#8, %parallel_loop3A_353 = %parallel_loop3A_308#9, %parallel_loop3A_354 = %parallel_loop3A_308#10, %parallel_loop3A_355 = %parallel_loop3A_308#11, %parallel_loop3A_356 = %parallel_loop3A_308#12, %parallel_loop3A_357 = %parallel_loop3A_308#13, %parallel_loop3A_358 = %parallel_loop3A_308#14, %parallel_loop3A_359 = %parallel_loop3A_308#15) -> (vector<16xf32>, vector<16xf32>, vector<16xf32>, vector<16xf32>, vector<16xf32>, vector<16xf32>, vector<16xf32>, vector<16xf32>, vector<16xf32>, vector<16xf32>, vector<16xf32>, vector<16xf32>, vector<16xf32>, vector<16xf32>, vector<16xf32>, vector<16xf32>)  : i32 {
        %parallel_loop3A_360 = arith.constant 5 : i32
        %parallel_loop3A_361 = arith.shrsi %parallel_loop3A_343, %parallel_loop3A_360 : i32
        %parallel_loop3A_362 = arith.constant 31 : i32
        %parallel_loop3A_363 = arith.andi %parallel_loop3A_343, %parallel_loop3A_362 : i32
        %parallel_loop3A_364 = arith.constant 0 : i32
        %parallel_loop3A_365 = arith.addi %parallel_loop3A_363, %parallel_loop3A_364 : i32
        %parallel_loop3A_366 = arith.constant 16 : i32
        %parallel_loop3A_367 = arith.muli %parallel_loop3A_365, %parallel_loop3A_366 : i32
        %parallel_loop3A_368 = arith.constant 0 : i32
        %parallel_loop3A_369 = arith.index_cast %parallel_loop3A_368 : i32 to index
        %parallel_loop3A_370 = arith.index_cast %parallel_loop3A_361 : i32 to index
        %parallel_loop3A_371 = arith.index_cast %parallel_loop3A_367 : i32 to index
        %parallel_loop3A_372 = tpu.vector_load %arg11[%parallel_loop3A_369, %parallel_loop3A_370, %parallel_loop3A_371] {strides = array<i32>} : memref<9x4x512xf32, #tpu.memory_space<vmem>>, vector<16xf32>,
        %parallel_loop3A_373 = arith.constant 2.550000e+02 : f32
        %parallel_loop3A_374 = vector.broadcast %parallel_loop3A_373 : f32 to vector<16xf32>
        %parallel_loop3A_375 = arith.mulf %parallel_loop3A_372, %parallel_loop3A_374 : vector<16xf32>
        %parallel_loop3A_376 = arith.constant 1.250000e-01 : f32
        %parallel_loop3A_377 = vector.broadcast %parallel_loop3A_376 : f32 to vector<16xf32>
        %parallel_loop3A_378 = arith.mulf %parallel_loop3A_375, %parallel_loop3A_377 : vector<16xf32>
        %parallel_loop3A_379 = arith.fptosi %parallel_loop3A_378 : vector<16xf32> to vector<16xi32>
        %parallel_loop3A_380 = arith.constant 1 : i32
        %parallel_loop3A_381 = arith.index_cast %parallel_loop3A_380 : i32 to index
        %parallel_loop3A_382 = arith.index_cast %parallel_loop3A_361 : i32 to index
        %parallel_loop3A_383 = arith.index_cast %parallel_loop3A_367 : i32 to index
        %parallel_loop3A_384 = tpu.vector_load %arg11[%parallel_loop3A_381, %parallel_loop3A_382, %parallel_loop3A_383] {strides = array<i32>} : memref<9x4x512xf32, #tpu.memory_space<vmem>>, vector<16xf32>,
        %parallel_loop3A_385 = arith.constant 2.550000e+02 : f32
        %parallel_loop3A_386 = vector.broadcast %parallel_loop3A_385 : f32 to vector<16xf32>
        %parallel_loop3A_387 = arith.mulf %parallel_loop3A_384, %parallel_loop3A_386 : vector<16xf32>
        %parallel_loop3A_388 = arith.constant 1.250000e-01 : f32
        %parallel_loop3A_389 = vector.broadcast %parallel_loop3A_388 : f32 to vector<16xf32>
        %parallel_loop3A_390 = arith.mulf %parallel_loop3A_387, %parallel_loop3A_389 : vector<16xf32>
        %parallel_loop3A_391 = arith.fptosi %parallel_loop3A_390 : vector<16xf32> to vector<16xi32>
        %parallel_loop3A_392 = arith.constant 2 : i32
        %parallel_loop3A_393 = arith.index_cast %parallel_loop3A_392 : i32 to index
        %parallel_loop3A_394 = arith.index_cast %parallel_loop3A_361 : i32 to index
        %parallel_loop3A_395 = arith.index_cast %parallel_loop3A_367 : i32 to index
        %parallel_loop3A_396 = tpu.vector_load %arg11[%parallel_loop3A_393, %parallel_loop3A_394, %parallel_loop3A_395] {strides = array<i32>} : memref<9x4x512xf32, #tpu.memory_space<vmem>>, vector<16xf32>,
        %parallel_loop3A_397 = arith.constant 2.550000e+02 : f32
        %parallel_loop3A_398 = vector.broadcast %parallel_loop3A_397 : f32 to vector<16xf32>
        %parallel_loop3A_399 = arith.mulf %parallel_loop3A_396, %parallel_loop3A_398 : vector<16xf32>
        %parallel_loop3A_400 = arith.constant 1.250000e-01 : f32
        %parallel_loop3A_401 = vector.broadcast %parallel_loop3A_400 : f32 to vector<16xf32>
        %parallel_loop3A_402 = arith.mulf %parallel_loop3A_399, %parallel_loop3A_401 : vector<16xf32>
        %parallel_loop3A_403 = arith.fptosi %parallel_loop3A_402 : vector<16xf32> to vector<16xi32>
        %parallel_loop3A_404 = arith.constant 1024 : i32
        %parallel_loop3A_405 = vector.broadcast %parallel_loop3A_404 : i32 to vector<16xi32>
        %parallel_loop3A_406 = arith.muli %parallel_loop3A_379, %parallel_loop3A_405 : vector<16xi32>
        %parallel_loop3A_407 = arith.constant 32 : i32
        %parallel_loop3A_408 = vector.broadcast %parallel_loop3A_407 : i32 to vector<16xi32>
        %parallel_loop3A_409 = arith.muli %parallel_loop3A_391, %parallel_loop3A_408 : vector<16xi32>
        %parallel_loop3A_410 = arith.addi %parallel_loop3A_406, %parallel_loop3A_409 : vector<16xi32>
        %parallel_loop3A_411 = arith.addi %parallel_loop3A_410, %parallel_loop3A_403 : vector<16xi32>
        %parallel_loop3A_412 = tpu.bitcast %parallel_loop3A_411 : vector<16xi32> -> vector<16xi32>
        %parallel_loop3A_413 = arith.constant 32767 : i32
        %parallel_loop3A_414 = vector.broadcast %parallel_loop3A_413 : i32 to vector<16xi32>
        %parallel_loop3A_415 = arith.minui %parallel_loop3A_412, %parallel_loop3A_414 : vector<16xi32>
        %parallel_loop3A_416 = tpu.bitcast %parallel_loop3A_415 : vector<16xi32> -> vector<16xi32>
        %parallel_loop3A_417 = tpu.vector_load_idx %arg7[%parallel_loop3A_416] : memref<32768xf32, #tpu.memory_space<vmem>>[vector<16xi32>], vector<16xf32>,
        %parallel_loop3A_418 = arith.constant 3 : i32
        %parallel_loop3A_419 = arith.index_cast %parallel_loop3A_418 : i32 to index
        %parallel_loop3A_420 = arith.index_cast %parallel_loop3A_361 : i32 to index
        %parallel_loop3A_421 = arith.index_cast %parallel_loop3A_367 : i32 to index
        %parallel_loop3A_422 = tpu.vector_load %arg11[%parallel_loop3A_419, %parallel_loop3A_420, %parallel_loop3A_421] {strides = array<i32>} : memref<9x4x512xf32, #tpu.memory_space<vmem>>, vector<16xf32>,
        %parallel_loop3A_423 = arith.constant 6 : i32
        %parallel_loop3A_424 = arith.index_cast %parallel_loop3A_423 : i32 to index
        %parallel_loop3A_425 = arith.index_cast %parallel_loop3A_361 : i32 to index
        %parallel_loop3A_426 = arith.index_cast %parallel_loop3A_367 : i32 to index
        %parallel_loop3A_427 = tpu.vector_load %arg11[%parallel_loop3A_424, %parallel_loop3A_425, %parallel_loop3A_426] {strides = array<i32>} : memref<9x4x512xf32, #tpu.memory_space<vmem>>, vector<16xf32>,
        %parallel_loop3A_428 = arith.subf %parallel_loop3A_422, %parallel_loop3A_427 : vector<16xf32>
        %parallel_loop3A_429 = math.absf %parallel_loop3A_428 : vector<16xf32>
        %parallel_loop3A_430 = arith.constant 4 : i32
        %parallel_loop3A_431 = arith.index_cast %parallel_loop3A_430 : i32 to index
        %parallel_loop3A_432 = arith.index_cast %parallel_loop3A_361 : i32 to index
        %parallel_loop3A_433 = arith.index_cast %parallel_loop3A_367 : i32 to index
        %parallel_loop3A_434 = tpu.vector_load %arg11[%parallel_loop3A_431, %parallel_loop3A_432, %parallel_loop3A_433] {strides = array<i32>} : memref<9x4x512xf32, #tpu.memory_space<vmem>>, vector<16xf32>,
        %parallel_loop3A_435 = arith.constant 7 : i32
        %parallel_loop3A_436 = arith.index_cast %parallel_loop3A_435 : i32 to index
        %parallel_loop3A_437 = arith.index_cast %parallel_loop3A_361 : i32 to index
        %parallel_loop3A_438 = arith.index_cast %parallel_loop3A_367 : i32 to index
        %parallel_loop3A_439 = tpu.vector_load %arg11[%parallel_loop3A_436, %parallel_loop3A_437, %parallel_loop3A_438] {strides = array<i32>} : memref<9x4x512xf32, #tpu.memory_space<vmem>>, vector<16xf32>,
        %parallel_loop3A_440 = arith.subf %parallel_loop3A_434, %parallel_loop3A_439 : vector<16xf32>
        %parallel_loop3A_441 = math.absf %parallel_loop3A_440 : vector<16xf32>
        %parallel_loop3A_442 = arith.addf %parallel_loop3A_429, %parallel_loop3A_441 : vector<16xf32>
        %parallel_loop3A_443 = arith.constant 5 : i32
        %parallel_loop3A_444 = arith.index_cast %parallel_loop3A_443 : i32 to index
        %parallel_loop3A_445 = arith.index_cast %parallel_loop3A_361 : i32 to index
        %parallel_loop3A_446 = arith.index_cast %parallel_loop3A_367 : i32 to index
        %parallel_loop3A_447 = tpu.vector_load %arg11[%parallel_loop3A_444, %parallel_loop3A_445, %parallel_loop3A_446] {strides = array<i32>} : memref<9x4x512xf32, #tpu.memory_space<vmem>>, vector<16xf32>,
        %parallel_loop3A_448 = arith.constant 8 : i32
        %parallel_loop3A_449 = arith.index_cast %parallel_loop3A_448 : i32 to index
        %parallel_loop3A_450 = arith.index_cast %parallel_loop3A_361 : i32 to index
        %parallel_loop3A_451 = arith.index_cast %parallel_loop3A_367 : i32 to index
        %parallel_loop3A_452 = tpu.vector_load %arg11[%parallel_loop3A_449, %parallel_loop3A_450, %parallel_loop3A_451] {strides = array<i32>} : memref<9x4x512xf32, #tpu.memory_space<vmem>>, vector<16xf32>,
        %parallel_loop3A_453 = arith.subf %parallel_loop3A_447, %parallel_loop3A_452 : vector<16xf32>
        %parallel_loop3A_454 = math.absf %parallel_loop3A_453 : vector<16xf32>
        %parallel_loop3A_455 = arith.addf %parallel_loop3A_442, %parallel_loop3A_454 : vector<16xf32>
        %parallel_loop3A_456 = arith.mulf %parallel_loop3A_417, %parallel_loop3A_455 : vector<16xf32>
        %parallel_loop3A_457 = arith.addf %parallel_loop3A_344, %parallel_loop3A_456 : vector<16xf32>
        %parallel_loop3A_458 = arith.addf %parallel_loop3A_345, %parallel_loop3A_417 : vector<16xf32>
        %parallel_loop3A_459 = arith.constant 5 : i32
        %parallel_loop3A_460 = arith.shrsi %parallel_loop3A_343, %parallel_loop3A_459 : i32
        %parallel_loop3A_461 = arith.constant 31 : i32
        %parallel_loop3A_462 = arith.andi %parallel_loop3A_343, %parallel_loop3A_461 : i32
        %parallel_loop3A_463 = arith.constant 1 : i32
        %parallel_loop3A_464 = arith.addi %parallel_loop3A_462, %parallel_loop3A_463 : i32
        %parallel_loop3A_465 = arith.constant 16 : i32
        %parallel_loop3A_466 = arith.muli %parallel_loop3A_464, %parallel_loop3A_465 : i32
        %parallel_loop3A_467 = arith.constant 0 : i32
        %parallel_loop3A_468 = arith.index_cast %parallel_loop3A_467 : i32 to index
        %parallel_loop3A_469 = arith.index_cast %parallel_loop3A_460 : i32 to index
        %parallel_loop3A_470 = arith.index_cast %parallel_loop3A_466 : i32 to index
        %parallel_loop3A_471 = tpu.vector_load %arg11[%parallel_loop3A_468, %parallel_loop3A_469, %parallel_loop3A_470] {strides = array<i32>} : memref<9x4x512xf32, #tpu.memory_space<vmem>>, vector<16xf32>,
        %parallel_loop3A_472 = arith.constant 2.550000e+02 : f32
        %parallel_loop3A_473 = vector.broadcast %parallel_loop3A_472 : f32 to vector<16xf32>
        %parallel_loop3A_474 = arith.mulf %parallel_loop3A_471, %parallel_loop3A_473 : vector<16xf32>
        %parallel_loop3A_475 = arith.constant 1.250000e-01 : f32
        %parallel_loop3A_476 = vector.broadcast %parallel_loop3A_475 : f32 to vector<16xf32>
        %parallel_loop3A_477 = arith.mulf %parallel_loop3A_474, %parallel_loop3A_476 : vector<16xf32>
        %parallel_loop3A_478 = arith.fptosi %parallel_loop3A_477 : vector<16xf32> to vector<16xi32>
        %parallel_loop3A_479 = arith.constant 1 : i32
        %parallel_loop3A_480 = arith.index_cast %parallel_loop3A_479 : i32 to index
        %parallel_loop3A_481 = arith.index_cast %parallel_loop3A_460 : i32 to index
        %parallel_loop3A_482 = arith.index_cast %parallel_loop3A_466 : i32 to index
        %parallel_loop3A_483 = tpu.vector_load %arg11[%parallel_loop3A_480, %parallel_loop3A_481, %parallel_loop3A_482] {strides = array<i32>} : memref<9x4x512xf32, #tpu.memory_space<vmem>>, vector<16xf32>,
        %parallel_loop3A_484 = arith.constant 2.550000e+02 : f32
        %parallel_loop3A_485 = vector.broadcast %parallel_loop3A_484 : f32 to vector<16xf32>
        %parallel_loop3A_486 = arith.mulf %parallel_loop3A_483, %parallel_loop3A_485 : vector<16xf32>
        %parallel_loop3A_487 = arith.constant 1.250000e-01 : f32
        %parallel_loop3A_488 = vector.broadcast %parallel_loop3A_487 : f32 to vector<16xf32>
        %parallel_loop3A_489 = arith.mulf %parallel_loop3A_486, %parallel_loop3A_488 : vector<16xf32>
        %parallel_loop3A_490 = arith.fptosi %parallel_loop3A_489 : vector<16xf32> to vector<16xi32>
        %parallel_loop3A_491 = arith.constant 2 : i32
        %parallel_loop3A_492 = arith.index_cast %parallel_loop3A_491 : i32 to index
        %parallel_loop3A_493 = arith.index_cast %parallel_loop3A_460 : i32 to index
        %parallel_loop3A_494 = arith.index_cast %parallel_loop3A_466 : i32 to index
        %parallel_loop3A_495 = tpu.vector_load %arg11[%parallel_loop3A_492, %parallel_loop3A_493, %parallel_loop3A_494] {strides = array<i32>} : memref<9x4x512xf32, #tpu.memory_space<vmem>>, vector<16xf32>,
        %parallel_loop3A_496 = arith.constant 2.550000e+02 : f32
        %parallel_loop3A_497 = vector.broadcast %parallel_loop3A_496 : f32 to vector<16xf32>
        %parallel_loop3A_498 = arith.mulf %parallel_loop3A_495, %parallel_loop3A_497 : vector<16xf32>
        %parallel_loop3A_499 = arith.constant 1.250000e-01 : f32
        %parallel_loop3A_500 = vector.broadcast %parallel_loop3A_499 : f32 to vector<16xf32>
        %parallel_loop3A_501 = arith.mulf %parallel_loop3A_498, %parallel_loop3A_500 : vector<16xf32>
        %parallel_loop3A_502 = arith.fptosi %parallel_loop3A_501 : vector<16xf32> to vector<16xi32>
        %parallel_loop3A_503 = arith.constant 1024 : i32
        %parallel_loop3A_504 = vector.broadcast %parallel_loop3A_503 : i32 to vector<16xi32>
        %parallel_loop3A_505 = arith.muli %parallel_loop3A_478, %parallel_loop3A_504 : vector<16xi32>
        %parallel_loop3A_506 = arith.constant 32 : i32
        %parallel_loop3A_507 = vector.broadcast %parallel_loop3A_506 : i32 to vector<16xi32>
        %parallel_loop3A_508 = arith.muli %parallel_loop3A_490, %parallel_loop3A_507 : vector<16xi32>
        %parallel_loop3A_509 = arith.addi %parallel_loop3A_505, %parallel_loop3A_508 : vector<16xi32>
        %parallel_loop3A_510 = arith.addi %parallel_loop3A_509, %parallel_loop3A_502 : vector<16xi32>
        %parallel_loop3A_511 = tpu.bitcast %parallel_loop3A_510 : vector<16xi32> -> vector<16xi32>
        %parallel_loop3A_512 = arith.constant 32767 : i32
        %parallel_loop3A_513 = vector.broadcast %parallel_loop3A_512 : i32 to vector<16xi32>
        %parallel_loop3A_514 = arith.minui %parallel_loop3A_511, %parallel_loop3A_513 : vector<16xi32>
        %parallel_loop3A_515 = tpu.bitcast %parallel_loop3A_514 : vector<16xi32> -> vector<16xi32>
        %parallel_loop3A_516 = tpu.vector_load_idx %arg7[%parallel_loop3A_515] : memref<32768xf32, #tpu.memory_space<vmem>>[vector<16xi32>], vector<16xf32>,
        %parallel_loop3A_517 = arith.constant 3 : i32
        %parallel_loop3A_518 = arith.index_cast %parallel_loop3A_517 : i32 to index
        %parallel_loop3A_519 = arith.index_cast %parallel_loop3A_460 : i32 to index
        %parallel_loop3A_520 = arith.index_cast %parallel_loop3A_466 : i32 to index
        %parallel_loop3A_521 = tpu.vector_load %arg11[%parallel_loop3A_518, %parallel_loop3A_519, %parallel_loop3A_520] {strides = array<i32>} : memref<9x4x512xf32, #tpu.memory_space<vmem>>, vector<16xf32>,
        %parallel_loop3A_522 = arith.constant 6 : i32
        %parallel_loop3A_523 = arith.index_cast %parallel_loop3A_522 : i32 to index
        %parallel_loop3A_524 = arith.index_cast %parallel_loop3A_460 : i32 to index
        %parallel_loop3A_525 = arith.index_cast %parallel_loop3A_466 : i32 to index
        %parallel_loop3A_526 = tpu.vector_load %arg11[%parallel_loop3A_523, %parallel_loop3A_524, %parallel_loop3A_525] {strides = array<i32>} : memref<9x4x512xf32, #tpu.memory_space<vmem>>, vector<16xf32>,
        %parallel_loop3A_527 = arith.subf %parallel_loop3A_521, %parallel_loop3A_526 : vector<16xf32>
        %parallel_loop3A_528 = math.absf %parallel_loop3A_527 : vector<16xf32>
        %parallel_loop3A_529 = arith.constant 4 : i32
        %parallel_loop3A_530 = arith.index_cast %parallel_loop3A_529 : i32 to index
        %parallel_loop3A_531 = arith.index_cast %parallel_loop3A_460 : i32 to index
        %parallel_loop3A_532 = arith.index_cast %parallel_loop3A_466 : i32 to index
        %parallel_loop3A_533 = tpu.vector_load %arg11[%parallel_loop3A_530, %parallel_loop3A_531, %parallel_loop3A_532] {strides = array<i32>} : memref<9x4x512xf32, #tpu.memory_space<vmem>>, vector<16xf32>,
        %parallel_loop3A_534 = arith.constant 7 : i32
        %parallel_loop3A_535 = arith.index_cast %parallel_loop3A_534 : i32 to index
        %parallel_loop3A_536 = arith.index_cast %parallel_loop3A_460 : i32 to index
        %parallel_loop3A_537 = arith.index_cast %parallel_loop3A_466 : i32 to index
        %parallel_loop3A_538 = tpu.vector_load %arg11[%parallel_loop3A_535, %parallel_loop3A_536, %parallel_loop3A_537] {strides = array<i32>} : memref<9x4x512xf32, #tpu.memory_space<vmem>>, vector<16xf32>,
        %parallel_loop3A_539 = arith.subf %parallel_loop3A_533, %parallel_loop3A_538 : vector<16xf32>
        %parallel_loop3A_540 = math.absf %parallel_loop3A_539 : vector<16xf32>
        %parallel_loop3A_541 = arith.addf %parallel_loop3A_528, %parallel_loop3A_540 : vector<16xf32>
        %parallel_loop3A_542 = arith.constant 5 : i32
        %parallel_loop3A_543 = arith.index_cast %parallel_loop3A_542 : i32 to index
        %parallel_loop3A_544 = arith.index_cast %parallel_loop3A_460 : i32 to index
        %parallel_loop3A_545 = arith.index_cast %parallel_loop3A_466 : i32 to index
        %parallel_loop3A_546 = tpu.vector_load %arg11[%parallel_loop3A_543, %parallel_loop3A_544, %parallel_loop3A_545] {strides = array<i32>} : memref<9x4x512xf32, #tpu.memory_space<vmem>>, vector<16xf32>,
        %parallel_loop3A_547 = arith.constant 8 : i32
        %parallel_loop3A_548 = arith.index_cast %parallel_loop3A_547 : i32 to index
        %parallel_loop3A_549 = arith.index_cast %parallel_loop3A_460 : i32 to index
        %parallel_loop3A_550 = arith.index_cast %parallel_loop3A_466 : i32 to index
        %parallel_loop3A_551 = tpu.vector_load %arg11[%parallel_loop3A_548, %parallel_loop3A_549, %parallel_loop3A_550] {strides = array<i32>} : memref<9x4x512xf32, #tpu.memory_space<vmem>>, vector<16xf32>,
        %parallel_loop3A_552 = arith.subf %parallel_loop3A_546, %parallel_loop3A_551 : vector<16xf32>
        %parallel_loop3A_553 = math.absf %parallel_loop3A_552 : vector<16xf32>
        %parallel_loop3A_554 = arith.addf %parallel_loop3A_541, %parallel_loop3A_553 : vector<16xf32>
        %parallel_loop3A_555 = arith.mulf %parallel_loop3A_516, %parallel_loop3A_554 : vector<16xf32>
        %parallel_loop3A_556 = arith.addf %parallel_loop3A_346, %parallel_loop3A_555 : vector<16xf32>
        %parallel_loop3A_557 = arith.addf %parallel_loop3A_347, %parallel_loop3A_516 : vector<16xf32>
        %parallel_loop3A_558 = arith.constant 5 : i32
        %parallel_loop3A_559 = arith.shrsi %parallel_loop3A_343, %parallel_loop3A_558 : i32
        %parallel_loop3A_560 = arith.constant 31 : i32
        %parallel_loop3A_561 = arith.andi %parallel_loop3A_343, %parallel_loop3A_560 : i32
        %parallel_loop3A_562 = arith.constant 2 : i32
        %parallel_loop3A_563 = arith.addi %parallel_loop3A_561, %parallel_loop3A_562 : i32
        %parallel_loop3A_564 = arith.constant 16 : i32
        %parallel_loop3A_565 = arith.muli %parallel_loop3A_563, %parallel_loop3A_564 : i32
        %parallel_loop3A_566 = arith.constant 0 : i32
        %parallel_loop3A_567 = arith.index_cast %parallel_loop3A_566 : i32 to index
        %parallel_loop3A_568 = arith.index_cast %parallel_loop3A_559 : i32 to index
        %parallel_loop3A_569 = arith.index_cast %parallel_loop3A_565 : i32 to index
        %parallel_loop3A_570 = tpu.vector_load %arg11[%parallel_loop3A_567, %parallel_loop3A_568, %parallel_loop3A_569] {strides = array<i32>} : memref<9x4x512xf32, #tpu.memory_space<vmem>>, vector<16xf32>,
        %parallel_loop3A_571 = arith.constant 2.550000e+02 : f32
        %parallel_loop3A_572 = vector.broadcast %parallel_loop3A_571 : f32 to vector<16xf32>
        %parallel_loop3A_573 = arith.mulf %parallel_loop3A_570, %parallel_loop3A_572 : vector<16xf32>
        %parallel_loop3A_574 = arith.constant 1.250000e-01 : f32
        %parallel_loop3A_575 = vector.broadcast %parallel_loop3A_574 : f32 to vector<16xf32>
        %parallel_loop3A_576 = arith.mulf %parallel_loop3A_573, %parallel_loop3A_575 : vector<16xf32>
        %parallel_loop3A_577 = arith.fptosi %parallel_loop3A_576 : vector<16xf32> to vector<16xi32>
        %parallel_loop3A_578 = arith.constant 1 : i32
        %parallel_loop3A_579 = arith.index_cast %parallel_loop3A_578 : i32 to index
        %parallel_loop3A_580 = arith.index_cast %parallel_loop3A_559 : i32 to index
        %parallel_loop3A_581 = arith.index_cast %parallel_loop3A_565 : i32 to index
        %parallel_loop3A_582 = tpu.vector_load %arg11[%parallel_loop3A_579, %parallel_loop3A_580, %parallel_loop3A_581] {strides = array<i32>} : memref<9x4x512xf32, #tpu.memory_space<vmem>>, vector<16xf32>,
        %parallel_loop3A_583 = arith.constant 2.550000e+02 : f32
        %parallel_loop3A_584 = vector.broadcast %parallel_loop3A_583 : f32 to vector<16xf32>
        %parallel_loop3A_585 = arith.mulf %parallel_loop3A_582, %parallel_loop3A_584 : vector<16xf32>
        %parallel_loop3A_586 = arith.constant 1.250000e-01 : f32
        %parallel_loop3A_587 = vector.broadcast %parallel_loop3A_586 : f32 to vector<16xf32>
        %parallel_loop3A_588 = arith.mulf %parallel_loop3A_585, %parallel_loop3A_587 : vector<16xf32>
        %parallel_loop3A_589 = arith.fptosi %parallel_loop3A_588 : vector<16xf32> to vector<16xi32>
        %parallel_loop3A_590 = arith.constant 2 : i32
        %parallel_loop3A_591 = arith.index_cast %parallel_loop3A_590 : i32 to index
        %parallel_loop3A_592 = arith.index_cast %parallel_loop3A_559 : i32 to index
        %parallel_loop3A_593 = arith.index_cast %parallel_loop3A_565 : i32 to index
        %parallel_loop3A_594 = tpu.vector_load %arg11[%parallel_loop3A_591, %parallel_loop3A_592, %parallel_loop3A_593] {strides = array<i32>} : memref<9x4x512xf32, #tpu.memory_space<vmem>>, vector<16xf32>,
        %parallel_loop3A_595 = arith.constant 2.550000e+02 : f32
        %parallel_loop3A_596 = vector.broadcast %parallel_loop3A_595 : f32 to vector<16xf32>
        %parallel_loop3A_597 = arith.mulf %parallel_loop3A_594, %parallel_loop3A_596 : vector<16xf32>
        %parallel_loop3A_598 = arith.constant 1.250000e-01 : f32
        %parallel_loop3A_599 = vector.broadcast %parallel_loop3A_598 : f32 to vector<16xf32>
        %parallel_loop3A_600 = arith.mulf %parallel_loop3A_597, %parallel_loop3A_599 : vector<16xf32>
        %parallel_loop3A_601 = arith.fptosi %parallel_loop3A_600 : vector<16xf32> to vector<16xi32>
        %parallel_loop3A_602 = arith.constant 1024 : i32
        %parallel_loop3A_603 = vector.broadcast %parallel_loop3A_602 : i32 to vector<16xi32>
        %parallel_loop3A_604 = arith.muli %parallel_loop3A_577, %parallel_loop3A_603 : vector<16xi32>
        %parallel_loop3A_605 = arith.constant 32 : i32
        %parallel_loop3A_606 = vector.broadcast %parallel_loop3A_605 : i32 to vector<16xi32>
        %parallel_loop3A_607 = arith.muli %parallel_loop3A_589, %parallel_loop3A_606 : vector<16xi32>
        %parallel_loop3A_608 = arith.addi %parallel_loop3A_604, %parallel_loop3A_607 : vector<16xi32>
        %parallel_loop3A_609 = arith.addi %parallel_loop3A_608, %parallel_loop3A_601 : vector<16xi32>
        %parallel_loop3A_610 = tpu.bitcast %parallel_loop3A_609 : vector<16xi32> -> vector<16xi32>
        %parallel_loop3A_611 = arith.constant 32767 : i32
        %parallel_loop3A_612 = vector.broadcast %parallel_loop3A_611 : i32 to vector<16xi32>
        %parallel_loop3A_613 = arith.minui %parallel_loop3A_610, %parallel_loop3A_612 : vector<16xi32>
        %parallel_loop3A_614 = tpu.bitcast %parallel_loop3A_613 : vector<16xi32> -> vector<16xi32>
        %parallel_loop3A_615 = tpu.vector_load_idx %arg7[%parallel_loop3A_614] : memref<32768xf32, #tpu.memory_space<vmem>>[vector<16xi32>], vector<16xf32>,
        %parallel_loop3A_616 = arith.constant 3 : i32
        %parallel_loop3A_617 = arith.index_cast %parallel_loop3A_616 : i32 to index
        %parallel_loop3A_618 = arith.index_cast %parallel_loop3A_559 : i32 to index
        %parallel_loop3A_619 = arith.index_cast %parallel_loop3A_565 : i32 to index
        %parallel_loop3A_620 = tpu.vector_load %arg11[%parallel_loop3A_617, %parallel_loop3A_618, %parallel_loop3A_619] {strides = array<i32>} : memref<9x4x512xf32, #tpu.memory_space<vmem>>, vector<16xf32>,
        %parallel_loop3A_621 = arith.constant 6 : i32
        %parallel_loop3A_622 = arith.index_cast %parallel_loop3A_621 : i32 to index
        %parallel_loop3A_623 = arith.index_cast %parallel_loop3A_559 : i32 to index
        %parallel_loop3A_624 = arith.index_cast %parallel_loop3A_565 : i32 to index
        %parallel_loop3A_625 = tpu.vector_load %arg11[%parallel_loop3A_622, %parallel_loop3A_623, %parallel_loop3A_624] {strides = array<i32>} : memref<9x4x512xf32, #tpu.memory_space<vmem>>, vector<16xf32>,
        %parallel_loop3A_626 = arith.subf %parallel_loop3A_620, %parallel_loop3A_625 : vector<16xf32>
        %parallel_loop3A_627 = math.absf %parallel_loop3A_626 : vector<16xf32>
        %parallel_loop3A_628 = arith.constant 4 : i32
        %parallel_loop3A_629 = arith.index_cast %parallel_loop3A_628 : i32 to index
        %parallel_loop3A_630 = arith.index_cast %parallel_loop3A_559 : i32 to index
        %parallel_loop3A_631 = arith.index_cast %parallel_loop3A_565 : i32 to index
        %parallel_loop3A_632 = tpu.vector_load %arg11[%parallel_loop3A_629, %parallel_loop3A_630, %parallel_loop3A_631] {strides = array<i32>} : memref<9x4x512xf32, #tpu.memory_space<vmem>>, vector<16xf32>,
        %parallel_loop3A_633 = arith.constant 7 : i32
        %parallel_loop3A_634 = arith.index_cast %parallel_loop3A_633 : i32 to index
        %parallel_loop3A_635 = arith.index_cast %parallel_loop3A_559 : i32 to index
        %parallel_loop3A_636 = arith.index_cast %parallel_loop3A_565 : i32 to index
        %parallel_loop3A_637 = tpu.vector_load %arg11[%parallel_loop3A_634, %parallel_loop3A_635, %parallel_loop3A_636] {strides = array<i32>} : memref<9x4x512xf32, #tpu.memory_space<vmem>>, vector<16xf32>,
        %parallel_loop3A_638 = arith.subf %parallel_loop3A_632, %parallel_loop3A_637 : vector<16xf32>
        %parallel_loop3A_639 = math.absf %parallel_loop3A_638 : vector<16xf32>
        %parallel_loop3A_640 = arith.addf %parallel_loop3A_627, %parallel_loop3A_639 : vector<16xf32>
        %parallel_loop3A_641 = arith.constant 5 : i32
        %parallel_loop3A_642 = arith.index_cast %parallel_loop3A_641 : i32 to index
        %parallel_loop3A_643 = arith.index_cast %parallel_loop3A_559 : i32 to index
        %parallel_loop3A_644 = arith.index_cast %parallel_loop3A_565 : i32 to index
        %parallel_loop3A_645 = tpu.vector_load %arg11[%parallel_loop3A_642, %parallel_loop3A_643, %parallel_loop3A_644] {strides = array<i32>} : memref<9x4x512xf32, #tpu.memory_space<vmem>>, vector<16xf32>,
        %parallel_loop3A_646 = arith.constant 8 : i32
        %parallel_loop3A_647 = arith.index_cast %parallel_loop3A_646 : i32 to index
        %parallel_loop3A_648 = arith.index_cast %parallel_loop3A_559 : i32 to index
        %parallel_loop3A_649 = arith.index_cast %parallel_loop3A_565 : i32 to index
        %parallel_loop3A_650 = tpu.vector_load %arg11[%parallel_loop3A_647, %parallel_loop3A_648, %parallel_loop3A_649] {strides = array<i32>} : memref<9x4x512xf32, #tpu.memory_space<vmem>>, vector<16xf32>,
        %parallel_loop3A_651 = arith.subf %parallel_loop3A_645, %parallel_loop3A_650 : vector<16xf32>
        %parallel_loop3A_652 = math.absf %parallel_loop3A_651 : vector<16xf32>
        %parallel_loop3A_653 = arith.addf %parallel_loop3A_640, %parallel_loop3A_652 : vector<16xf32>
        %parallel_loop3A_654 = arith.mulf %parallel_loop3A_615, %parallel_loop3A_653 : vector<16xf32>
        %parallel_loop3A_655 = arith.addf %parallel_loop3A_348, %parallel_loop3A_654 : vector<16xf32>
        %parallel_loop3A_656 = arith.addf %parallel_loop3A_349, %parallel_loop3A_615 : vector<16xf32>
        %parallel_loop3A_657 = arith.constant 5 : i32
        %parallel_loop3A_658 = arith.shrsi %parallel_loop3A_343, %parallel_loop3A_657 : i32
        %parallel_loop3A_659 = arith.constant 31 : i32
        %parallel_loop3A_660 = arith.andi %parallel_loop3A_343, %parallel_loop3A_659 : i32
        %parallel_loop3A_661 = arith.constant 3 : i32
        %parallel_loop3A_662 = arith.addi %parallel_loop3A_660, %parallel_loop3A_661 : i32
        %parallel_loop3A_663 = arith.constant 16 : i32
        %parallel_loop3A_664 = arith.muli %parallel_loop3A_662, %parallel_loop3A_663 : i32
        %parallel_loop3A_665 = arith.constant 0 : i32
        %parallel_loop3A_666 = arith.index_cast %parallel_loop3A_665 : i32 to index
        %parallel_loop3A_667 = arith.index_cast %parallel_loop3A_658 : i32 to index
        %parallel_loop3A_668 = arith.index_cast %parallel_loop3A_664 : i32 to index
        %parallel_loop3A_669 = tpu.vector_load %arg11[%parallel_loop3A_666, %parallel_loop3A_667, %parallel_loop3A_668] {strides = array<i32>} : memref<9x4x512xf32, #tpu.memory_space<vmem>>, vector<16xf32>,
        %parallel_loop3A_670 = arith.constant 2.550000e+02 : f32
        %parallel_loop3A_671 = vector.broadcast %parallel_loop3A_670 : f32 to vector<16xf32>
        %parallel_loop3A_672 = arith.mulf %parallel_loop3A_669, %parallel_loop3A_671 : vector<16xf32>
        %parallel_loop3A_673 = arith.constant 1.250000e-01 : f32
        %parallel_loop3A_674 = vector.broadcast %parallel_loop3A_673 : f32 to vector<16xf32>
        %parallel_loop3A_675 = arith.mulf %parallel_loop3A_672, %parallel_loop3A_674 : vector<16xf32>
        %parallel_loop3A_676 = arith.fptosi %parallel_loop3A_675 : vector<16xf32> to vector<16xi32>
        %parallel_loop3A_677 = arith.constant 1 : i32
        %parallel_loop3A_678 = arith.index_cast %parallel_loop3A_677 : i32 to index
        %parallel_loop3A_679 = arith.index_cast %parallel_loop3A_658 : i32 to index
        %parallel_loop3A_680 = arith.index_cast %parallel_loop3A_664 : i32 to index
        %parallel_loop3A_681 = tpu.vector_load %arg11[%parallel_loop3A_678, %parallel_loop3A_679, %parallel_loop3A_680] {strides = array<i32>} : memref<9x4x512xf32, #tpu.memory_space<vmem>>, vector<16xf32>,
        %parallel_loop3A_682 = arith.constant 2.550000e+02 : f32
        %parallel_loop3A_683 = vector.broadcast %parallel_loop3A_682 : f32 to vector<16xf32>
        %parallel_loop3A_684 = arith.mulf %parallel_loop3A_681, %parallel_loop3A_683 : vector<16xf32>
        %parallel_loop3A_685 = arith.constant 1.250000e-01 : f32
        %parallel_loop3A_686 = vector.broadcast %parallel_loop3A_685 : f32 to vector<16xf32>
        %parallel_loop3A_687 = arith.mulf %parallel_loop3A_684, %parallel_loop3A_686 : vector<16xf32>
        %parallel_loop3A_688 = arith.fptosi %parallel_loop3A_687 : vector<16xf32> to vector<16xi32>
        %parallel_loop3A_689 = arith.constant 2 : i32
        %parallel_loop3A_690 = arith.index_cast %parallel_loop3A_689 : i32 to index
        %parallel_loop3A_691 = arith.index_cast %parallel_loop3A_658 : i32 to index
        %parallel_loop3A_692 = arith.index_cast %parallel_loop3A_664 : i32 to index
        %parallel_loop3A_693 = tpu.vector_load %arg11[%parallel_loop3A_690, %parallel_loop3A_691, %parallel_loop3A_692] {strides = array<i32>} : memref<9x4x512xf32, #tpu.memory_space<vmem>>, vector<16xf32>,
        %parallel_loop3A_694 = arith.constant 2.550000e+02 : f32
        %parallel_loop3A_695 = vector.broadcast %parallel_loop3A_694 : f32 to vector<16xf32>
        %parallel_loop3A_696 = arith.mulf %parallel_loop3A_693, %parallel_loop3A_695 : vector<16xf32>
        %parallel_loop3A_697 = arith.constant 1.250000e-01 : f32
        %parallel_loop3A_698 = vector.broadcast %parallel_loop3A_697 : f32 to vector<16xf32>
        %parallel_loop3A_699 = arith.mulf %parallel_loop3A_696, %parallel_loop3A_698 : vector<16xf32>
        %parallel_loop3A_700 = arith.fptosi %parallel_loop3A_699 : vector<16xf32> to vector<16xi32>
        %parallel_loop3A_701 = arith.constant 1024 : i32
        %parallel_loop3A_702 = vector.broadcast %parallel_loop3A_701 : i32 to vector<16xi32>
        %parallel_loop3A_703 = arith.muli %parallel_loop3A_676, %parallel_loop3A_702 : vector<16xi32>
        %parallel_loop3A_704 = arith.constant 32 : i32
        %parallel_loop3A_705 = vector.broadcast %parallel_loop3A_704 : i32 to vector<16xi32>
        %parallel_loop3A_706 = arith.muli %parallel_loop3A_688, %parallel_loop3A_705 : vector<16xi32>
        %parallel_loop3A_707 = arith.addi %parallel_loop3A_703, %parallel_loop3A_706 : vector<16xi32>
        %parallel_loop3A_708 = arith.addi %parallel_loop3A_707, %parallel_loop3A_700 : vector<16xi32>
        %parallel_loop3A_709 = tpu.bitcast %parallel_loop3A_708 : vector<16xi32> -> vector<16xi32>
        %parallel_loop3A_710 = arith.constant 32767 : i32
        %parallel_loop3A_711 = vector.broadcast %parallel_loop3A_710 : i32 to vector<16xi32>
        %parallel_loop3A_712 = arith.minui %parallel_loop3A_709, %parallel_loop3A_711 : vector<16xi32>
        %parallel_loop3A_713 = tpu.bitcast %parallel_loop3A_712 : vector<16xi32> -> vector<16xi32>
        %parallel_loop3A_714 = tpu.vector_load_idx %arg7[%parallel_loop3A_713] : memref<32768xf32, #tpu.memory_space<vmem>>[vector<16xi32>], vector<16xf32>,
        %parallel_loop3A_715 = arith.constant 3 : i32
        %parallel_loop3A_716 = arith.index_cast %parallel_loop3A_715 : i32 to index
        %parallel_loop3A_717 = arith.index_cast %parallel_loop3A_658 : i32 to index
        %parallel_loop3A_718 = arith.index_cast %parallel_loop3A_664 : i32 to index
        %parallel_loop3A_719 = tpu.vector_load %arg11[%parallel_loop3A_716, %parallel_loop3A_717, %parallel_loop3A_718] {strides = array<i32>} : memref<9x4x512xf32, #tpu.memory_space<vmem>>, vector<16xf32>,
        %parallel_loop3A_720 = arith.constant 6 : i32
        %parallel_loop3A_721 = arith.index_cast %parallel_loop3A_720 : i32 to index
        %parallel_loop3A_722 = arith.index_cast %parallel_loop3A_658 : i32 to index
        %parallel_loop3A_723 = arith.index_cast %parallel_loop3A_664 : i32 to index
        %parallel_loop3A_724 = tpu.vector_load %arg11[%parallel_loop3A_721, %parallel_loop3A_722, %parallel_loop3A_723] {strides = array<i32>} : memref<9x4x512xf32, #tpu.memory_space<vmem>>, vector<16xf32>,
        %parallel_loop3A_725 = arith.subf %parallel_loop3A_719, %parallel_loop3A_724 : vector<16xf32>
        %parallel_loop3A_726 = math.absf %parallel_loop3A_725 : vector<16xf32>
        %parallel_loop3A_727 = arith.constant 4 : i32
        %parallel_loop3A_728 = arith.index_cast %parallel_loop3A_727 : i32 to index
        %parallel_loop3A_729 = arith.index_cast %parallel_loop3A_658 : i32 to index
        %parallel_loop3A_730 = arith.index_cast %parallel_loop3A_664 : i32 to index
        %parallel_loop3A_731 = tpu.vector_load %arg11[%parallel_loop3A_728, %parallel_loop3A_729, %parallel_loop3A_730] {strides = array<i32>} : memref<9x4x512xf32, #tpu.memory_space<vmem>>, vector<16xf32>,
        %parallel_loop3A_732 = arith.constant 7 : i32
        %parallel_loop3A_733 = arith.index_cast %parallel_loop3A_732 : i32 to index
        %parallel_loop3A_734 = arith.index_cast %parallel_loop3A_658 : i32 to index
        %parallel_loop3A_735 = arith.index_cast %parallel_loop3A_664 : i32 to index
        %parallel_loop3A_736 = tpu.vector_load %arg11[%parallel_loop3A_733, %parallel_loop3A_734, %parallel_loop3A_735] {strides = array<i32>} : memref<9x4x512xf32, #tpu.memory_space<vmem>>, vector<16xf32>,
        %parallel_loop3A_737 = arith.subf %parallel_loop3A_731, %parallel_loop3A_736 : vector<16xf32>
        %parallel_loop3A_738 = math.absf %parallel_loop3A_737 : vector<16xf32>
        %parallel_loop3A_739 = arith.addf %parallel_loop3A_726, %parallel_loop3A_738 : vector<16xf32>
        %parallel_loop3A_740 = arith.constant 5 : i32
        %parallel_loop3A_741 = arith.index_cast %parallel_loop3A_740 : i32 to index
        %parallel_loop3A_742 = arith.index_cast %parallel_loop3A_658 : i32 to index
        %parallel_loop3A_743 = arith.index_cast %parallel_loop3A_664 : i32 to index
        %parallel_loop3A_744 = tpu.vector_load %arg11[%parallel_loop3A_741, %parallel_loop3A_742, %parallel_loop3A_743] {strides = array<i32>} : memref<9x4x512xf32, #tpu.memory_space<vmem>>, vector<16xf32>,
        %parallel_loop3A_745 = arith.constant 8 : i32
        %parallel_loop3A_746 = arith.index_cast %parallel_loop3A_745 : i32 to index
        %parallel_loop3A_747 = arith.index_cast %parallel_loop3A_658 : i32 to index
        %parallel_loop3A_748 = arith.index_cast %parallel_loop3A_664 : i32 to index
        %parallel_loop3A_749 = tpu.vector_load %arg11[%parallel_loop3A_746, %parallel_loop3A_747, %parallel_loop3A_748] {strides = array<i32>} : memref<9x4x512xf32, #tpu.memory_space<vmem>>, vector<16xf32>,
        %parallel_loop3A_750 = arith.subf %parallel_loop3A_744, %parallel_loop3A_749 : vector<16xf32>
        %parallel_loop3A_751 = math.absf %parallel_loop3A_750 : vector<16xf32>
        %parallel_loop3A_752 = arith.addf %parallel_loop3A_739, %parallel_loop3A_751 : vector<16xf32>
        %parallel_loop3A_753 = arith.mulf %parallel_loop3A_714, %parallel_loop3A_752 : vector<16xf32>
        %parallel_loop3A_754 = arith.addf %parallel_loop3A_350, %parallel_loop3A_753 : vector<16xf32>
        %parallel_loop3A_755 = arith.addf %parallel_loop3A_351, %parallel_loop3A_714 : vector<16xf32>
        %parallel_loop3A_756 = arith.constant 5 : i32
        %parallel_loop3A_757 = arith.shrsi %parallel_loop3A_343, %parallel_loop3A_756 : i32
        %parallel_loop3A_758 = arith.constant 31 : i32
        %parallel_loop3A_759 = arith.andi %parallel_loop3A_343, %parallel_loop3A_758 : i32
        %parallel_loop3A_760 = arith.constant 4 : i32
        %parallel_loop3A_761 = arith.addi %parallel_loop3A_759, %parallel_loop3A_760 : i32
        %parallel_loop3A_762 = arith.constant 16 : i32
        %parallel_loop3A_763 = arith.muli %parallel_loop3A_761, %parallel_loop3A_762 : i32
        %parallel_loop3A_764 = arith.constant 0 : i32
        %parallel_loop3A_765 = arith.index_cast %parallel_loop3A_764 : i32 to index
        %parallel_loop3A_766 = arith.index_cast %parallel_loop3A_757 : i32 to index
        %parallel_loop3A_767 = arith.index_cast %parallel_loop3A_763 : i32 to index
        %parallel_loop3A_768 = tpu.vector_load %arg11[%parallel_loop3A_765, %parallel_loop3A_766, %parallel_loop3A_767] {strides = array<i32>} : memref<9x4x512xf32, #tpu.memory_space<vmem>>, vector<16xf32>,
        %parallel_loop3A_769 = arith.constant 2.550000e+02 : f32
        %parallel_loop3A_770 = vector.broadcast %parallel_loop3A_769 : f32 to vector<16xf32>
        %parallel_loop3A_771 = arith.mulf %parallel_loop3A_768, %parallel_loop3A_770 : vector<16xf32>
        %parallel_loop3A_772 = arith.constant 1.250000e-01 : f32
        %parallel_loop3A_773 = vector.broadcast %parallel_loop3A_772 : f32 to vector<16xf32>
        %parallel_loop3A_774 = arith.mulf %parallel_loop3A_771, %parallel_loop3A_773 : vector<16xf32>
        %parallel_loop3A_775 = arith.fptosi %parallel_loop3A_774 : vector<16xf32> to vector<16xi32>
        %parallel_loop3A_776 = arith.constant 1 : i32
        %parallel_loop3A_777 = arith.index_cast %parallel_loop3A_776 : i32 to index
        %parallel_loop3A_778 = arith.index_cast %parallel_loop3A_757 : i32 to index
        %parallel_loop3A_779 = arith.index_cast %parallel_loop3A_763 : i32 to index
        %parallel_loop3A_780 = tpu.vector_load %arg11[%parallel_loop3A_777, %parallel_loop3A_778, %parallel_loop3A_779] {strides = array<i32>} : memref<9x4x512xf32, #tpu.memory_space<vmem>>, vector<16xf32>,
        %parallel_loop3A_781 = arith.constant 2.550000e+02 : f32
        %parallel_loop3A_782 = vector.broadcast %parallel_loop3A_781 : f32 to vector<16xf32>
        %parallel_loop3A_783 = arith.mulf %parallel_loop3A_780, %parallel_loop3A_782 : vector<16xf32>
        %parallel_loop3A_784 = arith.constant 1.250000e-01 : f32
        %parallel_loop3A_785 = vector.broadcast %parallel_loop3A_784 : f32 to vector<16xf32>
        %parallel_loop3A_786 = arith.mulf %parallel_loop3A_783, %parallel_loop3A_785 : vector<16xf32>
        %parallel_loop3A_787 = arith.fptosi %parallel_loop3A_786 : vector<16xf32> to vector<16xi32>
        %parallel_loop3A_788 = arith.constant 2 : i32
        %parallel_loop3A_789 = arith.index_cast %parallel_loop3A_788 : i32 to index
        %parallel_loop3A_790 = arith.index_cast %parallel_loop3A_757 : i32 to index
        %parallel_loop3A_791 = arith.index_cast %parallel_loop3A_763 : i32 to index
        %parallel_loop3A_792 = tpu.vector_load %arg11[%parallel_loop3A_789, %parallel_loop3A_790, %parallel_loop3A_791] {strides = array<i32>} : memref<9x4x512xf32, #tpu.memory_space<vmem>>, vector<16xf32>,
        %parallel_loop3A_793 = arith.constant 2.550000e+02 : f32
        %parallel_loop3A_794 = vector.broadcast %parallel_loop3A_793 : f32 to vector<16xf32>
        %parallel_loop3A_795 = arith.mulf %parallel_loop3A_792, %parallel_loop3A_794 : vector<16xf32>
        %parallel_loop3A_796 = arith.constant 1.250000e-01 : f32
        %parallel_loop3A_797 = vector.broadcast %parallel_loop3A_796 : f32 to vector<16xf32>
        %parallel_loop3A_798 = arith.mulf %parallel_loop3A_795, %parallel_loop3A_797 : vector<16xf32>
        %parallel_loop3A_799 = arith.fptosi %parallel_loop3A_798 : vector<16xf32> to vector<16xi32>
        %parallel_loop3A_800 = arith.constant 1024 : i32
        %parallel_loop3A_801 = vector.broadcast %parallel_loop3A_800 : i32 to vector<16xi32>
        %parallel_loop3A_802 = arith.muli %parallel_loop3A_775, %parallel_loop3A_801 : vector<16xi32>
        %parallel_loop3A_803 = arith.constant 32 : i32
        %parallel_loop3A_804 = vector.broadcast %parallel_loop3A_803 : i32 to vector<16xi32>
        %parallel_loop3A_805 = arith.muli %parallel_loop3A_787, %parallel_loop3A_804 : vector<16xi32>
        %parallel_loop3A_806 = arith.addi %parallel_loop3A_802, %parallel_loop3A_805 : vector<16xi32>
        %parallel_loop3A_807 = arith.addi %parallel_loop3A_806, %parallel_loop3A_799 : vector<16xi32>
        %parallel_loop3A_808 = tpu.bitcast %parallel_loop3A_807 : vector<16xi32> -> vector<16xi32>
        %parallel_loop3A_809 = arith.constant 32767 : i32
        %parallel_loop3A_810 = vector.broadcast %parallel_loop3A_809 : i32 to vector<16xi32>
        %parallel_loop3A_811 = arith.minui %parallel_loop3A_808, %parallel_loop3A_810 : vector<16xi32>
        %parallel_loop3A_812 = tpu.bitcast %parallel_loop3A_811 : vector<16xi32> -> vector<16xi32>
        %parallel_loop3A_813 = tpu.vector_load_idx %arg7[%parallel_loop3A_812] : memref<32768xf32, #tpu.memory_space<vmem>>[vector<16xi32>], vector<16xf32>,
        %parallel_loop3A_814 = arith.constant 3 : i32
        %parallel_loop3A_815 = arith.index_cast %parallel_loop3A_814 : i32 to index
        %parallel_loop3A_816 = arith.index_cast %parallel_loop3A_757 : i32 to index
        %parallel_loop3A_817 = arith.index_cast %parallel_loop3A_763 : i32 to index
        %parallel_loop3A_818 = tpu.vector_load %arg11[%parallel_loop3A_815, %parallel_loop3A_816, %parallel_loop3A_817] {strides = array<i32>} : memref<9x4x512xf32, #tpu.memory_space<vmem>>, vector<16xf32>,
        %parallel_loop3A_819 = arith.constant 6 : i32
        %parallel_loop3A_820 = arith.index_cast %parallel_loop3A_819 : i32 to index
        %parallel_loop3A_821 = arith.index_cast %parallel_loop3A_757 : i32 to index
        %parallel_loop3A_822 = arith.index_cast %parallel_loop3A_763 : i32 to index
        %parallel_loop3A_823 = tpu.vector_load %arg11[%parallel_loop3A_820, %parallel_loop3A_821, %parallel_loop3A_822] {strides = array<i32>} : memref<9x4x512xf32, #tpu.memory_space<vmem>>, vector<16xf32>,
        %parallel_loop3A_824 = arith.subf %parallel_loop3A_818, %parallel_loop3A_823 : vector<16xf32>
        %parallel_loop3A_825 = math.absf %parallel_loop3A_824 : vector<16xf32>
        %parallel_loop3A_826 = arith.constant 4 : i32
        %parallel_loop3A_827 = arith.index_cast %parallel_loop3A_826 : i32 to index
        %parallel_loop3A_828 = arith.index_cast %parallel_loop3A_757 : i32 to index
        %parallel_loop3A_829 = arith.index_cast %parallel_loop3A_763 : i32 to index
        %parallel_loop3A_830 = tpu.vector_load %arg11[%parallel_loop3A_827, %parallel_loop3A_828, %parallel_loop3A_829] {strides = array<i32>} : memref<9x4x512xf32, #tpu.memory_space<vmem>>, vector<16xf32>,
        %parallel_loop3A_831 = arith.constant 7 : i32
        %parallel_loop3A_832 = arith.index_cast %parallel_loop3A_831 : i32 to index
        %parallel_loop3A_833 = arith.index_cast %parallel_loop3A_757 : i32 to index
        %parallel_loop3A_834 = arith.index_cast %parallel_loop3A_763 : i32 to index
        %parallel_loop3A_835 = tpu.vector_load %arg11[%parallel_loop3A_832, %parallel_loop3A_833, %parallel_loop3A_834] {strides = array<i32>} : memref<9x4x512xf32, #tpu.memory_space<vmem>>, vector<16xf32>,
        %parallel_loop3A_836 = arith.subf %parallel_loop3A_830, %parallel_loop3A_835 : vector<16xf32>
        %parallel_loop3A_837 = math.absf %parallel_loop3A_836 : vector<16xf32>
        %parallel_loop3A_838 = arith.addf %parallel_loop3A_825, %parallel_loop3A_837 : vector<16xf32>
        %parallel_loop3A_839 = arith.constant 5 : i32
        %parallel_loop3A_840 = arith.index_cast %parallel_loop3A_839 : i32 to index
        %parallel_loop3A_841 = arith.index_cast %parallel_loop3A_757 : i32 to index
        %parallel_loop3A_842 = arith.index_cast %parallel_loop3A_763 : i32 to index
        %parallel_loop3A_843 = tpu.vector_load %arg11[%parallel_loop3A_840, %parallel_loop3A_841, %parallel_loop3A_842] {strides = array<i32>} : memref<9x4x512xf32, #tpu.memory_space<vmem>>, vector<16xf32>,
        %parallel_loop3A_844 = arith.constant 8 : i32
        %parallel_loop3A_845 = arith.index_cast %parallel_loop3A_844 : i32 to index
        %parallel_loop3A_846 = arith.index_cast %parallel_loop3A_757 : i32 to index
        %parallel_loop3A_847 = arith.index_cast %parallel_loop3A_763 : i32 to index
        %parallel_loop3A_848 = tpu.vector_load %arg11[%parallel_loop3A_845, %parallel_loop3A_846, %parallel_loop3A_847] {strides = array<i32>} : memref<9x4x512xf32, #tpu.memory_space<vmem>>, vector<16xf32>,
        %parallel_loop3A_849 = arith.subf %parallel_loop3A_843, %parallel_loop3A_848 : vector<16xf32>
        %parallel_loop3A_850 = math.absf %parallel_loop3A_849 : vector<16xf32>
        %parallel_loop3A_851 = arith.addf %parallel_loop3A_838, %parallel_loop3A_850 : vector<16xf32>
        %parallel_loop3A_852 = arith.mulf %parallel_loop3A_813, %parallel_loop3A_851 : vector<16xf32>
        %parallel_loop3A_853 = arith.addf %parallel_loop3A_352, %parallel_loop3A_852 : vector<16xf32>
        %parallel_loop3A_854 = arith.addf %parallel_loop3A_353, %parallel_loop3A_813 : vector<16xf32>
        %parallel_loop3A_855 = arith.constant 5 : i32
        %parallel_loop3A_856 = arith.shrsi %parallel_loop3A_343, %parallel_loop3A_855 : i32
        %parallel_loop3A_857 = arith.constant 31 : i32
        %parallel_loop3A_858 = arith.andi %parallel_loop3A_343, %parallel_loop3A_857 : i32
        %parallel_loop3A_859 = arith.constant 5 : i32
        %parallel_loop3A_860 = arith.addi %parallel_loop3A_858, %parallel_loop3A_859 : i32
        %parallel_loop3A_861 = arith.constant 16 : i32
        %parallel_loop3A_862 = arith.muli %parallel_loop3A_860, %parallel_loop3A_861 : i32
        %parallel_loop3A_863 = arith.constant 0 : i32
        %parallel_loop3A_864 = arith.index_cast %parallel_loop3A_863 : i32 to index
        %parallel_loop3A_865 = arith.index_cast %parallel_loop3A_856 : i32 to index
        %parallel_loop3A_866 = arith.index_cast %parallel_loop3A_862 : i32 to index
        %parallel_loop3A_867 = tpu.vector_load %arg11[%parallel_loop3A_864, %parallel_loop3A_865, %parallel_loop3A_866] {strides = array<i32>} : memref<9x4x512xf32, #tpu.memory_space<vmem>>, vector<16xf32>,
        %parallel_loop3A_868 = arith.constant 2.550000e+02 : f32
        %parallel_loop3A_869 = vector.broadcast %parallel_loop3A_868 : f32 to vector<16xf32>
        %parallel_loop3A_870 = arith.mulf %parallel_loop3A_867, %parallel_loop3A_869 : vector<16xf32>
        %parallel_loop3A_871 = arith.constant 1.250000e-01 : f32
        %parallel_loop3A_872 = vector.broadcast %parallel_loop3A_871 : f32 to vector<16xf32>
        %parallel_loop3A_873 = arith.mulf %parallel_loop3A_870, %parallel_loop3A_872 : vector<16xf32>
        %parallel_loop3A_874 = arith.fptosi %parallel_loop3A_873 : vector<16xf32> to vector<16xi32>
        %parallel_loop3A_875 = arith.constant 1 : i32
        %parallel_loop3A_876 = arith.index_cast %parallel_loop3A_875 : i32 to index
        %parallel_loop3A_877 = arith.index_cast %parallel_loop3A_856 : i32 to index
        %parallel_loop3A_878 = arith.index_cast %parallel_loop3A_862 : i32 to index
        %parallel_loop3A_879 = tpu.vector_load %arg11[%parallel_loop3A_876, %parallel_loop3A_877, %parallel_loop3A_878] {strides = array<i32>} : memref<9x4x512xf32, #tpu.memory_space<vmem>>, vector<16xf32>,
        %parallel_loop3A_880 = arith.constant 2.550000e+02 : f32
        %parallel_loop3A_881 = vector.broadcast %parallel_loop3A_880 : f32 to vector<16xf32>
        %parallel_loop3A_882 = arith.mulf %parallel_loop3A_879, %parallel_loop3A_881 : vector<16xf32>
        %parallel_loop3A_883 = arith.constant 1.250000e-01 : f32
        %parallel_loop3A_884 = vector.broadcast %parallel_loop3A_883 : f32 to vector<16xf32>
        %parallel_loop3A_885 = arith.mulf %parallel_loop3A_882, %parallel_loop3A_884 : vector<16xf32>
        %parallel_loop3A_886 = arith.fptosi %parallel_loop3A_885 : vector<16xf32> to vector<16xi32>
        %parallel_loop3A_887 = arith.constant 2 : i32
        %parallel_loop3A_888 = arith.index_cast %parallel_loop3A_887 : i32 to index
        %parallel_loop3A_889 = arith.index_cast %parallel_loop3A_856 : i32 to index
        %parallel_loop3A_890 = arith.index_cast %parallel_loop3A_862 : i32 to index
        %parallel_loop3A_891 = tpu.vector_load %arg11[%parallel_loop3A_888, %parallel_loop3A_889, %parallel_loop3A_890] {strides = array<i32>} : memref<9x4x512xf32, #tpu.memory_space<vmem>>, vector<16xf32>,
        %parallel_loop3A_892 = arith.constant 2.550000e+02 : f32
        %parallel_loop3A_893 = vector.broadcast %parallel_loop3A_892 : f32 to vector<16xf32>
        %parallel_loop3A_894 = arith.mulf %parallel_loop3A_891, %parallel_loop3A_893 : vector<16xf32>
        %parallel_loop3A_895 = arith.constant 1.250000e-01 : f32
        %parallel_loop3A_896 = vector.broadcast %parallel_loop3A_895 : f32 to vector<16xf32>
        %parallel_loop3A_897 = arith.mulf %parallel_loop3A_894, %parallel_loop3A_896 : vector<16xf32>
        %parallel_loop3A_898 = arith.fptosi %parallel_loop3A_897 : vector<16xf32> to vector<16xi32>
        %parallel_loop3A_899 = arith.constant 1024 : i32
        %parallel_loop3A_900 = vector.broadcast %parallel_loop3A_899 : i32 to vector<16xi32>
        %parallel_loop3A_901 = arith.muli %parallel_loop3A_874, %parallel_loop3A_900 : vector<16xi32>
        %parallel_loop3A_902 = arith.constant 32 : i32
        %parallel_loop3A_903 = vector.broadcast %parallel_loop3A_902 : i32 to vector<16xi32>
        %parallel_loop3A_904 = arith.muli %parallel_loop3A_886, %parallel_loop3A_903 : vector<16xi32>
        %parallel_loop3A_905 = arith.addi %parallel_loop3A_901, %parallel_loop3A_904 : vector<16xi32>
        %parallel_loop3A_906 = arith.addi %parallel_loop3A_905, %parallel_loop3A_898 : vector<16xi32>
        %parallel_loop3A_907 = tpu.bitcast %parallel_loop3A_906 : vector<16xi32> -> vector<16xi32>
        %parallel_loop3A_908 = arith.constant 32767 : i32
        %parallel_loop3A_909 = vector.broadcast %parallel_loop3A_908 : i32 to vector<16xi32>
        %parallel_loop3A_910 = arith.minui %parallel_loop3A_907, %parallel_loop3A_909 : vector<16xi32>
        %parallel_loop3A_911 = tpu.bitcast %parallel_loop3A_910 : vector<16xi32> -> vector<16xi32>
        %parallel_loop3A_912 = tpu.vector_load_idx %arg7[%parallel_loop3A_911] : memref<32768xf32, #tpu.memory_space<vmem>>[vector<16xi32>], vector<16xf32>,
        %parallel_loop3A_913 = arith.constant 3 : i32
        %parallel_loop3A_914 = arith.index_cast %parallel_loop3A_913 : i32 to index
        %parallel_loop3A_915 = arith.index_cast %parallel_loop3A_856 : i32 to index
        %parallel_loop3A_916 = arith.index_cast %parallel_loop3A_862 : i32 to index
        %parallel_loop3A_917 = tpu.vector_load %arg11[%parallel_loop3A_914, %parallel_loop3A_915, %parallel_loop3A_916] {strides = array<i32>} : memref<9x4x512xf32, #tpu.memory_space<vmem>>, vector<16xf32>,
        %parallel_loop3A_918 = arith.constant 6 : i32
        %parallel_loop3A_919 = arith.index_cast %parallel_loop3A_918 : i32 to index
        %parallel_loop3A_920 = arith.index_cast %parallel_loop3A_856 : i32 to index
        %parallel_loop3A_921 = arith.index_cast %parallel_loop3A_862 : i32 to index
        %parallel_loop3A_922 = tpu.vector_load %arg11[%parallel_loop3A_919, %parallel_loop3A_920, %parallel_loop3A_921] {strides = array<i32>} : memref<9x4x512xf32, #tpu.memory_space<vmem>>, vector<16xf32>,
        %parallel_loop3A_923 = arith.subf %parallel_loop3A_917, %parallel_loop3A_922 : vector<16xf32>
        %parallel_loop3A_924 = math.absf %parallel_loop3A_923 : vector<16xf32>
        %parallel_loop3A_925 = arith.constant 4 : i32
        %parallel_loop3A_926 = arith.index_cast %parallel_loop3A_925 : i32 to index
        %parallel_loop3A_927 = arith.index_cast %parallel_loop3A_856 : i32 to index
        %parallel_loop3A_928 = arith.index_cast %parallel_loop3A_862 : i32 to index
        %parallel_loop3A_929 = tpu.vector_load %arg11[%parallel_loop3A_926, %parallel_loop3A_927, %parallel_loop3A_928] {strides = array<i32>} : memref<9x4x512xf32, #tpu.memory_space<vmem>>, vector<16xf32>,
        %parallel_loop3A_930 = arith.constant 7 : i32
        %parallel_loop3A_931 = arith.index_cast %parallel_loop3A_930 : i32 to index
        %parallel_loop3A_932 = arith.index_cast %parallel_loop3A_856 : i32 to index
        %parallel_loop3A_933 = arith.index_cast %parallel_loop3A_862 : i32 to index
        %parallel_loop3A_934 = tpu.vector_load %arg11[%parallel_loop3A_931, %parallel_loop3A_932, %parallel_loop3A_933] {strides = array<i32>} : memref<9x4x512xf32, #tpu.memory_space<vmem>>, vector<16xf32>,
        %parallel_loop3A_935 = arith.subf %parallel_loop3A_929, %parallel_loop3A_934 : vector<16xf32>
        %parallel_loop3A_936 = math.absf %parallel_loop3A_935 : vector<16xf32>
        %parallel_loop3A_937 = arith.addf %parallel_loop3A_924, %parallel_loop3A_936 : vector<16xf32>
        %parallel_loop3A_938 = arith.constant 5 : i32
        %parallel_loop3A_939 = arith.index_cast %parallel_loop3A_938 : i32 to index
        %parallel_loop3A_940 = arith.index_cast %parallel_loop3A_856 : i32 to index
        %parallel_loop3A_941 = arith.index_cast %parallel_loop3A_862 : i32 to index
        %parallel_loop3A_942 = tpu.vector_load %arg11[%parallel_loop3A_939, %parallel_loop3A_940, %parallel_loop3A_941] {strides = array<i32>} : memref<9x4x512xf32, #tpu.memory_space<vmem>>, vector<16xf32>,
        %parallel_loop3A_943 = arith.constant 8 : i32
        %parallel_loop3A_944 = arith.index_cast %parallel_loop3A_943 : i32 to index
        %parallel_loop3A_945 = arith.index_cast %parallel_loop3A_856 : i32 to index
        %parallel_loop3A_946 = arith.index_cast %parallel_loop3A_862 : i32 to index
        %parallel_loop3A_947 = tpu.vector_load %arg11[%parallel_loop3A_944, %parallel_loop3A_945, %parallel_loop3A_946] {strides = array<i32>} : memref<9x4x512xf32, #tpu.memory_space<vmem>>, vector<16xf32>,
        %parallel_loop3A_948 = arith.subf %parallel_loop3A_942, %parallel_loop3A_947 : vector<16xf32>
        %parallel_loop3A_949 = math.absf %parallel_loop3A_948 : vector<16xf32>
        %parallel_loop3A_950 = arith.addf %parallel_loop3A_937, %parallel_loop3A_949 : vector<16xf32>
        %parallel_loop3A_951 = arith.mulf %parallel_loop3A_912, %parallel_loop3A_950 : vector<16xf32>
        %parallel_loop3A_952 = arith.addf %parallel_loop3A_354, %parallel_loop3A_951 : vector<16xf32>
        %parallel_loop3A_953 = arith.addf %parallel_loop3A_355, %parallel_loop3A_912 : vector<16xf32>
        %parallel_loop3A_954 = arith.constant 5 : i32
        %parallel_loop3A_955 = arith.shrsi %parallel_loop3A_343, %parallel_loop3A_954 : i32
        %parallel_loop3A_956 = arith.constant 31 : i32
        %parallel_loop3A_957 = arith.andi %parallel_loop3A_343, %parallel_loop3A_956 : i32
        %parallel_loop3A_958 = arith.constant 6 : i32
        %parallel_loop3A_959 = arith.addi %parallel_loop3A_957, %parallel_loop3A_958 : i32
        %parallel_loop3A_960 = arith.constant 16 : i32
        %parallel_loop3A_961 = arith.muli %parallel_loop3A_959, %parallel_loop3A_960 : i32
        %parallel_loop3A_962 = arith.constant 0 : i32
        %parallel_loop3A_963 = arith.index_cast %parallel_loop3A_962 : i32 to index
        %parallel_loop3A_964 = arith.index_cast %parallel_loop3A_955 : i32 to index
        %parallel_loop3A_965 = arith.index_cast %parallel_loop3A_961 : i32 to index
        %parallel_loop3A_966 = tpu.vector_load %arg11[%parallel_loop3A_963, %parallel_loop3A_964, %parallel_loop3A_965] {strides = array<i32>} : memref<9x4x512xf32, #tpu.memory_space<vmem>>, vector<16xf32>,
        %parallel_loop3A_967 = arith.constant 2.550000e+02 : f32
        %parallel_loop3A_968 = vector.broadcast %parallel_loop3A_967 : f32 to vector<16xf32>
        %parallel_loop3A_969 = arith.mulf %parallel_loop3A_966, %parallel_loop3A_968 : vector<16xf32>
        %parallel_loop3A_970 = arith.constant 1.250000e-01 : f32
        %parallel_loop3A_971 = vector.broadcast %parallel_loop3A_970 : f32 to vector<16xf32>
        %parallel_loop3A_972 = arith.mulf %parallel_loop3A_969, %parallel_loop3A_971 : vector<16xf32>
        %parallel_loop3A_973 = arith.fptosi %parallel_loop3A_972 : vector<16xf32> to vector<16xi32>
        %parallel_loop3A_974 = arith.constant 1 : i32
        %parallel_loop3A_975 = arith.index_cast %parallel_loop3A_974 : i32 to index
        %parallel_loop3A_976 = arith.index_cast %parallel_loop3A_955 : i32 to index
        %parallel_loop3A_977 = arith.index_cast %parallel_loop3A_961 : i32 to index
        %parallel_loop3A_978 = tpu.vector_load %arg11[%parallel_loop3A_975, %parallel_loop3A_976, %parallel_loop3A_977] {strides = array<i32>} : memref<9x4x512xf32, #tpu.memory_space<vmem>>, vector<16xf32>,
        %parallel_loop3A_979 = arith.constant 2.550000e+02 : f32
        %parallel_loop3A_980 = vector.broadcast %parallel_loop3A_979 : f32 to vector<16xf32>
        %parallel_loop3A_981 = arith.mulf %parallel_loop3A_978, %parallel_loop3A_980 : vector<16xf32>
        %parallel_loop3A_982 = arith.constant 1.250000e-01 : f32
        %parallel_loop3A_983 = vector.broadcast %parallel_loop3A_982 : f32 to vector<16xf32>
        %parallel_loop3A_984 = arith.mulf %parallel_loop3A_981, %parallel_loop3A_983 : vector<16xf32>
        %parallel_loop3A_985 = arith.fptosi %parallel_loop3A_984 : vector<16xf32> to vector<16xi32>
        %parallel_loop3A_986 = arith.constant 2 : i32
        %parallel_loop3A_987 = arith.index_cast %parallel_loop3A_986 : i32 to index
        %parallel_loop3A_988 = arith.index_cast %parallel_loop3A_955 : i32 to index
        %parallel_loop3A_989 = arith.index_cast %parallel_loop3A_961 : i32 to index
        %parallel_loop3A_990 = tpu.vector_load %arg11[%parallel_loop3A_987, %parallel_loop3A_988, %parallel_loop3A_989] {strides = array<i32>} : memref<9x4x512xf32, #tpu.memory_space<vmem>>, vector<16xf32>,
        %parallel_loop3A_991 = arith.constant 2.550000e+02 : f32
        %parallel_loop3A_992 = vector.broadcast %parallel_loop3A_991 : f32 to vector<16xf32>
        %parallel_loop3A_993 = arith.mulf %parallel_loop3A_990, %parallel_loop3A_992 : vector<16xf32>
        %parallel_loop3A_994 = arith.constant 1.250000e-01 : f32
        %parallel_loop3A_995 = vector.broadcast %parallel_loop3A_994 : f32 to vector<16xf32>
        %parallel_loop3A_996 = arith.mulf %parallel_loop3A_993, %parallel_loop3A_995 : vector<16xf32>
        %parallel_loop3A_997 = arith.fptosi %parallel_loop3A_996 : vector<16xf32> to vector<16xi32>
        %parallel_loop3A_998 = arith.constant 1024 : i32
        %parallel_loop3A_999 = vector.broadcast %parallel_loop3A_998 : i32 to vector<16xi32>
        %parallel_loop3A_1000 = arith.muli %parallel_loop3A_973, %parallel_loop3A_999 : vector<16xi32>
        %parallel_loop3A_1001 = arith.constant 32 : i32
        %parallel_loop3A_1002 = vector.broadcast %parallel_loop3A_1001 : i32 to vector<16xi32>
        %parallel_loop3A_1003 = arith.muli %parallel_loop3A_985, %parallel_loop3A_1002 : vector<16xi32>
        %parallel_loop3A_1004 = arith.addi %parallel_loop3A_1000, %parallel_loop3A_1003 : vector<16xi32>
        %parallel_loop3A_1005 = arith.addi %parallel_loop3A_1004, %parallel_loop3A_997 : vector<16xi32>
        %parallel_loop3A_1006 = tpu.bitcast %parallel_loop3A_1005 : vector<16xi32> -> vector<16xi32>
        %parallel_loop3A_1007 = arith.constant 32767 : i32
        %parallel_loop3A_1008 = vector.broadcast %parallel_loop3A_1007 : i32 to vector<16xi32>
        %parallel_loop3A_1009 = arith.minui %parallel_loop3A_1006, %parallel_loop3A_1008 : vector<16xi32>
        %parallel_loop3A_1010 = tpu.bitcast %parallel_loop3A_1009 : vector<16xi32> -> vector<16xi32>
        %parallel_loop3A_1011 = tpu.vector_load_idx %arg7[%parallel_loop3A_1010] : memref<32768xf32, #tpu.memory_space<vmem>>[vector<16xi32>], vector<16xf32>,
        %parallel_loop3A_1012 = arith.constant 3 : i32
        %parallel_loop3A_1013 = arith.index_cast %parallel_loop3A_1012 : i32 to index
        %parallel_loop3A_1014 = arith.index_cast %parallel_loop3A_955 : i32 to index
        %parallel_loop3A_1015 = arith.index_cast %parallel_loop3A_961 : i32 to index
        %parallel_loop3A_1016 = tpu.vector_load %arg11[%parallel_loop3A_1013, %parallel_loop3A_1014, %parallel_loop3A_1015] {strides = array<i32>} : memref<9x4x512xf32, #tpu.memory_space<vmem>>, vector<16xf32>,
        %parallel_loop3A_1017 = arith.constant 6 : i32
        %parallel_loop3A_1018 = arith.index_cast %parallel_loop3A_1017 : i32 to index
        %parallel_loop3A_1019 = arith.index_cast %parallel_loop3A_955 : i32 to index
        %parallel_loop3A_1020 = arith.index_cast %parallel_loop3A_961 : i32 to index
        %parallel_loop3A_1021 = tpu.vector_load %arg11[%parallel_loop3A_1018, %parallel_loop3A_1019, %parallel_loop3A_1020] {strides = array<i32>} : memref<9x4x512xf32, #tpu.memory_space<vmem>>, vector<16xf32>,
        %parallel_loop3A_1022 = arith.subf %parallel_loop3A_1016, %parallel_loop3A_1021 : vector<16xf32>
        %parallel_loop3A_1023 = math.absf %parallel_loop3A_1022 : vector<16xf32>
        %parallel_loop3A_1024 = arith.constant 4 : i32
        %parallel_loop3A_1025 = arith.index_cast %parallel_loop3A_1024 : i32 to index
        %parallel_loop3A_1026 = arith.index_cast %parallel_loop3A_955 : i32 to index
        %parallel_loop3A_1027 = arith.index_cast %parallel_loop3A_961 : i32 to index
        %parallel_loop3A_1028 = tpu.vector_load %arg11[%parallel_loop3A_1025, %parallel_loop3A_1026, %parallel_loop3A_1027] {strides = array<i32>} : memref<9x4x512xf32, #tpu.memory_space<vmem>>, vector<16xf32>,
        %parallel_loop3A_1029 = arith.constant 7 : i32
        %parallel_loop3A_1030 = arith.index_cast %parallel_loop3A_1029 : i32 to index
        %parallel_loop3A_1031 = arith.index_cast %parallel_loop3A_955 : i32 to index
        %parallel_loop3A_1032 = arith.index_cast %parallel_loop3A_961 : i32 to index
        %parallel_loop3A_1033 = tpu.vector_load %arg11[%parallel_loop3A_1030, %parallel_loop3A_1031, %parallel_loop3A_1032] {strides = array<i32>} : memref<9x4x512xf32, #tpu.memory_space<vmem>>, vector<16xf32>,
        %parallel_loop3A_1034 = arith.subf %parallel_loop3A_1028, %parallel_loop3A_1033 : vector<16xf32>
        %parallel_loop3A_1035 = math.absf %parallel_loop3A_1034 : vector<16xf32>
        %parallel_loop3A_1036 = arith.addf %parallel_loop3A_1023, %parallel_loop3A_1035 : vector<16xf32>
        %parallel_loop3A_1037 = arith.constant 5 : i32
        %parallel_loop3A_1038 = arith.index_cast %parallel_loop3A_1037 : i32 to index
        %parallel_loop3A_1039 = arith.index_cast %parallel_loop3A_955 : i32 to index
        %parallel_loop3A_1040 = arith.index_cast %parallel_loop3A_961 : i32 to index
        %parallel_loop3A_1041 = tpu.vector_load %arg11[%parallel_loop3A_1038, %parallel_loop3A_1039, %parallel_loop3A_1040] {strides = array<i32>} : memref<9x4x512xf32, #tpu.memory_space<vmem>>, vector<16xf32>,
        %parallel_loop3A_1042 = arith.constant 8 : i32
        %parallel_loop3A_1043 = arith.index_cast %parallel_loop3A_1042 : i32 to index
        %parallel_loop3A_1044 = arith.index_cast %parallel_loop3A_955 : i32 to index
        %parallel_loop3A_1045 = arith.index_cast %parallel_loop3A_961 : i32 to index
        %parallel_loop3A_1046 = tpu.vector_load %arg11[%parallel_loop3A_1043, %parallel_loop3A_1044, %parallel_loop3A_1045] {strides = array<i32>} : memref<9x4x512xf32, #tpu.memory_space<vmem>>, vector<16xf32>,
        %parallel_loop3A_1047 = arith.subf %parallel_loop3A_1041, %parallel_loop3A_1046 : vector<16xf32>
        %parallel_loop3A_1048 = math.absf %parallel_loop3A_1047 : vector<16xf32>
        %parallel_loop3A_1049 = arith.addf %parallel_loop3A_1036, %parallel_loop3A_1048 : vector<16xf32>
        %parallel_loop3A_1050 = arith.mulf %parallel_loop3A_1011, %parallel_loop3A_1049 : vector<16xf32>
        %parallel_loop3A_1051 = arith.addf %parallel_loop3A_356, %parallel_loop3A_1050 : vector<16xf32>
        %parallel_loop3A_1052 = arith.addf %parallel_loop3A_357, %parallel_loop3A_1011 : vector<16xf32>
        %parallel_loop3A_1053 = arith.constant 5 : i32
        %parallel_loop3A_1054 = arith.shrsi %parallel_loop3A_343, %parallel_loop3A_1053 : i32
        %parallel_loop3A_1055 = arith.constant 31 : i32
        %parallel_loop3A_1056 = arith.andi %parallel_loop3A_343, %parallel_loop3A_1055 : i32
        %parallel_loop3A_1057 = arith.constant 7 : i32
        %parallel_loop3A_1058 = arith.addi %parallel_loop3A_1056, %parallel_loop3A_1057 : i32
        %parallel_loop3A_1059 = arith.constant 16 : i32
        %parallel_loop3A_1060 = arith.muli %parallel_loop3A_1058, %parallel_loop3A_1059 : i32
        %parallel_loop3A_1061 = arith.constant 0 : i32
        %parallel_loop3A_1062 = arith.index_cast %parallel_loop3A_1061 : i32 to index
        %parallel_loop3A_1063 = arith.index_cast %parallel_loop3A_1054 : i32 to index
        %parallel_loop3A_1064 = arith.index_cast %parallel_loop3A_1060 : i32 to index
        %parallel_loop3A_1065 = tpu.vector_load %arg11[%parallel_loop3A_1062, %parallel_loop3A_1063, %parallel_loop3A_1064] {strides = array<i32>} : memref<9x4x512xf32, #tpu.memory_space<vmem>>, vector<16xf32>,
        %parallel_loop3A_1066 = arith.constant 2.550000e+02 : f32
        %parallel_loop3A_1067 = vector.broadcast %parallel_loop3A_1066 : f32 to vector<16xf32>
        %parallel_loop3A_1068 = arith.mulf %parallel_loop3A_1065, %parallel_loop3A_1067 : vector<16xf32>
        %parallel_loop3A_1069 = arith.constant 1.250000e-01 : f32
        %parallel_loop3A_1070 = vector.broadcast %parallel_loop3A_1069 : f32 to vector<16xf32>
        %parallel_loop3A_1071 = arith.mulf %parallel_loop3A_1068, %parallel_loop3A_1070 : vector<16xf32>
        %parallel_loop3A_1072 = arith.fptosi %parallel_loop3A_1071 : vector<16xf32> to vector<16xi32>
        %parallel_loop3A_1073 = arith.constant 1 : i32
        %parallel_loop3A_1074 = arith.index_cast %parallel_loop3A_1073 : i32 to index
        %parallel_loop3A_1075 = arith.index_cast %parallel_loop3A_1054 : i32 to index
        %parallel_loop3A_1076 = arith.index_cast %parallel_loop3A_1060 : i32 to index
        %parallel_loop3A_1077 = tpu.vector_load %arg11[%parallel_loop3A_1074, %parallel_loop3A_1075, %parallel_loop3A_1076] {strides = array<i32>} : memref<9x4x512xf32, #tpu.memory_space<vmem>>, vector<16xf32>,
        %parallel_loop3A_1078 = arith.constant 2.550000e+02 : f32
        %parallel_loop3A_1079 = vector.broadcast %parallel_loop3A_1078 : f32 to vector<16xf32>
        %parallel_loop3A_1080 = arith.mulf %parallel_loop3A_1077, %parallel_loop3A_1079 : vector<16xf32>
        %parallel_loop3A_1081 = arith.constant 1.250000e-01 : f32
        %parallel_loop3A_1082 = vector.broadcast %parallel_loop3A_1081 : f32 to vector<16xf32>
        %parallel_loop3A_1083 = arith.mulf %parallel_loop3A_1080, %parallel_loop3A_1082 : vector<16xf32>
        %parallel_loop3A_1084 = arith.fptosi %parallel_loop3A_1083 : vector<16xf32> to vector<16xi32>
        %parallel_loop3A_1085 = arith.constant 2 : i32
        %parallel_loop3A_1086 = arith.index_cast %parallel_loop3A_1085 : i32 to index
        %parallel_loop3A_1087 = arith.index_cast %parallel_loop3A_1054 : i32 to index
        %parallel_loop3A_1088 = arith.index_cast %parallel_loop3A_1060 : i32 to index
        %parallel_loop3A_1089 = tpu.vector_load %arg11[%parallel_loop3A_1086, %parallel_loop3A_1087, %parallel_loop3A_1088] {strides = array<i32>} : memref<9x4x512xf32, #tpu.memory_space<vmem>>, vector<16xf32>,
        %parallel_loop3A_1090 = arith.constant 2.550000e+02 : f32
        %parallel_loop3A_1091 = vector.broadcast %parallel_loop3A_1090 : f32 to vector<16xf32>
        %parallel_loop3A_1092 = arith.mulf %parallel_loop3A_1089, %parallel_loop3A_1091 : vector<16xf32>
        %parallel_loop3A_1093 = arith.constant 1.250000e-01 : f32
        %parallel_loop3A_1094 = vector.broadcast %parallel_loop3A_1093 : f32 to vector<16xf32>
        %parallel_loop3A_1095 = arith.mulf %parallel_loop3A_1092, %parallel_loop3A_1094 : vector<16xf32>
        %parallel_loop3A_1096 = arith.fptosi %parallel_loop3A_1095 : vector<16xf32> to vector<16xi32>
        %parallel_loop3A_1097 = arith.constant 1024 : i32
        %parallel_loop3A_1098 = vector.broadcast %parallel_loop3A_1097 : i32 to vector<16xi32>
        %parallel_loop3A_1099 = arith.muli %parallel_loop3A_1072, %parallel_loop3A_1098 : vector<16xi32>
        %parallel_loop3A_1100 = arith.constant 32 : i32
        %parallel_loop3A_1101 = vector.broadcast %parallel_loop3A_1100 : i32 to vector<16xi32>
        %parallel_loop3A_1102 = arith.muli %parallel_loop3A_1084, %parallel_loop3A_1101 : vector<16xi32>
        %parallel_loop3A_1103 = arith.addi %parallel_loop3A_1099, %parallel_loop3A_1102 : vector<16xi32>
        %parallel_loop3A_1104 = arith.addi %parallel_loop3A_1103, %parallel_loop3A_1096 : vector<16xi32>
        %parallel_loop3A_1105 = tpu.bitcast %parallel_loop3A_1104 : vector<16xi32> -> vector<16xi32>
        %parallel_loop3A_1106 = arith.constant 32767 : i32
        %parallel_loop3A_1107 = vector.broadcast %parallel_loop3A_1106 : i32 to vector<16xi32>
        %parallel_loop3A_1108 = arith.minui %parallel_loop3A_1105, %parallel_loop3A_1107 : vector<16xi32>
        %parallel_loop3A_1109 = tpu.bitcast %parallel_loop3A_1108 : vector<16xi32> -> vector<16xi32>
        %parallel_loop3A_1110 = tpu.vector_load_idx %arg7[%parallel_loop3A_1109] : memref<32768xf32, #tpu.memory_space<vmem>>[vector<16xi32>], vector<16xf32>,
        %parallel_loop3A_1111 = arith.constant 3 : i32
        %parallel_loop3A_1112 = arith.index_cast %parallel_loop3A_1111 : i32 to index
        %parallel_loop3A_1113 = arith.index_cast %parallel_loop3A_1054 : i32 to index
        %parallel_loop3A_1114 = arith.index_cast %parallel_loop3A_1060 : i32 to index
        %parallel_loop3A_1115 = tpu.vector_load %arg11[%parallel_loop3A_1112, %parallel_loop3A_1113, %parallel_loop3A_1114] {strides = array<i32>} : memref<9x4x512xf32, #tpu.memory_space<vmem>>, vector<16xf32>,
        %parallel_loop3A_1116 = arith.constant 6 : i32
        %parallel_loop3A_1117 = arith.index_cast %parallel_loop3A_1116 : i32 to index
        %parallel_loop3A_1118 = arith.index_cast %parallel_loop3A_1054 : i32 to index
        %parallel_loop3A_1119 = arith.index_cast %parallel_loop3A_1060 : i32 to index
        %parallel_loop3A_1120 = tpu.vector_load %arg11[%parallel_loop3A_1117, %parallel_loop3A_1118, %parallel_loop3A_1119] {strides = array<i32>} : memref<9x4x512xf32, #tpu.memory_space<vmem>>, vector<16xf32>,
        %parallel_loop3A_1121 = arith.subf %parallel_loop3A_1115, %parallel_loop3A_1120 : vector<16xf32>
        %parallel_loop3A_1122 = math.absf %parallel_loop3A_1121 : vector<16xf32>
        %parallel_loop3A_1123 = arith.constant 4 : i32
        %parallel_loop3A_1124 = arith.index_cast %parallel_loop3A_1123 : i32 to index
        %parallel_loop3A_1125 = arith.index_cast %parallel_loop3A_1054 : i32 to index
        %parallel_loop3A_1126 = arith.index_cast %parallel_loop3A_1060 : i32 to index
        %parallel_loop3A_1127 = tpu.vector_load %arg11[%parallel_loop3A_1124, %parallel_loop3A_1125, %parallel_loop3A_1126] {strides = array<i32>} : memref<9x4x512xf32, #tpu.memory_space<vmem>>, vector<16xf32>,
        %parallel_loop3A_1128 = arith.constant 7 : i32
        %parallel_loop3A_1129 = arith.index_cast %parallel_loop3A_1128 : i32 to index
        %parallel_loop3A_1130 = arith.index_cast %parallel_loop3A_1054 : i32 to index
        %parallel_loop3A_1131 = arith.index_cast %parallel_loop3A_1060 : i32 to index
        %parallel_loop3A_1132 = tpu.vector_load %arg11[%parallel_loop3A_1129, %parallel_loop3A_1130, %parallel_loop3A_1131] {strides = array<i32>} : memref<9x4x512xf32, #tpu.memory_space<vmem>>, vector<16xf32>,
        %parallel_loop3A_1133 = arith.subf %parallel_loop3A_1127, %parallel_loop3A_1132 : vector<16xf32>
        %parallel_loop3A_1134 = math.absf %parallel_loop3A_1133 : vector<16xf32>
        %parallel_loop3A_1135 = arith.addf %parallel_loop3A_1122, %parallel_loop3A_1134 : vector<16xf32>
        %parallel_loop3A_1136 = arith.constant 5 : i32
        %parallel_loop3A_1137 = arith.index_cast %parallel_loop3A_1136 : i32 to index
        %parallel_loop3A_1138 = arith.index_cast %parallel_loop3A_1054 : i32 to index
        %parallel_loop3A_1139 = arith.index_cast %parallel_loop3A_1060 : i32 to index
        %parallel_loop3A_1140 = tpu.vector_load %arg11[%parallel_loop3A_1137, %parallel_loop3A_1138, %parallel_loop3A_1139] {strides = array<i32>} : memref<9x4x512xf32, #tpu.memory_space<vmem>>, vector<16xf32>,
        %parallel_loop3A_1141 = arith.constant 8 : i32
        %parallel_loop3A_1142 = arith.index_cast %parallel_loop3A_1141 : i32 to index
        %parallel_loop3A_1143 = arith.index_cast %parallel_loop3A_1054 : i32 to index
        %parallel_loop3A_1144 = arith.index_cast %parallel_loop3A_1060 : i32 to index
        %parallel_loop3A_1145 = tpu.vector_load %arg11[%parallel_loop3A_1142, %parallel_loop3A_1143, %parallel_loop3A_1144] {strides = array<i32>} : memref<9x4x512xf32, #tpu.memory_space<vmem>>, vector<16xf32>,
        %parallel_loop3A_1146 = arith.subf %parallel_loop3A_1140, %parallel_loop3A_1145 : vector<16xf32>
        %parallel_loop3A_1147 = math.absf %parallel_loop3A_1146 : vector<16xf32>
        %parallel_loop3A_1148 = arith.addf %parallel_loop3A_1135, %parallel_loop3A_1147 : vector<16xf32>
        %parallel_loop3A_1149 = arith.mulf %parallel_loop3A_1110, %parallel_loop3A_1148 : vector<16xf32>
        %parallel_loop3A_1150 = arith.addf %parallel_loop3A_358, %parallel_loop3A_1149 : vector<16xf32>
        %parallel_loop3A_1151 = arith.addf %parallel_loop3A_359, %parallel_loop3A_1110 : vector<16xf32>
        scf.yield %parallel_loop3A_457, %parallel_loop3A_458, %parallel_loop3A_556, %parallel_loop3A_557, %parallel_loop3A_655, %parallel_loop3A_656, %parallel_loop3A_754, %parallel_loop3A_755, %parallel_loop3A_853, %parallel_loop3A_854, %parallel_loop3A_952, %parallel_loop3A_953, %parallel_loop3A_1051, %parallel_loop3A_1052, %parallel_loop3A_1150, %parallel_loop3A_1151 : vector<16xf32>, vector<16xf32>, vector<16xf32>, vector<16xf32>, vector<16xf32>, vector<16xf32>, vector<16xf32>, vector<16xf32>, vector<16xf32>, vector<16xf32>, vector<16xf32>, vector<16xf32>, vector<16xf32>, vector<16xf32>, vector<16xf32>, vector<16xf32>
      } {sc.loop_unroll_factor = 1 : i64, sc.parallel_access}
      %mul3A_332 = arith.constant 4 : i32
      %mul3A_333 = arith.muli %mul3A_332, %scan3A_238 : i32
      %add3A_334 = arith.constant 3 : i32
      %add3A_335 = arith.addi %mul3A_333, %add3A_334 : i32
      %add3A_336 = arith.constant 4 : i32
      %add3A_337 = arith.addi %add3A_335, %add3A_336 : i32
      %lt3A_338 = arith.constant 64 : i32
      %lt3A_339 = arith.cmpi slt, %add3A_337, %lt3A_338 : i32
      %convert_element_type3A_340 = arith.extui %lt3A_339 : i1 to i32
      %cond3A_341 = arith.constant 0 : i32
      %cond3A_342 = arith.cmpi ne, %convert_element_type3A_340, %cond3A_341 : i32
      scf.if %cond3A_342 {
        %mul3A_343 = arith.constant 4 : i32
        %mul3A_344 = arith.muli %mul3A_343, %scan3A_238 : i32
        %add3A_345 = arith.constant 3 : i32
        %add3A_346 = arith.addi %mul3A_344, %add3A_345 : i32
        %add3A_347 = arith.constant 4 : i32
        %add3A_348 = arith.addi %add3A_346, %add3A_347 : i32
        %mul3A_349 = arith.constant 4 : i32
        %mul3A_350 = arith.muli %add3A_348, %mul3A_349 : i32
        %add3A_351 = arith.addi %mul3A_32, %mul3A_350 : i32
        %mul3A_352 = arith.constant 3 : i32
        %mul3A_353 = arith.muli %mul3A_352, %select_n3A : i32
        %dma_start3A_354 = arith.constant 0 : i32
        %dma_start3A_355 = arith.constant 0 : i32
        %dma_start3A_356 = arith.constant 0 : i32
        %dma_start3A_357 = tpu.memref_slice %arg11[%dma_start3A_354, %dma_start3A_355, %dma_start3A_356] : memref<9x4x512xf32, #tpu.memory_space<vmem>> -> memref<3x4x512xf32, #tpu.memory_space<vmem>>
        %dma_start3A_358 = arith.constant 0 : i32
        %dma_start3A_359 = tpu.memref_slice %arg4[%mul3A_353, %add3A_351, %dma_start3A_358] : memref<48x512x512xf32, #tpu.memory_space<hbm>> -> memref<3x4x512xf32, #tpu.memory_space<hbm>>
        %dma_start3A_360 = arith.constant 0 : i32
        %dma_start3A_361 = arith.constant 0 : i32
        %dma_start3A_362 = arith.constant 0 : i32
        %dma_start3A_363 = tpu.memref_slice %arg11[%dma_start3A_360, %dma_start3A_361, %dma_start3A_362] : memref<9x4x512xf32, #tpu.memory_space<vmem>> -> memref<3x4x512xf32, #tpu.memory_space<vmem>>
        %dma_start3A_364 = arith.constant 0 : i32
        %dma_start3A_365 = tpu.memref_slice %arg4[%mul3A_353, %add3A_351, %dma_start3A_364] : memref<48x512x512xf32, #tpu.memory_space<hbm>> -> memref<3x4x512xf32, #tpu.memory_space<hbm>>
        tpu.enqueue_dma source(%dma_start3A_365 : memref<3x4x512xf32, #tpu.memory_space<hbm>>) target(%dma_start3A_363 : memref<3x4x512xf32, #tpu.memory_space<vmem>>) target_semaphore(%arg17 : memref<!tpu.dma_semaphore, #tpu.memory_space<semaphore_mem>>)
        %mul3A_366 = arith.constant 3 : i32
        %mul3A_367 = arith.muli %mul3A_366, %select_n3A : i32
        %dma_start3A_368 = arith.constant 3 : i32
        %dma_start3A_369 = arith.constant 0 : i32
        %dma_start3A_370 = arith.constant 0 : i32
        %dma_start3A_371 = tpu.memref_slice %arg11[%dma_start3A_368, %dma_start3A_369, %dma_start3A_370] : memref<9x4x512xf32, #tpu.memory_space<vmem>> -> memref<3x4x512xf32, #tpu.memory_space<vmem>>
        %dma_start3A_372 = arith.constant 0 : i32
        %dma_start3A_373 = tpu.memref_slice %arg2[%mul3A_367, %add3A_351, %dma_start3A_372] : memref<48x512x512xf32, #tpu.memory_space<hbm>> -> memref<3x4x512xf32, #tpu.memory_space<hbm>>
        %dma_start3A_374 = arith.constant 3 : i32
        %dma_start3A_375 = arith.constant 0 : i32
        %dma_start3A_376 = arith.constant 0 : i32
        %dma_start3A_377 = tpu.memref_slice %arg11[%dma_start3A_374, %dma_start3A_375, %dma_start3A_376] : memref<9x4x512xf32, #tpu.memory_space<vmem>> -> memref<3x4x512xf32, #tpu.memory_space<vmem>>
        %dma_start3A_378 = arith.constant 0 : i32
        %dma_start3A_379 = tpu.memref_slice %arg2[%mul3A_367, %add3A_351, %dma_start3A_378] : memref<48x512x512xf32, #tpu.memory_space<hbm>> -> memref<3x4x512xf32, #tpu.memory_space<hbm>>
        tpu.enqueue_dma source(%dma_start3A_379 : memref<3x4x512xf32, #tpu.memory_space<hbm>>) target(%dma_start3A_377 : memref<3x4x512xf32, #tpu.memory_space<vmem>>) target_semaphore(%arg17 : memref<!tpu.dma_semaphore, #tpu.memory_space<semaphore_mem>>)
        %mul3A_380 = arith.constant 3 : i32
        %mul3A_381 = arith.muli %mul3A_380, %select_n3A : i32
        %dma_start3A_382 = arith.constant 6 : i32
        %dma_start3A_383 = arith.constant 0 : i32
        %dma_start3A_384 = arith.constant 0 : i32
        %dma_start3A_385 = tpu.memref_slice %arg11[%dma_start3A_382, %dma_start3A_383, %dma_start3A_384] : memref<9x4x512xf32, #tpu.memory_space<vmem>> -> memref<3x4x512xf32, #tpu.memory_space<vmem>>
        %dma_start3A_386 = arith.constant 0 : i32
        %dma_start3A_387 = tpu.memref_slice %arg3[%mul3A_381, %add3A_351, %dma_start3A_386] : memref<48x512x512xf32, #tpu.memory_space<hbm>> -> memref<3x4x512xf32, #tpu.memory_space<hbm>>
        %dma_start3A_388 = arith.constant 6 : i32
        %dma_start3A_389 = arith.constant 0 : i32
        %dma_start3A_390 = arith.constant 0 : i32
        %dma_start3A_391 = tpu.memref_slice %arg11[%dma_start3A_388, %dma_start3A_389, %dma_start3A_390] : memref<9x4x512xf32, #tpu.memory_space<vmem>> -> memref<3x4x512xf32, #tpu.memory_space<vmem>>
        %dma_start3A_392 = arith.constant 0 : i32
        %dma_start3A_393 = tpu.memref_slice %arg3[%mul3A_381, %add3A_351, %dma_start3A_392] : memref<48x512x512xf32, #tpu.memory_space<hbm>> -> memref<3x4x512xf32, #tpu.memory_space<hbm>>
        tpu.enqueue_dma source(%dma_start3A_393 : memref<3x4x512xf32, #tpu.memory_space<hbm>>) target(%dma_start3A_391 : memref<3x4x512xf32, #tpu.memory_space<vmem>>) target_semaphore(%arg17 : memref<!tpu.dma_semaphore, #tpu.memory_space<semaphore_mem>>)
      } else {
      }
      scf.yield %parallel_loop3A_331#0, %parallel_loop3A_331#1, %parallel_loop3A_331#2, %parallel_loop3A_331#3, %parallel_loop3A_331#4, %parallel_loop3A_331#5, %parallel_loop3A_331#6, %parallel_loop3A_331#7, %parallel_loop3A_331#8, %parallel_loop3A_331#9, %parallel_loop3A_331#10, %parallel_loop3A_331#11, %parallel_loop3A_331#12, %parallel_loop3A_331#13, %parallel_loop3A_331#14, %parallel_loop3A_331#15 : vector<16xf32>, vector<16xf32>, vector<16xf32>, vector<16xf32>, vector<16xf32>, vector<16xf32>, vector<16xf32>, vector<16xf32>, vector<16xf32>, vector<16xf32>, vector<16xf32>, vector<16xf32>, vector<16xf32>, vector<16xf32>, vector<16xf32>, vector<16xf32>
    }
    %scan3A_213 = arith.constant 16 : i32
    %add3A_214 = arith.constant 0.000000e+00 : f32
    %add3A_215 = vector.broadcast %add3A_214 : f32 to vector<16xf32>
    %add3A_216 = arith.addf %add3A_215, %scan3A_212#2 : vector<16xf32>
    %add3A_217 = arith.addf %add3A_216, %scan3A_212#4 : vector<16xf32>
    %add3A_218 = arith.addf %add3A_217, %scan3A_212#6 : vector<16xf32>
    %add3A_219 = arith.addf %add3A_218, %scan3A_212#8 : vector<16xf32>
    %add3A_220 = arith.addf %add3A_219, %scan3A_212#10 : vector<16xf32>
    %add3A_221 = arith.addf %add3A_220, %scan3A_212#12 : vector<16xf32>
    %add3A_222 = arith.addf %add3A_221, %scan3A_212#14 : vector<16xf32>
    %add3A_223 = arith.addf %add3A_222, %scan3A_212#0 : vector<16xf32>
    %swap3A = arith.constant 0 : index
    %swap3A_224 = tpu.vector_load %arg12[%swap3A] {strides = array<i32>} : memref<16xf32, #tpu.memory_space<vmem>>, vector<16xf32>,
    tpu.vector_store %arg12[%swap3A], %add3A_223 {strides = array<i32>} : memref<16xf32, #tpu.memory_space<vmem>>, vector<16xf32>,
    %add3A_225 = arith.constant 0.000000e+00 : f32
    %add3A_226 = vector.broadcast %add3A_225 : f32 to vector<16xf32>
    %add3A_227 = arith.addf %add3A_226, %scan3A_212#3 : vector<16xf32>
    %add3A_228 = arith.addf %add3A_227, %scan3A_212#5 : vector<16xf32>
    %add3A_229 = arith.addf %add3A_228, %scan3A_212#7 : vector<16xf32>
    %add3A_230 = arith.addf %add3A_229, %scan3A_212#9 : vector<16xf32>
    %add3A_231 = arith.addf %add3A_230, %scan3A_212#11 : vector<16xf32>
    %add3A_232 = arith.addf %add3A_231, %scan3A_212#13 : vector<16xf32>
    %add3A_233 = arith.addf %add3A_232, %scan3A_212#15 : vector<16xf32>
    %add3A_234 = arith.addf %add3A_233, %scan3A_212#1 : vector<16xf32>
    %swap3A_235 = arith.constant 0 : index
    %swap3A_236 = tpu.vector_load %arg13[%swap3A_235] {strides = array<i32>} : memref<16xf32, #tpu.memory_space<vmem>>, vector<16xf32>,
    tpu.vector_store %arg13[%swap3A_235], %add3A_234 {strides = array<i32>} : memref<16xf32, #tpu.memory_space<vmem>>, vector<16xf32>,
    %run_scoped3A = arith.constant 0 : i32
    "tpu.region"() ({
      %run_scoped3A_238 = tpu.sem_alloc : memref<!tpu.dma_semaphore, #tpu.memory_space<semaphore_mem>>
      %dma_start3A_239 = arith.constant 0 : i32
      %dma_start3A_240 = tpu.memref_slice %arg6[%run_scoped3A, %add3A, %dma_start3A_239] : memref<2x32x16xf32, #tpu.memory_space<hbm>> -> memref<1x1x16xf32, #tpu.memory_space<hbm>>
      %dma_start3A_241 = tpu.memref_squeeze %dma_start3A_240 : memref<1x1x16xf32, #tpu.memory_space<hbm>> -> memref<16xf32, #tpu.memory_space<hbm>>
      %dma_start3A_242 = arith.constant 0 : i32
      %dma_start3A_243 = tpu.memref_slice %arg6[%run_scoped3A, %add3A, %dma_start3A_242] : memref<2x32x16xf32, #tpu.memory_space<hbm>> -> memref<1x1x16xf32, #tpu.memory_space<hbm>>
      %dma_start3A_244 = tpu.memref_squeeze %dma_start3A_243 : memref<1x1x16xf32, #tpu.memory_space<hbm>> -> memref<16xf32, #tpu.memory_space<hbm>>
      tpu.enqueue_dma source(%arg12 : memref<16xf32, #tpu.memory_space<vmem>>) target(%dma_start3A_244 : memref<16xf32, #tpu.memory_space<hbm>>) target_semaphore(%run_scoped3A_238 : memref<!tpu.dma_semaphore, #tpu.memory_space<semaphore_mem>>)
      %dma_wait3A = arith.constant 0 : i32
      %dma_wait3A_245 = tpu.memref_slice %arg6[%run_scoped3A, %add3A, %dma_wait3A] : memref<2x32x16xf32, #tpu.memory_space<hbm>> -> memref<1x1x16xf32, #tpu.memory_space<hbm>>
      %dma_wait3A_246 = tpu.memref_squeeze %dma_wait3A_245 : memref<1x1x16xf32, #tpu.memory_space<hbm>> -> memref<16xf32, #tpu.memory_space<hbm>>
      %dma_wait3A_247 = arith.constant 0 : i32
      %dma_wait3A_248 = tpu.memref_slice %arg6[%run_scoped3A, %add3A, %dma_wait3A_247] : memref<2x32x16xf32, #tpu.memory_space<hbm>> -> memref<1x1x16xf32, #tpu.memory_space<hbm>>
      %dma_wait3A_249 = tpu.memref_squeeze %dma_wait3A_248 : memref<1x1x16xf32, #tpu.memory_space<hbm>> -> memref<16xf32, #tpu.memory_space<hbm>>
      tpu.wait_dma2 semaphore(%run_scoped3A_238 : memref<!tpu.dma_semaphore, #tpu.memory_space<semaphore_mem>>) src(%arg12 : memref<16xf32, #tpu.memory_space<vmem>>) dst(%dma_wait3A_249 : memref<16xf32, #tpu.memory_space<hbm>>)
      tpu.yield
    }) : () -> ()
    %run_scoped3A_237 = arith.constant 1 : i32
    "tpu.region"() ({
      %run_scoped3A_238 = tpu.sem_alloc : memref<!tpu.dma_semaphore, #tpu.memory_space<semaphore_mem>>
      %dma_start3A_239 = arith.constant 0 : i32
      %dma_start3A_240 = tpu.memref_slice %arg6[%run_scoped3A_237, %add3A, %dma_start3A_239] : memref<2x32x16xf32, #tpu.memory_space<hbm>> -> memref<1x1x16xf32, #tpu.memory_space<hbm>>
      %dma_start3A_241 = tpu.memref_squeeze %dma_start3A_240 : memref<1x1x16xf32, #tpu.memory_space<hbm>> -> memref<16xf32, #tpu.memory_space<hbm>>
      %dma_start3A_242 = arith.constant 0 : i32
      %dma_start3A_243 = tpu.memref_slice %arg6[%run_scoped3A_237, %add3A, %dma_start3A_242] : memref<2x32x16xf32, #tpu.memory_space<hbm>> -> memref<1x1x16xf32, #tpu.memory_space<hbm>>
      %dma_start3A_244 = tpu.memref_squeeze %dma_start3A_243 : memref<1x1x16xf32, #tpu.memory_space<hbm>> -> memref<16xf32, #tpu.memory_space<hbm>>
      tpu.enqueue_dma source(%arg13 : memref<16xf32, #tpu.memory_space<vmem>>) target(%dma_start3A_244 : memref<16xf32, #tpu.memory_space<hbm>>) target_semaphore(%run_scoped3A_238 : memref<!tpu.dma_semaphore, #tpu.memory_space<semaphore_mem>>)
      %dma_wait3A = arith.constant 0 : i32
      %dma_wait3A_245 = tpu.memref_slice %arg6[%run_scoped3A_237, %add3A, %dma_wait3A] : memref<2x32x16xf32, #tpu.memory_space<hbm>> -> memref<1x1x16xf32, #tpu.memory_space<hbm>>
      %dma_wait3A_246 = tpu.memref_squeeze %dma_wait3A_245 : memref<1x1x16xf32, #tpu.memory_space<hbm>> -> memref<16xf32, #tpu.memory_space<hbm>>
      %dma_wait3A_247 = arith.constant 0 : i32
      %dma_wait3A_248 = tpu.memref_slice %arg6[%run_scoped3A_237, %add3A, %dma_wait3A_247] : memref<2x32x16xf32, #tpu.memory_space<hbm>> -> memref<1x1x16xf32, #tpu.memory_space<hbm>>
      %dma_wait3A_249 = tpu.memref_squeeze %dma_wait3A_248 : memref<1x1x16xf32, #tpu.memory_space<hbm>> -> memref<16xf32, #tpu.memory_space<hbm>>
      tpu.wait_dma2 semaphore(%run_scoped3A_238 : memref<!tpu.dma_semaphore, #tpu.memory_space<semaphore_mem>>) src(%arg13 : memref<16xf32, #tpu.memory_space<vmem>>) dst(%dma_wait3A_249 : memref<16xf32, #tpu.memory_space<hbm>>)
      tpu.yield
    }) : () -> ()
    return
  }
}

</mosaic_0001>

<sc_bundles>
// kernel: _sc_partials.3.cloned.1.call-start
scs
__scs_entry_jumppad:
0x0: {  	(pc) =	sbr.rel $0x88, $3  }
0x1: {  	(tag) =	ssettag $0x0;
	lr =	simm.s32 $0x1  }
0x2: {  	[smem:$0x3F9D] =	sst lr;
	_ =	strace $0xD0000000  }
0x3: {  	_ = 	snop  }
0x4: {  	_ = 	snop  }
0x5: {  	_ = 	snop  }
0x6: {  	_ = 	snop  }
0x7: {  	_ = 	snop  }
__scs_overlays_trampoline_lowered:
0x8: {  	[smem:$0x3FAC] =	sst s0  }
0x9: {  	[smem:$0x3FAD] =	sst s1  }
0xa: {  	[smem:$0x3FAE] =	sst s2  }
0xb: {  	[smem:$0x3FAF] =	sst s3  }
0xc: {  	[smem:$0x3FB0] =	sst s4  }
0xd: {  	[smem:$0x3FB1] =	sst s5  }
0xe: {  	[smem:$0x3FB2] =	sst s6  }
0xf: {  	[smem:$0x3FB3] =	sst s7  }
0x10: {  	[smem:$0x3FB4] =	sst s8  }
0x11: {  	[smem:$0x3FB5] =	sst s9;
	s0 =	simm.s32 @!p0 $0x0  }
0x12: {  	s1 =	sld [smem:$0x3F9B];
	s0 =	simm.s32 @p0 $0x1  }
0x13: {  	[smem:$0x3FB6] =	sst s0;
	s0 =	simm.s32 @!p1 $0x0  }
0x14: {  	s2 =	sld [smem:$0x3F9A];
	s0 =	simm.s32 @p1 $0x1  }
0x15: {  	[smem:$0x3FB7] =	sst s0;
	s0 =	simm.s32 @!p2 $0x0  }
0x16: {  	s3 =	sld [smem:$0x3FDB];
	s0 =	simm.s32 @p2 $0x1  }
0x17: {  	s4 =	simm.s32 $0x1BF5;
	[smem:$0x3FB9] =	sst s0  }
0x18: {  	s0 =	sld [smem:$0x3F9C];
	_ =	swait.ge [sflag:s4], $0x0  }
0x19: {  	s7 =	sld [smem:$0x3F9D]  }
0x1a: {  	s8 =	sadd.s32 $0xFFFFE003, lr  }
0x1b: {  	s9 =	sadd.s32 $0xFFFFFEF7, lr;
	s5 =	simm.s32 $0xFFFFFFFF;
	p2 =	slt.u32 s8, $0xFFFFF086  }
0x1c: {  	p1 =	slt.u32 s9, $0xF7A;
	s5 =	simm.s32 @!p2 $0x0  }
0x1d: {  	s5 =	simm.s32 @p1 $0x1;
	p0 =	seq.s32 s7, s2  }
0x1e: {  	s7 =	smul.u32 @!p0 $0xF7A, s2;
	p2 =	seq.s32 @!p0 s5, $0x0  }
0x1f: {  	s9 =	smul.u32 $0xF7A, s1;
	s8 =	simm.s32 @!p0 $0x1BF5;
	p2 =	por !p2, p0  }
0x20: {  	[sflag:s8] =	ssyncset.s32 @!p0 $0xFFFFF086;
	s6 =	sadd.s32 @!p0 s3, s7;
	s7 =	simm.s32 @!p0 $0x108  }
0x21: {  	s3 =	sadd.s32 s3, s9;
	s6 =	sadd.s32 @!p0 $0x88, s6;
	s7 =	simm.s32 @p2 $0x1082  }
0x22: {  	[simem:s7], [sflag:s8] =	dma.local @!p0 [hbm:s6], $0xF7A  }
0x23: {  	s9 =	sor.u32 $0xD0000000, s2;
	s6 =	simm.s32 $0x108;
	_ =	swait.ge @!p0 [sflag:s8], $0x0  }
0x24: {  	s3 =	sadd.s32 $0x88, s3;
	s6 =	simm.s32 @!p1 $0x1082;
	[sflag:s4] =	ssyncset.s32 $0xFFFFF086  }
0x25: {  	[simem:s6], [sflag:s4] =	dma.local [hbm:s3], $0xF7A  }
0x26: {  	[smem:$0x3F9D] =	sst s1;
	(tag) =	ssettag s2;
	_ =	strace s9  }
0x27: {  	s1 =	sld [smem:$0x3FAD]  }
0x28: {  	s2 =	sld [smem:$0x3FAE]  }
0x29: {  	s4 =	sld [smem:$0x3FB0]  }
0x2a: {  	p0 =	seq.s32 s5, $0x0;
	s5 =	sld [smem:$0x3FB1]  }
0x2b: {  	s6 =	sld [smem:$0x3FB2]  }
0x2c: {  	s7 =	sld [smem:$0x3FB3]  }
0x2d: {  	s3 =	simm.s32 $0x108;
	s8 =	sld [smem:$0x3FB4]  }
0x2e: {  	s3 =	simm.s32 @!p0 $0x1082;
	s9 =	sld [smem:$0x3FB5]  }
0x2f: {  	lr =	sadd.s32 s0, s3;
	s0 =	sld [smem:$0x3FAC]  }
0x30: {  	s3 =	sld [smem:$0x3FAF]  }
0x31: {  	[smem:$0x3FB8] =	sst s10  }
0x32: {  	s10 =	sld [smem:$0x3FB6];
	_ =	sdelay $0x3  }
0x33: {  	p0 =	seq.s32 s10, $0x1;
	s10 =	sld [smem:$0x3FB8];
	_ =	sdelay $0x3  }
0x34: {  	[smem:$0x3FB8] =	sst s10  }
0x35: {  	s10 =	sld [smem:$0x3FB7];
	_ =	sdelay $0x3  }
0x36: {  	p1 =	seq.s32 s10, $0x1;
	s10 =	sld [smem:$0x3FB8];
	_ =	sdelay $0x3  }
0x37: {  	[smem:$0x3FB8] =	sst s10  }
0x38: {  	s10 =	sld [smem:$0x3FB9]  }
0x39: {  	_ = 	snop;
	(pc) =	sbr.ind lr, $3  }
0x3a: {  	_ = 	snop  }
0x3b: {  	_ = 	snop  }
0x3c: {  	p2 =	seq.s32 s10, $0x1;
	s10 =	sld [smem:$0x3FB8]  }
0x3d: {  	_ =	shalt  }
0x3e: {  	_ =	shalt  }
0x3f: {  	_ =	shalt  }
0x40: {  	_ =	shalt  }
0x41: {  	_ =	shalt  }
0x42: {  	_ =	shalt  }
0x43: {  	_ =	shalt  }
0x44: {  	_ =	shalt  }
0x45: {  	_ =	shalt  }
0x46: {  	_ =	shalt  }
0x47: {  	_ =	shalt  }
0x48: {  	_ =	shalt  }
0x49: {  	_ =	shalt  }
0x4a: {  	_ =	shalt  }
0x4b: {  	_ =	shalt  }
0x4c: {  	_ =	shalt  }
0x4d: {  	_ =	shalt  }
0x4e: {  	_ =	shalt  }
0x4f: {  	_ =	shalt  }
0x50: {  	_ =	shalt  }
0x51: {  	_ =	shalt  }
0x52: {  	_ =	shalt  }
0x53: {  	_ =	shalt  }
0x54: {  	_ =	shalt  }
0x55: {  	_ =	shalt  }
0x56: {  	_ =	shalt  }
0x57: {  	_ =	shalt  }
0x58: {  	_ =	shalt  }
0x59: {  	_ =	shalt  }
0x5a: {  	_ =	shalt  }
0x5b: {  	_ =	shalt  }
0x5c: {  	_ =	shalt  }
0x5d: {  	_ =	shalt  }
0x5e: {  	_ =	shalt  }
0x5f: {  	_ =	shalt  }
0x60: {  	_ =	shalt  }
0x61: {  	_ =	shalt  }
0x62: {  	_ =	shalt  }
0x63: {  	_ =	shalt  }
0x64: {  	_ =	shalt  }
0x65: {  	_ =	shalt  }
0x66: {  	_ =	shalt  }
0x67: {  	_ =	shalt  }
0x68: {  	_ =	shalt  }
0x69: {  	_ =	shalt  }
0x6a: {  	_ =	shalt  }
0x6b: {  	_ =	shalt  }
0x6c: {  	_ =	shalt  }
0x6d: {  	_ =	shalt  }
0x6e: {  	_ =	shalt  }
0x6f: {  	_ =	shalt  }
0x70: {  	_ =	shalt  }
0x71: {  	_ =	shalt  }
0x72: {  	_ =	shalt  }
0x73: {  	_ =	shalt  }
0x74: {  	_ =	shalt  }
0x75: {  	_ =	shalt  }
0x76: {  	_ =	shalt  }
0x77: {  	_ =	shalt  }
0x78: {  	_ =	shalt  }
0x79: {  	_ =	shalt  }
0x7a: {  	_ =	shalt  }
0x7b: {  	_ =	shalt  }
0x7c: {  	_ =	shalt  }
0x7d: {  	_ =	shalt  }
0x7e: {  	_ =	shalt  }
0x7f: {  	_ =	shalt  }
0x80: {  	_ =	shalt  }
0x81: {  	_ =	shalt  }
0x82: {  	_ =	shalt  }
0x83: {  	_ =	shalt  }
0x84: {  	_ =	shalt  }
0x85: {  	_ =	shalt  }
0x86: {  	_ =	shalt  }
0x87: {  	_ =	shalt  }
.Lfunc_end0:
.L_simem_size_0:
called_computation_lowered:
.L_overlay_start_0:
0x88: {  	s2 =	sld [smem:$0x3FD9]  }
0x89: {  	s3 =	sld [smem:$0x3FFE];
	_ =	sdelay $0x1  }
0x8a: {  	s1 =	srdreg.scid  }
0x8b: {  	s0 =	sand.u32 $0x1, s1  }
0x8c: {  	s17 =	sshll.u32 s0, $0xA;
	s2 =	sadd.s32 s3, s2  }
0x8d: {  	s2 =	sadd.s32 s2, s17  }
0x8e: {  	[smem:$0x3FC4] =	sst s2  }
0x8f: {  	_ = 	snop  }
0x90: {  	s2 =	sld [smem:$0x3FC9]  }
0x91: {  	s18 =	sld [smem:$0x3FC8]  }
0x92: {  	s4 =	sld [smem:$0x3FC7]  }
0x93: {  	s5 =	sld [smem:$0x3FC6];
	(tm) =	ssettm $0x1  }
0x94: {  	s6 =	sld [smem:$0x3FFB];
	_ =	sdelay $0x3  }
0x95: {  	_ =	strace s6  }
0x96: {  	s6 =	sld [smem:$0x3FFC];
	_ =	sdelay $0x3  }
0x97: {  	_ =	strace s6  }
0x98: {  	s6 =	sld [smem:$0x3FFD];
	_ =	sdelay $0x3  }
0x99: {  	_ =	strace s6  }
0x9a: {  	_ =	strace $0x8FFFFFFF  }
0x9b: {  	s19 =	sld [smem:$0x3FDB];
	_ =	sdelay $0x1  }
0x9c: {  	s7 =	simm.s32 $_scs_section_size  }
0x9d: {  	s8 =	simm.s32 $_size__tile_overlayer_lowered;
	s9 =	simm.s32 $_tile_overlayer_lowered  }
0x9e: {  	s22 =	simm.s32 $0x1BFF;
	s21 =	sshll.u32 s9, $0x1;
	s6 =	sadd.s32 s7, s19  }
0x9f: {  	s10 =	simm.s32 $0x0;
	s20 =	sshll.u32 s8, $0x1;
	s8 =	sadd.s32 s21, s6  }
0xa0: {  	[timem:s10], [sflag:s22] =	dma.local [hbm:s8], s20  }
0xa1: {  	_ =	swait.ge [sflag:s22], s20  }
0xa2: {  	s7 =	ssub.s32 $0x0, s20;
	[sflag:s22] =	ssyncset.done $0x0  }
0xa3: {  	[sflag:s22] =	ssyncadd.s32 s7;
	_ =	sdelay $0x1  }
0xa4: {  	s23 =	simm.s32 $0x1B8B  }
0xa5: {  	_ =	swait.ge [sflag:s23], $0x1  }
0xa6: {  	[sflag:s23] =	ssyncset.done $0x0  }
0xa7: {  	s25 =	simm.s32 $0x1B8E;
	s24 =	sld [smem:$0x3FFE];
	[sflag:s23] =	ssyncadd.s32 $0xFFFFFFFF  }
0xa8: {  	s26 =	simm.s32 $execute0_lowered;
	[smem:$0x3FD2] =	sst s25  }
0xa9: {  	s8 =	sshll.u32 s26, $0x1;
	_ =	strace $0x80000046;
	[dreg:$0x1] =	wrdreg $0xFFFFFFFF  }
0xaa: {  	s28 =	simm.s32 $_size_execute0_lowered;
	s6 =	sadd.s32 s6, s8;
	[dreg:$0x0] =	wrdreg $0x0  }
0xab: {  	s8 =	sshll.u32 s28, $0x1;
	[dreg:$0x2] =	wrdreg s6  }
0xac: {  	[dreg:$0x3] =	wrdreg s8  }
0xad: {  	[dreg:$0x4] =	wrdreg $0xC0  }
0xae: {  	_ =	task [dreg:s10], $0x5FFFF  }
0xaf: {  	[dreg:$0x1] =	wrdreg $0xFFFFFFFF  }
0xb0: {  	[dreg:$0x0] =	wrdreg $0x60  }
0xb1: {  	[dreg:$0x2] =	wrdreg s2  }
0xb2: {  	[dreg:$0x3] =	wrdreg s18  }
0xb3: {  	[dreg:$0x4] =	wrdreg s4  }
0xb4: {  	[dreg:$0x5] =	wrdreg s5  }
0xb5: {  	[dreg:$0x6] =	wrdreg s24  }
0xb6: {  	[dreg:$0x7] =	wrdreg $0x9  }
0xb7: {  	_ =	task.clear_ibuf [dreg:s10], $0x8FFFF;
	_ =	strace $0x90000046  }
0xb8: {  	s29 =	simm.s32 $0x9;
	_ =	strace $0x80000048  }
0xb9: {  	_ =	swait.ge [sflag:s29], $0x1  }
0xba: {  	[sflag:s29] =	ssyncadd.s32 $0xFFFFFFFF  }
0xbb: {  	_ =	strace $0x90000048  }
0xbc: {  	_ =	sfence  }
0xbd: {  	s30 =	sld [smem:$0x0];
	_ =	sdelay $0x2  }
0xbe: {  	s31 =	sshll.u32 s1, $0xD;
	s1 =	sshrl.u32 s1, $0x2  }
0xbf: {  	s3 =	sand.u32 $0x4000, s31;
	s1 =	sadd.s32 s1, s30  }
0xc0: {  	s0 =	sor.u32 s3, s0;
	s1 =	sshll.u32 s1, $0x11  }
0xc1: {  	s0 =	sor.u32 s1, s0  }
0xc2: {  	s0 =	sadd.s32 $0x8F2B, s0  }
0xc3: {  	[sflag:s0] =	ssyncadd.remote.s32 $0x1  }
0xc4: {  	_ =	sfence.sel $0xFFFF  }
0xc5: {  	[dreg:$0x0] =	wrdreg $0xFFFFFFFF;
	(pc) =	sbr.abs _section_cstart, $3  }
0xc6: {  	[dreg:$0x1] =	wrdreg $0xFFFFFFFF  }
0xc7: {  	_ =	task.clear_ibuf [dreg:s10], $0x2FFFF;
	_ =	strace $0x9FFFFFFF  }
0xc8: {  	(tm) =	ssettm $0x7FFFFFFF  }
0xc9: {  	_ =	shalt  }
tec
execute0_lowered:
.L_overlay_start_1:
0x0: {  	(tag) =	ssettag $0x1  }
0x1: {  	s1 =	rddreg [dreg:$0x0]  }
0x2: {  	s0 =	srdreg.scid;
	s3 =	rddreg [dreg:$0x2]  }
0x3: {  	s8 =	stileid.u32;
	s5 =	simm.s32 $0x1;
	s7 =	rddreg [dreg:$0x4]  }
0x4: {  	s6 =	simm.s32 $0x0;
	s0 =	sand.u32 $0x1, s0;
	s2 =	sshll.u32 s8, $0x1  }
0x5: {  	s28 =	simm.s32 $0x400;
	s29 =	simm.s32 $0x17000;
	s4 =	sor.u32 s0, s2  }
0x6: {  	s30 =	simm.s32 $0x17800;
	p1 =	seq.s32 s0, $0x1;
	p0 =	seq.s32 s4, $0x0  }
0x7: {  	s31 =	simm.s32 $0x18000;
	[smem:$0x7FF] =	sst s6;
	p0 =	por !p0, !p1  }
0x8: {  	s2 =	rddreg [dreg:$0x1];
	_ =	strace $0x80000047;
	p0 =	por !p0, !p0  }
0x9: {  	s11 =	ssub.s32 $0x2, s0;
	s0 =	sshll.u32 s0, $0x11;
	s5 =	simm.s32 @!p0 $0x0  }
0xa: {  	s4 =	sshll.u32 s4, $0x4;
	s9 =	sshrl.u32 s11, $0x1;
	s5 =	ssub.s32 s8, s5  }
0xb: {  	s4 =	sadd.s32 s4, s7;
	s12 =	ssub.s32 s11, s9;
	s5 =	smul.u32 $0xC0000, s5  }
0xc: {  	s7 =	simm.s32 $0x1;
	s11 =	simm.s32 $0x0;
	s24 =	sadd.s32 $0x400, s4  }
0xd: {  	s25 =	sadd.s32 $0x600, s4;
	[dreg:$0x12] =	wrdreg s24;
	s0 =	sor.u32 s0, s5  }
0xe: {  	s26 =	smax.u32 s12, $0x1;
	[dreg:$0x13] =	wrdreg s25;
	s13 =	sshrl.u32 s0, $0x3  }
0xf: {  	s4 =	simm.s32 $0x15800;
	[dreg:$0x14] =	wrdreg s26;
	s14 =	sadd.s32 s3, s13  }
0x10: {  	s25 =	simm.s32 $0x5;
	s10 =	sadd.s32 s1, s13;
	[dreg:$0x6] =	wrdreg s14  }
0x11: {  	s15 =	sor.u32 $0x40, s13;
	s16 =	sadd.s32 s2, s13;
	[dreg:$0x7] =	wrdreg s10  }
0x12: {  	s26 =	simm.s32 $0x200;
	[dreg:$0x8] =	wrdreg s16;
	s17 =	sadd.s32 s3, s15  }
0x13: {  	s24 =	simm.s32 $0x19800;
	s18 =	sadd.s32 s1, s15;
	[dreg:$0x9] =	wrdreg s17  }
0x14: {  	s19 =	sor.u32 $0x200, s13;
	s9 =	sadd.s32 s2, s15;
	[dreg:$0xa] =	wrdreg s18  }
0x15: {  	s5 =	simm.s32 $0x16800;
	s20 =	sadd.s32 s3, s19;
	[dreg:$0xb] =	wrdreg s9  }
0x16: {  	s8 =	sor.u32 $0x240, s13;
	s21 =	sadd.s32 s1, s19;
	[dreg:$0xc] =	wrdreg s20  }
0x17: {  	s22 =	sadd.s32 s3, s8;
	s23 =	sadd.s32 s1, s8;
	[dreg:$0xd] =	wrdreg s21  }
.Ltmp0:
0x18: {  	s8 =	sadd.s32 s2, s8;
	[dreg:$0xf] =	wrdreg s22;
	(pc) =	sbr.rel .LBB2_1-.Ltmp0, $4  }
0x19: {  	s10 =	simm.s32 $0x4;
	s9 =	sadd.s32 s2, s19;
	[dreg:$0x10] =	wrdreg s23  }
0x1a: {  	[dreg:$0x11] =	wrdreg s8;
	s20 =	sor.u32 $0x2000, s0;
	s21 =	sor.u32 $0x3000, s0  }
0x1b: {  	s0 =	simm.s32 $0x16000;
	s22 =	simm.s32 $0x18800;
	s23 =	simm.s32 $0x19000  }
0x1c: {  	s8 =	simm.s32 $0x2;
	[dreg:$0xe] =	wrdreg s9;
	s9 =	simm.s32 $0x3  }
.LBB2_12:
0x1d: {  	v13 =	vadd.f32 $0.0e+00, v13  }
0x1e: {  	v9 =	vadd.f32 $0.0e+00, v9  }
0x1f: {  	v10 =	vadd.f32 v10, v13  }
0x20: {  	v7 =	vadd.f32 v7, v9  }
0x21: {  	v8 =	vadd.f32 v8, v10  }
0x22: {  	v4 =	vadd.f32 v4, v7  }
0x23: {  	v6 =	vadd.f32 v6, v8  }
0x24: {  	v3 =	vadd.f32 v3, v4  }
0x25: {  	v62 =	vadd.f32 v5, v6  }
0x26: {  	v1 =	vadd.f32 v1, v3  }
0x27: {  	v2 =	vadd.f32 v2, v62  }
0x28: {  	v0 =	vadd.f32 v0, v1  }
0x29: {  	v63 =	vadd.f32 v15, v2  }
0x2a: {  	v0 =	vadd.f32 v14, v0  }
0x2b: {  	v1 =	vadd.f32 v63, v12  }
0x2c: {  	v0 =	vadd.f32 v0, v11  }
0x2d: {  	[tilespmem:$0x1A000] =	vst v1  }
0x2e: {  	s12 =	rddreg [dreg:$0x12];
	s13 =	simm.s32 $0x1A000;
	[tilespmem:$0x1A080] =	vst v0  }
0x2f: {  	[hbm4b:s12+s6] =	stream.linear.scatter [tilespmem:s13], [sflag:$0x5], $0x80, $0x38;
	[tilespmem:$0x1A100] =	vst v63  }
0x30: {  	_ =	swait.ge [sflag:s25], $0x80  }
0x31: {  	[sflag:s25] =	ssyncset.done $0x0  }
0x32: {  	s18 =	simm.s32 $0x1A080;
	s17 =	rddreg [dreg:$0x13];
	[sflag:s25] =	ssyncadd.s32 $0xFFFFFF80  }
0x33: {  	[hbm4b:s17+s6] =	stream.linear.scatter [tilespmem:s18], [sflag:$0x5], $0x80, $0x38;
	[tilespmem:$0x1A100] =	vst v63  }
0x34: {  	_ =	swait.ge [sflag:s25], $0x80  }
0x35: {  	s11 =	sadd.s32 $0x1, s11;
	s19 =	rddreg [dreg:$0x14]  }
0x36: {  	p0 =	sne.s32 s11, s19  }
.Ltmp1:
0x37: {  	_ = 	snop;
	(pc) =	sbr.rel @!p0 .LBB2_13-.Ltmp1, $3  }
0x38: {  	_ =	sdelay $0x1  }
0x39: {  	[sflag:s25] =	ssyncset.done $0x0  }
0x3a: {  	[sflag:s25] =	ssyncadd.s32 $0xFFFFFF80  }
.LBB2_1:
0x3b: {  	s12 =	rddreg [dreg:$0x3]  }
0x3c: {  	[tilespmem:s6], [sflag:$0x5] =	stream.linear.gather [hbm4b:s12+s6], $0x8000, $0x38;
	[tilespmem:$0x1A100] =	vst v63  }
0x3d: {  	_ =	swait.ge [sflag:s25], $0x8000  }
0x3e: {  	[sflag:s25] =	ssyncset.done $0x0  }
0x3f: {  	s14 =	simm.s32 $0x8000;
	s13 =	rddreg [dreg:$0x6];
	[sflag:s25] =	ssyncadd.s32 $0xFFFF8000  }
0x40: {  	[tilespmem:s14], [sflag:$0x1] =	stream.strided.gather [hbm4b:s13+s26], $0x800, s28, s26, $0x38;
	[tilespmem:$0x1A100] =	vst v63  }
0x41: {  	s15 =	sadd.s32 $0x8000, s13;
	s14 =	simm.s32 $0x8800  }
0x42: {  	[tilespmem:s14], [sflag:$0x1] =	stream.strided.gather [hbm4b:s15+s26], $0x800, s28, s26, $0x38;
	[tilespmem:$0x1A100] =	vst v63  }
0x43: {  	s17 =	simm.s32 $0x9000;
	s16 =	sadd.s32 $0x10000, s13  }
0x44: {  	[tilespmem:s17], [sflag:$0x1] =	stream.strided.gather [hbm4b:s16+s26], $0x800, s28, s26, $0x38;
	[tilespmem:$0x1A100] =	vst v63  }
0x45: {  	s19 =	simm.s32 $0x9800;
	s18 =	rddreg [dreg:$0x7]  }
0x46: {  	[tilespmem:s19], [sflag:$0x1] =	stream.strided.gather [hbm4b:s18+s26], $0x800, s28, s26, $0x38;
	[tilespmem:$0x1A100] =	vst v63  }
0x47: {  	s14 =	sadd.s32 $0x8000, s18;
	s15 =	simm.s32 $0xA000  }
0x48: {  	[tilespmem:s15], [sflag:$0x1] =	stream.strided.gather [hbm4b:s14+s26], $0x800, s28, s26, $0x38;
	[tilespmem:$0x1A100] =	vst v63  }
0x49: {  	s16 =	sadd.s32 $0x10000, s18;
	s17 =	simm.s32 $0xA800  }
0x4a: {  	[tilespmem:s17], [sflag:$0x1] =	stream.strided.gather [hbm4b:s16+s26], $0x800, s28, s26, $0x38;
	[tilespmem:$0x1A100] =	vst v63  }
0x4b: {  	s18 =	rddreg [dreg:$0x8];
	s19 =	simm.s32 $0xB000  }
0x4c: {  	[tilespmem:s19], [sflag:$0x1] =	stream.strided.gather [hbm4b:s18+s26], $0x800, s28, s26, $0x38;
	[tilespmem:$0x1A100] =	vst v63  }
0x4d: {  	s14 =	sadd.s32 $0x8000, s18;
	s15 =	simm.s32 $0xB800  }
0x4e: {  	[tilespmem:s15], [sflag:$0x1] =	stream.strided.gather [hbm4b:s14+s26], $0x800, s28, s26, $0x38;
	[tilespmem:$0x1A100] =	vst v63  }
0x4f: {  	s16 =	sadd.s32 $0x10000, s18;
	s17 =	simm.s32 $0xC000  }
0x50: {  	[tilespmem:s17], [sflag:$0x1] =	stream.strided.gather [hbm4b:s16+s26], $0x800, s28, s26, $0x38;
	[tilespmem:$0x1A100] =	vst v63  }
0x51: {  	s18 =	rddreg [dreg:$0x9];
	s19 =	simm.s32 $0xC800  }
0x52: {  	[tilespmem:s19], [sflag:$0x2] =	stream.strided.gather [hbm4b:s18+s26], $0x800, s28, s26, $0x38;
	[tilespmem:$0x1A100] =	vst v63  }
0x53: {  	s14 =	sadd.s32 $0x8000, s18;
	s15 =	simm.s32 $0xD000  }
0x54: {  	[tilespmem:s15], [sflag:$0x2] =	stream.strided.gather [hbm4b:s14+s26], $0x800, s28, s26, $0x38;
	[tilespmem:$0x1A100] =	vst v63  }
0x55: {  	s16 =	sadd.s32 $0x10000, s18;
	s17 =	simm.s32 $0xD800  }
0x56: {  	[tilespmem:s17], [sflag:$0x2] =	stream.strided.gather [hbm4b:s16+s26], $0x800, s28, s26, $0x38;
	[tilespmem:$0x1A100] =	vst v63  }
0x57: {  	s18 =	rddreg [dreg:$0xa];
	s19 =	simm.s32 $0xE000  }
0x58: {  	[tilespmem:s19], [sflag:$0x2] =	stream.strided.gather [hbm4b:s18+s26], $0x800, s28, s26, $0x38;
	[tilespmem:$0x1A100] =	vst v63  }
0x59: {  	s14 =	sadd.s32 $0x8000, s18;
	s15 =	simm.s32 $0xE800  }
0x5a: {  	[tilespmem:s15], [sflag:$0x2] =	stream.strided.gather [hbm4b:s14+s26], $0x800, s28, s26, $0x38;
	[tilespmem:$0x1A100] =	vst v63  }
0x5b: {  	s16 =	sadd.s32 $0x10000, s18;
	s17 =	simm.s32 $0xF000  }
0x5c: {  	[tilespmem:s17], [sflag:$0x2] =	stream.strided.gather [hbm4b:s16+s26], $0x800, s28, s26, $0x38;
	[tilespmem:$0x1A100] =	vst v63  }
0x5d: {  	s18 =	rddreg [dreg:$0xb];
	s19 =	simm.s32 $0xF800  }
0x5e: {  	[tilespmem:s19], [sflag:$0x2] =	stream.strided.gather [hbm4b:s18+s26], $0x800, s28, s26, $0x38;
	[tilespmem:$0x1A100] =	vst v63  }
0x5f: {  	s14 =	sadd.s32 $0x8000, s18;
	s15 =	simm.s32 $0x10000  }
0x60: {  	[tilespmem:s15], [sflag:$0x2] =	stream.strided.gather [hbm4b:s14+s26], $0x800, s28, s26, $0x38;
	[tilespmem:$0x1A100] =	vst v63  }
0x61: {  	s16 =	sadd.s32 $0x10000, s18;
	s17 =	simm.s32 $0x10800  }
0x62: {  	[tilespmem:s17], [sflag:$0x2] =	stream.strided.gather [hbm4b:s16+s26], $0x800, s28, s26, $0x38;
	[tilespmem:$0x1A100] =	vst v63  }
0x63: {  	s18 =	rddreg [dreg:$0xc];
	s19 =	simm.s32 $0x11000  }
0x64: {  	[tilespmem:s19], [sflag:$0x3] =	stream.strided.gather [hbm4b:s18+s26], $0x800, s28, s26, $0x38;
	[tilespmem:$0x1A100] =	vst v63  }
0x65: {  	s14 =	sadd.s32 $0x8000, s18;
	s15 =	simm.s32 $0x11800  }
0x66: {  	[tilespmem:s15], [sflag:$0x3] =	stream.strided.gather [hbm4b:s14+s26], $0x800, s28, s26, $0x38;
	[tilespmem:$0x1A100] =	vst v63  }
0x67: {  	s16 =	sadd.s32 $0x10000, s18;
	s17 =	simm.s32 $0x12000  }
0x68: {  	[tilespmem:s17], [sflag:$0x3] =	stream.strided.gather [hbm4b:s16+s26], $0x800, s28, s26, $0x38;
	[tilespmem:$0x1A100] =	vst v63  }
0x69: {  	s18 =	rddreg [dreg:$0xd];
	s19 =	simm.s32 $0x12800  }
0x6a: {  	[tilespmem:s19], [sflag:$0x3] =	stream.strided.gather [hbm4b:s18+s26], $0x800, s28, s26, $0x38;
	[tilespmem:$0x1A100] =	vst v63  }
0x6b: {  	s14 =	sadd.s32 $0x8000, s18;
	s15 =	simm.s32 $0x13000  }
0x6c: {  	[tilespmem:s15], [sflag:$0x3] =	stream.strided.gather [hbm4b:s14+s26], $0x800, s28, s26, $0x38;
	[tilespmem:$0x1A100] =	vst v63  }
0x6d: {  	s16 =	sadd.s32 $0x10000, s18;
	s17 =	simm.s32 $0x13800  }
0x6e: {  	[tilespmem:s17], [sflag:$0x3] =	stream.strided.gather [hbm4b:s16+s26], $0x800, s28, s26, $0x38;
	[tilespmem:$0x1A100] =	vst v63  }
0x6f: {  	s18 =	rddreg [dreg:$0xe];
	s19 =	simm.s32 $0x14000  }
0x70: {  	[tilespmem:s19], [sflag:$0x3] =	stream.strided.gather [hbm4b:s18+s26], $0x800, s28, s26, $0x38;
	[tilespmem:$0x1A100] =	vst v63  }
0x71: {  	s14 =	sadd.s32 $0x8000, s18;
	s15 =	simm.s32 $0x14800  }
0x72: {  	[tilespmem:s15], [sflag:$0x3] =	stream.strided.gather [hbm4b:s14+s26], $0x800, s28, s26, $0x38;
	[tilespmem:$0x1A100] =	vst v63  }
0x73: {  	s16 =	sadd.s32 $0x10000, s18;
	s17 =	simm.s32 $0x15000  }
0x74: {  	[tilespmem:s17], [sflag:$0x3] =	stream.strided.gather [hbm4b:s16+s26], $0x800, s28, s26, $0x38;
	[tilespmem:$0x1A100] =	vst v63  }
0x75: {  	s18 =	rddreg [dreg:$0xf]  }
0x76: {  	[tilespmem:s4], [sflag:$0x4] =	stream.strided.gather [hbm4b:s18+s26], $0x800, s28, s26, $0x38;
	[tilespmem:$0x1A100] =	vst v63  }
0x77: {  	s19 =	sadd.s32 $0x8000, s18  }
0x78: {  	[tilespmem:s0], [sflag:$0x4] =	stream.strided.gather [hbm4b:s19+s26], $0x800, s28, s26, $0x38;
	[tilespmem:$0x1A100] =	vst v63  }
0x79: {  	s13 =	sadd.s32 $0x10000, s18  }
0x7a: {  	[tilespmem:s5], [sflag:$0x4] =	stream.strided.gather [hbm4b:s13+s26], $0x800, s28, s26, $0x38;
	[tilespmem:$0x1A100] =	vst v63  }
0x7b: {  	s14 =	rddreg [dreg:$0x10]  }
0x7c: {  	[tilespmem:s29], [sflag:$0x4] =	stream.strided.gather [hbm4b:s14+s26], $0x800, s28, s26, $0x38;
	[tilespmem:$0x1A100] =	vst v63  }
0x7d: {  	s15 =	sadd.s32 $0x8000, s14  }
0x7e: {  	[tilespmem:s30], [sflag:$0x4] =	stream.strided.gather [hbm4b:s15+s26], $0x800, s28, s26, $0x38;
	[tilespmem:$0x1A100] =	vst v63  }
0x7f: {  	s16 =	sadd.s32 $0x10000, s14  }
0x80: {  	[tilespmem:s31], [sflag:$0x4] =	stream.strided.gather [hbm4b:s16+s26], $0x800, s28, s26, $0x38;
	[tilespmem:$0x1A100] =	vst v63  }
0x81: {  	v14 =	vimm.f32 $0.0e+00;
	s17 =	rddreg [dreg:$0x11]  }
0x82: {  	v15 =	vimm.f32 $0.0e+00;
	v0 =	vimm.f32 $0.0e+00;
	v2 =	vimm.f32 $0.0e+00;
	[tilespmem:s22], [sflag:$0x4] =	stream.strided.gather [hbm4b:s17+s26], $0x800, s28, s26, $0x38;
	[tilespmem:$0x1A100] =	vst v63  }
0x83: {  	v1 =	vimm.f32 $0.0e+00;
	v5 =	vimm.f32 $0.0e+00;
	v3 =	vimm.f32 $0.0e+00;
	s18 =	sadd.s32 $0x8000, s17  }
0x84: {  	v6 =	vimm.f32 $0.0e+00;
	v4 =	vimm.f32 $0.0e+00;
	v8 =	vimm.f32 $0.0e+00;
	[tilespmem:s23], [sflag:$0x4] =	stream.strided.gather [hbm4b:s18+s26], $0x800, s28, s26, $0x38;
	[tilespmem:$0x1A100] =	vst v63  }
0x85: {  	v7 =	vimm.f32 $0.0e+00;
	v10 =	vimm.f32 $0.0e+00;
	v9 =	vimm.f32 $0.0e+00;
	s12 =	simm.s32 $0x0;
	s19 =	sadd.s32 $0x10000, s17  }
0x86: {  	v13 =	vimm.f32 $0.0e+00;
	v11 =	vimm.f32 $0.0e+00;
	v12 =	vimm.f32 $0.0e+00;
	[tilespmem:s24], [sflag:$0x4] =	stream.strided.gather [hbm4b:s19+s26], $0x800, s28, s26, $0x38;
	[tilespmem:$0x1A100] =	vst v63  }
.LBB2_2:
0x87: {  	_ =	swait.ge [sflag:s7], $0x4800;
	s13 =	simm.s32 $0x0  }
0x88: {  	[sflag:s7] =	ssyncset.done $0x0;
	s14 =	sand.u32 $0x600, s13;
	s13 =	sand.u32 $0x180, s13  }
0x89: {  	[sflag:s7] =	ssyncadd.s32 $0xFFFFB800;
	s13 =	sor.u32 s13, s14  }
0x8a: {  	v16 =	vld [tilespmem:s13+$0x8070]  }
0x8b: {  	v17 =	vld [tilespmem:s13+$0x8870]  }
0x8c: {  	v18 =	vld [tilespmem:s13+$0x9070]  }
0x8d: {  	v19 =	vld [tilespmem:s13+$0x8000]  }
0x8e: {  	v20 =	vld [tilespmem:s13+$0x8800]  }
0x8f: {  	v21 =	vld [tilespmem:s13+$0x8010]  }
0x90: {  	v22 =	vld [tilespmem:s13+$0x8810]  }
0x91: {  	v23 =	vld [tilespmem:s13+$0x8020]  }
0x92: {  	v24 =	vld [tilespmem:s13+$0x8820]  }
0x93: {  	v25 =	vld [tilespmem:s13+$0x8030]  }
0x94: {  	v26 =	vld [tilespmem:s13+$0x8830]  }
0x95: {  	v27 =	vld [tilespmem:s13+$0x8040]  }
0x96: {  	v28 =	vld [tilespmem:s13+$0x9870]  }
0x97: {  	v29 =	vld [tilespmem:s13+$0xB070]  }
0x98: {  	v30 =	vld [tilespmem:s13+$0xA870]  }
0x99: {  	v31 =	vld [tilespmem:s13+$0xC070]  }
0x9a: {  	v32 =	vld [tilespmem:s13+$0x8840]  }
0x9b: {  	v33 =	vld [tilespmem:s13+$0x8050]  }
0x9c: {  	v34 =	vld [tilespmem:s13+$0x8850];
	v16 =	vmul.f32 $2.550000000e+02, v16;
	v17 =	vmul.f32 $2.550000000e+02, v17  }
0x9d: {  	v58 =	vld [tilespmem:s13+$0x9010];
	v18 =	vmul.f32 $2.550000000e+02, v18;
	v19 =	vmul.f32 $2.550000000e+02, v19  }
0x9e: {  	v35 =	vld [tilespmem:s13+$0x9030];
	v20 =	vmul.f32 $2.550000000e+02, v20;
	v21 =	vmul.f32 $2.550000000e+02, v21  }
0x9f: {  	v36 =	vld [tilespmem:s13+$0x9040];
	v22 =	vmul.f32 $2.550000000e+02, v22;
	v23 =	vmul.f32 $2.550000000e+02, v23  }
0xa0: {  	v37 =	vld [tilespmem:s13+$0x9050];
	v24 =	vmul.f32 $2.550000000e+02, v24;
	v25 =	vmul.f32 $2.550000000e+02, v25  }
0xa1: {  	v38 =	vld [tilespmem:s13+$0x9060];
	v26 =	vmul.f32 $2.550000000e+02, v26;
	v27 =	vmul.f32 $2.550000000e+02, v27  }
0xa2: {  	v28 =	vsub.f32 v28, v29;
	v29 =	vsub.f32 v30, v31;
	v30 =	vmul.f32 $2.550000000e+02, v32  }
0xa3: {  	v57 =	vmul.f32 $2.550000000e+02, v33;
	v34 =	vmul.f32 $2.550000000e+02, v34  }
0xa4: {  	v33 =	vmul.f32 $2.550000000e+02, v58;
	v35 =	vmul.f32 $2.550000000e+02, v35  }
0xa5: {  	v36 =	vmul.f32 $2.550000000e+02, v36;
	v37 =	vmul.f32 $2.550000000e+02, v37  }
0xa6: {  	v38 =	vmul.f32 $2.550000000e+02, v38;
	v16 =	vmul.f32 $1.250000000e-01, v16  }
0xa7: {  	v17 =	vmul.f32 $1.250000000e-01, v17;
	v18 =	vmul.f32 $1.250000000e-01, v18  }
0xa8: {  	v19 =	vmul.f32 $1.250000000e-01, v19;
	v20 =	vmul.f32 $1.250000000e-01, v20  }
0xa9: {  	v21 =	vmul.f32 $1.250000000e-01, v21;
	v22 =	vmul.f32 $1.250000000e-01, v22  }
0xaa: {  	v23 =	vmul.f32 $1.250000000e-01, v23;
	v24 =	vmul.f32 $1.250000000e-01, v24  }
0xab: {  	v27 =	vmul.f32 $1.250000000e-01, v27;
	v30 =	vmul.f32 $1.250000000e-01, v30  }
0xac: {  	v32 =	vmul.f32 $1.250000000e-01, v57;
	v34 =	vmul.f32 $1.250000000e-01, v34  }
0xad: {  	v33 =	vmul.f32 $1.250000000e-01, v33;
	v35 =	vmul.f32 $1.250000000e-01, v35  }
0xae: {  	v36 =	vmul.f32 $1.250000000e-01, v36;
	v37 =	vmul.f32 $1.250000000e-01, v37  }
0xaf: {  	v39 =	vld [tilespmem:s13+$0x9800];
	v38 =	vmul.f32 $1.250000000e-01, v38;
	v16 =	vtrunc.f32 v16  }
0xb0: {  	v40 =	vld [tilespmem:s13+$0xB000];
	v17 =	vtrunc.f32 v17;
	v18 =	vtrunc.f32 v18  }
0xb1: {  	v41 =	vld [tilespmem:s13+$0xA000];
	v19 =	vtrunc.f32 v19;
	v20 =	vtrunc.f32 v20  }
0xb2: {  	v42 =	vld [tilespmem:s13+$0xB800];
	v21 =	vtrunc.f32 v21;
	v22 =	vtrunc.f32 v22  }
0xb3: {  	v43 =	vld [tilespmem:s13+$0x9810];
	v23 =	vtrunc.f32 v23;
	v24 =	vtrunc.f32 v24  }
0xb4: {  	v44 =	vld [tilespmem:s13+$0xB010];
	v27 =	vtrunc.f32 v27;
	v30 =	vtrunc.f32 v30  }
0xb5: {  	v31 =	vld [tilespmem:s13+$0x8860];
	v32 =	vtrunc.f32 v32;
	v34 =	vtrunc.f32 v34  }
0xb6: {  	v46 =	vld [tilespmem:s13+$0x9830];
	v33 =	vtrunc.f32 v33;
	v35 =	vtrunc.f32 v35  }
0xb7: {  	v63 =	vld [tilespmem:s13+$0xB030];
	v36 =	vtrunc.f32 v36;
	v37 =	vtrunc.f32 v37  }
0xb8: {  	v45 =	vld [tilespmem:s13+$0xA010];
	v38 =	vtrunc.f32 v38;
	v16 =	vcvt.f32.s32 v16  }
0xb9: {  	v60 =	vld [tilespmem:s13+$0xB020];
	v17 =	vcvt.f32.s32 v17;
	v18 =	vcvt.f32.s32 v18  }
0xba: {  	v61 =	vld [tilespmem:s13+$0xA020];
	v59 =	vsub.f32 v41, v42;
	v31 =	vmul.f32 $2.550000000e+02, v31;
	v19 =	vcvt.f32.s32 v19  }
0xbb: {  	v43 =	vsub.f32 v43, v44;
	v42 =	vld [tilespmem:s13+$0xA830];
	v20 =	vcvt.f32.s32 v20;
	v21 =	vcvt.f32.s32 v21  }
0xbc: {  	v58 =	vsub.f32 v46, v63;
	v63 =	vld [tilespmem:s13+$0xC030];
	v22 =	vcvt.f32.s32 v22;
	v23 =	vcvt.f32.s32 v23  }
0xbd: {  	v62 =	vld [tilespmem:s13+$0xB820];
	v28 =	vand.u32 $0x7FFFFFFF, v28;
	v24 =	vcvt.f32.s32 v24;
	v27 =	vcvt.f32.s32 v27  }
0xbe: {  	v47 =	vld [tilespmem:s13+$0xA030];
	v29 =	vand.u32 $0x7FFFFFFF, v29;
	v30 =	vcvt.f32.s32 v30;
	v32 =	vcvt.f32.s32 v32  }
0xbf: {  	v48 =	vld [tilespmem:s13+$0xB830];
	v43 =	vand.u32 $0x7FFFFFFF, v43;
	v34 =	vcvt.f32.s32 v34;
	v33 =	vcvt.f32.s32 v33  }
0xc0: {  	v53 =	vld [tilespmem:s13+$0x9850];
	v58 =	vand.u32 $0x7FFFFFFF, v58;
	v35 =	vcvt.f32.s32 v35;
	v37 =	vcvt.f32.s32 v37  }
0xc1: {  	v54 =	vld [tilespmem:s13+$0xB050];
	v42 =	vsub.f32 v42, v63;
	v16 =	vshll.u32 v16, $0xA;
	v17 =	vshll.u32 v17, $0x5  }
0xc2: {  	v55 =	vld [tilespmem:s13+$0xA050];
	v31 =	vmul.f32 $1.250000000e-01, v31;
	v19 =	vshll.u32 v19, $0xA;
	v20 =	vshll.u32 v20, $0x5  }
0xc3: {  	v21 =	vshll.u32 v21, $0xA;
	v22 =	vshll.u32 v22, $0x5;
	v16 =	vadd.s32 v16, v17;
	v17 =	vld [tilespmem:s13+$0xA070]  }
0xc4: {  	v23 =	vshll.u32 v23, $0xA;
	v24 =	vshll.u32 v24, $0x5;
	v16 =	vadd.s32 v18, v16;
	v18 =	vld [tilespmem:s13+$0xB870]  }
0xc5: {  	v56 =	vld [tilespmem:s13+$0xB850];
	v27 =	vshll.u32 v27, $0xA;
	v30 =	vshll.u32 v30, $0x5;
	v32 =	vshll.u32 v32, $0xA  }
0xc6: {  	v49 =	vld [tilespmem:s13+$0x9840];
	v34 =	vshll.u32 v34, $0x5;
	v19 =	vadd.s32 v19, v20;
	v21 =	vadd.s32 v21, v22  }
0xc7: {  	v50 =	vld [tilespmem:s13+$0xB040];
	v22 =	vcvt.f32.s32 v36;
	v23 =	vadd.s32 v23, v24;
	v16 =	vmin.u32 v16, $0x7FFF  }
0xc8: {  	v51 =	vld [tilespmem:s13+$0xA040];
	v27 =	vadd.s32 v27, v30;
	v30 =	vadd.s32 v32, v34;
	v32 =	vsub.f32 v61, v62  }
0xc9: {  	v36 =	vld [tilespmem:s13+$0xA060];
	v61 =	vsub.f32 v53, v54;
	v31 =	vtrunc.f32 v31;
	v17 =	vsub.f32 v17, v18  }
0xca: {  	v62 =	vsub.f32 v55, v56;
	v18 =	vmul.f32 $1.250000000e-01, v25;
	v25 =	vmul.f32 $1.250000000e-01, v26;
	v26 =	vld [tilespmem:s13+$0x8060]  }
0xcb: {  	v24 =	vld [tilespmem:s13+$0xB860];
	v21 =	vadd.s32 v33, v21;
	v31 =	vcvt.f32.s32 v31;
	v17 =	vand.u32 $0x7FFFFFFF, v17  }
0xcc: {  	v22 =	vadd.s32 v22, v27;
	v32 =	vand.u32 $0x7FFFFFFF, v32;
	v16 =	vld.idx.msk [tilespmem:v16+s6+$0x0], $0xffff;
	v17 =	vadd.f32 v17, v28  }
0xcd: {  	v52 =	vld [tilespmem:s13+$0xB840];
	v44 =	vand.u32 $0x7FFFFFFF, v61;
	v18 =	vtrunc.f32 v18;
	v25 =	vtrunc.f32 v25  }
0xce: {  	v18 =	vcvt.f32.s32 v18;
	v25 =	vcvt.f32.s32 v25;
	v17 =	vadd.f32 v29, v17;
	v29 =	vld [tilespmem:s13+$0x9020]  }
0xcf: {  	v56 =	vmin.u32 v22, $0x7FFF;
	v31 =	vshll.u32 v31, $0x5;
	v28 =	vld [tilespmem:s13+$0x9000];
	v26 =	vmul.f32 $2.550000000e+02, v26  }
0xd0: {  	v57 =	vld [tilespmem:s13+$0x9860];
	v24 =	vsub.f32 v36, v24;
	v18 =	vshll.u32 v18, $0xA;
	v25 =	vshll.u32 v25, $0x5  }
0xd1: {  	v27 =	vld [tilespmem:s13+$0xC010];
	v14 =	vadd.f32 v16, v14;
	v18 =	vadd.s32 v18, v25;
	v26 =	vmul.f32 $1.250000000e-01, v26  }
0xd2: {  	v61 =	vld [tilespmem:s13+$0xA860];
	v25 =	vcvt.f32.s32 v38;
	v17 =	vmul.f32 v17, v16;
	v16 =	vsub.f32 v39, v40  }
0xd3: {  	v38 =	vld [tilespmem:s13+$0xA800];
	v40 =	vand.u32 $0x7FFFFFFF, v59;
	v26 =	vtrunc.f32 v26;
	v29 =	vmul.f32 $2.550000000e+02, v29  }
0xd4: {  	v39 =	vld [tilespmem:s13+$0x9820];
	v59 =	vsub.f32 v47, v48;
	v28 =	vmul.f32 $2.550000000e+02, v28;
	v26 =	vcvt.f32.s32 v26  }
0xd5: {  	v24 =	vand.u32 $0x7FFFFFFF, v24;
	v15 =	vadd.f32 v17, v15;
	v17 =	vld [tilespmem:s13+$0xB810];
	v29 =	vmul.f32 $1.250000000e-01, v29  }
0xd6: {  	v34 =	vand.u32 $0x7FFFFFFF, v59;
	v59 =	vld [tilespmem:s13+$0xA850];
	v28 =	vmul.f32 $1.250000000e-01, v28;
	v26 =	vshll.u32 v26, $0xA  }
0xd7: {  	v18 =	vadd.s32 v35, v18;
	v26 =	vadd.s32 v26, v31;
	v31 =	vld [tilespmem:s13+$0xA810];
	v29 =	vtrunc.f32 v29  }
0xd8: {  	v35 =	vmin.u32 v21, $0x7FFF;
	v28 =	vtrunc.f32 v28;
	v20 =	vcvt.f32.s32 v29;
	v29 =	vld [tilespmem:s13+$0xB060]  }
0xd9: {  	v46 =	vmin.u32 v18, $0x7FFF;
	v28 =	vcvt.f32.s32 v28;
	v25 =	vadd.s32 v25, v26;
	v26 =	vld [tilespmem:s13+$0xA820]  }
0xda: {  	v16 =	vand.u32 $0x7FFFFFFF, v16;
	v17 =	vsub.f32 v45, v17;
	v45 =	vand.u32 $0x7FFFFFFF, v62;
	v62 =	vld [tilespmem:s13+$0xC060]  }
0xdb: {  	v33 =	vadd.f32 v40, v16;
	v19 =	vadd.s32 v28, v19;
	v28 =	vld [tilespmem:s13+$0xC000];
	v22 =	vmin.u32 v25, $0x7FFF  }
0xdc: {  	v20 =	vadd.s32 v20, v23;
	v23 =	vadd.s32 v37, v30;
	v30 =	vsub.f32 v39, v60;
	v37 =	vld [tilespmem:s13+$0xC020]  }
0xdd: {  	v19 =	vmin.u32 v19, $0x7FFF;
	v60 =	vsub.f32 v51, v52;
	v18 =	vsub.f32 v57, v29;
	v29 =	vld [tilespmem:s13+$0xA840]  }
0xde: {  	v17 =	vand.u32 $0x7FFFFFFF, v17;
	v39 =	vsub.f32 v49, v50;
	v20 =	vmin.u32 v20, $0x7FFF;
	v57 =	vld [tilespmem:s13+$0xC040]  }
0xdf: {  	v21 =	vmin.u32 v23, $0x7FFF;
	v27 =	vsub.f32 v31, v27;
	v41 =	vand.u32 $0x7FFFFFFF, v60;
	v60 =	vld [tilespmem:s13+$0xC050]  }
0xe0: {  	v30 =	vand.u32 $0x7FFFFFFF, v30;
	v39 =	vand.u32 $0x7FFFFFFF, v39;
	v36 =	vsub.f32 v61, v62  }
0xe1: {  	v16 =	vld.idx.msk [tilespmem:v35+s6+$0x0], $0xffff;
	v25 =	vsub.f32 v38, v28;
	v27 =	vand.u32 $0x7FFFFFFF, v27;
	v28 =	vadd.f32 v32, v30  }
0xe2: {  	v32 =	vand.u32 $0x7FFFFFFF, v42;
	v23 =	vand.u32 $0x7FFFFFFF, v18;
	v31 =	vsub.f32 v26, v37;
	v18 =	vld.idx.msk [tilespmem:v19+s6+$0x0], $0xffff  }
0xe3: {  	v30 =	vadd.f32 v41, v39;
	v25 =	vand.u32 $0x7FFFFFFF, v25;
	v19 =	vld.idx.msk [tilespmem:v46+s6+$0x0], $0xffff;
	v63 =	vsub.f32 v29, v57  }
0xe4: {  	v26 =	vadd.f32 v17, v43;
	v17 =	vld.idx.msk [tilespmem:v20+s6+$0x0], $0xffff;
	v31 =	vand.u32 $0x7FFFFFFF, v31;
	v37 =	vsub.f32 v59, v60  }
0xe5: {  	s15 =	simm.s32 $0x200;
	s14 =	simm.s32 $0x20;
	s13 =	simm.s32 $0x0;
	v20 =	vld.idx.msk [tilespmem:v56+s6+$0x0], $0xffff;
	v29 =	vadd.f32 v34, v58;
	v34 =	vadd.f32 v45, v44;
	v35 =	vand.u32 $0x7FFFFFFF, v63  }
.LBB2_3:
0xe6: {  	s16 =	sand.u32 $0x600, s15;
	s17 =	sand.u32 $0x180, s14;
	v25 =	vadd.f32 v25, v33;
	v21 =	vld.idx.msk [tilespmem:v21+s6+$0x0], $0xffff;
	v33 =	vand.u32 $0x7FFFFFFF, v37;
	v23 =	vadd.f32 v24, v23  }
0xe7: {  	s13 =	sadd.s32 $0x8, s13;
	v24 =	vadd.f32 v27, v26;
	v26 =	vadd.f32 v31, v28;
	s16 =	sor.u32 s17, s16;
	v22 =	vld.idx.msk [tilespmem:v22+s6+$0x0], $0xffff;
	v27 =	vand.u32 $0x7FFFFFFF, v36  }
0xe8: {  	v29 =	vadd.f32 v32, v29;
	v30 =	vadd.f32 v35, v30;
	p0 =	slt.u32 s13, $0x78;
	v28 =	vld [tilespmem:s16+$0x8070];
	v25 =	vmul.f32 v25, v18  }
0xe9: {  	v32 =	vadd.f32 v33, v34;
	v24 =	vmul.f32 v24, v16;
	v23 =	vadd.f32 v27, v23;
	v31 =	vld [tilespmem:s16+$0x8870]  }
0xea: {  	v27 =	vld [tilespmem:s16+$0x9070];
	v12 =	vadd.f32 v25, v12;
	v25 =	vmul.f32 v26, v17;
	v26 =	vmul.f32 v29, v19  }
0xeb: {  	v11 =	vadd.f32 v18, v11;
	v13 =	vadd.f32 v24, v13;
	v18 =	vmul.f32 v30, v20;
	v29 =	vld [tilespmem:s16+$0x8000]  }
0xec: {  	v24 =	vld [tilespmem:s16+$0x8800];
	v10 =	vadd.f32 v25, v10;
	v8 =	vadd.f32 v26, v8;
	v25 =	vmul.f32 v32, v21  }
0xed: {  	v9 =	vadd.f32 v16, v9;
	v6 =	vadd.f32 v18, v6;
	v16 =	vmul.f32 v23, v22;
	v26 =	vld [tilespmem:s16+$0x8010]  }
0xee: {  	v23 =	vmul.f32 $2.550000000e+02, v28;
	v18 =	vld [tilespmem:s16+$0x8810];
	v28 =	vmul.f32 $2.550000000e+02, v31;
	v5 =	vadd.f32 v25, v5  }
0xef: {  	v7 =	vadd.f32 v17, v7;
	v2 =	vadd.f32 v16, v2;
	v25 =	vld [tilespmem:s16+$0x8020];
	v27 =	vmul.f32 $2.550000000e+02, v27  }
0xf0: {  	v4 =	vadd.f32 v19, v4;
	v17 =	vmul.f32 $1.250000000e-01, v23;
	v16 =	vld [tilespmem:s16+$0x8820];
	v23 =	vmul.f32 $1.250000000e-01, v28  }
0xf1: {  	v3 =	vadd.f32 v20, v3;
	v19 =	vmul.f32 $2.550000000e+02, v29;
	v28 =	vld [tilespmem:s16+$0x8030];
	v27 =	vmul.f32 $1.250000000e-01, v27  }
0xf2: {  	v1 =	vadd.f32 v21, v1;
	v17 =	vtrunc.f32 v17;
	v20 =	vld [tilespmem:s16+$0x8830];
	v23 =	vtrunc.f32 v23  }
0xf3: {  	v0 =	vadd.f32 v22, v0;
	v17 =	vcvt.f32.s32 v17;
	v21 =	vld [tilespmem:s16+$0x8040];
	v23 =	vcvt.f32.s32 v23  }
0xf4: {  	v22 =	vmul.f32 $2.550000000e+02, v24;
	v24 =	vtrunc.f32 v27;
	v27 =	vld [tilespmem:s16+$0x9870]  }
0xf5: {  	v24 =	vcvt.f32.s32 v24;
	v17 =	vshll.u32 v17, $0xA;
	v23 =	vshll.u32 v23, $0x5;
	v29 =	vld [tilespmem:s16+$0xB070]  }
0xf6: {  	v26 =	vmul.f32 $2.550000000e+02, v26;
	v18 =	vmul.f32 $2.550000000e+02, v18;
	v17 =	vadd.s32 v17, v23;
	v23 =	vld [tilespmem:s16+$0xA070]  }
0xf7: {  	v25 =	vmul.f32 $2.550000000e+02, v25;
	v16 =	vmul.f32 $2.550000000e+02, v16;
	v17 =	vadd.s32 v24, v17;
	v24 =	vld [tilespmem:s16+$0xB870]  }
0xf8: {  	v28 =	vmul.f32 $2.550000000e+02, v28;
	v20 =	vmul.f32 $2.550000000e+02, v20;
	v17 =	vmin.u32 v17, $0x7FFF;
	v30 =	vld [tilespmem:s16+$0xA870]  }
0xf9: {  	v19 =	vmul.f32 $1.250000000e-01, v19;
	v21 =	vmul.f32 $2.550000000e+02, v21;
	v31 =	vld [tilespmem:s16+$0xC070]  }
0xfa: {  	v22 =	vmul.f32 $1.250000000e-01, v22;
	v26 =	vmul.f32 $1.250000000e-01, v26;
	v32 =	vld [tilespmem:s16+$0x8840]  }
0xfb: {  	v18 =	vmul.f32 $1.250000000e-01, v18;
	v25 =	vmul.f32 $1.250000000e-01, v25;
	v33 =	vld [tilespmem:s16+$0x8050]  }
0xfc: {  	v16 =	vmul.f32 $1.250000000e-01, v16;
	v27 =	vsub.f32 v27, v29;
	v34 =	vld [tilespmem:s16+$0x8850];
	v23 =	vsub.f32 v23, v24  }
0xfd: {  	v20 =	vmul.f32 $1.250000000e-01, v20;
	v24 =	vmul.f32 $1.250000000e-01, v28;
	v17 =	vld.idx.msk [tilespmem:v17+s6+$0x0], $0xffff  }
0xfe: {  	v27 =	vand.u32 $0x7FFFFFFF, v27;
	v28 =	vld [tilespmem:s16+$0x8060];
	v23 =	vand.u32 $0x7FFFFFFF, v23;
	v29 =	vsub.f32 v30, v31  }
0xff: {  	v21 =	vmul.f32 $1.250000000e-01, v21;
	v30 =	vmul.f32 $2.550000000e+02, v32;
	v31 =	vld [tilespmem:s16+$0x8860];
	v23 =	vadd.f32 v23, v27  }
0x100: {  	v19 =	vtrunc.f32 v19;
	v27 =	vld [tilespmem:s16+$0x9000];
	v32 =	vmul.f32 $2.550000000e+02, v33;
	v29 =	vand.u32 $0x7FFFFFFF, v29  }
0x101: {  	v33 =	vld [tilespmem:s16+$0x9010];
	v30 =	vmul.f32 $1.250000000e-01, v30;
	v34 =	vmul.f32 $2.550000000e+02, v34;
	v23 =	vadd.f32 v29, v23  }
0x102: {  	v22 =	vtrunc.f32 v22;
	v29 =	vld [tilespmem:s16+$0x9020];
	v32 =	vmul.f32 $1.250000000e-01, v32  }
0x103: {  	v14 =	vadd.f32 v17, v14;
	v35 =	vld [tilespmem:s16+$0x9030];
	v28 =	vmul.f32 $2.550000000e+02, v28;
	v23 =	vmul.f32 v23, v17  }
0x104: {  	v34 =	vmul.f32 $1.250000000e-01, v34;
	v17 =	vld [tilespmem:s16+$0x9040];
	v31 =	vmul.f32 $2.550000000e+02, v31  }
0x105: {  	v27 =	vmul.f32 $2.550000000e+02, v27;
	v36 =	vld [tilespmem:s16+$0x9050];
	v28 =	vmul.f32 $1.250000000e-01, v28;
	v15 =	vadd.f32 v23, v15  }
0x106: {  	v23 =	vmul.f32 $2.550000000e+02, v33;
	v31 =	vmul.f32 $1.250000000e-01, v31;
	v33 =	vld [tilespmem:s16+$0x9060]  }
0x107: {  	v26 =	vtrunc.f32 v26;
	v37 =	vld [tilespmem:s16+$0x9800];
	v29 =	vmul.f32 $2.550000000e+02, v29  }
0x108: {  	v18 =	vtrunc.f32 v18;
	v38 =	vld [tilespmem:s16+$0xB000];
	v35 =	vmul.f32 $2.550000000e+02, v35  }
0x109: {  	v25 =	vtrunc.f32 v25;
	v39 =	vld [tilespmem:s16+$0xA000];
	v17 =	vmul.f32 $2.550000000e+02, v17  }
0x10a: {  	v41 =	vtrunc.f32 v16;
	v40 =	vld [tilespmem:s16+$0xB800];
	v36 =	vmul.f32 $2.550000000e+02, v36  }
0x10b: {  	v24 =	vtrunc.f32 v24;
	v42 =	vld [tilespmem:s16+$0x9810];
	v33 =	vmul.f32 $2.550000000e+02, v33  }
0x10c: {  	v20 =	vtrunc.f32 v20;
	v21 =	vtrunc.f32 v21;
	v43 =	vld [tilespmem:s16+$0xB010]  }
0x10d: {  	v30 =	vtrunc.f32 v30;
	v32 =	vtrunc.f32 v32;
	v16 =	vsub.f32 v37, v38;
	v37 =	vld [tilespmem:s16+$0xA010]  }
0x10e: {  	v34 =	vtrunc.f32 v34;
	v28 =	vtrunc.f32 v28;
	v38 =	vld [tilespmem:s16+$0xB810]  }
0x10f: {  	v27 =	vmul.f32 $1.250000000e-01, v27;
	v31 =	vtrunc.f32 v31;
	v39 =	vsub.f32 v39, v40;
	v40 =	vld [tilespmem:s16+$0x9820]  }
0x110: {  	v23 =	vmul.f32 $1.250000000e-01, v23;
	v29 =	vmul.f32 $1.250000000e-01, v29;
	v16 =	vand.u32 $0x7FFFFFFF, v16;
	v44 =	vld [tilespmem:s16+$0xB020]  }
0x111: {  	v35 =	vmul.f32 $1.250000000e-01, v35;
	v45 =	vmul.f32 $1.250000000e-01, v17;
	v42 =	vsub.f32 v42, v43;
	v43 =	vld [tilespmem:s16+$0xA020]  }
0x112: {  	v36 =	vmul.f32 $1.250000000e-01, v36;
	v33 =	vmul.f32 $1.250000000e-01, v33;
	v17 =	vand.u32 $0x7FFFFFFF, v39;
	v39 =	vld [tilespmem:s16+$0xB820]  }
0x113: {  	v46 =	vcvt.f32.s32 v19;
	v22 =	vcvt.f32.s32 v22;
	v37 =	vsub.f32 v37, v38;
	v38 =	vld [tilespmem:s16+$0x9830]  }
0x114: {  	v26 =	vcvt.f32.s32 v26;
	v18 =	vcvt.f32.s32 v18;
	v19 =	vand.u32 $0x7FFFFFFF, v42;
	v42 =	vld [tilespmem:s16+$0xB030]  }
0x115: {  	v46 =	vshll.u32 v46, $0xA;
	v25 =	vcvt.f32.s32 v25;
	v41 =	vcvt.f32.s32 v41;
	v47 =	vld [tilespmem:s16+$0xA030]  }
0x116: {  	v22 =	vshll.u32 v22, $0x5;
	v20 =	vcvt.f32.s32 v20;
	v24 =	vcvt.f32.s32 v24;
	v48 =	vld [tilespmem:s16+$0xB830]  }
0x117: {  	v26 =	vshll.u32 v26, $0xA;
	v21 =	vcvt.f32.s32 v21;
	v30 =	vcvt.f32.s32 v30;
	v49 =	vld [tilespmem:s16+$0x9840]  }
0x118: {  	v18 =	vshll.u32 v18, $0x5;
	v32 =	vcvt.f32.s32 v32;
	v34 =	vcvt.f32.s32 v34;
	v50 =	vld [tilespmem:s16+$0xB040]  }
0x119: {  	v25 =	vshll.u32 v25, $0xA;
	v28 =	vcvt.f32.s32 v28;
	v31 =	vcvt.f32.s32 v31;
	v51 =	vld [tilespmem:s16+$0xA040]  }
0x11a: {  	v41 =	vshll.u32 v41, $0x5;
	v27 =	vtrunc.f32 v27;
	v23 =	vtrunc.f32 v23;
	v52 =	vld [tilespmem:s16+$0xB840]  }
0x11b: {  	v24 =	vshll.u32 v24, $0xA;
	v29 =	vtrunc.f32 v29;
	v35 =	vtrunc.f32 v35;
	v53 =	vld [tilespmem:s16+$0x9850]  }
0x11c: {  	v20 =	vshll.u32 v20, $0x5;
	v45 =	vtrunc.f32 v45;
	v36 =	vtrunc.f32 v36;
	v54 =	vld [tilespmem:s16+$0xB050]  }
0x11d: {  	v21 =	vshll.u32 v21, $0xA;
	v30 =	vshll.u32 v30, $0x5;
	v33 =	vtrunc.f32 v33;
	v55 =	vld [tilespmem:s16+$0xA050]  }
0x11e: {  	v32 =	vshll.u32 v32, $0xA;
	v34 =	vshll.u32 v34, $0x5;
	v28 =	vshll.u32 v28, $0xA;
	v56 =	vld [tilespmem:s16+$0xB850]  }
0x11f: {  	v27 =	vcvt.f32.s32 v27;
	v23 =	vcvt.f32.s32 v23;
	v31 =	vshll.u32 v31, $0x5;
	v57 =	vld [tilespmem:s16+$0x9860]  }
0x120: {  	v22 =	vadd.s32 v46, v22;
	v29 =	vcvt.f32.s32 v29;
	v35 =	vcvt.f32.s32 v35;
	v46 =	vld [tilespmem:s16+$0xB060]  }
0x121: {  	v18 =	vadd.s32 v26, v18;
	v26 =	vcvt.f32.s32 v45;
	v36 =	vcvt.f32.s32 v36;
	v45 =	vld [tilespmem:s16+$0xA060]  }
0x122: {  	v25 =	vadd.s32 v25, v41;
	v20 =	vadd.s32 v24, v20;
	v24 =	vcvt.f32.s32 v33;
	v33 =	vld [tilespmem:s16+$0xB860]  }
0x123: {  	v21 =	vadd.s32 v21, v30;
	v30 =	vadd.s32 v32, v34;
	v28 =	vadd.s32 v28, v31;
	v41 =	vld [tilespmem:s16+$0xA800]  }
0x124: {  	v22 =	vadd.s32 v27, v22;
	v18 =	vadd.s32 v23, v18;
	v23 =	vadd.s32 v29, v25;
	v27 =	vld [tilespmem:s16+$0xC000]  }
0x125: {  	v20 =	vadd.s32 v35, v20;
	v21 =	vadd.s32 v26, v21;
	v26 =	vadd.s32 v36, v30;
	v25 =	vld [tilespmem:s16+$0xA810]  }
0x126: {  	v24 =	vadd.s32 v24, v28;
	v30 =	vsub.f32 v40, v44;
	v31 =	vsub.f32 v43, v39;
	v29 =	vld [tilespmem:s16+$0xC010]  }
0x127: {  	v28 =	vmin.u32 v22, $0x7FFF;
	v34 =	vsub.f32 v38, v42;
	v35 =	vsub.f32 v47, v48;
	v32 =	vld [tilespmem:s16+$0xA820]  }
0x128: {  	v36 =	vmin.u32 v18, $0x7FFF;
	v38 =	vsub.f32 v49, v50;
	v39 =	vsub.f32 v51, v52;
	v18 =	vld [tilespmem:s16+$0xC020]  }
0x129: {  	v40 =	vmin.u32 v23, $0x7FFF;
	v23 =	vsub.f32 v53, v54;
	v43 =	vsub.f32 v55, v56;
	v42 =	vld [tilespmem:s16+$0xA830]  }
0x12a: {  	v20 =	vmin.u32 v20, $0x7FFF;
	v46 =	vsub.f32 v57, v46;
	v33 =	vsub.f32 v45, v33;
	v44 =	vld [tilespmem:s16+$0xC030]  }
0x12b: {  	v22 =	vmin.u32 v24, $0x7FFF;
	v45 =	vmin.u32 v21, $0x7FFF;
	v21 =	vmin.u32 v26, $0x7FFF;
	v47 =	vld [tilespmem:s16+$0xA840]  }
0x12c: {  	v30 =	vand.u32 $0x7FFFFFFF, v30;
	v31 =	vand.u32 $0x7FFFFFFF, v31;
	v26 =	vand.u32 $0x7FFFFFFF, v37;
	v37 =	vld [tilespmem:s16+$0xC040]  }
0x12d: {  	v34 =	vand.u32 $0x7FFFFFFF, v34;
	v35 =	vand.u32 $0x7FFFFFFF, v35;
	v38 =	vand.u32 $0x7FFFFFFF, v38;
	v48 =	vld [tilespmem:s16+$0xA850]  }
0x12e: {  	v39 =	vand.u32 $0x7FFFFFFF, v39;
	v49 =	vand.u32 $0x7FFFFFFF, v23;
	v43 =	vand.u32 $0x7FFFFFFF, v43;
	v50 =	vld [tilespmem:s16+$0xC050]  }
0x12f: {  	v23 =	vand.u32 $0x7FFFFFFF, v46;
	v27 =	vsub.f32 v41, v27;
	v24 =	vand.u32 $0x7FFFFFFF, v33;
	v41 =	vld [tilespmem:s16+$0xA860]  }
0x130: {  	v29 =	vsub.f32 v25, v29;
	v32 =	vsub.f32 v32, v18;
	v46 =	vld [tilespmem:s16+$0xC060]  }
.Ltmp2:
0x131: {  	v25 =	vand.u32 $0x7FFFFFFF, v27;
	v42 =	vsub.f32 v42, v44;
	v18 =	vld.idx.msk [tilespmem:v28+s6+$0x0], $0xffff;
	v44 =	vsub.f32 v47, v37;
	(pc) =	sbr.rel @p0 .LBB2_3-.Ltmp2, $4  }
0x132: {  	v26 =	vadd.f32 v26, v19;
	v33 =	vadd.f32 v17, v16;
	v27 =	vand.u32 $0x7FFFFFFF, v29;
	v16 =	vld.idx.msk [tilespmem:v36+s6+$0x0], $0xffff  }
0x133: {  	v28 =	vadd.f32 v31, v30;
	v31 =	vand.u32 $0x7FFFFFFF, v32;
	v17 =	vld.idx.msk [tilespmem:v40+s6+$0x0], $0xffff;
	v37 =	vsub.f32 v48, v50  }
0x134: {  	v29 =	vadd.f32 v35, v34;
	v32 =	vand.u32 $0x7FFFFFFF, v42;
	v30 =	vadd.f32 v39, v38;
	v19 =	vld.idx.msk [tilespmem:v20+s6+$0x0], $0xffff  }
0x135: {  	s14 =	sadd.s32 $0x20, s14;
	s15 =	sadd.s32 $0x200, s15;
	v34 =	vadd.f32 v43, v49;
	v35 =	vand.u32 $0x7FFFFFFF, v44;
	v20 =	vld.idx.msk [tilespmem:v45+s6+$0x0], $0xffff;
	v36 =	vsub.f32 v41, v46  }
0x136: {  	_ = 	snop  }
0x137: {  	s13 =	sshll.u32 s12, $0xD;
	p0 =	seq.s32 s12, $0xF  }
0x138: {  	s14 =	sadd.s32 @!p0 s13, s20  }
0x139: {  	s16 =	simm.s32 @!p0 $0x200;
	s14 =	sshrl.u32 @!p0 s14, $0x3  }
0x13a: {  	v21 =	vld.idx.msk [tilespmem:v21+s6+$0x0], $0xffff;
	s17 =	simm.s32 @!p0 $0x400;
	s18 =	simm.s32 @!p0 $0x8000;
	s15 =	sadd.s32 @!p0 s3, s14  }
0x13b: {  	v22 =	vld.idx.msk [tilespmem:v22+s6+$0x0], $0xffff;
	[tilespmem:s18], [sflag:$0x1] =	stream.strided.gather @!p0 [hbm4b:s15+s16], $0x800, s17, s16, $0x38  }
0x13c: {  	s19 =	simm.s32 @!p0 $0x8800;
	s18 =	sadd.s32 @!p0 $0x8000, s15  }
0x13d: {  	[tilespmem:s19], [sflag:$0x1] =	stream.strided.gather @!p0 [hbm4b:s18+s16], $0x800, s17, s16, $0x38;
	[tilespmem:$0x1A100] =	vst v63  }
0x13e: {  	s15 =	sadd.s32 @!p0 $0x10000, s15;
	s18 =	simm.s32 @!p0 $0x9000  }
0x13f: {  	[tilespmem:s18], [sflag:$0x1] =	stream.strided.gather @!p0 [hbm4b:s15+s16], $0x800, s17, s16, $0x38;
	[tilespmem:$0x1A100] =	vst v63  }
0x140: {  	s15 =	sadd.s32 @!p0 s1, s14;
	s18 =	simm.s32 @!p0 $0x9800  }
0x141: {  	[tilespmem:s18], [sflag:$0x1] =	stream.strided.gather @!p0 [hbm4b:s15+s16], $0x800, s17, s16, $0x38;
	[tilespmem:$0x1A100] =	vst v63  }
0x142: {  	s19 =	simm.s32 @!p0 $0xA000;
	s18 =	sadd.s32 @!p0 $0x8000, s15  }
0x143: {  	[tilespmem:s19], [sflag:$0x1] =	stream.strided.gather @!p0 [hbm4b:s18+s16], $0x800, s17, s16, $0x38;
	[tilespmem:$0x1A100] =	vst v63  }
0x144: {  	s15 =	sadd.s32 @!p0 $0x10000, s15;
	s18 =	simm.s32 @!p0 $0xA800  }
0x145: {  	[tilespmem:s18], [sflag:$0x1] =	stream.strided.gather @!p0 [hbm4b:s15+s16], $0x800, s17, s16, $0x38;
	[tilespmem:$0x1A100] =	vst v63  }
0x146: {  	s15 =	sadd.s32 @!p0 s2, s14;
	s18 =	simm.s32 @!p0 $0xB000  }
0x147: {  	[tilespmem:s18], [sflag:$0x1] =	stream.strided.gather @!p0 [hbm4b:s15+s16], $0x800, s17, s16, $0x38;
	[tilespmem:$0x1A100] =	vst v63  }
0x148: {  	s19 =	simm.s32 @!p0 $0xB800;
	s18 =	sadd.s32 @!p0 $0x8000, s15  }
0x149: {  	[tilespmem:s19], [sflag:$0x1] =	stream.strided.gather @!p0 [hbm4b:s18+s16], $0x800, s17, s16, $0x38;
	[tilespmem:$0x1A100] =	vst v63  }
0x14a: {  	s15 =	sadd.s32 @!p0 $0x10000, s15;
	s18 =	simm.s32 @!p0 $0xC000  }
0x14b: {  	[tilespmem:s18], [sflag:$0x1] =	stream.strided.gather @!p0 [hbm4b:s15+s16], $0x800, s17, s16, $0x38;
	[tilespmem:$0x1A100] =	vst v63  }
0x14c: {  	s18 =	simm.s32 $0x0;
	_ =	swait.ge [sflag:s8], $0x4800  }
0x14d: {  	s19 =	sand.u32 $0x600, s18;
	s15 =	sand.u32 $0x180, s18;
	[sflag:s8] =	ssyncset.done $0x0  }
0x14e: {  	s15 =	sor.u32 s15, s19;
	[sflag:s8] =	ssyncadd.s32 $0xFFFFB800  }
0x14f: {  	v48 =	vld [tilespmem:s15+$0xC870]  }
0x150: {  	v23 =	vadd.f32 v24, v23;
	v24 =	vadd.f32 v27, v26;
	v26 =	vld [tilespmem:s15+$0xD070]  }
0x151: {  	v27 =	vadd.f32 v31, v28;
	v28 =	vadd.f32 v32, v29;
	v29 =	vld [tilespmem:s15+$0xD870]  }
0x152: {  	v49 =	vld [tilespmem:s15+$0xC800]  }
0x153: {  	v51 =	vld [tilespmem:s15+$0xD000]  }
0x154: {  	v52 =	vld [tilespmem:s15+$0xC810]  }
0x155: {  	v53 =	vld [tilespmem:s15+$0xD010]  }
0x156: {  	v54 =	vld [tilespmem:s15+$0xC820]  }
0x157: {  	v38 =	vld [tilespmem:s15+$0xD020]  }
0x158: {  	v39 =	vld [tilespmem:s15+$0xC830]  }
0x159: {  	v25 =	vadd.f32 v25, v33;
	v40 =	vld [tilespmem:s15+$0xD030]  }
0x15a: {  	v37 =	vand.u32 $0x7FFFFFFF, v37;
	v30 =	vadd.f32 v35, v30;
	v41 =	vld [tilespmem:s15+$0xC840]  }
0x15b: {  	v31 =	vadd.f32 v37, v34;
	v50 =	vand.u32 $0x7FFFFFFF, v36;
	v25 =	vmul.f32 v25, v18;
	v42 =	vld [tilespmem:s15+$0xE070]  }
0x15c: {  	v24 =	vmul.f32 v24, v16;
	v27 =	vmul.f32 v27, v17;
	v23 =	vadd.f32 v50, v23;
	v43 =	vld [tilespmem:s15+$0xF870]  }
0x15d: {  	v11 =	vadd.f32 v18, v11;
	v28 =	vmul.f32 v28, v19;
	v30 =	vmul.f32 v30, v20;
	v18 =	vld [tilespmem:s15+$0xC850]  }
0x15e: {  	v31 =	vmul.f32 v31, v21;
	v23 =	vmul.f32 v23, v22;
	v46 =	vld [tilespmem:s15+$0xD050]  }
0x15f: {  	v60 =	vld [tilespmem:s15+$0xD060];
	v33 =	vmul.f32 $2.550000000e+02, v48;
	v26 =	vmul.f32 $2.550000000e+02, v26  }
0x160: {  	v61 =	vld [tilespmem:s15+$0xD800];
	v29 =	vmul.f32 $2.550000000e+02, v29;
	v32 =	vmul.f32 $2.550000000e+02, v49  }
0x161: {  	v62 =	vld [tilespmem:s15+$0xD810];
	v35 =	vmul.f32 $2.550000000e+02, v51;
	v34 =	vmul.f32 $2.550000000e+02, v52  }
0x162: {  	v10 =	vadd.f32 v27, v10;
	v27 =	vld [tilespmem:s15+$0xD820];
	v36 =	vmul.f32 $2.550000000e+02, v53;
	v37 =	vmul.f32 $2.550000000e+02, v54  }
0x163: {  	v8 =	vadd.f32 v28, v8;
	v28 =	vld [tilespmem:s15+$0xD830];
	v38 =	vmul.f32 $2.550000000e+02, v38;
	v39 =	vmul.f32 $2.550000000e+02, v39  }
0x164: {  	v9 =	vadd.f32 v16, v9;
	v40 =	vmul.f32 $2.550000000e+02, v40;
	v41 =	vmul.f32 $2.550000000e+02, v41  }
0x165: {  	v6 =	vadd.f32 v30, v6;
	v18 =	vmul.f32 $2.550000000e+02, v18;
	v63 =	vmul.f32 $2.550000000e+02, v46  }
0x166: {  	v44 =	vld [tilespmem:s15+$0xF070];
	v42 =	vsub.f32 v42, v43;
	v43 =	vmul.f32 $2.550000000e+02, v60;
	v30 =	vmul.f32 $2.550000000e+02, v61  }
0x167: {  	v16 =	vadd.f32 v31, v5;
	v45 =	vld [tilespmem:s15+$0x10870];
	v5 =	vmul.f32 $2.550000000e+02, v62;
	v27 =	vmul.f32 $2.550000000e+02, v27  }
0x168: {  	v56 =	vld [tilespmem:s15+$0xD040];
	v28 =	vmul.f32 $2.550000000e+02, v28;
	v33 =	vmul.f32 $1.250000000e-01, v33  }
0x169: {  	v19 =	vadd.f32 v19, v4;
	v57 =	vld [tilespmem:s15+$0xC860];
	v26 =	vmul.f32 $1.250000000e-01, v26;
	v29 =	vmul.f32 $1.250000000e-01, v29  }
0x16a: {  	v12 =	vadd.f32 v25, v12;
	v4 =	vld [tilespmem:s15+$0xE800];
	v32 =	vmul.f32 $1.250000000e-01, v32;
	v25 =	vmul.f32 $1.250000000e-01, v35  }
0x16b: {  	v20 =	vadd.f32 v20, v3;
	v3 =	vld [tilespmem:s15+$0x10000];
	v34 =	vmul.f32 $1.250000000e-01, v34;
	v36 =	vmul.f32 $1.250000000e-01, v36  }
0x16c: {  	v37 =	vmul.f32 $1.250000000e-01, v37;
	v38 =	vmul.f32 $1.250000000e-01, v38  }
0x16d: {  	v13 =	vadd.f32 v24, v13;
	v24 =	vmul.f32 $1.250000000e-01, v39;
	v41 =	vmul.f32 $1.250000000e-01, v41  }
0x16e: {  	v35 =	vmul.f32 $2.550000000e+02, v56;
	v48 =	vmul.f32 $1.250000000e-01, v18  }
0x16f: {  	v59 =	vsub.f32 v44, v45;
	v18 =	vmul.f32 $2.550000000e+02, v57;
	v45 =	vmul.f32 $1.250000000e-01, v63  }
0x170: {  	v3 =	vsub.f32 v4, v3;
	v31 =	vmul.f32 $1.250000000e-01, v43;
	v4 =	vmul.f32 $1.250000000e-01, v5  }
0x171: {  	v5 =	vmul.f32 $1.250000000e-01, v27;
	v28 =	vmul.f32 $1.250000000e-01, v28  }
0x172: {  	v33 =	vtrunc.f32 v33;
	v26 =	vtrunc.f32 v26  }
0x173: {  	v29 =	vtrunc.f32 v29;
	v32 =	vtrunc.f32 v32  }
0x174: {  	v35 =	vmul.f32 $1.250000000e-01, v35;
	v25 =	vtrunc.f32 v25  }
0x175: {  	v51 =	vmul.f32 $1.250000000e-01, v18;
	v34 =	vtrunc.f32 v34  }
0x176: {  	v49 =	vld [tilespmem:s15+$0xD840];
	v18 =	vadd.f32 v23, v2;
	v23 =	vtrunc.f32 v36;
	v53 =	vtrunc.f32 v37  }
0x177: {  	v52 =	vld [tilespmem:s15+$0xD860];
	v38 =	vtrunc.f32 v38;
	v24 =	vtrunc.f32 v24  }
0x178: {  	v55 =	vld [tilespmem:s15+$0xE870];
	v41 =	vtrunc.f32 v41;
	v4 =	vtrunc.f32 v4  }
0x179: {  	v50 =	vld [tilespmem:s15+$0xD850];
	v5 =	vtrunc.f32 v5;
	v28 =	vtrunc.f32 v28  }
0x17a: {  	v17 =	vadd.f32 v17, v7;
	v7 =	vld [tilespmem:s15+$0xE000];
	v33 =	vcvt.f32.s32 v33;
	v26 =	vcvt.f32.s32 v26  }
0x17b: {  	v21 =	vadd.f32 v21, v1;
	v1 =	vld [tilespmem:s15+$0xE010];
	v29 =	vcvt.f32.s32 v29;
	v54 =	vmul.f32 $2.550000000e+02, v49  }
0x17c: {  	v46 =	vld [tilespmem:s15+$0xE030];
	v56 =	vmul.f32 $2.550000000e+02, v52;
	v32 =	vcvt.f32.s32 v32  }
0x17d: {  	v60 =	vld [tilespmem:s15+$0xF830];
	v25 =	vcvt.f32.s32 v25;
	v23 =	vcvt.f32.s32 v23  }
0x17e: {  	v22 =	vadd.f32 v22, v0;
	v57 =	vld [tilespmem:s15+$0xF810];
	v61 =	vcvt.f32.s32 v38;
	v24 =	vcvt.f32.s32 v24  }
0x17f: {  	v62 =	vld [tilespmem:s15+$0xE830];
	v58 =	vand.u32 $0x7FFFFFFF, v42;
	v41 =	vcvt.f32.s32 v41;
	v4 =	vcvt.f32.s32 v4  }
0x180: {  	v42 =	vand.u32 $0x7FFFFFFF, v59;
	v27 =	vld [tilespmem:s15+$0xF820];
	v5 =	vcvt.f32.s32 v5;
	v28 =	vcvt.f32.s32 v28  }
0x181: {  	v43 =	vld [tilespmem:s15+$0x10020];
	v3 =	vand.u32 $0x7FFFFFFF, v3;
	v35 =	vtrunc.f32 v35;
	v59 =	vtrunc.f32 v51  }
0x182: {  	v2 =	vld [tilespmem:s15+$0xF800];
	v33 =	vshll.u32 v33, $0xA;
	v26 =	vshll.u32 v26, $0x5;
	v37 =	vmul.f32 $1.250000000e-01, v54  }
0x183: {  	v49 =	vld [tilespmem:s15+$0xE040];
	v1 =	vsub.f32 v1, v57;
	v32 =	vshll.u32 v32, $0xA;
	v25 =	vshll.u32 v25, $0x5  }
0x184: {  	v52 =	vld [tilespmem:s15+$0x10040];
	v35 =	vcvt.f32.s32 v35;
	v23 =	vshll.u32 v23, $0x5;
	v36 =	vshll.u32 v61, $0x5  }
0x185: {  	v38 =	vld [tilespmem:s15+$0x10820];
	v24 =	vshll.u32 v24, $0xA;
	v41 =	vshll.u32 v41, $0xA;
	v26 =	vadd.s32 v33, v26  }
0x186: {  	v33 =	vmul.f32 $1.250000000e-01, v40;
	v40 =	vmul.f32 $1.250000000e-01, v56;
	v26 =	vadd.s32 v29, v26;
	v29 =	vld [tilespmem:s15+$0x10070]  }
0x187: {  	v51 =	vld [tilespmem:s15+$0xE840];
	v0 =	vsub.f32 v7, v2;
	v2 =	vmul.f32 $1.250000000e-01, v30;
	v30 =	vtrunc.f32 v31  }
0x188: {  	v54 =	vld [tilespmem:s15+$0xF850];
	v47 =	vand.u32 $0x7FFFFFFF, v1;
	v1 =	vcvt.f32.s32 v53;
	v26 =	vmin.u32 v26, $0x7FFF  }
0x189: {  	v57 =	vld [tilespmem:s15+$0xE060];
	v25 =	vadd.s32 v32, v25;
	v37 =	vtrunc.f32 v37;
	v33 =	vtrunc.f32 v33  }
0x18a: {  	v56 =	vld [tilespmem:s15+$0x10050];
	v35 =	vshll.u32 v35, $0x5;
	v30 =	vcvt.f32.s32 v30;
	v40 =	vtrunc.f32 v40  }
0x18b: {  	v32 =	vld [tilespmem:s15+$0xF860];
	v35 =	vadd.s32 v41, v35;
	v0 =	vand.u32 $0x7FFFFFFF, v0;
	v29 =	vsub.f32 v55, v29  }
0x18c: {  	v7 =	vld [tilespmem:s15+$0xE020];
	v33 =	vcvt.f32.s32 v33;
	v1 =	vshll.u32 v1, $0xA;
	v2 =	vtrunc.f32 v2  }
0x18d: {  	v63 =	vcvt.f32.s32 v40;
	v2 =	vcvt.f32.s32 v2;
	v26 =	vld.idx.msk [tilespmem:v26+s6+$0x0], $0xffff;
	v29 =	vand.u32 $0x7FFFFFFF, v29  }
0x18e: {  	v53 =	vld [tilespmem:s15+$0xE050];
	v30 =	vshll.u32 v30, $0x5;
	v55 =	vmul.f32 $2.550000000e+02, v50;
	v29 =	vadd.f32 v29, v58  }
0x18f: {  	v40 =	vld [tilespmem:s15+$0xF000];
	v1 =	vadd.s32 v1, v36;
	v33 =	vshll.u32 v33, $0x5;
	v2 =	vadd.s32 v2, v25  }
0x190: {  	v25 =	vld [tilespmem:s15+$0x10800];
	v39 =	vmul.f32 $1.250000000e-01, v55;
	v58 =	vtrunc.f32 v45;
	v29 =	vadd.f32 v42, v29  }
0x191: {  	v1 =	vadd.s32 v5, v1;
	v55 =	vld [tilespmem:s15+$0xE850];
	v45 =	vcvt.f32.s32 v59;
	v44 =	vcvt.f32.s32 v58  }
0x192: {  	v32 =	vsub.f32 v57, v32;
	v42 =	vtrunc.f32 v48;
	v48 =	vld [tilespmem:s15+$0x10030];
	v29 =	vmul.f32 v29, v26  }
0x193: {  	v45 =	vshll.u32 v45, $0xA;
	v14 =	vadd.f32 v26, v14;
	v42 =	vcvt.f32.s32 v42;
	v26 =	vld [tilespmem:s15+$0xE810]  }
0x194: {  	v27 =	vsub.f32 v7, v27;
	v30 =	vadd.s32 v45, v30;
	v15 =	vadd.f32 v29, v15;
	v29 =	vld [tilespmem:s15+$0x10010]  }
0x195: {  	v44 =	vshll.u32 v44, $0x5;
	v7 =	vadd.s32 v63, v30;
	v30 =	vld [tilespmem:s15+$0xF020];
	v42 =	vshll.u32 v42, $0xA  }
0x196: {  	v41 =	vmin.u32 v1, $0x7FFF;
	v1 =	vsub.f32 v53, v54;
	v58 =	vadd.s32 v42, v44;
	v42 =	vld [tilespmem:s15+$0xF030]  }
0x197: {  	v24 =	vadd.s32 v24, v33;
	v2 =	vmin.u32 v2, $0x7FFF;
	v59 =	vsub.f32 v62, v48;
	v62 =	vld [tilespmem:s15+$0x10830]  }
0x198: {  	v31 =	vld [tilespmem:s15+$0xE820];
	v27 =	vand.u32 $0x7FFFFFFF, v27;
	v57 =	vand.u32 $0x7FFFFFFF, v1;
	v39 =	vtrunc.f32 v39  }
0x199: {  	v5 =	vld [tilespmem:s15+$0xF010];
	v39 =	vcvt.f32.s32 v39;
	v29 =	vsub.f32 v26, v29;
	v26 =	vcvt.f32.s32 v34  }
0x19a: {  	v50 =	vld [tilespmem:s15+$0xF840];
	v25 =	vsub.f32 v40, v25;
	v61 =	vsub.f32 v55, v56;
	v7 =	vmin.u32 v7, $0x7FFF  }
0x19b: {  	v33 =	vld [tilespmem:s15+$0x10060];
	v30 =	vsub.f32 v30, v38;
	v34 =	vadd.f32 v3, v0;
	v26 =	vshll.u32 v26, $0xA  }
0x19c: {  	v62 =	vsub.f32 v42, v62;
	v23 =	vadd.s32 v26, v23;
	v26 =	vcvt.f32.s32 v37;
	v37 =	vld [tilespmem:s15+$0xE860]  }
0x19d: {  	v63 =	vld [tilespmem:s15+$0x10840];
	v45 =	vand.u32 $0x7FFFFFFF, v29;
	v29 =	vand.u32 $0x7FFFFFFF, v25;
	v4 =	vadd.s32 v4, v23  }
0x19e: {  	v23 =	vadd.s32 v28, v24;
	v28 =	vsub.f32 v31, v43;
	v43 =	vand.u32 $0x7FFFFFFF, v61;
	v61 =	vld [tilespmem:s15+$0x10860]  }
0x19f: {  	v0 =	vadd.f32 v45, v47;
	v31 =	vsub.f32 v46, v60;
	v24 =	vadd.s32 v26, v35;
	v35 =	vld [tilespmem:s15+$0x10810]  }
0x1a0: {  	v60 =	vsub.f32 v51, v52;
	v36 =	vmin.u32 v4, $0x7FFF;
	v4 =	vsub.f32 v49, v50;
	v50 =	vld [tilespmem:s15+$0xF050]  }
0x1a1: {  	v26 =	vadd.s32 v39, v58;
	v23 =	vmin.u32 v23, $0x7FFF;
	v33 =	vsub.f32 v37, v33;
	v37 =	vld [tilespmem:s15+$0xF040]  }
0x1a2: {  	v49 =	vand.u32 $0x7FFFFFFF, v59;
	v58 =	vld [tilespmem:s15+$0x10850];
	v24 =	vmin.u32 v24, $0x7FFF;
	v26 =	vmin.u32 v26, $0x7FFF  }
0x1a3: {  	v59 =	vld [tilespmem:s15+$0xF060];
	v48 =	vand.u32 $0x7FFFFFFF, v28;
	v31 =	vand.u32 $0x7FFFFFFF, v31;
	v39 =	vand.u32 $0x7FFFFFFF, v60  }
0x1a4: {  	v1 =	vld.idx.msk [tilespmem:v2+s6+$0x0], $0xffff;
	v51 =	vand.u32 $0x7FFFFFFF, v4;
	v4 =	vand.u32 $0x7FFFFFFF, v32;
	v3 =	vadd.f32 v48, v27  }
0x1a5: {  	v25 =	vld.idx.msk [tilespmem:v41+s6+$0x0], $0xffff;
	v32 =	vand.u32 $0x7FFFFFFF, v30;
	v30 =	vadd.f32 v49, v31;
	v31 =	vadd.f32 v39, v51  }
0x1a6: {  	v28 =	vand.u32 $0x7FFFFFFF, v33;
	v60 =	vsub.f32 v5, v35;
	v5 =	vld.idx.msk [tilespmem:v36+s6+$0x0], $0xffff;
	v63 =	vsub.f32 v37, v63  }
0x1a7: {  	v38 =	vsub.f32 v50, v58;
	v23 =	vld.idx.msk [tilespmem:v23+s6+$0x0], $0xffff;
	v33 =	vand.u32 $0x7FFFFFFF, v62;
	v35 =	vadd.f32 v43, v57  }
0x1a8: {  	s16 =	simm.s32 $0x20;
	s17 =	simm.s32 $0x200;
	s15 =	simm.s32 $0x0;
	v24 =	vld.idx.msk [tilespmem:v24+s6+$0x0], $0xffff;
	v2 =	vand.u32 $0x7FFFFFFF, v60;
	v37 =	vsub.f32 v59, v61;
	v36 =	vand.u32 $0x7FFFFFFF, v63  }
.LBB2_5:
0x1a9: {  	s18 =	sand.u32 $0x600, s17;
	s19 =	sand.u32 $0x180, s16;
	v27 =	vadd.f32 v29, v34;
	v26 =	vld.idx.msk [tilespmem:v26+s6+$0x0], $0xffff;
	v29 =	vand.u32 $0x7FFFFFFF, v38;
	v4 =	vadd.f32 v28, v4  }
0x1aa: {  	s15 =	sadd.s32 $0x8, s15;
	v0 =	vadd.f32 v2, v0;
	v2 =	vadd.f32 v32, v3;
	s18 =	sor.u32 s19, s18;
	v3 =	vld.idx.msk [tilespmem:v7+s6+$0x0], $0xffff;
	v7 =	vand.u32 $0x7FFFFFFF, v37  }
0x1ab: {  	v30 =	vadd.f32 v33, v30;
	v31 =	vadd.f32 v36, v31;
	p1 =	slt.u32 s15, $0x78;
	v28 =	vld [tilespmem:s18+$0xC870];
	v27 =	vmul.f32 v27, v1  }
0x1ac: {  	v29 =	vadd.f32 v29, v35;
	v0 =	vmul.f32 v0, v5;
	v4 =	vadd.f32 v7, v4;
	v32 =	vld [tilespmem:s18+$0xD070]  }
0x1ad: {  	v2 =	vmul.f32 v2, v25;
	v7 =	vld [tilespmem:s18+$0xD870];
	v12 =	vadd.f32 v27, v12;
	v27 =	vmul.f32 v30, v23  }
0x1ae: {  	v11 =	vadd.f32 v1, v11;
	v13 =	vadd.f32 v0, v13;
	v0 =	vmul.f32 v31, v24;
	v30 =	vld [tilespmem:s18+$0xC800]  }
0x1af: {  	v10 =	vadd.f32 v2, v10;
	v2 =	vmul.f32 v29, v26;
	v1 =	vld [tilespmem:s18+$0xD000];
	v8 =	vadd.f32 v27, v8  }
0x1b0: {  	v9 =	vadd.f32 v5, v9;
	v6 =	vadd.f32 v0, v6;
	v0 =	vmul.f32 v4, v3;
	v27 =	vld [tilespmem:s18+$0xC810]  }
0x1b1: {  	v5 =	vmul.f32 $2.550000000e+02, v28;
	v16 =	vadd.f32 v2, v16;
	v4 =	vld [tilespmem:s18+$0xD010];
	v28 =	vmul.f32 $2.550000000e+02, v32  }
0x1b2: {  	v17 =	vadd.f32 v25, v17;
	v18 =	vadd.f32 v0, v18;
	v2 =	vld [tilespmem:s18+$0xC820];
	v7 =	vmul.f32 $2.550000000e+02, v7  }
0x1b3: {  	v19 =	vadd.f32 v23, v19;
	v5 =	vmul.f32 $1.250000000e-01, v5;
	v0 =	vld [tilespmem:s18+$0xD020];
	v25 =	vmul.f32 $1.250000000e-01, v28  }
0x1b4: {  	v20 =	vadd.f32 v24, v20;
	v23 =	vmul.f32 $2.550000000e+02, v30;
	v28 =	vld [tilespmem:s18+$0xC830];
	v7 =	vmul.f32 $1.250000000e-01, v7  }
0x1b5: {  	v21 =	vadd.f32 v26, v21;
	v5 =	vtrunc.f32 v5;
	v24 =	vld [tilespmem:s18+$0xD030];
	v25 =	vtrunc.f32 v25  }
0x1b6: {  	v22 =	vadd.f32 v3, v22;
	v5 =	vcvt.f32.s32 v5;
	v26 =	vld [tilespmem:s18+$0xC840];
	v25 =	vcvt.f32.s32 v25  }
0x1b7: {  	v1 =	vmul.f32 $2.550000000e+02, v1;
	v3 =	vtrunc.f32 v7;
	v7 =	vld [tilespmem:s18+$0xE070]  }
0x1b8: {  	v3 =	vcvt.f32.s32 v3;
	v5 =	vshll.u32 v5, $0xA;
	v25 =	vshll.u32 v25, $0x5;
	v29 =	vld [tilespmem:s18+$0xF870]  }
0x1b9: {  	v27 =	vmul.f32 $2.550000000e+02, v27;
	v4 =	vmul.f32 $2.550000000e+02, v4;
	v5 =	vadd.s32 v5, v25;
	v25 =	vld [tilespmem:s18+$0xE870]  }
0x1ba: {  	v2 =	vmul.f32 $2.550000000e+02, v2;
	v0 =	vmul.f32 $2.550000000e+02, v0;
	v3 =	vadd.s32 v3, v5;
	v5 =	vld [tilespmem:s18+$0x10070]  }
0x1bb: {  	v28 =	vmul.f32 $2.550000000e+02, v28;
	v24 =	vmul.f32 $2.550000000e+02, v24;
	v3 =	vmin.u32 v3, $0x7FFF;
	v30 =	vld [tilespmem:s18+$0xF070]  }
0x1bc: {  	v23 =	vmul.f32 $1.250000000e-01, v23;
	v26 =	vmul.f32 $2.550000000e+02, v26;
	v31 =	vld [tilespmem:s18+$0x10870]  }
0x1bd: {  	v1 =	vmul.f32 $1.250000000e-01, v1;
	v27 =	vmul.f32 $1.250000000e-01, v27;
	v32 =	vld [tilespmem:s18+$0xD040]  }
0x1be: {  	v4 =	vmul.f32 $1.250000000e-01, v4;
	v2 =	vmul.f32 $1.250000000e-01, v2;
	v33 =	vld [tilespmem:s18+$0xC850]  }
0x1bf: {  	v0 =	vmul.f32 $1.250000000e-01, v0;
	v7 =	vsub.f32 v7, v29;
	v34 =	vld [tilespmem:s18+$0xD050];
	v5 =	vsub.f32 v25, v5  }
0x1c0: {  	v24 =	vmul.f32 $1.250000000e-01, v24;
	v25 =	vmul.f32 $1.250000000e-01, v28;
	v3 =	vld.idx.msk [tilespmem:v3+s6+$0x0], $0xffff  }
0x1c1: {  	v7 =	vand.u32 $0x7FFFFFFF, v7;
	v28 =	vld [tilespmem:s18+$0xC860];
	v5 =	vand.u32 $0x7FFFFFFF, v5;
	v29 =	vsub.f32 v30, v31  }
0x1c2: {  	v26 =	vmul.f32 $1.250000000e-01, v26;
	v30 =	vmul.f32 $2.550000000e+02, v32;
	v31 =	vld [tilespmem:s18+$0xD060];
	v5 =	vadd.f32 v5, v7  }
0x1c3: {  	v7 =	vtrunc.f32 v23;
	v23 =	vld [tilespmem:s18+$0xD800];
	v32 =	vmul.f32 $2.550000000e+02, v33;
	v29 =	vand.u32 $0x7FFFFFFF, v29  }
0x1c4: {  	v33 =	vld [tilespmem:s18+$0xD810];
	v30 =	vmul.f32 $1.250000000e-01, v30;
	v34 =	vmul.f32 $2.550000000e+02, v34;
	v5 =	vadd.f32 v29, v5  }
0x1c5: {  	v1 =	vtrunc.f32 v1;
	v29 =	vld [tilespmem:s18+$0xD820];
	v32 =	vmul.f32 $1.250000000e-01, v32  }
0x1c6: {  	v14 =	vadd.f32 v3, v14;
	v35 =	vld [tilespmem:s18+$0xD830];
	v28 =	vmul.f32 $2.550000000e+02, v28;
	v5 =	vmul.f32 v5, v3  }
0x1c7: {  	v34 =	vmul.f32 $1.250000000e-01, v34;
	v3 =	vld [tilespmem:s18+$0xD840];
	v31 =	vmul.f32 $2.550000000e+02, v31  }
0x1c8: {  	v23 =	vmul.f32 $2.550000000e+02, v23;
	v36 =	vld [tilespmem:s18+$0xD850];
	v28 =	vmul.f32 $1.250000000e-01, v28;
	v15 =	vadd.f32 v5, v15  }
0x1c9: {  	v5 =	vmul.f32 $2.550000000e+02, v33;
	v31 =	vmul.f32 $1.250000000e-01, v31;
	v33 =	vld [tilespmem:s18+$0xD860]  }
0x1ca: {  	v27 =	vtrunc.f32 v27;
	v37 =	vld [tilespmem:s18+$0xE000];
	v29 =	vmul.f32 $2.550000000e+02, v29  }
0x1cb: {  	v4 =	vtrunc.f32 v4;
	v38 =	vld [tilespmem:s18+$0xF800];
	v35 =	vmul.f32 $2.550000000e+02, v35  }
0x1cc: {  	v40 =	vtrunc.f32 v2;
	v39 =	vld [tilespmem:s18+$0xE800];
	v2 =	vmul.f32 $2.550000000e+02, v3  }
0x1cd: {  	v41 =	vtrunc.f32 v0;
	v3 =	vld [tilespmem:s18+$0x10000];
	v36 =	vmul.f32 $2.550000000e+02, v36  }
0x1ce: {  	v25 =	vtrunc.f32 v25;
	v42 =	vld [tilespmem:s18+$0xE010];
	v33 =	vmul.f32 $2.550000000e+02, v33  }
0x1cf: {  	v24 =	vtrunc.f32 v24;
	v26 =	vtrunc.f32 v26;
	v43 =	vld [tilespmem:s18+$0xF810]  }
0x1d0: {  	v30 =	vtrunc.f32 v30;
	v32 =	vtrunc.f32 v32;
	v0 =	vsub.f32 v37, v38;
	v37 =	vld [tilespmem:s18+$0xE810]  }
0x1d1: {  	v34 =	vtrunc.f32 v34;
	v28 =	vtrunc.f32 v28;
	v38 =	vld [tilespmem:s18+$0x10010]  }
0x1d2: {  	v23 =	vmul.f32 $1.250000000e-01, v23;
	v31 =	vtrunc.f32 v31;
	v3 =	vsub.f32 v39, v3;
	v39 =	vld [tilespmem:s18+$0xE020]  }
0x1d3: {  	v5 =	vmul.f32 $1.250000000e-01, v5;
	v29 =	vmul.f32 $1.250000000e-01, v29;
	v0 =	vand.u32 $0x7FFFFFFF, v0;
	v44 =	vld [tilespmem:s18+$0xF820]  }
0x1d4: {  	v35 =	vmul.f32 $1.250000000e-01, v35;
	v45 =	vmul.f32 $1.250000000e-01, v2;
	v42 =	vsub.f32 v42, v43;
	v43 =	vld [tilespmem:s18+$0xE820]  }
0x1d5: {  	v36 =	vmul.f32 $1.250000000e-01, v36;
	v33 =	vmul.f32 $1.250000000e-01, v33;
	v2 =	vand.u32 $0x7FFFFFFF, v3;
	v46 =	vld [tilespmem:s18+$0x10020]  }
0x1d6: {  	v1 =	vcvt.f32.s32 v1;
	v7 =	vcvt.f32.s32 v7;
	v37 =	vsub.f32 v37, v38;
	v38 =	vld [tilespmem:s18+$0xE030]  }
0x1d7: {  	v27 =	vcvt.f32.s32 v27;
	v4 =	vcvt.f32.s32 v4;
	v3 =	vand.u32 $0x7FFFFFFF, v42;
	v42 =	vld [tilespmem:s18+$0xF830]  }
0x1d8: {  	v40 =	vcvt.f32.s32 v40;
	v41 =	vcvt.f32.s32 v41;
	v7 =	vshll.u32 v7, $0xA;
	v47 =	vld [tilespmem:s18+$0xE830]  }
0x1d9: {  	v1 =	vshll.u32 v1, $0x5;
	v24 =	vcvt.f32.s32 v24;
	v25 =	vcvt.f32.s32 v25;
	v48 =	vld [tilespmem:s18+$0x10030]  }
0x1da: {  	v27 =	vshll.u32 v27, $0xA;
	v26 =	vcvt.f32.s32 v26;
	v30 =	vcvt.f32.s32 v30;
	v49 =	vld [tilespmem:s18+$0xE040]  }
0x1db: {  	v4 =	vshll.u32 v4, $0x5;
	v32 =	vcvt.f32.s32 v32;
	v34 =	vcvt.f32.s32 v34;
	v50 =	vld [tilespmem:s18+$0xF840]  }
0x1dc: {  	v40 =	vshll.u32 v40, $0xA;
	v28 =	vcvt.f32.s32 v28;
	v31 =	vcvt.f32.s32 v31;
	v51 =	vld [tilespmem:s18+$0xE840]  }
0x1dd: {  	v41 =	vshll.u32 v41, $0x5;
	v23 =	vtrunc.f32 v23;
	v5 =	vtrunc.f32 v5;
	v52 =	vld [tilespmem:s18+$0x10040]  }
0x1de: {  	v25 =	vshll.u32 v25, $0xA;
	v29 =	vtrunc.f32 v29;
	v35 =	vtrunc.f32 v35;
	v53 =	vld [tilespmem:s18+$0xE050]  }
0x1df: {  	v24 =	vshll.u32 v24, $0x5;
	v45 =	vtrunc.f32 v45;
	v36 =	vtrunc.f32 v36;
	v54 =	vld [tilespmem:s18+$0xF850]  }
0x1e0: {  	v26 =	vshll.u32 v26, $0xA;
	v30 =	vshll.u32 v30, $0x5;
	v33 =	vtrunc.f32 v33;
	v55 =	vld [tilespmem:s18+$0xE850]  }
0x1e1: {  	v32 =	vshll.u32 v32, $0xA;
	v34 =	vshll.u32 v34, $0x5;
	v28 =	vshll.u32 v28, $0xA;
	v56 =	vld [tilespmem:s18+$0x10050]  }
0x1e2: {  	v23 =	vcvt.f32.s32 v23;
	v5 =	vcvt.f32.s32 v5;
	v31 =	vshll.u32 v31, $0x5;
	v57 =	vld [tilespmem:s18+$0xE060]  }
0x1e3: {  	v1 =	vadd.s32 v7, v1;
	v7 =	vcvt.f32.s32 v29;
	v29 =	vcvt.f32.s32 v35;
	v35 =	vld [tilespmem:s18+$0xF860]  }
0x1e4: {  	v4 =	vadd.s32 v27, v4;
	v27 =	vcvt.f32.s32 v45;
	v36 =	vcvt.f32.s32 v36;
	v45 =	vld [tilespmem:s18+$0xE860]  }
0x1e5: {  	v40 =	vadd.s32 v40, v41;
	v24 =	vadd.s32 v25, v24;
	v25 =	vcvt.f32.s32 v33;
	v33 =	vld [tilespmem:s18+$0x10060]  }
0x1e6: {  	v26 =	vadd.s32 v26, v30;
	v30 =	vadd.s32 v32, v34;
	v28 =	vadd.s32 v28, v31;
	v41 =	vld [tilespmem:s18+$0xF000]  }
0x1e7: {  	v1 =	vadd.s32 v23, v1;
	v4 =	vadd.s32 v5, v4;
	v5 =	vadd.s32 v7, v40;
	v23 =	vld [tilespmem:s18+$0x10800]  }
0x1e8: {  	v7 =	vadd.s32 v29, v24;
	v24 =	vadd.s32 v27, v26;
	v26 =	vadd.s32 v36, v30;
	v31 =	vld [tilespmem:s18+$0xF010]  }
0x1e9: {  	v25 =	vadd.s32 v25, v28;
	v29 =	vsub.f32 v39, v44;
	v30 =	vsub.f32 v43, v46;
	v27 =	vld [tilespmem:s18+$0x10810]  }
0x1ea: {  	v1 =	vmin.u32 v1, $0x7FFF;
	v28 =	vsub.f32 v38, v42;
	v34 =	vsub.f32 v47, v48;
	v32 =	vld [tilespmem:s18+$0xF020]  }
0x1eb: {  	v36 =	vmin.u32 v4, $0x7FFF;
	v4 =	vsub.f32 v49, v50;
	v39 =	vsub.f32 v51, v52;
	v38 =	vld [tilespmem:s18+$0x10820]  }
0x1ec: {  	v40 =	vmin.u32 v5, $0x7FFF;
	v42 =	vsub.f32 v53, v54;
	v43 =	vsub.f32 v55, v56;
	v5 =	vld [tilespmem:s18+$0xF030]  }
0x1ed: {  	v44 =	vmin.u32 v7, $0x7FFF;
	v35 =	vsub.f32 v57, v35;
	v33 =	vsub.f32 v45, v33;
	v46 =	vld [tilespmem:s18+$0x10830]  }
0x1ee: {  	v24 =	vmin.u32 v24, $0x7FFF;
	v26 =	vmin.u32 v26, $0x7FFF;
	v7 =	vmin.u32 v25, $0x7FFF;
	v45 =	vld [tilespmem:s18+$0xF040]  }
0x1ef: {  	v25 =	vand.u32 $0x7FFFFFFF, v37;
	v37 =	vand.u32 $0x7FFFFFFF, v29;
	v30 =	vand.u32 $0x7FFFFFFF, v30;
	v47 =	vld [tilespmem:s18+$0x10840]  }
0x1f0: {  	v48 =	vand.u32 $0x7FFFFFFF, v28;
	v49 =	vand.u32 $0x7FFFFFFF, v34;
	v50 =	vand.u32 $0x7FFFFFFF, v4;
	v51 =	vld [tilespmem:s18+$0xF050]  }
0x1f1: {  	v39 =	vand.u32 $0x7FFFFFFF, v39;
	v42 =	vand.u32 $0x7FFFFFFF, v42;
	v43 =	vand.u32 $0x7FFFFFFF, v43;
	v52 =	vld [tilespmem:s18+$0x10850]  }
0x1f2: {  	v4 =	vand.u32 $0x7FFFFFFF, v35;
	v23 =	vsub.f32 v41, v23;
	v28 =	vand.u32 $0x7FFFFFFF, v33;
	v41 =	vld [tilespmem:s18+$0xF060]  }
0x1f3: {  	v27 =	vsub.f32 v31, v27;
	v31 =	vsub.f32 v32, v38;
	v53 =	vld [tilespmem:s18+$0x10860]  }
.Ltmp3:
0x1f4: {  	v29 =	vand.u32 $0x7FFFFFFF, v23;
	v33 =	vsub.f32 v5, v46;
	v1 =	vld.idx.msk [tilespmem:v1+s6+$0x0], $0xffff;
	v35 =	vsub.f32 v45, v47;
	(pc) =	sbr.rel @p1 .LBB2_5-.Ltmp3, $4  }
0x1f5: {  	v34 =	vadd.f32 v2, v0;
	v0 =	vadd.f32 v25, v3;
	v2 =	vand.u32 $0x7FFFFFFF, v27;
	v5 =	vld.idx.msk [tilespmem:v36+s6+$0x0], $0xffff  }
0x1f6: {  	v3 =	vadd.f32 v30, v37;
	v32 =	vand.u32 $0x7FFFFFFF, v31;
	v25 =	vld.idx.msk [tilespmem:v40+s6+$0x0], $0xffff;
	v38 =	vsub.f32 v51, v52  }
0x1f7: {  	v30 =	vadd.f32 v49, v48;
	v31 =	vadd.f32 v39, v50;
	v33 =	vand.u32 $0x7FFFFFFF, v33;
	v23 =	vld.idx.msk [tilespmem:v44+s6+$0x0], $0xffff  }
0x1f8: {  	s16 =	sadd.s32 $0x20, s16;
	s17 =	sadd.s32 $0x200, s17;
	v36 =	vand.u32 $0x7FFFFFFF, v35;
	v35 =	vadd.f32 v43, v42;
	v24 =	vld.idx.msk [tilespmem:v24+s6+$0x0], $0xffff;
	v37 =	vsub.f32 v41, v53  }
0x1f9: {  	_ =	sdelay $0x2  }
0x1fa: {  	s14 =	sor.u32 @!p0 $0x40, s14;
	s16 =	simm.s32 @!p0 $0x200  }
0x1fb: {  	v27 =	vld.idx.msk [tilespmem:v26+s6+$0x0], $0xffff;
	s17 =	simm.s32 @!p0 $0x400;
	s18 =	simm.s32 @!p0 $0xC800;
	s15 =	sadd.s32 @!p0 s3, s14  }
0x1fc: {  	v26 =	vld.idx.msk [tilespmem:v7+s6+$0x0], $0xffff;
	[tilespmem:s18], [sflag:$0x2] =	stream.strided.gather @!p0 [hbm4b:s15+s16], $0x800, s17, s16, $0x38  }
0x1fd: {  	s19 =	simm.s32 @!p0 $0xD000;
	s18 =	sadd.s32 @!p0 $0x8000, s15  }
0x1fe: {  	[tilespmem:s19], [sflag:$0x2] =	stream.strided.gather @!p0 [hbm4b:s18+s16], $0x800, s17, s16, $0x38;
	[tilespmem:$0x1A100] =	vst v63  }
0x1ff: {  	s15 =	sadd.s32 @!p0 $0x10000, s15;
	s18 =	simm.s32 @!p0 $0xD800  }
0x200: {  	[tilespmem:s18], [sflag:$0x2] =	stream.strided.gather @!p0 [hbm4b:s15+s16], $0x800, s17, s16, $0x38;
	[tilespmem:$0x1A100] =	vst v63  }
0x201: {  	s15 =	sadd.s32 @!p0 s1, s14;
	s18 =	simm.s32 @!p0 $0xE000  }
0x202: {  	[tilespmem:s18], [sflag:$0x2] =	stream.strided.gather @!p0 [hbm4b:s15+s16], $0x800, s17, s16, $0x38;
	[tilespmem:$0x1A100] =	vst v63  }
0x203: {  	s19 =	simm.s32 @!p0 $0xE800;
	s18 =	sadd.s32 @!p0 $0x8000, s15  }
0x204: {  	[tilespmem:s19], [sflag:$0x2] =	stream.strided.gather @!p0 [hbm4b:s18+s16], $0x800, s17, s16, $0x38;
	[tilespmem:$0x1A100] =	vst v63  }
0x205: {  	s15 =	sadd.s32 @!p0 $0x10000, s15;
	s18 =	simm.s32 @!p0 $0xF000  }
0x206: {  	[tilespmem:s18], [sflag:$0x2] =	stream.strided.gather @!p0 [hbm4b:s15+s16], $0x800, s17, s16, $0x38;
	[tilespmem:$0x1A100] =	vst v63  }
0x207: {  	s14 =	sadd.s32 @!p0 s2, s14;
	s15 =	simm.s32 @!p0 $0xF800  }
0x208: {  	[tilespmem:s15], [sflag:$0x2] =	stream.strided.gather @!p0 [hbm4b:s14+s16], $0x800, s17, s16, $0x38;
	[tilespmem:$0x1A100] =	vst v63  }
0x209: {  	s18 =	simm.s32 @!p0 $0x10000;
	s15 =	sadd.s32 @!p0 $0x8000, s14  }
0x20a: {  	[tilespmem:s18], [sflag:$0x2] =	stream.strided.gather @!p0 [hbm4b:s15+s16], $0x800, s17, s16, $0x38;
	[tilespmem:$0x1A100] =	vst v63  }
0x20b: {  	s14 =	sadd.s32 @!p0 $0x10000, s14;
	s15 =	simm.s32 @!p0 $0x10800  }
0x20c: {  	[tilespmem:s15], [sflag:$0x2] =	stream.strided.gather @!p0 [hbm4b:s14+s16], $0x800, s17, s16, $0x38;
	[tilespmem:$0x1A100] =	vst v63  }
0x20d: {  	s18 =	simm.s32 $0x0;
	_ =	swait.ge [sflag:s9], $0x4800  }
0x20e: {  	s19 =	sand.u32 $0x600, s18;
	s14 =	sand.u32 $0x180, s18;
	[sflag:s9] =	ssyncset.done $0x0  }
0x20f: {  	s14 =	sor.u32 s14, s19;
	[sflag:s9] =	ssyncadd.s32 $0xFFFFB800  }
0x210: {  	v7 =	vadd.f32 v29, v34;
	v29 =	vld [tilespmem:s14+$0x11070]  }
0x211: {  	v0 =	vadd.f32 v2, v0;
	v2 =	vld [tilespmem:s14+$0x11870]  }
0x212: {  	v58 =	vand.u32 $0x7FFFFFFF, v38;
	v4 =	vadd.f32 v28, v4;
	v28 =	vadd.f32 v33, v30;
	v30 =	vld [tilespmem:s14+$0x12070]  }
0x213: {  	v59 =	vmul.f32 v0, v5;
	v0 =	vadd.f32 v58, v35;
	v60 =	vld [tilespmem:s14+$0x11000]  }
0x214: {  	v61 =	vand.u32 $0x7FFFFFFF, v37;
	v62 =	vld [tilespmem:s14+$0x11800]  }
0x215: {  	v4 =	vadd.f32 v61, v4;
	v34 =	vmul.f32 v0, v27;
	v0 =	vld [tilespmem:s14+$0x11010]  }
0x216: {  	v63 =	vld [tilespmem:s14+$0x11810]  }
0x217: {  	v3 =	vadd.f32 v32, v3;
	v37 =	vmul.f32 v4, v26;
	v4 =	vld [tilespmem:s14+$0x11020]  }
0x218: {  	v31 =	vadd.f32 v36, v31;
	v39 =	vld [tilespmem:s14+$0x11030]  }
0x219: {  	v7 =	vmul.f32 v7, v1;
	v3 =	vmul.f32 v3, v25;
	v40 =	vld [tilespmem:s14+$0x11830]  }
0x21a: {  	v28 =	vmul.f32 v28, v23;
	v31 =	vmul.f32 v31, v24;
	v41 =	vld [tilespmem:s14+$0x11040]  }
0x21b: {  	v3 =	vadd.f32 v3, v10;
	v10 =	vld [tilespmem:s14+$0x12020];
	v29 =	vmul.f32 $2.550000000e+02, v29;
	v2 =	vmul.f32 $2.550000000e+02, v2  }
0x21c: {  	v30 =	vmul.f32 $2.550000000e+02, v30;
	v33 =	vmul.f32 $2.550000000e+02, v60  }
0x21d: {  	v35 =	vmul.f32 $2.550000000e+02, v62;
	v44 =	vmul.f32 $2.550000000e+02, v0  }
0x21e: {  	v36 =	vmul.f32 $2.550000000e+02, v63;
	v4 =	vmul.f32 $2.550000000e+02, v4  }
0x21f: {  	v48 =	vld [tilespmem:s14+$0x11820];
	v49 =	vmul.f32 $2.550000000e+02, v39;
	v50 =	vmul.f32 $2.550000000e+02, v40  }
0x220: {  	v42 =	vld [tilespmem:s14+$0x12870];
	v41 =	vmul.f32 $2.550000000e+02, v41;
	v47 =	vmul.f32 $2.550000000e+02, v10  }
0x221: {  	v43 =	vld [tilespmem:s14+$0x14070];
	v29 =	vmul.f32 $1.250000000e-01, v29;
	v2 =	vmul.f32 $1.250000000e-01, v2  }
0x222: {  	v45 =	vld [tilespmem:s14+$0x13870];
	v30 =	vmul.f32 $1.250000000e-01, v30;
	v33 =	vmul.f32 $1.250000000e-01, v33  }
0x223: {  	v1 =	vadd.f32 v1, v11;
	v46 =	vld [tilespmem:s14+$0x15070];
	v11 =	vmul.f32 $1.250000000e-01, v36;
	v53 =	vmul.f32 $1.250000000e-01, v4  }
0x224: {  	v63 =	vld [tilespmem:s14+$0x12040];
	v32 =	vmul.f32 $1.250000000e-01, v50;
	v41 =	vmul.f32 $1.250000000e-01, v41  }
0x225: {  	v4 =	vld [tilespmem:s14+$0x11050];
	v29 =	vtrunc.f32 v29;
	v2 =	vtrunc.f32 v2  }
0x226: {  	v5 =	vadd.f32 v5, v9;
	v52 =	vld [tilespmem:s14+$0x11840];
	v30 =	vtrunc.f32 v30;
	v33 =	vtrunc.f32 v33  }
0x227: {  	v54 =	vld [tilespmem:s14+$0x11850];
	v10 =	vadd.f32 v23, v19;
	v23 =	vtrunc.f32 v53;
	v29 =	vcvt.f32.s32 v29  }
0x228: {  	v9 =	vadd.f32 v37, v18;
	v58 =	vld [tilespmem:s14+$0x11860];
	v2 =	vcvt.f32.s32 v2;
	v30 =	vcvt.f32.s32 v30  }
0x229: {  	v55 =	vld [tilespmem:s14+$0x11060];
	v42 =	vsub.f32 v42, v43;
	v53 =	vmul.f32 $2.550000000e+02, v63;
	v33 =	vcvt.f32.s32 v33  }
0x22a: {  	v18 =	vld [tilespmem:s14+$0x14000];
	v29 =	vshll.u32 v29, $0xA;
	v2 =	vshll.u32 v2, $0x5;
	v4 =	vmul.f32 $2.550000000e+02, v4  }
0x22b: {  	v60 =	vld [tilespmem:s14+$0x12010];
	v36 =	vmul.f32 $1.250000000e-01, v53;
	v0 =	vadd.s32 v29, v2;
	v29 =	vmul.f32 $2.550000000e+02, v48  }
0x22c: {  	v19 =	vld [tilespmem:s14+$0x13000];
	v0 =	vadd.s32 v30, v0;
	v62 =	vmul.f32 $1.250000000e-01, v4;
	v4 =	vadd.f32 v28, v8  }
0x22d: {  	v53 =	vld [tilespmem:s14+$0x12850];
	v8 =	vmul.f32 $2.550000000e+02, v58;
	v36 =	vtrunc.f32 v36;
	v51 =	vmin.u32 v0, $0x7FFF  }
0x22e: {  	v2 =	vld [tilespmem:s14+$0x13070];
	v0 =	vadd.f32 v7, v12;
	v7 =	vmul.f32 $1.250000000e-01, v35;
	v12 =	vmul.f32 $1.250000000e-01, v44  }
0x22f: {  	v57 =	vsub.f32 v45, v46;
	v48 =	vld [tilespmem:s14+$0x12050];
	v29 =	vmul.f32 $1.250000000e-01, v29;
	v35 =	vmul.f32 $2.550000000e+02, v52  }
0x230: {  	v56 =	vand.u32 $0x7FFFFFFF, v42;
	v30 =	vld [tilespmem:s14+$0x14870];
	v44 =	vmul.f32 $2.550000000e+02, v54;
	v52 =	vtrunc.f32 v11  }
0x231: {  	v42 =	vand.u32 $0x7FFFFFFF, v57;
	v28 =	vld [tilespmem:s14+$0x12030];
	v36 =	vcvt.f32.s32 v36;
	v50 =	vmul.f32 $1.250000000e-01, v8  }
0x232: {  	v11 =	vadd.f32 v24, v20;
	v20 =	vld [tilespmem:s14+$0x14800];
	v57 =	vtrunc.f32 v62;
	v37 =	vcvt.f32.s32 v52  }
0x233: {  	v8 =	vadd.f32 v25, v17;
	v17 =	vld [tilespmem:s14+$0x12800];
	v35 =	vmul.f32 $1.250000000e-01, v35;
	v61 =	vtrunc.f32 v7  }
0x234: {  	v6 =	vadd.f32 v31, v6;
	v62 =	vld [tilespmem:s14+$0x14030];
	v7 =	vmul.f32 $2.550000000e+02, v55;
	v44 =	vmul.f32 $1.250000000e-01, v44  }
0x235: {  	v33 =	vshll.u32 v33, $0xA;
	v52 =	vld [tilespmem:s14+$0x14840];
	v25 =	vtrunc.f32 v12;
	v24 =	vtrunc.f32 v29  }
0x236: {  	v12 =	vadd.f32 v27, v21;
	v21 =	vld [tilespmem:s14+$0x12810];
	v55 =	vtrunc.f32 v41;
	v40 =	vcvt.f32.s32 v57  }
0x237: {  	v57 =	vld [tilespmem:s14+$0x12860];
	v29 =	vmul.f32 $2.550000000e+02, v48;
	v25 =	vcvt.f32.s32 v25;
	v30 =	vsub.f32 v2, v30  }
0x238: {  	v48 =	vld [tilespmem:s14+$0x14830];
	v2 =	vadd.f32 v59, v13;
	v13 =	vmul.f32 $1.250000000e-01, v49;
	v49 =	vmul.f32 $1.250000000e-01, v7  }
0x239: {  	v59 =	vld [tilespmem:s14+$0x12000];
	v7 =	vadd.f32 v34, v16;
	v16 =	vmul.f32 $2.550000000e+02, v60;
	v28 =	vmul.f32 $2.550000000e+02, v28  }
0x23a: {  	v37 =	vshll.u32 v37, $0x5;
	v35 =	vtrunc.f32 v35;
	v58 =	vtrunc.f32 v44;
	v60 =	vld [tilespmem:s14+$0x14020]  }
0x23b: {  	v34 =	vtrunc.f32 v50;
	v50 =	vld [tilespmem:s14+$0x14040];
	v40 =	vshll.u32 v40, $0xA;
	v19 =	vsub.f32 v19, v20  }
0x23c: {  	v38 =	vld.idx.msk [tilespmem:v51+s6+$0x0], $0xffff;
	v29 =	vmul.f32 $1.250000000e-01, v29;
	v35 =	vcvt.f32.s32 v35;
	v25 =	vshll.u32 v25, $0xA  }
0x23d: {  	v51 =	vld [tilespmem:s14+$0x12060];
	v41 =	vcvt.f32.s32 v58;
	v34 =	vcvt.f32.s32 v34;
	v30 =	vand.u32 $0x7FFFFFFF, v30  }
0x23e: {  	v58 =	vld [tilespmem:s14+$0x13060];
	v27 =	vtrunc.f32 v13;
	v13 =	vadd.f32 v26, v22;
	v26 =	vtrunc.f32 v32  }
0x23f: {  	v22 =	vld [tilespmem:s14+$0x14010];
	v43 =	vtrunc.f32 v49;
	v17 =	vsub.f32 v17, v18;
	v20 =	vmul.f32 $1.250000000e-01, v16  }
0x240: {  	v28 =	vmul.f32 $1.250000000e-01, v28;
	v32 =	vcvt.f32.s32 v55;
	v49 =	vld [tilespmem:s14+$0x12840];
	v25 =	vadd.s32 v25, v37  }
0x241: {  	v55 =	vld [tilespmem:s14+$0x13050];
	v30 =	vadd.f32 v30, v56;
	v27 =	vcvt.f32.s32 v27;
	v26 =	vcvt.f32.s32 v26  }
0x242: {  	v56 =	vld [tilespmem:s14+$0x13010];
	v19 =	vand.u32 $0x7FFFFFFF, v19;
	v43 =	vcvt.f32.s32 v43;
	v29 =	vtrunc.f32 v29  }
0x243: {  	v35 =	vshll.u32 v35, $0x5;
	v16 =	vand.u32 $0x7FFFFFFF, v17;
	v17 =	vld [tilespmem:s14+$0x13020];
	v20 =	vtrunc.f32 v20  }
0x244: {  	v30 =	vadd.f32 v42, v30;
	v31 =	vmul.f32 $2.550000000e+02, v59;
	v42 =	vcvt.f32.s32 v61;
	v61 =	vld [tilespmem:s14+$0x12830]  }
0x245: {  	v41 =	vshll.u32 v41, $0x5;
	v28 =	vtrunc.f32 v28;
	v54 =	vmul.f32 $2.550000000e+02, v51;
	v51 =	vld [tilespmem:s14+$0x13040]  }
0x246: {  	v32 =	vshll.u32 v32, $0xA;
	v20 =	vcvt.f32.s32 v20;
	v18 =	vmul.f32 $1.250000000e-01, v31;
	v31 =	vld [tilespmem:s14+$0x12820]  }
0x247: {  	v29 =	vcvt.f32.s32 v29;
	v59 =	vmul.f32 $1.250000000e-01, v47;
	v21 =	vsub.f32 v21, v22;
	v22 =	vld [tilespmem:s14+$0x14820]  }
0x248: {  	v27 =	vshll.u32 v27, $0xA;
	v26 =	vshll.u32 v26, $0x5;
	v20 =	vadd.s32 v20, v25;
	v25 =	vld [tilespmem:s14+$0x13810]  }
0x249: {  	v44 =	vtrunc.f32 v59;
	v59 =	vadd.s32 v40, v41;
	v39 =	vmul.f32 $1.250000000e-01, v54;
	v54 =	vld [tilespmem:s14+$0x14050]  }
0x24a: {  	v30 =	vmul.f32 v30, v38;
	v63 =	vcvt.f32.s32 v44;
	v44 =	vld [tilespmem:s14+$0x14060];
	v29 =	vadd.s32 v29, v59  }
0x24b: {  	v59 =	vld [tilespmem:s14+$0x13850];
	v47 =	vand.u32 $0x7FFFFFFF, v21;
	v21 =	vcvt.f32.s32 v23;
	v23 =	vcvt.f32.s32 v24  }
0x24c: {  	v42 =	vshll.u32 v42, $0x5;
	v15 =	vadd.f32 v30, v15;
	v30 =	vld [tilespmem:s14+$0x14810];
	v18 =	vtrunc.f32 v18  }
0x24d: {  	v24 =	vld [tilespmem:s14+$0x13030];
	v39 =	vtrunc.f32 v39;
	v21 =	vshll.u32 v21, $0xA;
	v23 =	vshll.u32 v23, $0x5  }
0x24e: {  	v18 =	vcvt.f32.s32 v18;
	v21 =	vadd.s32 v21, v23;
	v23 =	vadd.s32 v27, v26;
	v26 =	vld [tilespmem:s14+$0x14860]  }
0x24f: {  	v28 =	vcvt.f32.s32 v28;
	v33 =	vadd.s32 v33, v42;
	v27 =	vcvt.f32.s32 v39;
	v39 =	vld [tilespmem:s14+$0x13800]  }
0x250: {  	v34 =	vshll.u32 v34, $0x5;
	v32 =	vadd.s32 v32, v35;
	v18 =	vadd.s32 v18, v33;
	v33 =	vld [tilespmem:s14+$0x15000]  }
0x251: {  	v43 =	vshll.u32 v43, $0xA;
	v23 =	vadd.s32 v28, v23;
	v28 =	vadd.s32 v36, v32;
	v32 =	vld [tilespmem:s14+$0x15010]  }
0x252: {  	v14 =	vadd.f32 v38, v14;
	v31 =	vsub.f32 v31, v60;
	v36 =	vmin.u32 v20, $0x7FFF;
	v20 =	vld [tilespmem:s14+$0x15020]  }
0x253: {  	v17 =	vsub.f32 v17, v22;
	v60 =	vsub.f32 v61, v62;
	v21 =	vadd.s32 v63, v21;
	v63 =	vld [tilespmem:s14+$0x13830]  }
0x254: {  	v34 =	vadd.s32 v43, v34;
	v61 =	vsub.f32 v49, v50;
	v30 =	vsub.f32 v56, v30;
	v56 =	vld [tilespmem:s14+$0x14850]  }
0x255: {  	v62 =	vsub.f32 v51, v52;
	v22 =	vmin.u32 v29, $0x7FFF;
	v27 =	vadd.s32 v27, v34;
	v34 =	vld [tilespmem:s14+$0x13820]  }
0x256: {  	v18 =	vmin.u32 v18, $0x7FFF;
	v53 =	vsub.f32 v53, v54;
	v35 =	vand.u32 $0x7FFFFFFF, v60;
	v60 =	vld [tilespmem:s14+$0x15050]  }
0x257: {  	v24 =	vsub.f32 v24, v48;
	v41 =	vmin.u32 v21, $0x7FFF;
	v38 =	vand.u32 $0x7FFFFFFF, v61;
	v61 =	vld [tilespmem:s14+$0x13860]  }
0x258: {  	v29 =	vand.u32 $0x7FFFFFFF, v31;
	v31 =	vand.u32 $0x7FFFFFFF, v17;
	v40 =	vand.u32 $0x7FFFFFFF, v62;
	v62 =	vld [tilespmem:s14+$0x15060]  }
0x259: {  	v21 =	vmin.u32 v27, $0x7FFF;
	v27 =	vand.u32 $0x7FFFFFFF, v30;
	v30 =	vld [tilespmem:s14+$0x15040];
	v26 =	vsub.f32 v58, v26  }
0x25a: {  	v43 =	vand.u32 $0x7FFFFFFF, v53;
	v17 =	vsub.f32 v39, v33;
	v54 =	vsub.f32 v55, v56;
	v56 =	vld [tilespmem:s14+$0x15030]  }
0x25b: {  	v55 =	vmin.u32 v23, $0x7FFF;
	v23 =	vsub.f32 v57, v44;
	v57 =	vmin.u32 v28, $0x7FFF;
	v28 =	vld [tilespmem:s14+$0x13840]  }
0x25c: {  	v58 =	vand.u32 $0x7FFFFFFF, v24;
	v33 =	vadd.f32 v19, v16;
	v32 =	vsub.f32 v25, v32  }
0x25d: {  	v24 =	vand.u32 $0x7FFFFFFF, v26;
	v34 =	vsub.f32 v34, v20;
	v26 =	vadd.f32 v27, v47  }
0x25e: {  	v25 =	vand.u32 $0x7FFFFFFF, v17;
	v17 =	vld.idx.msk [tilespmem:v36+s6+$0x0], $0xffff;
	v37 =	vsub.f32 v59, v60;
	v36 =	vsub.f32 v61, v62  }
0x25f: {  	v20 =	vld.idx.msk [tilespmem:v18+s6+$0x0], $0xffff;
	v27 =	vand.u32 $0x7FFFFFFF, v32;
	v45 =	vand.u32 $0x7FFFFFFF, v54;
	v42 =	vsub.f32 v63, v56  }
0x260: {  	v16 =	vld.idx.msk [tilespmem:v41+s6+$0x0], $0xffff;
	v23 =	vand.u32 $0x7FFFFFFF, v23;
	v63 =	vsub.f32 v28, v30;
	v28 =	vadd.f32 v31, v29  }
0x261: {  	v31 =	vand.u32 $0x7FFFFFFF, v34;
	v18 =	vld.idx.msk [tilespmem:v55+s6+$0x0], $0xffff;
	v29 =	vadd.f32 v58, v35;
	v30 =	vadd.f32 v40, v38  }
0x262: {  	s15 =	simm.s32 $0x20;
	s16 =	simm.s32 $0x200;
	s14 =	simm.s32 $0x0;
	v19 =	vld.idx.msk [tilespmem:v57+s6+$0x0], $0xffff;
	v34 =	vadd.f32 v45, v43;
	v32 =	vand.u32 $0x7FFFFFFF, v42;
	v35 =	vand.u32 $0x7FFFFFFF, v63  }
.LBB2_7:
0x263: {  	s17 =	sand.u32 $0x600, s16;
	s18 =	sand.u32 $0x180, s15;
	v25 =	vadd.f32 v25, v33;
	v22 =	vld.idx.msk [tilespmem:v22+s6+$0x0], $0xffff;
	v33 =	vand.u32 $0x7FFFFFFF, v37;
	v23 =	vadd.f32 v24, v23  }
0x264: {  	s14 =	sadd.s32 $0x8, s14;
	v24 =	vadd.f32 v27, v26;
	v26 =	vadd.f32 v31, v28;
	s17 =	sor.u32 s18, s17;
	v21 =	vld.idx.msk [tilespmem:v21+s6+$0x0], $0xffff;
	v27 =	vand.u32 $0x7FFFFFFF, v36  }
0x265: {  	v29 =	vadd.f32 v32, v29;
	v30 =	vadd.f32 v35, v30;
	p1 =	slt.u32 s14, $0x78;
	v28 =	vld [tilespmem:s17+$0x11070];
	v25 =	vmul.f32 v25, v20  }
0x266: {  	v32 =	vadd.f32 v33, v34;
	v24 =	vmul.f32 v24, v17;
	v23 =	vadd.f32 v27, v23;
	v31 =	vld [tilespmem:s17+$0x11870]  }
0x267: {  	v27 =	vld [tilespmem:s17+$0x12070];
	v0 =	vadd.f32 v25, v0;
	v25 =	vmul.f32 v26, v16;
	v26 =	vmul.f32 v29, v18  }
0x268: {  	v1 =	vadd.f32 v20, v1;
	v2 =	vadd.f32 v24, v2;
	v20 =	vmul.f32 v30, v19;
	v29 =	vld [tilespmem:s17+$0x11000]  }
0x269: {  	v24 =	vld [tilespmem:s17+$0x11800];
	v3 =	vadd.f32 v25, v3;
	v4 =	vadd.f32 v26, v4;
	v25 =	vmul.f32 v32, v22  }
0x26a: {  	v5 =	vadd.f32 v17, v5;
	v6 =	vadd.f32 v20, v6;
	v17 =	vmul.f32 v23, v21;
	v26 =	vld [tilespmem:s17+$0x11010]  }
0x26b: {  	v23 =	vmul.f32 $2.550000000e+02, v28;
	v20 =	vld [tilespmem:s17+$0x11810];
	v28 =	vmul.f32 $2.550000000e+02, v31;
	v7 =	vadd.f32 v25, v7  }
0x26c: {  	v8 =	vadd.f32 v16, v8;
	v9 =	vadd.f32 v17, v9;
	v25 =	vld [tilespmem:s17+$0x11020];
	v27 =	vmul.f32 $2.550000000e+02, v27  }
0x26d: {  	v10 =	vadd.f32 v18, v10;
	v17 =	vmul.f32 $1.250000000e-01, v23;
	v16 =	vld [tilespmem:s17+$0x11820];
	v23 =	vmul.f32 $1.250000000e-01, v28  }
0x26e: {  	v11 =	vadd.f32 v19, v11;
	v18 =	vmul.f32 $2.550000000e+02, v29;
	v28 =	vld [tilespmem:s17+$0x11030];
	v27 =	vmul.f32 $1.250000000e-01, v27  }
0x26f: {  	v12 =	vadd.f32 v22, v12;
	v17 =	vtrunc.f32 v17;
	v19 =	vld [tilespmem:s17+$0x11830];
	v23 =	vtrunc.f32 v23  }
0x270: {  	v13 =	vadd.f32 v21, v13;
	v17 =	vcvt.f32.s32 v17;
	v22 =	vld [tilespmem:s17+$0x11040];
	v23 =	vcvt.f32.s32 v23  }
0x271: {  	v21 =	vmul.f32 $2.550000000e+02, v24;
	v24 =	vtrunc.f32 v27;
	v27 =	vld [tilespmem:s17+$0x12870]  }
0x272: {  	v24 =	vcvt.f32.s32 v24;
	v17 =	vshll.u32 v17, $0xA;
	v23 =	vshll.u32 v23, $0x5;
	v29 =	vld [tilespmem:s17+$0x14070]  }
0x273: {  	v26 =	vmul.f32 $2.550000000e+02, v26;
	v20 =	vmul.f32 $2.550000000e+02, v20;
	v17 =	vadd.s32 v17, v23;
	v23 =	vld [tilespmem:s17+$0x13070]  }
0x274: {  	v25 =	vmul.f32 $2.550000000e+02, v25;
	v16 =	vmul.f32 $2.550000000e+02, v16;
	v17 =	vadd.s32 v24, v17;
	v24 =	vld [tilespmem:s17+$0x14870]  }
0x275: {  	v28 =	vmul.f32 $2.550000000e+02, v28;
	v19 =	vmul.f32 $2.550000000e+02, v19;
	v17 =	vmin.u32 v17, $0x7FFF;
	v30 =	vld [tilespmem:s17+$0x13870]  }
0x276: {  	v18 =	vmul.f32 $1.250000000e-01, v18;
	v22 =	vmul.f32 $2.550000000e+02, v22;
	v31 =	vld [tilespmem:s17+$0x15070]  }
0x277: {  	v21 =	vmul.f32 $1.250000000e-01, v21;
	v26 =	vmul.f32 $1.250000000e-01, v26;
	v32 =	vld [tilespmem:s17+$0x11840]  }
0x278: {  	v20 =	vmul.f32 $1.250000000e-01, v20;
	v25 =	vmul.f32 $1.250000000e-01, v25;
	v33 =	vld [tilespmem:s17+$0x11050]  }
0x279: {  	v16 =	vmul.f32 $1.250000000e-01, v16;
	v27 =	vsub.f32 v27, v29;
	v34 =	vld [tilespmem:s17+$0x11850];
	v23 =	vsub.f32 v23, v24  }
0x27a: {  	v19 =	vmul.f32 $1.250000000e-01, v19;
	v24 =	vmul.f32 $1.250000000e-01, v28;
	v17 =	vld.idx.msk [tilespmem:v17+s6+$0x0], $0xffff  }
0x27b: {  	v27 =	vand.u32 $0x7FFFFFFF, v27;
	v28 =	vld [tilespmem:s17+$0x11060];
	v23 =	vand.u32 $0x7FFFFFFF, v23;
	v29 =	vsub.f32 v30, v31  }
0x27c: {  	v22 =	vmul.f32 $1.250000000e-01, v22;
	v30 =	vmul.f32 $2.550000000e+02, v32;
	v31 =	vld [tilespmem:s17+$0x11860];
	v23 =	vadd.f32 v23, v27  }
0x27d: {  	v18 =	vtrunc.f32 v18;
	v27 =	vld [tilespmem:s17+$0x12000];
	v32 =	vmul.f32 $2.550000000e+02, v33;
	v29 =	vand.u32 $0x7FFFFFFF, v29  }
0x27e: {  	v33 =	vld [tilespmem:s17+$0x12010];
	v30 =	vmul.f32 $1.250000000e-01, v30;
	v34 =	vmul.f32 $2.550000000e+02, v34;
	v23 =	vadd.f32 v29, v23  }
0x27f: {  	v21 =	vtrunc.f32 v21;
	v29 =	vld [tilespmem:s17+$0x12020];
	v32 =	vmul.f32 $1.250000000e-01, v32  }
0x280: {  	v14 =	vadd.f32 v17, v14;
	v35 =	vld [tilespmem:s17+$0x12030];
	v28 =	vmul.f32 $2.550000000e+02, v28;
	v23 =	vmul.f32 v23, v17  }
0x281: {  	v34 =	vmul.f32 $1.250000000e-01, v34;
	v17 =	vld [tilespmem:s17+$0x12040];
	v31 =	vmul.f32 $2.550000000e+02, v31  }
0x282: {  	v27 =	vmul.f32 $2.550000000e+02, v27;
	v36 =	vld [tilespmem:s17+$0x12050];
	v28 =	vmul.f32 $1.250000000e-01, v28;
	v15 =	vadd.f32 v23, v15  }
0x283: {  	v23 =	vmul.f32 $2.550000000e+02, v33;
	v31 =	vmul.f32 $1.250000000e-01, v31;
	v33 =	vld [tilespmem:s17+$0x12060]  }
0x284: {  	v26 =	vtrunc.f32 v26;
	v37 =	vld [tilespmem:s17+$0x12800];
	v29 =	vmul.f32 $2.550000000e+02, v29  }
0x285: {  	v20 =	vtrunc.f32 v20;
	v38 =	vld [tilespmem:s17+$0x14000];
	v35 =	vmul.f32 $2.550000000e+02, v35  }
0x286: {  	v25 =	vtrunc.f32 v25;
	v39 =	vld [tilespmem:s17+$0x13000];
	v17 =	vmul.f32 $2.550000000e+02, v17  }
0x287: {  	v41 =	vtrunc.f32 v16;
	v40 =	vld [tilespmem:s17+$0x14800];
	v36 =	vmul.f32 $2.550000000e+02, v36  }
0x288: {  	v24 =	vtrunc.f32 v24;
	v42 =	vld [tilespmem:s17+$0x12810];
	v33 =	vmul.f32 $2.550000000e+02, v33  }
0x289: {  	v19 =	vtrunc.f32 v19;
	v22 =	vtrunc.f32 v22;
	v43 =	vld [tilespmem:s17+$0x14010]  }
0x28a: {  	v30 =	vtrunc.f32 v30;
	v32 =	vtrunc.f32 v32;
	v16 =	vsub.f32 v37, v38;
	v37 =	vld [tilespmem:s17+$0x13010]  }
0x28b: {  	v34 =	vtrunc.f32 v34;
	v28 =	vtrunc.f32 v28;
	v38 =	vld [tilespmem:s17+$0x14810]  }
0x28c: {  	v27 =	vmul.f32 $1.250000000e-01, v27;
	v31 =	vtrunc.f32 v31;
	v39 =	vsub.f32 v39, v40;
	v40 =	vld [tilespmem:s17+$0x12820]  }
0x28d: {  	v23 =	vmul.f32 $1.250000000e-01, v23;
	v29 =	vmul.f32 $1.250000000e-01, v29;
	v16 =	vand.u32 $0x7FFFFFFF, v16;
	v44 =	vld [tilespmem:s17+$0x14020]  }
0x28e: {  	v35 =	vmul.f32 $1.250000000e-01, v35;
	v45 =	vmul.f32 $1.250000000e-01, v17;
	v42 =	vsub.f32 v42, v43;
	v43 =	vld [tilespmem:s17+$0x13020]  }
0x28f: {  	v36 =	vmul.f32 $1.250000000e-01, v36;
	v33 =	vmul.f32 $1.250000000e-01, v33;
	v17 =	vand.u32 $0x7FFFFFFF, v39;
	v39 =	vld [tilespmem:s17+$0x14820]  }
0x290: {  	v46 =	vcvt.f32.s32 v18;
	v21 =	vcvt.f32.s32 v21;
	v37 =	vsub.f32 v37, v38;
	v38 =	vld [tilespmem:s17+$0x12830]  }
0x291: {  	v26 =	vcvt.f32.s32 v26;
	v20 =	vcvt.f32.s32 v20;
	v18 =	vand.u32 $0x7FFFFFFF, v42;
	v42 =	vld [tilespmem:s17+$0x14030]  }
0x292: {  	v46 =	vshll.u32 v46, $0xA;
	v25 =	vcvt.f32.s32 v25;
	v41 =	vcvt.f32.s32 v41;
	v47 =	vld [tilespmem:s17+$0x13030]  }
0x293: {  	v21 =	vshll.u32 v21, $0x5;
	v19 =	vcvt.f32.s32 v19;
	v24 =	vcvt.f32.s32 v24;
	v48 =	vld [tilespmem:s17+$0x14830]  }
0x294: {  	v26 =	vshll.u32 v26, $0xA;
	v22 =	vcvt.f32.s32 v22;
	v30 =	vcvt.f32.s32 v30;
	v49 =	vld [tilespmem:s17+$0x12840]  }
0x295: {  	v20 =	vshll.u32 v20, $0x5;
	v32 =	vcvt.f32.s32 v32;
	v34 =	vcvt.f32.s32 v34;
	v50 =	vld [tilespmem:s17+$0x14040]  }
0x296: {  	v25 =	vshll.u32 v25, $0xA;
	v28 =	vcvt.f32.s32 v28;
	v31 =	vcvt.f32.s32 v31;
	v51 =	vld [tilespmem:s17+$0x13040]  }
0x297: {  	v41 =	vshll.u32 v41, $0x5;
	v27 =	vtrunc.f32 v27;
	v23 =	vtrunc.f32 v23;
	v52 =	vld [tilespmem:s17+$0x14840]  }
0x298: {  	v24 =	vshll.u32 v24, $0xA;
	v29 =	vtrunc.f32 v29;
	v35 =	vtrunc.f32 v35;
	v53 =	vld [tilespmem:s17+$0x12850]  }
0x299: {  	v19 =	vshll.u32 v19, $0x5;
	v45 =	vtrunc.f32 v45;
	v36 =	vtrunc.f32 v36;
	v54 =	vld [tilespmem:s17+$0x14050]  }
0x29a: {  	v22 =	vshll.u32 v22, $0xA;
	v30 =	vshll.u32 v30, $0x5;
	v33 =	vtrunc.f32 v33;
	v55 =	vld [tilespmem:s17+$0x13050]  }
0x29b: {  	v32 =	vshll.u32 v32, $0xA;
	v34 =	vshll.u32 v34, $0x5;
	v28 =	vshll.u32 v28, $0xA;
	v56 =	vld [tilespmem:s17+$0x14850]  }
0x29c: {  	v27 =	vcvt.f32.s32 v27;
	v23 =	vcvt.f32.s32 v23;
	v31 =	vshll.u32 v31, $0x5;
	v57 =	vld [tilespmem:s17+$0x12860]  }
0x29d: {  	v21 =	vadd.s32 v46, v21;
	v29 =	vcvt.f32.s32 v29;
	v35 =	vcvt.f32.s32 v35;
	v46 =	vld [tilespmem:s17+$0x14060]  }
0x29e: {  	v20 =	vadd.s32 v26, v20;
	v26 =	vcvt.f32.s32 v45;
	v36 =	vcvt.f32.s32 v36;
	v45 =	vld [tilespmem:s17+$0x13060]  }
0x29f: {  	v25 =	vadd.s32 v25, v41;
	v19 =	vadd.s32 v24, v19;
	v24 =	vcvt.f32.s32 v33;
	v33 =	vld [tilespmem:s17+$0x14860]  }
0x2a0: {  	v22 =	vadd.s32 v22, v30;
	v30 =	vadd.s32 v32, v34;
	v28 =	vadd.s32 v28, v31;
	v41 =	vld [tilespmem:s17+$0x13800]  }
0x2a1: {  	v21 =	vadd.s32 v27, v21;
	v20 =	vadd.s32 v23, v20;
	v23 =	vadd.s32 v29, v25;
	v27 =	vld [tilespmem:s17+$0x15000]  }
0x2a2: {  	v19 =	vadd.s32 v35, v19;
	v22 =	vadd.s32 v26, v22;
	v26 =	vadd.s32 v36, v30;
	v25 =	vld [tilespmem:s17+$0x13810]  }
0x2a3: {  	v24 =	vadd.s32 v24, v28;
	v30 =	vsub.f32 v40, v44;
	v31 =	vsub.f32 v43, v39;
	v29 =	vld [tilespmem:s17+$0x15010]  }
0x2a4: {  	v28 =	vmin.u32 v21, $0x7FFF;
	v34 =	vsub.f32 v38, v42;
	v35 =	vsub.f32 v47, v48;
	v32 =	vld [tilespmem:s17+$0x13820]  }
0x2a5: {  	v36 =	vmin.u32 v20, $0x7FFF;
	v38 =	vsub.f32 v49, v50;
	v39 =	vsub.f32 v51, v52;
	v20 =	vld [tilespmem:s17+$0x15020]  }
0x2a6: {  	v40 =	vmin.u32 v23, $0x7FFF;
	v23 =	vsub.f32 v53, v54;
	v43 =	vsub.f32 v55, v56;
	v42 =	vld [tilespmem:s17+$0x13830]  }
0x2a7: {  	v19 =	vmin.u32 v19, $0x7FFF;
	v46 =	vsub.f32 v57, v46;
	v33 =	vsub.f32 v45, v33;
	v44 =	vld [tilespmem:s17+$0x15030]  }
0x2a8: {  	v21 =	vmin.u32 v24, $0x7FFF;
	v45 =	vmin.u32 v22, $0x7FFF;
	v22 =	vmin.u32 v26, $0x7FFF;
	v47 =	vld [tilespmem:s17+$0x13840]  }
0x2a9: {  	v30 =	vand.u32 $0x7FFFFFFF, v30;
	v31 =	vand.u32 $0x7FFFFFFF, v31;
	v26 =	vand.u32 $0x7FFFFFFF, v37;
	v37 =	vld [tilespmem:s17+$0x15040]  }
0x2aa: {  	v34 =	vand.u32 $0x7FFFFFFF, v34;
	v35 =	vand.u32 $0x7FFFFFFF, v35;
	v38 =	vand.u32 $0x7FFFFFFF, v38;
	v48 =	vld [tilespmem:s17+$0x13850]  }
0x2ab: {  	v39 =	vand.u32 $0x7FFFFFFF, v39;
	v49 =	vand.u32 $0x7FFFFFFF, v23;
	v43 =	vand.u32 $0x7FFFFFFF, v43;
	v50 =	vld [tilespmem:s17+$0x15050]  }
0x2ac: {  	v23 =	vand.u32 $0x7FFFFFFF, v46;
	v27 =	vsub.f32 v41, v27;
	v24 =	vand.u32 $0x7FFFFFFF, v33;
	v41 =	vld [tilespmem:s17+$0x13860]  }
0x2ad: {  	v29 =	vsub.f32 v25, v29;
	v32 =	vsub.f32 v32, v20;
	v46 =	vld [tilespmem:s17+$0x15060]  }
.Ltmp4:
0x2ae: {  	v25 =	vand.u32 $0x7FFFFFFF, v27;
	v42 =	vsub.f32 v42, v44;
	v20 =	vld.idx.msk [tilespmem:v28+s6+$0x0], $0xffff;
	v44 =	vsub.f32 v47, v37;
	(pc) =	sbr.rel @p1 .LBB2_7-.Ltmp4, $4  }
0x2af: {  	v26 =	vadd.f32 v26, v18;
	v33 =	vadd.f32 v17, v16;
	v27 =	vand.u32 $0x7FFFFFFF, v29;
	v17 =	vld.idx.msk [tilespmem:v36+s6+$0x0], $0xffff  }
0x2b0: {  	v28 =	vadd.f32 v31, v30;
	v31 =	vand.u32 $0x7FFFFFFF, v32;
	v16 =	vld.idx.msk [tilespmem:v40+s6+$0x0], $0xffff;
	v37 =	vsub.f32 v48, v50  }
0x2b1: {  	v29 =	vadd.f32 v35, v34;
	v32 =	vand.u32 $0x7FFFFFFF, v42;
	v30 =	vadd.f32 v39, v38;
	v18 =	vld.idx.msk [tilespmem:v19+s6+$0x0], $0xffff  }
0x2b2: {  	s15 =	sadd.s32 $0x20, s15;
	s16 =	sadd.s32 $0x200, s16;
	v34 =	vadd.f32 v43, v49;
	v35 =	vand.u32 $0x7FFFFFFF, v44;
	v19 =	vld.idx.msk [tilespmem:v45+s6+$0x0], $0xffff;
	v36 =	vsub.f32 v41, v46  }
0x2b3: {  	_ =	sdelay $0x1  }
0x2b4: {  	s14 =	sadd.s32 @!p0 s13, s21  }
0x2b5: {  	s16 =	simm.s32 @!p0 $0x200;
	s14 =	sshrl.u32 @!p0 s14, $0x3  }
0x2b6: {  	v22 =	vld.idx.msk [tilespmem:v22+s6+$0x0], $0xffff;
	s17 =	simm.s32 @!p0 $0x400;
	s18 =	simm.s32 @!p0 $0x11000;
	s15 =	sadd.s32 @!p0 s3, s14  }
0x2b7: {  	v21 =	vld.idx.msk [tilespmem:v21+s6+$0x0], $0xffff;
	[tilespmem:s18], [sflag:$0x3] =	stream.strided.gather @!p0 [hbm4b:s15+s16], $0x800, s17, s16, $0x38  }
0x2b8: {  	s19 =	simm.s32 @!p0 $0x11800;
	s18 =	sadd.s32 @!p0 $0x8000, s15  }
0x2b9: {  	[tilespmem:s19], [sflag:$0x3] =	stream.strided.gather @!p0 [hbm4b:s18+s16], $0x800, s17, s16, $0x38;
	[tilespmem:$0x1A100] =	vst v63  }
0x2ba: {  	s15 =	sadd.s32 @!p0 $0x10000, s15;
	s18 =	simm.s32 @!p0 $0x12000  }
0x2bb: {  	[tilespmem:s18], [sflag:$0x3] =	stream.strided.gather @!p0 [hbm4b:s15+s16], $0x800, s17, s16, $0x38;
	[tilespmem:$0x1A100] =	vst v63  }
0x2bc: {  	s15 =	sadd.s32 @!p0 s1, s14;
	s18 =	simm.s32 @!p0 $0x12800  }
0x2bd: {  	[tilespmem:s18], [sflag:$0x3] =	stream.strided.gather @!p0 [hbm4b:s15+s16], $0x800, s17, s16, $0x38;
	[tilespmem:$0x1A100] =	vst v63  }
0x2be: {  	s19 =	simm.s32 @!p0 $0x13000;
	s18 =	sadd.s32 @!p0 $0x8000, s15  }
0x2bf: {  	[tilespmem:s19], [sflag:$0x3] =	stream.strided.gather @!p0 [hbm4b:s18+s16], $0x800, s17, s16, $0x38;
	[tilespmem:$0x1A100] =	vst v63  }
0x2c0: {  	s15 =	sadd.s32 @!p0 $0x10000, s15;
	s18 =	simm.s32 @!p0 $0x13800  }
0x2c1: {  	[tilespmem:s18], [sflag:$0x3] =	stream.strided.gather @!p0 [hbm4b:s15+s16], $0x800, s17, s16, $0x38;
	[tilespmem:$0x1A100] =	vst v63  }
0x2c2: {  	s14 =	sadd.s32 @!p0 s2, s14;
	s15 =	simm.s32 @!p0 $0x14000  }
0x2c3: {  	[tilespmem:s15], [sflag:$0x3] =	stream.strided.gather @!p0 [hbm4b:s14+s16], $0x800, s17, s16, $0x38;
	[tilespmem:$0x1A100] =	vst v63  }
0x2c4: {  	s18 =	simm.s32 @!p0 $0x14800;
	s15 =	sadd.s32 @!p0 $0x8000, s14  }
0x2c5: {  	[tilespmem:s18], [sflag:$0x3] =	stream.strided.gather @!p0 [hbm4b:s15+s16], $0x800, s17, s16, $0x38;
	[tilespmem:$0x1A100] =	vst v63  }
0x2c6: {  	s14 =	sadd.s32 @!p0 $0x10000, s14;
	s15 =	simm.s32 @!p0 $0x15000  }
0x2c7: {  	[tilespmem:s15], [sflag:$0x3] =	stream.strided.gather @!p0 [hbm4b:s14+s16], $0x800, s17, s16, $0x38;
	[tilespmem:$0x1A100] =	vst v63  }
0x2c8: {  	s18 =	simm.s32 $0x0;
	_ =	swait.ge [sflag:s10], $0x4800  }
0x2c9: {  	s19 =	sand.u32 $0x600, s18;
	s14 =	sand.u32 $0x180, s18;
	[sflag:s10] =	ssyncset.done $0x0  }
0x2ca: {  	s14 =	sor.u32 s14, s19;
	[sflag:s10] =	ssyncadd.s32 $0xFFFFB800  }
0x2cb: {  	v55 =	vld [tilespmem:s14+$0x15870]  }
0x2cc: {  	v23 =	vadd.f32 v24, v23;
	v24 =	vadd.f32 v27, v26;
	v26 =	vld [tilespmem:s14+$0x16070]  }
0x2cd: {  	v27 =	vadd.f32 v31, v28;
	v28 =	vadd.f32 v32, v29;
	v29 =	vld [tilespmem:s14+$0x16870]  }
0x2ce: {  	v56 =	vld [tilespmem:s14+$0x15800]  }
0x2cf: {  	v58 =	vld [tilespmem:s14+$0x16000]  }
0x2d0: {  	v59 =	vld [tilespmem:s14+$0x15810]  }
0x2d1: {  	v60 =	vld [tilespmem:s14+$0x16010]  }
0x2d2: {  	v25 =	vadd.f32 v25, v33;
	v61 =	vld [tilespmem:s14+$0x15820]  }
0x2d3: {  	v37 =	vand.u32 $0x7FFFFFFF, v37;
	v30 =	vadd.f32 v35, v30;
	v38 =	vld [tilespmem:s14+$0x16020]  }
0x2d4: {  	v31 =	vadd.f32 v37, v34;
	v57 =	vand.u32 $0x7FFFFFFF, v36;
	v25 =	vmul.f32 v25, v20;
	v39 =	vld [tilespmem:s14+$0x15830]  }
0x2d5: {  	v24 =	vmul.f32 v24, v17;
	v27 =	vmul.f32 v27, v16;
	v23 =	vadd.f32 v57, v23;
	v40 =	vld [tilespmem:s14+$0x16030]  }
0x2d6: {  	v28 =	vmul.f32 v28, v18;
	v30 =	vmul.f32 v30, v19;
	v41 =	vld [tilespmem:s14+$0x15840]  }
0x2d7: {  	v31 =	vmul.f32 v31, v22;
	v23 =	vmul.f32 v23, v21;
	v46 =	vld [tilespmem:s14+$0x16050]  }
0x2d8: {  	v54 =	vld [tilespmem:s14+$0x16060];
	v33 =	vmul.f32 $2.550000000e+02, v55;
	v26 =	vmul.f32 $2.550000000e+02, v26  }
0x2d9: {  	v3 =	vadd.f32 v27, v3;
	v27 =	vld [tilespmem:s14+$0x16820];
	v29 =	vmul.f32 $2.550000000e+02, v29;
	v32 =	vmul.f32 $2.550000000e+02, v56  }
0x2da: {  	v4 =	vadd.f32 v28, v4;
	v28 =	vld [tilespmem:s14+$0x16830];
	v35 =	vmul.f32 $2.550000000e+02, v58;
	v34 =	vmul.f32 $2.550000000e+02, v59  }
0x2db: {  	v36 =	vmul.f32 $2.550000000e+02, v60;
	v37 =	vmul.f32 $2.550000000e+02, v61  }
0x2dc: {  	v38 =	vmul.f32 $2.550000000e+02, v38;
	v39 =	vmul.f32 $2.550000000e+02, v39  }
0x2dd: {  	v42 =	vld [tilespmem:s14+$0x17070];
	v40 =	vmul.f32 $2.550000000e+02, v40;
	v41 =	vmul.f32 $2.550000000e+02, v41  }
0x2de: {  	v5 =	vadd.f32 v17, v5;
	v44 =	vld [tilespmem:s14+$0x18070];
	v57 =	vmul.f32 $2.550000000e+02, v46;
	v17 =	vmul.f32 $2.550000000e+02, v54  }
0x2df: {  	v45 =	vld [tilespmem:s14+$0x19870];
	v27 =	vmul.f32 $2.550000000e+02, v27;
	v28 =	vmul.f32 $2.550000000e+02, v28  }
0x2e0: {  	v63 =	vld [tilespmem:s14+$0x16040];
	v33 =	vmul.f32 $1.250000000e-01, v33;
	v26 =	vmul.f32 $1.250000000e-01, v26  }
0x2e1: {  	v49 =	vld [tilespmem:s14+$0x15850];
	v29 =	vmul.f32 $1.250000000e-01, v29;
	v32 =	vmul.f32 $1.250000000e-01, v32  }
0x2e2: {  	v0 =	vadd.f32 v25, v0;
	v51 =	vld [tilespmem:s14+$0x15860];
	v25 =	vmul.f32 $1.250000000e-01, v35;
	v34 =	vmul.f32 $1.250000000e-01, v34  }
0x2e3: {  	v1 =	vadd.f32 v20, v1;
	v43 =	vld [tilespmem:s14+$0x18870];
	v20 =	vmul.f32 $1.250000000e-01, v36;
	v48 =	vmul.f32 $1.250000000e-01, v37  }
0x2e4: {  	v2 =	vadd.f32 v24, v2;
	v38 =	vmul.f32 $1.250000000e-01, v38;
	v24 =	vmul.f32 $1.250000000e-01, v39  }
0x2e5: {  	v50 =	vmul.f32 $1.250000000e-01, v40;
	v41 =	vmul.f32 $1.250000000e-01, v41  }
0x2e6: {  	v35 =	vmul.f32 $2.550000000e+02, v63;
	v37 =	vmul.f32 $2.550000000e+02, v49  }
0x2e7: {  	v53 =	vsub.f32 v44, v45;
	v39 =	vmul.f32 $2.550000000e+02, v51;
	v45 =	vmul.f32 $1.250000000e-01, v57  }
0x2e8: {  	v42 =	vsub.f32 v42, v43;
	v43 =	vmul.f32 $1.250000000e-01, v17;
	v27 =	vmul.f32 $1.250000000e-01, v27  }
0x2e9: {  	v28 =	vmul.f32 $1.250000000e-01, v28;
	v33 =	vtrunc.f32 v33  }
0x2ea: {  	v26 =	vtrunc.f32 v26;
	v29 =	vtrunc.f32 v29  }
0x2eb: {  	v62 =	vld [tilespmem:s14+$0x17870];
	v32 =	vtrunc.f32 v32;
	v35 =	vmul.f32 $1.250000000e-01, v35  }
0x2ec: {  	v16 =	vadd.f32 v16, v8;
	v8 =	vld [tilespmem:s14+$0x17000];
	v25 =	vtrunc.f32 v25;
	v37 =	vmul.f32 $1.250000000e-01, v37  }
0x2ed: {  	v55 =	vld [tilespmem:s14+$0x16800];
	v39 =	vmul.f32 $1.250000000e-01, v39;
	v34 =	vtrunc.f32 v34  }
0x2ee: {  	v56 =	vld [tilespmem:s14+$0x16810];
	v17 =	vadd.f32 v23, v9;
	v23 =	vtrunc.f32 v20;
	v36 =	vtrunc.f32 v48  }
0x2ef: {  	v59 =	vld [tilespmem:s14+$0x16850];
	v38 =	vtrunc.f32 v38;
	v20 =	vadd.f32 v22, v12;
	v22 =	vtrunc.f32 v24  }
0x2f0: {  	v18 =	vadd.f32 v18, v10;
	v60 =	vld [tilespmem:s14+$0x16860];
	v41 =	vtrunc.f32 v41;
	v61 =	vtrunc.f32 v45  }
0x2f1: {  	v19 =	vadd.f32 v19, v11;
	v10 =	vld [tilespmem:s14+$0x17800];
	v43 =	vtrunc.f32 v43;
	v27 =	vtrunc.f32 v27  }
0x2f2: {  	v21 =	vadd.f32 v21, v13;
	v11 =	vld [tilespmem:s14+$0x19000];
	v28 =	vtrunc.f32 v28;
	v33 =	vcvt.f32.s32 v33  }
0x2f3: {  	v6 =	vadd.f32 v30, v6;
	v13 =	vld [tilespmem:s14+$0x18810];
	v26 =	vcvt.f32.s32 v26;
	v29 =	vcvt.f32.s32 v29  }
0x2f4: {  	v7 =	vadd.f32 v31, v7;
	v58 =	vld [tilespmem:s14+$0x16840];
	v30 =	vmul.f32 $2.550000000e+02, v55;
	v31 =	vmul.f32 $2.550000000e+02, v56  }
0x2f5: {  	v46 =	vld [tilespmem:s14+$0x17030];
	v40 =	vmul.f32 $2.550000000e+02, v59;
	v24 =	vmul.f32 $2.550000000e+02, v60  }
0x2f6: {  	v54 =	vld [tilespmem:s14+$0x18850];
	v32 =	vcvt.f32.s32 v32;
	v25 =	vcvt.f32.s32 v25  }
0x2f7: {  	v10 =	vsub.f32 v10, v11;
	v9 =	vld [tilespmem:s14+$0x18800];
	v23 =	vcvt.f32.s32 v23;
	v22 =	vcvt.f32.s32 v22  }
0x2f8: {  	v52 =	vand.u32 $0x7FFFFFFF, v42;
	v63 =	vld [tilespmem:s14+$0x17830];
	v41 =	vcvt.f32.s32 v41;
	v44 =	vcvt.f32.s32 v61  }
0x2f9: {  	v42 =	vand.u32 $0x7FFFFFFF, v53;
	v49 =	vld [tilespmem:s14+$0x17040];
	v43 =	vcvt.f32.s32 v43;
	v27 =	vcvt.f32.s32 v27  }
0x2fa: {  	v10 =	vand.u32 $0x7FFFFFFF, v10;
	v51 =	vld [tilespmem:s14+$0x17840];
	v28 =	vcvt.f32.s32 v28;
	v35 =	vtrunc.f32 v35  }
0x2fb: {  	v53 =	vld [tilespmem:s14+$0x17050];
	v37 =	vtrunc.f32 v37;
	v39 =	vtrunc.f32 v39;
	v33 =	vshll.u32 v33, $0xA  }
0x2fc: {  	v57 =	vld [tilespmem:s14+$0x17060];
	v8 =	vsub.f32 v8, v9;
	v9 =	vmul.f32 $1.250000000e-01, v30;
	v11 =	vmul.f32 $1.250000000e-01, v31  }
0x2fd: {  	v12 =	vld [tilespmem:s14+$0x17010];
	v26 =	vshll.u32 v26, $0x5;
	v40 =	vmul.f32 $1.250000000e-01, v40;
	v24 =	vmul.f32 $1.250000000e-01, v24  }
0x2fe: {  	v45 =	vld [tilespmem:s14+$0x17820];
	v32 =	vshll.u32 v32, $0xA;
	v25 =	vshll.u32 v25, $0x5;
	v35 =	vcvt.f32.s32 v35  }
0x2ff: {  	v48 =	vld [tilespmem:s14+$0x19030];
	v37 =	vcvt.f32.s32 v37;
	v23 =	vshll.u32 v23, $0x5;
	v39 =	vcvt.f32.s32 v39  }
0x300: {  	v55 =	vld [tilespmem:s14+$0x17850];
	v22 =	vshll.u32 v22, $0xA;
	v41 =	vshll.u32 v41, $0xA;
	v26 =	vadd.s32 v33, v26  }
0x301: {  	v44 =	vshll.u32 v44, $0x5;
	v43 =	vshll.u32 v43, $0x5;
	v26 =	vadd.s32 v29, v26;
	v29 =	vld [tilespmem:s14+$0x19070]  }
0x302: {  	v56 =	vld [tilespmem:s14+$0x19050];
	v54 =	vsub.f32 v53, v54;
	v33 =	vtrunc.f32 v50;
	v25 =	vadd.s32 v32, v25  }
0x303: {  	v59 =	vld [tilespmem:s14+$0x18860];
	v8 =	vand.u32 $0x7FFFFFFF, v8;
	v33 =	vcvt.f32.s32 v33;
	v26 =	vmin.u32 v26, $0x7FFF  }
0x304: {  	v60 =	vld [tilespmem:s14+$0x17860];
	v12 =	vsub.f32 v12, v13;
	v9 =	vtrunc.f32 v9;
	v11 =	vtrunc.f32 v11  }
0x305: {  	v61 =	vld [tilespmem:s14+$0x19060];
	v40 =	vtrunc.f32 v40;
	v35 =	vshll.u32 v35, $0x5;
	v24 =	vtrunc.f32 v24  }
0x306: {  	v30 =	vld [tilespmem:s14+$0x17020];
	v37 =	vshll.u32 v37, $0xA;
	v9 =	vcvt.f32.s32 v9;
	v29 =	vsub.f32 v62, v29  }
0x307: {  	v31 =	vld [tilespmem:s14+$0x18820];
	v39 =	vshll.u32 v39, $0xA;
	v11 =	vcvt.f32.s32 v11;
	v40 =	vcvt.f32.s32 v40  }
0x308: {  	v24 =	vcvt.f32.s32 v24;
	v35 =	vadd.s32 v41, v35;
	v26 =	vld.idx.msk [tilespmem:v26+s6+$0x0], $0xffff;
	v29 =	vand.u32 $0x7FFFFFFF, v29  }
0x309: {  	v50 =	vld [tilespmem:s14+$0x18840];
	v37 =	vadd.s32 v37, v44;
	v39 =	vadd.s32 v39, v43;
	v29 =	vadd.f32 v29, v52  }
0x30a: {  	v13 =	vld [tilespmem:s14+$0x19020];
	v55 =	vsub.f32 v55, v56;
	v32 =	vsub.f32 v57, v59;
	v44 =	vand.u32 $0x7FFFFFFF, v54  }
0x30b: {  	v43 =	vld [tilespmem:s14+$0x18030];
	v47 =	vand.u32 $0x7FFFFFFF, v12;
	v33 =	vshll.u32 v33, $0x5;
	v29 =	vadd.f32 v42, v29  }
0x30c: {  	v12 =	vcvt.f32.s32 v36;
	v22 =	vadd.s32 v22, v33;
	v9 =	vadd.s32 v9, v25;
	v25 =	vld [tilespmem:s14+$0x19800]  }
0x30d: {  	v30 =	vsub.f32 v30, v31;
	v24 =	vadd.s32 v24, v39;
	v31 =	vld [tilespmem:s14+$0x18020];
	v29 =	vmul.f32 v29, v26  }
0x30e: {  	v33 =	vsub.f32 v60, v61;
	v62 =	vcvt.f32.s32 v38;
	v14 =	vadd.f32 v26, v14;
	v26 =	vld [tilespmem:s14+$0x17810]  }
0x30f: {  	v12 =	vshll.u32 v12, $0xA;
	v22 =	vadd.s32 v28, v22;
	v15 =	vadd.f32 v29, v15;
	v29 =	vld [tilespmem:s14+$0x19010]  }
0x310: {  	v28 =	vadd.s32 v40, v37;
	v9 =	vmin.u32 v9, $0x7FFF;
	v38 =	vld [tilespmem:s14+$0x19820];
	v36 =	vshll.u32 v62, $0x5  }
0x311: {  	v13 =	vsub.f32 v45, v13;
	v56 =	vmin.u32 v22, $0x7FFF;
	v52 =	vld [tilespmem:s14+$0x19040];
	v12 =	vadd.s32 v12, v36  }
0x312: {  	v22 =	vld [tilespmem:s14+$0x19830];
	v45 =	vand.u32 $0x7FFFFFFF, v55;
	v12 =	vadd.s32 v27, v12;
	v42 =	vmul.f32 $2.550000000e+02, v58  }
0x313: {  	v41 =	vmin.u32 v12, $0x7FFF;
	v58 =	vld [tilespmem:s14+$0x18040];
	v12 =	vmin.u32 v28, $0x7FFF;
	v28 =	vand.u32 $0x7FFFFFFF, v30  }
0x314: {  	v30 =	vld [tilespmem:s14+$0x19840];
	v42 =	vmul.f32 $1.250000000e-01, v42;
	v26 =	vsub.f32 v26, v29;
	v29 =	vcvt.f32.s32 v34  }
0x315: {  	v62 =	vsub.f32 v63, v48;
	v63 =	vsub.f32 v49, v50;
	v59 =	vand.u32 $0x7FFFFFFF, v13;
	v34 =	vld [tilespmem:s14+$0x18830]  }
0x316: {  	v60 =	vld [tilespmem:s14+$0x18050];
	v52 =	vsub.f32 v51, v52;
	v42 =	vtrunc.f32 v42;
	v29 =	vshll.u32 v29, $0xA  }
0x317: {  	v61 =	vld [tilespmem:s14+$0x19850];
	v39 =	vand.u32 $0x7FFFFFFF, v63;
	v23 =	vadd.s32 v29, v23;
	v29 =	vcvt.f32.s32 v42  }
0x318: {  	v36 =	vld [tilespmem:s14+$0x18000];
	v31 =	vsub.f32 v31, v38;
	v43 =	vsub.f32 v43, v22;
	v40 =	vand.u32 $0x7FFFFFFF, v52  }
0x319: {  	v48 =	vsub.f32 v58, v30;
	v11 =	vadd.s32 v11, v23;
	v23 =	vld [tilespmem:s14+$0x18010];
	v27 =	vadd.s32 v29, v35  }
0x31a: {  	v29 =	vld [tilespmem:s14+$0x19810];
	v34 =	vsub.f32 v46, v34;
	v37 =	vmin.u32 v11, $0x7FFF;
	v11 =	vmin.u32 v24, $0x7FFF  }
0x31b: {  	v63 =	vld [tilespmem:s14+$0x19860];
	v24 =	vand.u32 $0x7FFFFFFF, v26;
	v35 =	vand.u32 $0x7FFFFFFF, v62;
	v57 =	vmin.u32 v27, $0x7FFF  }
0x31c: {  	v62 =	vld [tilespmem:s14+$0x18060];
	v26 =	vand.u32 $0x7FFFFFFF, v33;
	v33 =	vand.u32 $0x7FFFFFFF, v31;
	v31 =	vadd.f32 v40, v39  }
0x31d: {  	v13 =	vld.idx.msk [tilespmem:v9+s6+$0x0], $0xffff;
	v27 =	vsub.f32 v36, v25;
	v25 =	vand.u32 $0x7FFFFFFF, v32;
	v32 =	vadd.f32 v10, v8  }
0x31e: {  	v22 =	vld.idx.msk [tilespmem:v41+s6+$0x0], $0xffff;
	v30 =	vand.u32 $0x7FFFFFFF, v43;
	v8 =	vadd.f32 v24, v47;
	v36 =	vsub.f32 v60, v61  }
0x31f: {  	v34 =	vand.u32 $0x7FFFFFFF, v34;
	v27 =	vand.u32 $0x7FFFFFFF, v27;
	v23 =	vsub.f32 v23, v29;
	v9 =	vld.idx.msk [tilespmem:v37+s6+$0x0], $0xffff  }
0x320: {  	v29 =	vadd.f32 v59, v28;
	v28 =	vadd.f32 v35, v34;
	v35 =	vand.u32 $0x7FFFFFFF, v48;
	v24 =	vld.idx.msk [tilespmem:v57+s6+$0x0], $0xffff  }
0x321: {  	s15 =	simm.s32 $0x20;
	s16 =	simm.s32 $0x200;
	s14 =	simm.s32 $0x0;
	v34 =	vadd.f32 v45, v44;
	v37 =	vsub.f32 v62, v63;
	v10 =	vand.u32 $0x7FFFFFFF, v23;
	v23 =	vld.idx.msk [tilespmem:v56+s6+$0x0], $0xffff  }
.LBB2_9:
0x322: {  	s17 =	sand.u32 $0x600, s16;
	s18 =	sand.u32 $0x180, s15;
	v27 =	vadd.f32 v27, v32;
	v12 =	vld.idx.msk [tilespmem:v12+s6+$0x0], $0xffff;
	v32 =	vand.u32 $0x7FFFFFFF, v36;
	v25 =	vadd.f32 v26, v25  }
0x323: {  	s14 =	sadd.s32 $0x8, s14;
	v8 =	vadd.f32 v10, v8;
	v10 =	vadd.f32 v33, v29;
	s17 =	sor.u32 s18, s17;
	v11 =	vld.idx.msk [tilespmem:v11+s6+$0x0], $0xffff;
	v26 =	vand.u32 $0x7FFFFFFF, v37  }
0x324: {  	v28 =	vadd.f32 v30, v28;
	v30 =	vadd.f32 v35, v31;
	p1 =	slt.u32 s14, $0x78;
	v29 =	vld [tilespmem:s17+$0x15870];
	v27 =	vmul.f32 v27, v13  }
0x325: {  	v32 =	vadd.f32 v32, v34;
	v8 =	vmul.f32 v8, v9;
	v25 =	vadd.f32 v26, v25;
	v31 =	vld [tilespmem:s17+$0x16070]  }
0x326: {  	v10 =	vmul.f32 v10, v22;
	v26 =	vld [tilespmem:s17+$0x16870];
	v0 =	vadd.f32 v27, v0;
	v27 =	vmul.f32 v28, v23  }
0x327: {  	v1 =	vadd.f32 v13, v1;
	v2 =	vadd.f32 v8, v2;
	v8 =	vmul.f32 v30, v24;
	v28 =	vld [tilespmem:s17+$0x15800]  }
0x328: {  	v3 =	vadd.f32 v10, v3;
	v10 =	vmul.f32 v32, v12;
	v13 =	vld [tilespmem:s17+$0x16000];
	v4 =	vadd.f32 v27, v4  }
0x329: {  	v5 =	vadd.f32 v9, v5;
	v6 =	vadd.f32 v8, v6;
	v8 =	vmul.f32 v25, v11;
	v27 =	vld [tilespmem:s17+$0x15810]  }
0x32a: {  	v25 =	vmul.f32 $2.550000000e+02, v29;
	v7 =	vadd.f32 v10, v7;
	v9 =	vld [tilespmem:s17+$0x16010];
	v29 =	vmul.f32 $2.550000000e+02, v31  }
0x32b: {  	v16 =	vadd.f32 v22, v16;
	v17 =	vadd.f32 v8, v17;
	v10 =	vld [tilespmem:s17+$0x15820];
	v26 =	vmul.f32 $2.550000000e+02, v26  }
0x32c: {  	v18 =	vadd.f32 v23, v18;
	v22 =	vmul.f32 $1.250000000e-01, v25;
	v8 =	vld [tilespmem:s17+$0x16020];
	v25 =	vmul.f32 $1.250000000e-01, v29  }
0x32d: {  	v19 =	vadd.f32 v24, v19;
	v23 =	vmul.f32 $2.550000000e+02, v28;
	v28 =	vld [tilespmem:s17+$0x15830];
	v26 =	vmul.f32 $1.250000000e-01, v26  }
0x32e: {  	v20 =	vadd.f32 v12, v20;
	v22 =	vtrunc.f32 v22;
	v24 =	vld [tilespmem:s17+$0x16030];
	v25 =	vtrunc.f32 v25  }
0x32f: {  	v21 =	vadd.f32 v11, v21;
	v22 =	vcvt.f32.s32 v22;
	v12 =	vld [tilespmem:s17+$0x15840];
	v25 =	vcvt.f32.s32 v25  }
0x330: {  	v11 =	vmul.f32 $2.550000000e+02, v13;
	v13 =	vtrunc.f32 v26;
	v26 =	vld [tilespmem:s17+$0x17070]  }
0x331: {  	v13 =	vcvt.f32.s32 v13;
	v22 =	vshll.u32 v22, $0xA;
	v25 =	vshll.u32 v25, $0x5;
	v29 =	vld [tilespmem:s17+$0x18870]  }
0x332: {  	v27 =	vmul.f32 $2.550000000e+02, v27;
	v9 =	vmul.f32 $2.550000000e+02, v9;
	v22 =	vadd.s32 v22, v25;
	v25 =	vld [tilespmem:s17+$0x17870]  }
0x333: {  	v10 =	vmul.f32 $2.550000000e+02, v10;
	v8 =	vmul.f32 $2.550000000e+02, v8;
	v13 =	vadd.s32 v13, v22;
	v22 =	vld [tilespmem:s17+$0x19070]  }
0x334: {  	v28 =	vmul.f32 $2.550000000e+02, v28;
	v24 =	vmul.f32 $2.550000000e+02, v24;
	v13 =	vmin.u32 v13, $0x7FFF;
	v30 =	vld [tilespmem:s17+$0x18070]  }
0x335: {  	v23 =	vmul.f32 $1.250000000e-01, v23;
	v12 =	vmul.f32 $2.550000000e+02, v12;
	v31 =	vld [tilespmem:s17+$0x19870]  }
0x336: {  	v11 =	vmul.f32 $1.250000000e-01, v11;
	v27 =	vmul.f32 $1.250000000e-01, v27;
	v32 =	vld [tilespmem:s17+$0x16040]  }
0x337: {  	v9 =	vmul.f32 $1.250000000e-01, v9;
	v10 =	vmul.f32 $1.250000000e-01, v10;
	v33 =	vld [tilespmem:s17+$0x15850]  }
0x338: {  	v8 =	vmul.f32 $1.250000000e-01, v8;
	v26 =	vsub.f32 v26, v29;
	v34 =	vld [tilespmem:s17+$0x16050];
	v22 =	vsub.f32 v25, v22  }
0x339: {  	v24 =	vmul.f32 $1.250000000e-01, v24;
	v25 =	vmul.f32 $1.250000000e-01, v28;
	v13 =	vld.idx.msk [tilespmem:v13+s6+$0x0], $0xffff  }
0x33a: {  	v26 =	vand.u32 $0x7FFFFFFF, v26;
	v28 =	vld [tilespmem:s17+$0x15860];
	v22 =	vand.u32 $0x7FFFFFFF, v22;
	v29 =	vsub.f32 v30, v31  }
0x33b: {  	v12 =	vmul.f32 $1.250000000e-01, v12;
	v30 =	vmul.f32 $2.550000000e+02, v32;
	v31 =	vld [tilespmem:s17+$0x16060];
	v22 =	vadd.f32 v22, v26  }
0x33c: {  	v23 =	vtrunc.f32 v23;
	v26 =	vld [tilespmem:s17+$0x16800];
	v32 =	vmul.f32 $2.550000000e+02, v33;
	v29 =	vand.u32 $0x7FFFFFFF, v29  }
0x33d: {  	v33 =	vld [tilespmem:s17+$0x16810];
	v30 =	vmul.f32 $1.250000000e-01, v30;
	v34 =	vmul.f32 $2.550000000e+02, v34;
	v22 =	vadd.f32 v29, v22  }
0x33e: {  	v11 =	vtrunc.f32 v11;
	v29 =	vld [tilespmem:s17+$0x16820];
	v32 =	vmul.f32 $1.250000000e-01, v32  }
0x33f: {  	v14 =	vadd.f32 v13, v14;
	v35 =	vld [tilespmem:s17+$0x16830];
	v28 =	vmul.f32 $2.550000000e+02, v28;
	v22 =	vmul.f32 v22, v13  }
0x340: {  	v34 =	vmul.f32 $1.250000000e-01, v34;
	v13 =	vld [tilespmem:s17+$0x16840];
	v31 =	vmul.f32 $2.550000000e+02, v31  }
0x341: {  	v26 =	vmul.f32 $2.550000000e+02, v26;
	v36 =	vld [tilespmem:s17+$0x16850];
	v28 =	vmul.f32 $1.250000000e-01, v28;
	v15 =	vadd.f32 v22, v15  }
0x342: {  	v22 =	vmul.f32 $2.550000000e+02, v33;
	v31 =	vmul.f32 $1.250000000e-01, v31;
	v33 =	vld [tilespmem:s17+$0x16860]  }
0x343: {  	v27 =	vtrunc.f32 v27;
	v37 =	vld [tilespmem:s17+$0x17000];
	v29 =	vmul.f32 $2.550000000e+02, v29  }
0x344: {  	v39 =	vtrunc.f32 v9;
	v38 =	vld [tilespmem:s17+$0x18800];
	v9 =	vmul.f32 $2.550000000e+02, v35  }
0x345: {  	v40 =	vtrunc.f32 v10;
	v35 =	vld [tilespmem:s17+$0x17800];
	v10 =	vmul.f32 $2.550000000e+02, v13  }
0x346: {  	v41 =	vtrunc.f32 v8;
	v13 =	vld [tilespmem:s17+$0x19000];
	v36 =	vmul.f32 $2.550000000e+02, v36  }
0x347: {  	v25 =	vtrunc.f32 v25;
	v42 =	vld [tilespmem:s17+$0x17010];
	v33 =	vmul.f32 $2.550000000e+02, v33  }
0x348: {  	v24 =	vtrunc.f32 v24;
	v12 =	vtrunc.f32 v12;
	v43 =	vld [tilespmem:s17+$0x18810]  }
0x349: {  	v30 =	vtrunc.f32 v30;
	v32 =	vtrunc.f32 v32;
	v8 =	vsub.f32 v37, v38;
	v37 =	vld [tilespmem:s17+$0x17810]  }
0x34a: {  	v34 =	vtrunc.f32 v34;
	v28 =	vtrunc.f32 v28;
	v38 =	vld [tilespmem:s17+$0x19010]  }
0x34b: {  	v26 =	vmul.f32 $1.250000000e-01, v26;
	v31 =	vtrunc.f32 v31;
	v13 =	vsub.f32 v35, v13;
	v35 =	vld [tilespmem:s17+$0x17020]  }
0x34c: {  	v22 =	vmul.f32 $1.250000000e-01, v22;
	v29 =	vmul.f32 $1.250000000e-01, v29;
	v8 =	vand.u32 $0x7FFFFFFF, v8;
	v44 =	vld [tilespmem:s17+$0x18820]  }
0x34d: {  	v45 =	vmul.f32 $1.250000000e-01, v9;
	v46 =	vmul.f32 $1.250000000e-01, v10;
	v42 =	vsub.f32 v42, v43;
	v43 =	vld [tilespmem:s17+$0x17820]  }
0x34e: {  	v36 =	vmul.f32 $1.250000000e-01, v36;
	v33 =	vmul.f32 $1.250000000e-01, v33;
	v9 =	vand.u32 $0x7FFFFFFF, v13;
	v13 =	vld [tilespmem:s17+$0x19020]  }
0x34f: {  	v23 =	vcvt.f32.s32 v23;
	v11 =	vcvt.f32.s32 v11;
	v37 =	vsub.f32 v37, v38;
	v38 =	vld [tilespmem:s17+$0x17030]  }
0x350: {  	v27 =	vcvt.f32.s32 v27;
	v39 =	vcvt.f32.s32 v39;
	v10 =	vand.u32 $0x7FFFFFFF, v42;
	v42 =	vld [tilespmem:s17+$0x18830]  }
0x351: {  	v23 =	vshll.u32 v23, $0xA;
	v40 =	vcvt.f32.s32 v40;
	v41 =	vcvt.f32.s32 v41;
	v47 =	vld [tilespmem:s17+$0x17830]  }
0x352: {  	v11 =	vshll.u32 v11, $0x5;
	v24 =	vcvt.f32.s32 v24;
	v25 =	vcvt.f32.s32 v25;
	v48 =	vld [tilespmem:s17+$0x19030]  }
0x353: {  	v27 =	vshll.u32 v27, $0xA;
	v12 =	vcvt.f32.s32 v12;
	v30 =	vcvt.f32.s32 v30;
	v49 =	vld [tilespmem:s17+$0x17040]  }
0x354: {  	v39 =	vshll.u32 v39, $0x5;
	v32 =	vcvt.f32.s32 v32;
	v34 =	vcvt.f32.s32 v34;
	v50 =	vld [tilespmem:s17+$0x18840]  }
0x355: {  	v40 =	vshll.u32 v40, $0xA;
	v28 =	vcvt.f32.s32 v28;
	v31 =	vcvt.f32.s32 v31;
	v51 =	vld [tilespmem:s17+$0x17840]  }
0x356: {  	v41 =	vshll.u32 v41, $0x5;
	v26 =	vtrunc.f32 v26;
	v22 =	vtrunc.f32 v22;
	v52 =	vld [tilespmem:s17+$0x19040]  }
0x357: {  	v25 =	vshll.u32 v25, $0xA;
	v29 =	vtrunc.f32 v29;
	v45 =	vtrunc.f32 v45;
	v53 =	vld [tilespmem:s17+$0x17050]  }
0x358: {  	v24 =	vshll.u32 v24, $0x5;
	v46 =	vtrunc.f32 v46;
	v36 =	vtrunc.f32 v36;
	v54 =	vld [tilespmem:s17+$0x18850]  }
0x359: {  	v12 =	vshll.u32 v12, $0xA;
	v30 =	vshll.u32 v30, $0x5;
	v33 =	vtrunc.f32 v33;
	v55 =	vld [tilespmem:s17+$0x17850]  }
0x35a: {  	v32 =	vshll.u32 v32, $0xA;
	v34 =	vshll.u32 v34, $0x5;
	v28 =	vshll.u32 v28, $0xA;
	v56 =	vld [tilespmem:s17+$0x19050]  }
0x35b: {  	v26 =	vcvt.f32.s32 v26;
	v22 =	vcvt.f32.s32 v22;
	v31 =	vshll.u32 v31, $0x5;
	v57 =	vld [tilespmem:s17+$0x17060]  }
0x35c: {  	v11 =	vadd.s32 v23, v11;
	v23 =	vcvt.f32.s32 v29;
	v29 =	vcvt.f32.s32 v45;
	v45 =	vld [tilespmem:s17+$0x18860]  }
0x35d: {  	v27 =	vadd.s32 v27, v39;
	v39 =	vcvt.f32.s32 v46;
	v36 =	vcvt.f32.s32 v36;
	v46 =	vld [tilespmem:s17+$0x17860]  }
0x35e: {  	v40 =	vadd.s32 v40, v41;
	v24 =	vadd.s32 v25, v24;
	v25 =	vcvt.f32.s32 v33;
	v33 =	vld [tilespmem:s17+$0x19060]  }
0x35f: {  	v12 =	vadd.s32 v12, v30;
	v30 =	vadd.s32 v32, v34;
	v28 =	vadd.s32 v28, v31;
	v41 =	vld [tilespmem:s17+$0x18000]  }
0x360: {  	v11 =	vadd.s32 v26, v11;
	v22 =	vadd.s32 v22, v27;
	v23 =	vadd.s32 v23, v40;
	v26 =	vld [tilespmem:s17+$0x19800]  }
0x361: {  	v24 =	vadd.s32 v29, v24;
	v12 =	vadd.s32 v39, v12;
	v29 =	vadd.s32 v36, v30;
	v27 =	vld [tilespmem:s17+$0x18010]  }
0x362: {  	v25 =	vadd.s32 v25, v28;
	v31 =	vsub.f32 v35, v44;
	v13 =	vsub.f32 v43, v13;
	v30 =	vld [tilespmem:s17+$0x19810]  }
0x363: {  	v28 =	vmin.u32 v11, $0x7FFF;
	v34 =	vsub.f32 v38, v42;
	v35 =	vsub.f32 v47, v48;
	v32 =	vld [tilespmem:s17+$0x18020]  }
0x364: {  	v22 =	vmin.u32 v22, $0x7FFF;
	v38 =	vsub.f32 v49, v50;
	v39 =	vsub.f32 v51, v52;
	v36 =	vld [tilespmem:s17+$0x19820]  }
0x365: {  	v23 =	vmin.u32 v23, $0x7FFF;
	v42 =	vsub.f32 v53, v54;
	v43 =	vsub.f32 v55, v56;
	v40 =	vld [tilespmem:s17+$0x18030]  }
0x366: {  	v24 =	vmin.u32 v24, $0x7FFF;
	v45 =	vsub.f32 v57, v45;
	v33 =	vsub.f32 v46, v33;
	v44 =	vld [tilespmem:s17+$0x19830]  }
0x367: {  	v11 =	vmin.u32 v25, $0x7FFF;
	v46 =	vmin.u32 v12, $0x7FFF;
	v12 =	vmin.u32 v29, $0x7FFF;
	v47 =	vld [tilespmem:s17+$0x18040]  }
0x368: {  	v31 =	vand.u32 $0x7FFFFFFF, v31;
	v29 =	vand.u32 $0x7FFFFFFF, v37;
	v37 =	vand.u32 $0x7FFFFFFF, v13;
	v48 =	vld [tilespmem:s17+$0x19840]  }
0x369: {  	v34 =	vand.u32 $0x7FFFFFFF, v34;
	v35 =	vand.u32 $0x7FFFFFFF, v35;
	v38 =	vand.u32 $0x7FFFFFFF, v38;
	v49 =	vld [tilespmem:s17+$0x18050]  }
0x36a: {  	v39 =	vand.u32 $0x7FFFFFFF, v39;
	v42 =	vand.u32 $0x7FFFFFFF, v42;
	v43 =	vand.u32 $0x7FFFFFFF, v43;
	v50 =	vld [tilespmem:s17+$0x19850]  }
0x36b: {  	v25 =	vand.u32 $0x7FFFFFFF, v45;
	v41 =	vsub.f32 v41, v26;
	v26 =	vand.u32 $0x7FFFFFFF, v33;
	v45 =	vld [tilespmem:s17+$0x18060]  }
0x36c: {  	v30 =	vsub.f32 v27, v30;
	v33 =	vsub.f32 v32, v36;
	v51 =	vld [tilespmem:s17+$0x19860]  }
.Ltmp5:
0x36d: {  	v27 =	vand.u32 $0x7FFFFFFF, v41;
	v40 =	vsub.f32 v40, v44;
	v13 =	vld.idx.msk [tilespmem:v28+s6+$0x0], $0xffff;
	v41 =	vsub.f32 v47, v48;
	(pc) =	sbr.rel @p1 .LBB2_9-.Ltmp5, $4  }
0x36e: {  	v32 =	vadd.f32 v9, v8;
	v8 =	vadd.f32 v29, v10;
	v10 =	vand.u32 $0x7FFFFFFF, v30;
	v9 =	vld.idx.msk [tilespmem:v22+s6+$0x0], $0xffff  }
0x36f: {  	v29 =	vadd.f32 v37, v31;
	v33 =	vand.u32 $0x7FFFFFFF, v33;
	v22 =	vld.idx.msk [tilespmem:v23+s6+$0x0], $0xffff;
	v36 =	vsub.f32 v49, v50  }
0x370: {  	v31 =	vadd.f32 v39, v38;
	v28 =	vadd.f32 v35, v34;
	v30 =	vand.u32 $0x7FFFFFFF, v40;
	v23 =	vld.idx.msk [tilespmem:v24+s6+$0x0], $0xffff  }
0x371: {  	s15 =	sadd.s32 $0x20, s15;
	s16 =	sadd.s32 $0x200, s16;
	v34 =	vadd.f32 v43, v42;
	v35 =	vand.u32 $0x7FFFFFFF, v41;
	v24 =	vld.idx.msk [tilespmem:v46+s6+$0x0], $0xffff;
	v37 =	vsub.f32 v45, v51  }
0x372: {  	_ =	sdelay $0x2  }
0x373: {  	v27 =	vadd.f32 v27, v32;
	v25 =	vadd.f32 v26, v25  }
0x374: {  	v59 =	vld.idx.msk [tilespmem:v12+s6+$0x0], $0xffff;
	v8 =	vadd.f32 v10, v8;
	v10 =	vadd.f32 v33, v29  }
0x375: {  	v12 =	vand.u32 $0x7FFFFFFF, v36;
	v60 =	vld.idx.msk [tilespmem:v11+s6+$0x0], $0xffff;
	v28 =	vadd.f32 v30, v28;
	v61 =	vadd.f32 v35, v31  }
0x376: {  	v11 =	vand.u32 $0x7FFFFFFF, v37;
	v62 =	vadd.f32 v12, v34;
	v27 =	vmul.f32 v27, v13  }
0x377: {  	v8 =	vmul.f32 v8, v9;
	v25 =	vadd.f32 v11, v25;
	v11 =	vadd.f32 v13, v1  }
0x378: {  	v9 =	vadd.f32 v9, v5;
	v63 =	vmul.f32 v28, v23;
	v12 =	vadd.f32 v27, v0  }
0x379: {  	v0 =	vmul.f32 v10, v22;
	v13 =	vadd.f32 v8, v2;
	v1 =	vmul.f32 v61, v24  }
.Ltmp6:
0x37a: {  	v8 =	vadd.f32 v63, v4;
	v2 =	vmul.f32 v25, v60;
	v4 =	vadd.f32 v23, v18;
	(pc) =	sbr.rel @p0 .LBB2_12-.Ltmp6, $4  }
0x37b: {  	v10 =	vadd.f32 v0, v3;
	v0 =	vmul.f32 v62, v59;
	v6 =	vadd.f32 v1, v6  }
0x37c: {  	v3 =	vadd.f32 v24, v19;
	v1 =	vadd.f32 v59, v20  }
0x37d: {  	v2 =	vadd.f32 v2, v17;
	v5 =	vadd.f32 v0, v7  }
0x37e: {  	v7 =	vadd.f32 v22, v16;
	v0 =	vadd.f32 v60, v21  }
0x37f: {  	s13 =	sadd.s32 s13, s21  }
0x380: {  	s13 =	sshrl.u32 s13, $0x3  }
0x381: {  	s13 =	sor.u32 $0x40, s13  }
0x382: {  	s14 =	sadd.s32 s3, s13  }
0x383: {  	[tilespmem:s4], [sflag:$0x4] =	stream.strided.gather [hbm4b:s14+s26], $0x800, s28, s26, $0x38;
	[tilespmem:$0x1A100] =	vst v63  }
0x384: {  	s15 =	sadd.s32 $0x8000, s14  }
0x385: {  	[tilespmem:s0], [sflag:$0x4] =	stream.strided.gather [hbm4b:s15+s26], $0x800, s28, s26, $0x38;
	[tilespmem:$0x1A100] =	vst v63  }
0x386: {  	s14 =	sadd.s32 $0x10000, s14  }
0x387: {  	[tilespmem:s5], [sflag:$0x4] =	stream.strided.gather [hbm4b:s14+s26], $0x800, s28, s26, $0x38;
	[tilespmem:$0x1A100] =	vst v63  }
0x388: {  	s17 =	sadd.s32 s1, s13  }
0x389: {  	[tilespmem:s29], [sflag:$0x4] =	stream.strided.gather [hbm4b:s17+s26], $0x800, s28, s26, $0x38;
	[tilespmem:$0x1A100] =	vst v63  }
0x38a: {  	s18 =	sadd.s32 $0x8000, s17  }
0x38b: {  	[tilespmem:s30], [sflag:$0x4] =	stream.strided.gather [hbm4b:s18+s26], $0x800, s28, s26, $0x38;
	[tilespmem:$0x1A100] =	vst v63  }
0x38c: {  	s14 =	sadd.s32 $0x10000, s17  }
0x38d: {  	[tilespmem:s31], [sflag:$0x4] =	stream.strided.gather [hbm4b:s14+s26], $0x800, s28, s26, $0x38;
	[tilespmem:$0x1A100] =	vst v63  }
0x38e: {  	s13 =	sadd.s32 s2, s13  }
0x38f: {  	[tilespmem:s22], [sflag:$0x4] =	stream.strided.gather [hbm4b:s13+s26], $0x800, s28, s26, $0x38;
	[tilespmem:$0x1A100] =	vst v63  }
.Ltmp7:
0x390: {  	_ = 	snop;
	(pc) =	sbr.rel .LBB2_2-.Ltmp7, $4  }
0x391: {  	s19 =	sadd.s32 $0x8000, s13  }
0x392: {  	[tilespmem:s23], [sflag:$0x4] =	stream.strided.gather [hbm4b:s19+s26], $0x800, s28, s26, $0x38;
	[tilespmem:$0x1A100] =	vst v63  }
0x393: {  	s12 =	sadd.s32 $0x1, s12;
	s13 =	sadd.s32 $0x10000, s13  }
0x394: {  	[tilespmem:s24], [sflag:$0x4] =	stream.strided.gather [hbm4b:s13+s26], $0x800, s28, s26, $0x38;
	[tilespmem:$0x1A100] =	vst v63  }
.LBB2_13:
0x395: {  	_ =	sfence.sel $0x180000  }
0x396: {  	[bflag:$0x0] =	sbarrier.arrive $0xFFFF  }
0x397: {  	_ =	strace $0x90000047  }
0x398: {  	s0 =	stileid.u32;
	[bflag:$0x2] =	sbarrier.arrive $0xFFFF  }
0x399: {  	p0 =	sne.s32 s0, $0x0;
	s0 =	rddreg [dreg:$0x5]  }
0x39a: {  	s0 =	sadd.s32 @!p0 $0x100000, s0  }
0x39b: {  	[sflag:s0] =	ssyncadd.tile.s32 @!p0 $0x1;
	_ =	shalt  }
.Lfunc_end2:
_tile_overlayer_lowered:
.L_overlay_start_2:
0x39c: {  	(tag) =	ssettag $0x2  }
0x39d: {  	s0 =	rddreg [dreg:$0x0];
	s2 =	stileid.u32  }
0x39e: {  	s1 =	rddreg [dreg:$0x1];
	p0 =	sne.s32 s2, $0x0  }
0x39f: {  	s3 =	rddreg [dreg:$0x2];
	[bflag:$0x3] =	sbarrier.arrive $0xFFFF;
	s2 =	simm.s32 @!p0 $0x1C05  }
0x3a0: {  	[timem:s3], [sflag:s2] =	dma.local @!p0 [hbm:s0], s1  }
0x3a1: {  	s0 =	simm.s32 @!p0 $0x5  }
0x3a2: {  	_ =	swait.ge @!p0 [sflag:s0], s1  }
0x3a3: {  	s1 =	ssub.s32 @!p0 $0x0, s1;
	[sflag:s0] =	ssyncset.done @!p0 $0x0  }
0x3a4: {  	[sflag:s0] =	ssyncadd.s32 @!p0 s1  }
0x3a5: {  	[bflag:$0x3] =	sbarrier.arrive $0xFFFF  }
0x3a6: {  	_ =	shalt  }

</sc_bundles>
